<compile_context>
chip_gen: v7x
topology: tpu7x:2x2x1
jax: 0.10.2.dev20260603
libtpu: 0.0.44.dev20260713+nightly
codegen_flags: <defaults>
</compile_context>

<pallas_src>
import functools

import jax
import jax.numpy as jnp
from jax import lax
from jax.experimental import pallas as pl
from jax.experimental.pallas import tpu as pltpu
from jax.experimental.pallas import tpu_sc as plsc

N = 10000
E = 160000
D_IN = 256
H = 512
C_OUT = 64
CTX_PAD = 8
EXPL = 32

LANES = 16
NUM_TILES = 16
PANEL = 128
K_EDGE = 128
CH = 80
E_PAD = NUM_TILES * K_EDGE * CH
EPT = K_EDGE * CH
HCH = CH // 2
ACC_ROWS = 10240
ZROWS = ACC_ROWS // NUM_TILES
WROWS = 624
WCHUNKS = ((0, 128), (128, 128), (256, 128), (384, 128), (512, 112))
WTAIL = N - NUM_TILES * WROWS

ROW_BLK = 400
GRID = N // ROW_BLK


def _make_segsum(nblk):
    bpc = nblk // 2

    mesh = plsc.VectorSubcoreMesh(core_axis_name="c", subcore_axis_name="s")

    @functools.partial(
        pl.kernel,
        mesh=mesh,
        out_type=jax.ShapeDtypeStruct((nblk * N, PANEL), jnp.float32),
        scratch_types=[
            pltpu.VMEM((EPT // 2,), jnp.int32),
            pltpu.VMEM((HCH, K_EDGE), jnp.int32),
            pltpu.VMEM((K_EDGE, PANEL), jnp.float32),
            pltpu.VMEM((K_EDGE, PANEL), jnp.float32),
            pltpu.VMEM_SHARED((ACC_ROWS, PANEL), jnp.float32),
            pltpu.SemaphoreType.DMA,
            pltpu.SemaphoreType.DMA,
        ],
    )
    def segsum(x_hbm, sadj_hbm, dst_hbm, zeros_hbm, out_hbm,
               sadj, dst2, buf_a, buf_b, acc, sem_a, sem_b):
        c = lax.axis_index("c")
        s = lax.axis_index("s")

        def gather(ci, buf, sem):
            return pltpu.async_copy(
                x_hbm.at[sadj.at[pl.ds(ci * K_EDGE, K_EDGE)]], buf, sem)

        def wait(buf, sem):
            pltpu.make_async_copy(x_hbm.at[pl.ds(0, K_EDGE)], buf, sem).wait()

        def scatter(ci, buf):
            pltpu.sync_copy(buf, acc.at[dst2.at[ci]], add=True)

        for local in range(bpc):
            b = c * bpc + local
            row_off = b * N

            pltpu.sync_copy(zeros_hbm, acc.at[pl.ds(s * ZROWS, ZROWS)])
            plsc.subcore_barrier()

            for half in range(2):
                ibase = b * E_PAD + s * EPT + half * (EPT // 2)
                pltpu.sync_copy(sadj_hbm.at[pl.ds(ibase, EPT // 2)], sadj)
                pltpu.sync_copy(dst_hbm.at[s, pl.ds(half * HCH, HCH)], dst2)

                gather(0, buf_a, sem_a)

                def edge_pair(i, carry):
                    gather(2 * i + 1, buf_b, sem_b)
                    wait(buf_a, sem_a)
                    scatter(2 * i, buf_a)
                    gather(lax.min(2 * i + 2, HCH - 1), buf_a, sem_a)
                    wait(buf_b, sem_b)
                    scatter(2 * i + 1, buf_b)
                    return carry

                lax.fori_loop(0, HCH // 2, edge_pair, 0)
                wait(buf_a, sem_a)
            plsc.subcore_barrier()

            for off, sz in WCHUNKS:
                r0 = s * WROWS + off
                pltpu.sync_copy(acc.at[pl.ds(r0, sz)], buf_a.at[pl.ds(0, sz)])
                pltpu.sync_copy(buf_a.at[pl.ds(0, sz)],
                                out_hbm.at[pl.ds(row_off + r0, sz)])

            @pl.when(s == NUM_TILES - 1)
            def _():
                r0 = NUM_TILES * WROWS
                pltpu.sync_copy(acc.at[pl.ds(r0, WTAIL)],
                                buf_a.at[pl.ds(0, WTAIL)])
                pltpu.sync_copy(buf_a.at[pl.ds(0, WTAIL)],
                                out_hbm.at[pl.ds(row_off + r0, WTAIL)])
            if local + 1 < bpc:
                plsc.subcore_barrier()

    return segsum


@functools.lru_cache(maxsize=None)
def _get_segsum(nblk):
    return _make_segsum(nblk)


def _dot(a, b):
    return jnp.dot(a, b, preferred_element_type=jnp.float32)


def _accum_stats(i, t, acc_ref, stats_ref):
    @pl.when(i == 0)
    def _():
        acc_ref[...] = jnp.zeros_like(acc_ref)

    acc_ref[0:1, :] += jnp.sum(t, axis=0, keepdims=True)
    acc_ref[1:2, :] += jnp.sum(t * t, axis=0, keepdims=True)

    @pl.when(i == pl.num_programs(0) - 1)
    def _():
        stats_ref[...] = acc_ref[...]


def _bn_in(t, stats, g, bt):
    mu = stats[0:1, :] / N
    var = stats[1:2, :] / N - mu * mu
    inv = lax.rsqrt(var + 1e-5)
    return (t - mu) * inv * g + bt


def _k0_body(x_ref, w_ref, xw_ref):
    xw_ref[...] = _dot(x_ref[...], w_ref[...])


def _k0b_body(hb_ref, w_ref, hw_ref):
    t = _dot(hb_ref[0], w_ref[0:PANEL, :])
    for b in range(1, H // PANEL):
        t += _dot(hb_ref[b], w_ref[b * PANEL:(b + 1) * PANEL, :])
    hw_ref[...] = t


def _kmain_body(pre_ref, agg_ref, w_ref, bias_ref, t_ref, stats_ref, acc_ref):
    i = pl.program_id(0)
    t = pre_ref[...] + bias_ref[...]
    for b in range(agg_ref.shape[0]):
        t += _dot(agg_ref[b], w_ref[b * PANEL:(b + 1) * PANEL, :])
    t_ref[...] = t
    _accum_stats(i, t, acc_ref, stats_ref)


def _k2_body(t1_ref, stats1_ref, g1_ref, bt1_ref, w2_ref, b2_ref,
             t2_ref, stats2_ref, acc_ref):
    i = pl.program_id(0)
    u = jnp.maximum(_bn_in(t1_ref[...], stats1_ref[...], g1_ref[...], bt1_ref[...]), 0.0)
    t = _dot(u, w2_ref[...]) + b2_ref[...]
    t2_ref[...] = t
    _accum_stats(i, t, acc_ref, stats2_ref)


def _k3_body(t2_ref, stats2_ref, gog_ref, gob_ref, hb_ref):
    h = jnp.maximum(_bn_in(t2_ref[...], stats2_ref[...], gog_ref[...], gob_ref[...]), 0.0)
    for b in range(H // PANEL):
        hb_ref[b] = h[:, b * PANEL:(b + 1) * PANEL]


def _k6a_body(ctx_ref, wr1_ref, br1_ref, wr2_ref, br2_ref, wd_ref, bd_ref,
              expl_ref, recon_ref):
    e = jnp.maximum(_dot(ctx_ref[...], wr1_ref[...]) + br1_ref[...], 0.0)
    expl = _dot(e, wr2_ref[...]) + br2_ref[...]
    expl_ref[...] = expl
    recon_ref[...] = _dot(expl, wd_ref[...]) + bd_ref[...]


def _k56_body(t3_ref, stats3_ref, g2_ref, bt2_ref, w4_ref, b4_ref,
              recon_ref, wc_ref, bc_ref, out_ref):
    v = jnp.maximum(_bn_in(t3_ref[...], stats3_ref[...], g2_ref[...], bt2_ref[...]), 0.0)
    h2 = _dot(v, w4_ref[...]) + b4_ref[...]
    o = _dot(h2 + 0.1 * recon_ref[...], wc_ref[...]) + bc_ref[...]
    m = jnp.max(o, axis=1, keepdims=True)
    lse = jnp.log(jnp.sum(jnp.exp(o - m), axis=1, keepdims=True)) + m
    out_ref[...] = o - lse


def _row_spec(cols):
    return pl.BlockSpec((ROW_BLK, cols), lambda i: (i, 0))


def _blk_spec(nblk):
    return pl.BlockSpec((nblk, ROW_BLK, PANEL), lambda i: (0, i, 0))


def _full_spec(r, c):
    return pl.BlockSpec((r, c), lambda i: (0, 0))


_STATS = jax.ShapeDtypeStruct((2, H), jnp.float32)
_SEQ = pltpu.CompilerParams(dimension_semantics=("arbitrary",))


def _call(body, in_specs, out_specs, out_shape, scratch=False):
    return pl.pallas_call(
        body,
        grid=(GRID,),
        in_specs=in_specs,
        out_specs=out_specs,
        out_shape=out_shape,
        scratch_shapes=[pltpu.VMEM((2, H), jnp.float32)] if scratch else [],
        compiler_params=_SEQ,
    )


def kernel(x, edge_index, context, W1, b1, g1, bt1, W2, b2, go_g, go_b,
           W3, b3, g2, bt2, W4, b4, Wr1, br1, Wr2, br2, Wd, bd, Wc, bc):
    f32 = jnp.float32
    src = edge_index[0]
    dst = edge_index[1]
    pad = E_PAD - E
    srcp = jnp.concatenate([src, jnp.zeros((pad,), jnp.int32)])
    dstp = jnp.concatenate([dst, jnp.full((pad,), N, jnp.int32)])
    dstp = dstp.reshape(NUM_TILES, CH, K_EDGE)
    zeros = jnp.zeros((ZROWS, PANEL), f32)
    nb1 = D_IN // PANEL
    nb2 = H // PANEL

    sadj1 = (srcp[None, :]
             + (jnp.arange(nb1, dtype=jnp.int32) * N)[:, None]).reshape(-1)
    sadj2 = (srcp[None, :]
             + (jnp.arange(nb2, dtype=jnp.int32) * N)[:, None]).reshape(-1)

    xb = x.reshape(N, nb1, PANEL).transpose(1, 0, 2).reshape(nb1 * N, PANEL)

    row1 = lambda v: v.reshape(1, -1)

    (xw,) = _call(
        _k0_body,
        [_row_spec(D_IN), _full_spec(D_IN, H)],
        [_row_spec(H)],
        [jax.ShapeDtypeStruct((N, H), f32)],
    )(x, W1)

    agg1 = _get_segsum(nb1)(xb, sadj1, dstp, zeros).reshape(nb1, N, PANEL)

    t1, stats1 = _call(
        _kmain_body,
        [_row_spec(H), _blk_spec(nb1), _full_spec(D_IN, H), _full_spec(1, H)],
        [_row_spec(H), _full_spec(2, H)],
        [jax.ShapeDtypeStruct((N, H), f32), _STATS],
        scratch=True,
    )(xw, agg1, W1, row1(b1))

    t2, stats2 = _call(
        _k2_body,
        [_row_spec(H), _full_spec(2, H), _full_spec(1, H), _full_spec(1, H),
         _full_spec(H, H), _full_spec(1, H)],
        [_row_spec(H), _full_spec(2, H)],
        [jax.ShapeDtypeStruct((N, H), f32), _STATS],
        scratch=True,
    )(t1, stats1, row1(g1), row1(bt1), W2, row1(b2))

    (hb,) = _call(
        _k3_body,
        [_row_spec(H), _full_spec(2, H), _full_spec(1, H), _full_spec(1, H)],
        [_blk_spec(nb2)],
        [jax.ShapeDtypeStruct((nb2, N, PANEL), f32)],
    )(t2, stats2, row1(go_g), row1(go_b))

    (hw,) = _call(
        _k0b_body,
        [_blk_spec(nb2), _full_spec(H, H)],
        [_row_spec(H)],
        [jax.ShapeDtypeStruct((N, H), f32)],
    )(hb, W3)

    ctx = jnp.pad(context, ((0, 0), (0, CTX_PAD - context.shape[1])))
    wr1 = jnp.pad(Wr1, ((0, CTX_PAD - Wr1.shape[0]), (0, 0)))

    expl, recon = _call(
        _k6a_body,
        [_row_spec(CTX_PAD), _full_spec(CTX_PAD, H), _full_spec(1, H),
         _full_spec(H, EXPL), _full_spec(1, EXPL), _full_spec(EXPL, H),
         _full_spec(1, H)],
        [_row_spec(EXPL), _row_spec(H)],
        [jax.ShapeDtypeStruct((N, EXPL), f32),
         jax.ShapeDtypeStruct((N, H), f32)],
    )(ctx, wr1, row1(br1), Wr2, row1(br2), Wd, row1(bd))

    agg2 = _get_segsum(nb2)(hb.reshape(nb2 * N, PANEL), sadj2, dstp,
                            zeros).reshape(nb2, N, PANEL)

    t3, stats3 = _call(
        _kmain_body,
        [_row_spec(H), _blk_spec(nb2), _full_spec(H, H), _full_spec(1, H)],
        [_row_spec(H), _full_spec(2, H)],
        [jax.ShapeDtypeStruct((N, H), f32), _STATS],
        scratch=True,
    )(hw, agg2, W3, row1(b3))

    (out,) = _call(
        _k56_body,
        [_row_spec(H), _full_spec(2, H), _full_spec(1, H), _full_spec(1, H),
         _full_spec(H, H), _full_spec(1, H), _row_spec(H),
         _full_spec(H, C_OUT), _full_spec(1, C_OUT)],
        [_row_spec(C_OUT)],
        [jax.ShapeDtypeStruct((N, C_OUT), f32)],
    )(t3, stats3, row1(g2), row1(bt2), W4, row1(b4), recon, Wc, row1(bc))

    return (out, expl)

# --- scband reference (transcript-rebuilt; emitter-appended) ---
"""Pipeline reference for scband-ginreasoner-64518998720688 (READ-ONLY COPY).

The authoritative reference and input builder live on the scoring server;
editing this copy changes nothing except your own understanding.
"""

import jax, jax.numpy as jnp
import numpy as np

N = 10000
E = 160000
D_IN = 256
H = 512
C_OUT = 64
CTX = 6
EXPL = 32

def _bn(h, g, b):
    mu = jnp.mean(h, axis=0, keepdims=True)
    var = jnp.var(h, axis=0, keepdims=True)
    return (h - mu) / jnp.sqrt(var + 1e-5) * g + b

def _gin_mlp(x, W1, b1, g1, bt1, W2, b2):
    h = x @ W1 + b1
    h = _bn(h, g1, bt1)
    h = jax.nn.relu(h)
    return h @ W2 + b2

def _gin_conv(x, src, dst, params):
    agg = jax.ops.segment_sum(x[src], dst, num_segments=N)
    return _gin_mlp(x + agg, *params)

def setup_inputs(seed: int = 0):
    key = jax.random.key(seed)
    ks = jax.random.split(key, 16)
    def w(i, shape, fan_in):
        return jax.random.normal(ks[i], shape, dtype=jnp.float32) / np.sqrt(fan_in)
    inp = {}
    inp['x'] = jax.random.normal(ks[0], (N, D_IN), dtype=jnp.float32)
    inp['edge_index'] = jax.random.randint(ks[1], (2, E), 0, N, dtype=jnp.int32)
    inp['context'] = jax.random.normal(ks[2], (N, CTX), dtype=jnp.float32)
    inp['W1'] = w(3, (D_IN, H), D_IN); inp['b1'] = jnp.zeros((H,), jnp.float32)
    inp['g1'] = jnp.ones((H,), jnp.float32); inp['bt1'] = jnp.zeros((H,), jnp.float32)
    inp['W2'] = w(4, (H, H), H); inp['b2'] = jnp.zeros((H,), jnp.float32)
    inp['go_g'] = jnp.ones((H,), jnp.float32); inp['go_b'] = jnp.zeros((H,), jnp.float32)
    inp['W3'] = w(5, (H, H), H); inp['b3'] = jnp.zeros((H,), jnp.float32)
    inp['g2'] = jnp.ones((H,), jnp.float32); inp['bt2'] = jnp.zeros((H,), jnp.float32)
    inp['W4'] = w(6, (H, H), H); inp['b4'] = jnp.zeros((H,), jnp.float32)
    inp['Wr1'] = w(7, (CTX, H), CTX); inp['br1'] = jnp.zeros((H,), jnp.float32)
    inp['Wr2'] = w(8, (H, EXPL), H); inp['br2'] = jnp.zeros((EXPL,), jnp.float32)
    inp['Wd'] = w(9, (EXPL, H), EXPL); inp['bd'] = jnp.zeros((H,), jnp.float32)
    inp['Wc'] = w(10, (H, C_OUT), H); inp['bc'] = jnp.zeros((C_OUT,), jnp.float32)
    return inp

def reference(x, edge_index, context, W1, b1, g1, bt1, W2, b2, go_g, go_b, W3, b3, g2, bt2, W4, b4, Wr1, br1, Wr2, br2, Wd, bd, Wc, bc):
    src = edge_index[0]
    dst = edge_index[1]
    h = _gin_conv(x, src, dst, (W1, b1, g1, bt1, W2, b2))
    h = _bn(h, go_g, go_b)
    h = jax.nn.relu(h)
    h = _gin_conv(h, src, dst, (W3, b3, g2, bt2, W4, b4))
    expl = jax.nn.relu(context @ Wr1 + br1) @ Wr2 + br2
    recon = expl @ Wd + bd
    combined = h + 0.1 * recon
    out = combined @ Wc + bc
    return (jax.nn.log_softmax(out, axis=1), expl)

if __name__ == "__main__":
    import jax
    _d = setup_inputs()
    print(jax.jit(kernel)(*tuple(_d.values())))

</pallas_src>

<mosaic_0001>
#map = affine_map<(d0, d1) -> (0, 0)>
#map1 = affine_map<(d0, d1) -> (0)>
#map2 = affine_map<(d0, d1) -> (0, 0, 0)>
module attributes {stable_mosaic.version = 14 : i64} {
  func.func @segsum(%arg0: i32, %arg1: i32, %arg2: memref<20000x128xf32, #tpu.memory_space<hbm>>, %arg3: memref<327680xi32, #tpu.memory_space<hbm>>, %arg4: memref<16x80x128xi32, #tpu.memory_space<hbm>>, %arg5: memref<640x128xf32, #tpu.memory_space<hbm>>, %arg6: memref<20000x128xf32, #tpu.memory_space<hbm>>, %arg7: memref<5120xi32, #tpu.memory_space<vmem>>, %arg8: memref<40x128xi32, #tpu.memory_space<vmem>>, %arg9: memref<128x128xf32, #tpu.memory_space<vmem>>, %arg10: memref<128x128xf32, #tpu.memory_space<vmem>>, %arg11: memref<10240x128xf32, #tpu.memory_space<vmem_shared>>, %arg12: memref<!tpu.dma_semaphore, #tpu.memory_space<semaphore_mem>>, %arg13: memref<!tpu.dma_semaphore, #tpu.memory_space<semaphore_mem>>) attributes {dimension_semantics = [#tpu.dimension_semantics<core_parallel>, #tpu.dimension_semantics<subcore_parallel>], iteration_bounds = array<i64: 2, 16>, scalar_prefetch = 0 : i64, scratch_operands = 7 : i64, tpu.core_type = #tpu.core_type<sc_vector_subcore>, window_params = [{transform_indices = #map}, {transform_indices = #map1}, {transform_indices = #map2}, {transform_indices = #map}, {transform_indices = #map}]} {
    %mul3A = arith.constant 1 : i32
    %mul3A_0 = arith.muli %arg0, %mul3A : i32
    %add3A = arith.constant 0 : i32
    %add3A_1 = arith.addi %mul3A_0, %add3A : i32
    %mul3A_2 = arith.constant 10000 : i32
    %mul3A_3 = arith.muli %add3A_1, %mul3A_2 : i32
    %mul3A_4 = arith.constant 640 : i32
    %mul3A_5 = arith.muli %arg1, %mul3A_4 : i32
    "tpu.region"() ({
      %run_scoped3A = tpu.sem_alloc : memref<!tpu.dma_semaphore, #tpu.memory_space<semaphore_mem>>
      %dma_start3A_79 = arith.constant 0 : i32
      %dma_start3A_80 = tpu.memref_slice %arg11[%mul3A_5, %dma_start3A_79] : memref<10240x128xf32, #tpu.memory_space<vmem_shared>> -> memref<640x128xf32, #tpu.memory_space<vmem_shared>>
      tpu.enqueue_dma source(%arg5 : memref<640x128xf32, #tpu.memory_space<hbm>>) target(%dma_start3A_80 : memref<640x128xf32, #tpu.memory_space<vmem_shared>>) target_semaphore(%run_scoped3A : memref<!tpu.dma_semaphore, #tpu.memory_space<semaphore_mem>>)
      %dma_wait3A_81 = arith.constant 0 : i32
      %dma_wait3A_82 = tpu.memref_slice %arg11[%mul3A_5, %dma_wait3A_81] : memref<10240x128xf32, #tpu.memory_space<vmem_shared>> -> memref<640x128xf32, #tpu.memory_space<vmem_shared>>
      tpu.wait_dma2 semaphore(%run_scoped3A : memref<!tpu.dma_semaphore, #tpu.memory_space<semaphore_mem>>) src(%arg5 : memref<640x128xf32, #tpu.memory_space<hbm>>) dst(%dma_wait3A_82 : memref<640x128xf32, #tpu.memory_space<vmem_shared>>)
      tpu.yield
    }) : () -> ()
    %barrier3A = arith.constant 0 : index
    tpu.barrier barrier_id(%barrier3A)
    %mul3A_6 = arith.constant 163840 : i32
    %mul3A_7 = arith.muli %add3A_1, %mul3A_6 : i32
    %mul3A_8 = arith.constant 10240 : i32
    %mul3A_9 = arith.muli %arg1, %mul3A_8 : i32
    %add3A_10 = arith.addi %mul3A_7, %mul3A_9 : i32
    %add3A_11 = arith.constant 0 : i32
    %add3A_12 = arith.addi %add3A_10, %add3A_11 : i32
    "tpu.region"() ({
      %run_scoped3A = tpu.sem_alloc : memref<!tpu.dma_semaphore, #tpu.memory_space<semaphore_mem>>
      %dma_start3A_79 = tpu.memref_slice %arg3[%add3A_12] : memref<327680xi32, #tpu.memory_space<hbm>> -> memref<5120xi32, #tpu.memory_space<hbm>>
      %dma_start3A_80 = tpu.memref_slice %arg3[%add3A_12] : memref<327680xi32, #tpu.memory_space<hbm>> -> memref<5120xi32, #tpu.memory_space<hbm>>
      tpu.enqueue_dma source(%dma_start3A_80 : memref<5120xi32, #tpu.memory_space<hbm>>) target(%arg7 : memref<5120xi32, #tpu.memory_space<vmem>>) target_semaphore(%run_scoped3A : memref<!tpu.dma_semaphore, #tpu.memory_space<semaphore_mem>>)
      %dma_wait3A_81 = tpu.memref_slice %arg3[%add3A_12] : memref<327680xi32, #tpu.memory_space<hbm>> -> memref<5120xi32, #tpu.memory_space<hbm>>
      %dma_wait3A_82 = tpu.memref_slice %arg3[%add3A_12] : memref<327680xi32, #tpu.memory_space<hbm>> -> memref<5120xi32, #tpu.memory_space<hbm>>
      tpu.wait_dma2 semaphore(%run_scoped3A : memref<!tpu.dma_semaphore, #tpu.memory_space<semaphore_mem>>) src(%dma_wait3A_82 : memref<5120xi32, #tpu.memory_space<hbm>>) dst(%arg7 : memref<5120xi32, #tpu.memory_space<vmem>>)
      tpu.yield
    }) : () -> ()
    "tpu.region"() ({
      %run_scoped3A = tpu.sem_alloc : memref<!tpu.dma_semaphore, #tpu.memory_space<semaphore_mem>>
      %dma_start3A_79 = arith.constant 0 : i32
      %dma_start3A_80 = arith.constant 0 : i32
      %dma_start3A_81 = tpu.memref_slice %arg4[%arg1, %dma_start3A_79, %dma_start3A_80] : memref<16x80x128xi32, #tpu.memory_space<hbm>> -> memref<1x40x128xi32, #tpu.memory_space<hbm>>
      %dma_start3A_82 = tpu.memref_squeeze %dma_start3A_81 : memref<1x40x128xi32, #tpu.memory_space<hbm>> -> memref<40x128xi32, #tpu.memory_space<hbm>>
      %dma_start3A_83 = arith.constant 0 : i32
      %dma_start3A_84 = arith.constant 0 : i32
      %dma_start3A_85 = tpu.memref_slice %arg4[%arg1, %dma_start3A_83, %dma_start3A_84] : memref<16x80x128xi32, #tpu.memory_space<hbm>> -> memref<1x40x128xi32, #tpu.memory_space<hbm>>
      %dma_start3A_86 = tpu.memref_squeeze %dma_start3A_85 : memref<1x40x128xi32, #tpu.memory_space<hbm>> -> memref<40x128xi32, #tpu.memory_space<hbm>>
      tpu.enqueue_dma source(%dma_start3A_86 : memref<40x128xi32, #tpu.memory_space<hbm>>) target(%arg8 : memref<40x128xi32, #tpu.memory_space<vmem>>) target_semaphore(%run_scoped3A : memref<!tpu.dma_semaphore, #tpu.memory_space<semaphore_mem>>)
      %dma_wait3A_87 = arith.constant 0 : i32
      %dma_wait3A_88 = arith.constant 0 : i32
      %dma_wait3A_89 = tpu.memref_slice %arg4[%arg1, %dma_wait3A_87, %dma_wait3A_88] : memref<16x80x128xi32, #tpu.memory_space<hbm>> -> memref<1x40x128xi32, #tpu.memory_space<hbm>>
      %dma_wait3A_90 = tpu.memref_squeeze %dma_wait3A_89 : memref<1x40x128xi32, #tpu.memory_space<hbm>> -> memref<40x128xi32, #tpu.memory_space<hbm>>
      %dma_wait3A_91 = arith.constant 0 : i32
      %dma_wait3A_92 = arith.constant 0 : i32
      %dma_wait3A_93 = tpu.memref_slice %arg4[%arg1, %dma_wait3A_91, %dma_wait3A_92] : memref<16x80x128xi32, #tpu.memory_space<hbm>> -> memref<1x40x128xi32, #tpu.memory_space<hbm>>
      %dma_wait3A_94 = tpu.memref_squeeze %dma_wait3A_93 : memref<1x40x128xi32, #tpu.memory_space<hbm>> -> memref<40x128xi32, #tpu.memory_space<hbm>>
      tpu.wait_dma2 semaphore(%run_scoped3A : memref<!tpu.dma_semaphore, #tpu.memory_space<semaphore_mem>>) src(%dma_wait3A_94 : memref<40x128xi32, #tpu.memory_space<hbm>>) dst(%arg8 : memref<40x128xi32, #tpu.memory_space<vmem>>)
      tpu.yield
    }) : () -> ()
    %dma_start3A = arith.constant 0 : i32
    %dma_start3A_13 = tpu.memref_slice %arg7[%dma_start3A] : memref<5120xi32, #tpu.memory_space<vmem>> -> memref<128xi32, #tpu.memory_space<vmem>>
    %dma_start3A_14 = arith.constant 0 : i32
    %dma_start3A_15 = arith.constant 0 : i32
    %dma_start3A_16 = tpu.memref_slice %arg2[%dma_start3A_14, %dma_start3A_15] : memref<20000x128xf32, #tpu.memory_space<hbm>> -> memref<20000x128xf32, #tpu.memory_space<hbm>>
    tpu.enqueue_indirect_dma source(%dma_start3A_16 : memref<20000x128xf32, #tpu.memory_space<hbm>>) target(%arg9 : memref<128x128xf32, #tpu.memory_space<vmem>>) offsets(%dma_start3A_13 : memref<128xi32, #tpu.memory_space<vmem>>) semaphore(%arg12 : memref<!tpu.dma_semaphore, #tpu.memory_space<semaphore_mem>>)
    %scan3A = arith.constant 0 : i32
    %scan3A_17 = arith.constant 0 : i32
    %scan3A_18 = arith.constant 20 : i32
    %scan3A_19 = arith.addi %scan3A_17, %scan3A_18 : i32
    %scan3A_20 = arith.constant 1 : i32
    scf.for %scan3A_79 = %scan3A_17 to %scan3A_19 step %scan3A_20  : i32 {
      %mul3A_80 = arith.constant 2 : i32
      %mul3A_81 = arith.muli %mul3A_80, %scan3A_79 : i32
      %add3A_82 = arith.constant 1 : i32
      %add3A_83 = arith.addi %mul3A_81, %add3A_82 : i32
      %mul3A_84 = arith.constant 128 : i32
      %mul3A_85 = arith.muli %add3A_83, %mul3A_84 : i32
      %dma_start3A_86 = tpu.memref_slice %arg7[%mul3A_85] : memref<5120xi32, #tpu.memory_space<vmem>> -> memref<128xi32, #tpu.memory_space<vmem>>
      %dma_start3A_87 = arith.constant 0 : i32
      %dma_start3A_88 = arith.constant 0 : i32
      %dma_start3A_89 = tpu.memref_slice %arg2[%dma_start3A_87, %dma_start3A_88] : memref<20000x128xf32, #tpu.memory_space<hbm>> -> memref<20000x128xf32, #tpu.memory_space<hbm>>
      tpu.enqueue_indirect_dma source(%dma_start3A_89 : memref<20000x128xf32, #tpu.memory_space<hbm>>) target(%arg10 : memref<128x128xf32, #tpu.memory_space<vmem>>) offsets(%dma_start3A_86 : memref<128xi32, #tpu.memory_space<vmem>>) semaphore(%arg13 : memref<!tpu.dma_semaphore, #tpu.memory_space<semaphore_mem>>)
      %dma_wait3A_90 = arith.constant 0 : i32
      %dma_wait3A_91 = arith.constant 0 : i32
      %dma_wait3A_92 = tpu.memref_slice %arg2[%dma_wait3A_90, %dma_wait3A_91] : memref<20000x128xf32, #tpu.memory_space<hbm>> -> memref<128x128xf32, #tpu.memory_space<hbm>>
      %dma_wait3A_93 = arith.constant 0 : i32
      %dma_wait3A_94 = arith.constant 0 : i32
      %dma_wait3A_95 = tpu.memref_slice %arg2[%dma_wait3A_93, %dma_wait3A_94] : memref<20000x128xf32, #tpu.memory_space<hbm>> -> memref<128x128xf32, #tpu.memory_space<hbm>>
      tpu.wait_dma2 semaphore(%arg12 : memref<!tpu.dma_semaphore, #tpu.memory_space<semaphore_mem>>) src(%dma_wait3A_95 : memref<128x128xf32, #tpu.memory_space<hbm>>) dst(%arg9 : memref<128x128xf32, #tpu.memory_space<vmem>>)
      %mul3A_96 = arith.constant 2 : i32
      %mul3A_97 = arith.muli %mul3A_96, %scan3A_79 : i32
      "tpu.region"() ({
        %run_scoped3A = tpu.sem_alloc : memref<!tpu.dma_semaphore, #tpu.memory_space<semaphore_mem>>
        %dma_start3A_119 = arith.constant 0 : i32
        %dma_start3A_120 = tpu.memref_slice %arg8[%mul3A_97, %dma_start3A_119] : memref<40x128xi32, #tpu.memory_space<vmem>> -> memref<1x128xi32, #tpu.memory_space<vmem>>
        %dma_start3A_121 = tpu.memref_squeeze %dma_start3A_120 : memref<1x128xi32, #tpu.memory_space<vmem>> -> memref<128xi32, #tpu.memory_space<vmem>>
        %dma_start3A_122 = arith.constant 0 : i32
        %dma_start3A_123 = arith.constant 0 : i32
        %dma_start3A_124 = tpu.memref_slice %arg11[%dma_start3A_122, %dma_start3A_123] : memref<10240x128xf32, #tpu.memory_space<vmem_shared>> -> memref<10240x128xf32, #tpu.memory_space<vmem_shared>>
        tpu.enqueue_indirect_dma source(%arg9 : memref<128x128xf32, #tpu.memory_space<vmem>>) target(%dma_start3A_124 : memref<10240x128xf32, #tpu.memory_space<vmem_shared>>) offsets(%dma_start3A_121 : memref<128xi32, #tpu.memory_space<vmem>>) semaphore(%run_scoped3A : memref<!tpu.dma_semaphore, #tpu.memory_space<semaphore_mem>>) {add = true}
        %dma_wait3A_125 = arith.constant 0 : i32
        %dma_wait3A_126 = tpu.memref_slice %arg8[%mul3A_97, %dma_wait3A_125] : memref<40x128xi32, #tpu.memory_space<vmem>> -> memref<1x128xi32, #tpu.memory_space<vmem>>
        %dma_wait3A_127 = tpu.memref_squeeze %dma_wait3A_126 : memref<1x128xi32, #tpu.memory_space<vmem>> -> memref<128xi32, #tpu.memory_space<vmem>>
        %dma_wait3A_128 = arith.constant 0 : i32
        %dma_wait3A_129 = arith.constant 0 : i32
        %dma_wait3A_130 = tpu.memref_slice %arg11[%dma_wait3A_128, %dma_wait3A_129] : memref<10240x128xf32, #tpu.memory_space<vmem_shared>> -> memref<10240x128xf32, #tpu.memory_space<vmem_shared>>
        tpu.wait_indirect_dma semaphore(%run_scoped3A : memref<!tpu.dma_semaphore, #tpu.memory_space<semaphore_mem>>) src(%arg9 : memref<128x128xf32, #tpu.memory_space<vmem>>) dst(%dma_wait3A_130 : memref<10240x128xf32, #tpu.memory_space<vmem_shared>>)
        tpu.yield
      }) : () -> ()
      %mul3A_98 = arith.constant 2 : i32
      %mul3A_99 = arith.muli %mul3A_98, %scan3A_79 : i32
      %add3A_100 = arith.constant 2 : i32
      %add3A_101 = arith.addi %mul3A_99, %add3A_100 : i32
      %min3A = arith.constant 39 : i32
      %min3A_102 = arith.minsi %add3A_101, %min3A : i32
      %mul3A_103 = arith.constant 128 : i32
      %mul3A_104 = arith.muli %min3A_102, %mul3A_103 : i32
      %dma_start3A_105 = tpu.memref_slice %arg7[%mul3A_104] : memref<5120xi32, #tpu.memory_space<vmem>> -> memref<128xi32, #tpu.memory_space<vmem>>
      %dma_start3A_106 = arith.constant 0 : i32
      %dma_start3A_107 = arith.constant 0 : i32
      %dma_start3A_108 = tpu.memref_slice %arg2[%dma_start3A_106, %dma_start3A_107] : memref<20000x128xf32, #tpu.memory_space<hbm>> -> memref<20000x128xf32, #tpu.memory_space<hbm>>
      tpu.enqueue_indirect_dma source(%dma_start3A_108 : memref<20000x128xf32, #tpu.memory_space<hbm>>) target(%arg9 : memref<128x128xf32, #tpu.memory_space<vmem>>) offsets(%dma_start3A_105 : memref<128xi32, #tpu.memory_space<vmem>>) semaphore(%arg12 : memref<!tpu.dma_semaphore, #tpu.memory_space<semaphore_mem>>)
      %dma_wait3A_109 = arith.constant 0 : i32
      %dma_wait3A_110 = arith.constant 0 : i32
      %dma_wait3A_111 = tpu.memref_slice %arg2[%dma_wait3A_109, %dma_wait3A_110] : memref<20000x128xf32, #tpu.memory_space<hbm>> -> memref<128x128xf32, #tpu.memory_space<hbm>>
      %dma_wait3A_112 = arith.constant 0 : i32
      %dma_wait3A_113 = arith.constant 0 : i32
      %dma_wait3A_114 = tpu.memref_slice %arg2[%dma_wait3A_112, %dma_wait3A_113] : memref<20000x128xf32, #tpu.memory_space<hbm>> -> memref<128x128xf32, #tpu.memory_space<hbm>>
      tpu.wait_dma2 semaphore(%arg13 : memref<!tpu.dma_semaphore, #tpu.memory_space<semaphore_mem>>) src(%dma_wait3A_114 : memref<128x128xf32, #tpu.memory_space<hbm>>) dst(%arg10 : memref<128x128xf32, #tpu.memory_space<vmem>>)
      %mul3A_115 = arith.constant 2 : i32
      %mul3A_116 = arith.muli %mul3A_115, %scan3A_79 : i32
      %add3A_117 = arith.constant 1 : i32
      %add3A_118 = arith.addi %mul3A_116, %add3A_117 : i32
      "tpu.region"() ({
        %run_scoped3A = tpu.sem_alloc : memref<!tpu.dma_semaphore, #tpu.memory_space<semaphore_mem>>
        %dma_start3A_119 = arith.constant 0 : i32
        %dma_start3A_120 = tpu.memref_slice %arg8[%add3A_118, %dma_start3A_119] : memref<40x128xi32, #tpu.memory_space<vmem>> -> memref<1x128xi32, #tpu.memory_space<vmem>>
        %dma_start3A_121 = tpu.memref_squeeze %dma_start3A_120 : memref<1x128xi32, #tpu.memory_space<vmem>> -> memref<128xi32, #tpu.memory_space<vmem>>
        %dma_start3A_122 = arith.constant 0 : i32
        %dma_start3A_123 = arith.constant 0 : i32
        %dma_start3A_124 = tpu.memref_slice %arg11[%dma_start3A_122, %dma_start3A_123] : memref<10240x128xf32, #tpu.memory_space<vmem_shared>> -> memref<10240x128xf32, #tpu.memory_space<vmem_shared>>
        tpu.enqueue_indirect_dma source(%arg10 : memref<128x128xf32, #tpu.memory_space<vmem>>) target(%dma_start3A_124 : memref<10240x128xf32, #tpu.memory_space<vmem_shared>>) offsets(%dma_start3A_121 : memref<128xi32, #tpu.memory_space<vmem>>) semaphore(%run_scoped3A : memref<!tpu.dma_semaphore, #tpu.memory_space<semaphore_mem>>) {add = true}
        %dma_wait3A_125 = arith.constant 0 : i32
        %dma_wait3A_126 = tpu.memref_slice %arg8[%add3A_118, %dma_wait3A_125] : memref<40x128xi32, #tpu.memory_space<vmem>> -> memref<1x128xi32, #tpu.memory_space<vmem>>
        %dma_wait3A_127 = tpu.memref_squeeze %dma_wait3A_126 : memref<1x128xi32, #tpu.memory_space<vmem>> -> memref<128xi32, #tpu.memory_space<vmem>>
        %dma_wait3A_128 = arith.constant 0 : i32
        %dma_wait3A_129 = arith.constant 0 : i32
        %dma_wait3A_130 = tpu.memref_slice %arg11[%dma_wait3A_128, %dma_wait3A_129] : memref<10240x128xf32, #tpu.memory_space<vmem_shared>> -> memref<10240x128xf32, #tpu.memory_space<vmem_shared>>
        tpu.wait_indirect_dma semaphore(%run_scoped3A : memref<!tpu.dma_semaphore, #tpu.memory_space<semaphore_mem>>) src(%arg10 : memref<128x128xf32, #tpu.memory_space<vmem>>) dst(%dma_wait3A_130 : memref<10240x128xf32, #tpu.memory_space<vmem_shared>>)
        tpu.yield
      }) : () -> ()
    }
    %scan3A_21 = arith.constant 20 : i32
    %dma_wait3A = arith.constant 0 : i32
    %dma_wait3A_22 = arith.constant 0 : i32
    %dma_wait3A_23 = tpu.memref_slice %arg2[%dma_wait3A, %dma_wait3A_22] : memref<20000x128xf32, #tpu.memory_space<hbm>> -> memref<128x128xf32, #tpu.memory_space<hbm>>
    %dma_wait3A_24 = arith.constant 0 : i32
    %dma_wait3A_25 = arith.constant 0 : i32
    %dma_wait3A_26 = tpu.memref_slice %arg2[%dma_wait3A_24, %dma_wait3A_25] : memref<20000x128xf32, #tpu.memory_space<hbm>> -> memref<128x128xf32, #tpu.memory_space<hbm>>
    tpu.wait_dma2 semaphore(%arg12 : memref<!tpu.dma_semaphore, #tpu.memory_space<semaphore_mem>>) src(%dma_wait3A_26 : memref<128x128xf32, #tpu.memory_space<hbm>>) dst(%arg9 : memref<128x128xf32, #tpu.memory_space<vmem>>)
    %mul3A_27 = arith.constant 163840 : i32
    %mul3A_28 = arith.muli %add3A_1, %mul3A_27 : i32
    %mul3A_29 = arith.constant 10240 : i32
    %mul3A_30 = arith.muli %arg1, %mul3A_29 : i32
    %add3A_31 = arith.addi %mul3A_28, %mul3A_30 : i32
    %add3A_32 = arith.constant 5120 : i32
    %add3A_33 = arith.addi %add3A_31, %add3A_32 : i32
    "tpu.region"() ({
      %run_scoped3A = tpu.sem_alloc : memref<!tpu.dma_semaphore, #tpu.memory_space<semaphore_mem>>
      %dma_start3A_79 = tpu.memref_slice %arg3[%add3A_33] : memref<327680xi32, #tpu.memory_space<hbm>> -> memref<5120xi32, #tpu.memory_space<hbm>>
      %dma_start3A_80 = tpu.memref_slice %arg3[%add3A_33] : memref<327680xi32, #tpu.memory_space<hbm>> -> memref<5120xi32, #tpu.memory_space<hbm>>
      tpu.enqueue_dma source(%dma_start3A_80 : memref<5120xi32, #tpu.memory_space<hbm>>) target(%arg7 : memref<5120xi32, #tpu.memory_space<vmem>>) target_semaphore(%run_scoped3A : memref<!tpu.dma_semaphore, #tpu.memory_space<semaphore_mem>>)
      %dma_wait3A_81 = tpu.memref_slice %arg3[%add3A_33] : memref<327680xi32, #tpu.memory_space<hbm>> -> memref<5120xi32, #tpu.memory_space<hbm>>
      %dma_wait3A_82 = tpu.memref_slice %arg3[%add3A_33] : memref<327680xi32, #tpu.memory_space<hbm>> -> memref<5120xi32, #tpu.memory_space<hbm>>
      tpu.wait_dma2 semaphore(%run_scoped3A : memref<!tpu.dma_semaphore, #tpu.memory_space<semaphore_mem>>) src(%dma_wait3A_82 : memref<5120xi32, #tpu.memory_space<hbm>>) dst(%arg7 : memref<5120xi32, #tpu.memory_space<vmem>>)
      tpu.yield
    }) : () -> ()
    "tpu.region"() ({
      %run_scoped3A = tpu.sem_alloc : memref<!tpu.dma_semaphore, #tpu.memory_space<semaphore_mem>>
      %dma_start3A_79 = arith.constant 40 : i32
      %dma_start3A_80 = arith.constant 0 : i32
      %dma_start3A_81 = tpu.memref_slice %arg4[%arg1, %dma_start3A_79, %dma_start3A_80] : memref<16x80x128xi32, #tpu.memory_space<hbm>> -> memref<1x40x128xi32, #tpu.memory_space<hbm>>
      %dma_start3A_82 = tpu.memref_squeeze %dma_start3A_81 : memref<1x40x128xi32, #tpu.memory_space<hbm>> -> memref<40x128xi32, #tpu.memory_space<hbm>>
      %dma_start3A_83 = arith.constant 40 : i32
      %dma_start3A_84 = arith.constant 0 : i32
      %dma_start3A_85 = tpu.memref_slice %arg4[%arg1, %dma_start3A_83, %dma_start3A_84] : memref<16x80x128xi32, #tpu.memory_space<hbm>> -> memref<1x40x128xi32, #tpu.memory_space<hbm>>
      %dma_start3A_86 = tpu.memref_squeeze %dma_start3A_85 : memref<1x40x128xi32, #tpu.memory_space<hbm>> -> memref<40x128xi32, #tpu.memory_space<hbm>>
      tpu.enqueue_dma source(%dma_start3A_86 : memref<40x128xi32, #tpu.memory_space<hbm>>) target(%arg8 : memref<40x128xi32, #tpu.memory_space<vmem>>) target_semaphore(%run_scoped3A : memref<!tpu.dma_semaphore, #tpu.memory_space<semaphore_mem>>)
      %dma_wait3A_87 = arith.constant 40 : i32
      %dma_wait3A_88 = arith.constant 0 : i32
      %dma_wait3A_89 = tpu.memref_slice %arg4[%arg1, %dma_wait3A_87, %dma_wait3A_88] : memref<16x80x128xi32, #tpu.memory_space<hbm>> -> memref<1x40x128xi32, #tpu.memory_space<hbm>>
      %dma_wait3A_90 = tpu.memref_squeeze %dma_wait3A_89 : memref<1x40x128xi32, #tpu.memory_space<hbm>> -> memref<40x128xi32, #tpu.memory_space<hbm>>
      %dma_wait3A_91 = arith.constant 40 : i32
      %dma_wait3A_92 = arith.constant 0 : i32
      %dma_wait3A_93 = tpu.memref_slice %arg4[%arg1, %dma_wait3A_91, %dma_wait3A_92] : memref<16x80x128xi32, #tpu.memory_space<hbm>> -> memref<1x40x128xi32, #tpu.memory_space<hbm>>
      %dma_wait3A_94 = tpu.memref_squeeze %dma_wait3A_93 : memref<1x40x128xi32, #tpu.memory_space<hbm>> -> memref<40x128xi32, #tpu.memory_space<hbm>>
      tpu.wait_dma2 semaphore(%run_scoped3A : memref<!tpu.dma_semaphore, #tpu.memory_space<semaphore_mem>>) src(%dma_wait3A_94 : memref<40x128xi32, #tpu.memory_space<hbm>>) dst(%arg8 : memref<40x128xi32, #tpu.memory_space<vmem>>)
      tpu.yield
    }) : () -> ()
    %dma_start3A_34 = arith.constant 0 : i32
    %dma_start3A_35 = tpu.memref_slice %arg7[%dma_start3A_34] : memref<5120xi32, #tpu.memory_space<vmem>> -> memref<128xi32, #tpu.memory_space<vmem>>
    %dma_start3A_36 = arith.constant 0 : i32
    %dma_start3A_37 = arith.constant 0 : i32
    %dma_start3A_38 = tpu.memref_slice %arg2[%dma_start3A_36, %dma_start3A_37] : memref<20000x128xf32, #tpu.memory_space<hbm>> -> memref<20000x128xf32, #tpu.memory_space<hbm>>
    tpu.enqueue_indirect_dma source(%dma_start3A_38 : memref<20000x128xf32, #tpu.memory_space<hbm>>) target(%arg9 : memref<128x128xf32, #tpu.memory_space<vmem>>) offsets(%dma_start3A_35 : memref<128xi32, #tpu.memory_space<vmem>>) semaphore(%arg12 : memref<!tpu.dma_semaphore, #tpu.memory_space<semaphore_mem>>)
    %scan3A_39 = arith.constant 0 : i32
    %scan3A_40 = arith.constant 0 : i32
    %scan3A_41 = arith.constant 20 : i32
    %scan3A_42 = arith.addi %scan3A_40, %scan3A_41 : i32
    %scan3A_43 = arith.constant 1 : i32
    scf.for %scan3A_79 = %scan3A_40 to %scan3A_42 step %scan3A_43  : i32 {
      %mul3A_80 = arith.constant 2 : i32
      %mul3A_81 = arith.muli %mul3A_80, %scan3A_79 : i32
      %add3A_82 = arith.constant 1 : i32
      %add3A_83 = arith.addi %mul3A_81, %add3A_82 : i32
      %mul3A_84 = arith.constant 128 : i32
      %mul3A_85 = arith.muli %add3A_83, %mul3A_84 : i32
      %dma_start3A_86 = tpu.memref_slice %arg7[%mul3A_85] : memref<5120xi32, #tpu.memory_space<vmem>> -> memref<128xi32, #tpu.memory_space<vmem>>
      %dma_start3A_87 = arith.constant 0 : i32
      %dma_start3A_88 = arith.constant 0 : i32
      %dma_start3A_89 = tpu.memref_slice %arg2[%dma_start3A_87, %dma_start3A_88] : memref<20000x128xf32, #tpu.memory_space<hbm>> -> memref<20000x128xf32, #tpu.memory_space<hbm>>
      tpu.enqueue_indirect_dma source(%dma_start3A_89 : memref<20000x128xf32, #tpu.memory_space<hbm>>) target(%arg10 : memref<128x128xf32, #tpu.memory_space<vmem>>) offsets(%dma_start3A_86 : memref<128xi32, #tpu.memory_space<vmem>>) semaphore(%arg13 : memref<!tpu.dma_semaphore, #tpu.memory_space<semaphore_mem>>)
      %dma_wait3A_90 = arith.constant 0 : i32
      %dma_wait3A_91 = arith.constant 0 : i32
      %dma_wait3A_92 = tpu.memref_slice %arg2[%dma_wait3A_90, %dma_wait3A_91] : memref<20000x128xf32, #tpu.memory_space<hbm>> -> memref<128x128xf32, #tpu.memory_space<hbm>>
      %dma_wait3A_93 = arith.constant 0 : i32
      %dma_wait3A_94 = arith.constant 0 : i32
      %dma_wait3A_95 = tpu.memref_slice %arg2[%dma_wait3A_93, %dma_wait3A_94] : memref<20000x128xf32, #tpu.memory_space<hbm>> -> memref<128x128xf32, #tpu.memory_space<hbm>>
      tpu.wait_dma2 semaphore(%arg12 : memref<!tpu.dma_semaphore, #tpu.memory_space<semaphore_mem>>) src(%dma_wait3A_95 : memref<128x128xf32, #tpu.memory_space<hbm>>) dst(%arg9 : memref<128x128xf32, #tpu.memory_space<vmem>>)
      %mul3A_96 = arith.constant 2 : i32
      %mul3A_97 = arith.muli %mul3A_96, %scan3A_79 : i32
      "tpu.region"() ({
        %run_scoped3A = tpu.sem_alloc : memref<!tpu.dma_semaphore, #tpu.memory_space<semaphore_mem>>
        %dma_start3A_119 = arith.constant 0 : i32
        %dma_start3A_120 = tpu.memref_slice %arg8[%mul3A_97, %dma_start3A_119] : memref<40x128xi32, #tpu.memory_space<vmem>> -> memref<1x128xi32, #tpu.memory_space<vmem>>
        %dma_start3A_121 = tpu.memref_squeeze %dma_start3A_120 : memref<1x128xi32, #tpu.memory_space<vmem>> -> memref<128xi32, #tpu.memory_space<vmem>>
        %dma_start3A_122 = arith.constant 0 : i32
        %dma_start3A_123 = arith.constant 0 : i32
        %dma_start3A_124 = tpu.memref_slice %arg11[%dma_start3A_122, %dma_start3A_123] : memref<10240x128xf32, #tpu.memory_space<vmem_shared>> -> memref<10240x128xf32, #tpu.memory_space<vmem_shared>>
        tpu.enqueue_indirect_dma source(%arg9 : memref<128x128xf32, #tpu.memory_space<vmem>>) target(%dma_start3A_124 : memref<10240x128xf32, #tpu.memory_space<vmem_shared>>) offsets(%dma_start3A_121 : memref<128xi32, #tpu.memory_space<vmem>>) semaphore(%run_scoped3A : memref<!tpu.dma_semaphore, #tpu.memory_space<semaphore_mem>>) {add = true}
        %dma_wait3A_125 = arith.constant 0 : i32
        %dma_wait3A_126 = tpu.memref_slice %arg8[%mul3A_97, %dma_wait3A_125] : memref<40x128xi32, #tpu.memory_space<vmem>> -> memref<1x128xi32, #tpu.memory_space<vmem>>
        %dma_wait3A_127 = tpu.memref_squeeze %dma_wait3A_126 : memref<1x128xi32, #tpu.memory_space<vmem>> -> memref<128xi32, #tpu.memory_space<vmem>>
        %dma_wait3A_128 = arith.constant 0 : i32
        %dma_wait3A_129 = arith.constant 0 : i32
        %dma_wait3A_130 = tpu.memref_slice %arg11[%dma_wait3A_128, %dma_wait3A_129] : memref<10240x128xf32, #tpu.memory_space<vmem_shared>> -> memref<10240x128xf32, #tpu.memory_space<vmem_shared>>
        tpu.wait_indirect_dma semaphore(%run_scoped3A : memref<!tpu.dma_semaphore, #tpu.memory_space<semaphore_mem>>) src(%arg9 : memref<128x128xf32, #tpu.memory_space<vmem>>) dst(%dma_wait3A_130 : memref<10240x128xf32, #tpu.memory_space<vmem_shared>>)
        tpu.yield
      }) : () -> ()
      %mul3A_98 = arith.constant 2 : i32
      %mul3A_99 = arith.muli %mul3A_98, %scan3A_79 : i32
      %add3A_100 = arith.constant 2 : i32
      %add3A_101 = arith.addi %mul3A_99, %add3A_100 : i32
      %min3A = arith.constant 39 : i32
      %min3A_102 = arith.minsi %add3A_101, %min3A : i32
      %mul3A_103 = arith.constant 128 : i32
      %mul3A_104 = arith.muli %min3A_102, %mul3A_103 : i32
      %dma_start3A_105 = tpu.memref_slice %arg7[%mul3A_104] : memref<5120xi32, #tpu.memory_space<vmem>> -> memref<128xi32, #tpu.memory_space<vmem>>
      %dma_start3A_106 = arith.constant 0 : i32
      %dma_start3A_107 = arith.constant 0 : i32
      %dma_start3A_108 = tpu.memref_slice %arg2[%dma_start3A_106, %dma_start3A_107] : memref<20000x128xf32, #tpu.memory_space<hbm>> -> memref<20000x128xf32, #tpu.memory_space<hbm>>
      tpu.enqueue_indirect_dma source(%dma_start3A_108 : memref<20000x128xf32, #tpu.memory_space<hbm>>) target(%arg9 : memref<128x128xf32, #tpu.memory_space<vmem>>) offsets(%dma_start3A_105 : memref<128xi32, #tpu.memory_space<vmem>>) semaphore(%arg12 : memref<!tpu.dma_semaphore, #tpu.memory_space<semaphore_mem>>)
      %dma_wait3A_109 = arith.constant 0 : i32
      %dma_wait3A_110 = arith.constant 0 : i32
      %dma_wait3A_111 = tpu.memref_slice %arg2[%dma_wait3A_109, %dma_wait3A_110] : memref<20000x128xf32, #tpu.memory_space<hbm>> -> memref<128x128xf32, #tpu.memory_space<hbm>>
      %dma_wait3A_112 = arith.constant 0 : i32
      %dma_wait3A_113 = arith.constant 0 : i32
      %dma_wait3A_114 = tpu.memref_slice %arg2[%dma_wait3A_112, %dma_wait3A_113] : memref<20000x128xf32, #tpu.memory_space<hbm>> -> memref<128x128xf32, #tpu.memory_space<hbm>>
      tpu.wait_dma2 semaphore(%arg13 : memref<!tpu.dma_semaphore, #tpu.memory_space<semaphore_mem>>) src(%dma_wait3A_114 : memref<128x128xf32, #tpu.memory_space<hbm>>) dst(%arg10 : memref<128x128xf32, #tpu.memory_space<vmem>>)
      %mul3A_115 = arith.constant 2 : i32
      %mul3A_116 = arith.muli %mul3A_115, %scan3A_79 : i32
      %add3A_117 = arith.constant 1 : i32
      %add3A_118 = arith.addi %mul3A_116, %add3A_117 : i32
      "tpu.region"() ({
        %run_scoped3A = tpu.sem_alloc : memref<!tpu.dma_semaphore, #tpu.memory_space<semaphore_mem>>
        %dma_start3A_119 = arith.constant 0 : i32
        %dma_start3A_120 = tpu.memref_slice %arg8[%add3A_118, %dma_start3A_119] : memref<40x128xi32, #tpu.memory_space<vmem>> -> memref<1x128xi32, #tpu.memory_space<vmem>>
        %dma_start3A_121 = tpu.memref_squeeze %dma_start3A_120 : memref<1x128xi32, #tpu.memory_space<vmem>> -> memref<128xi32, #tpu.memory_space<vmem>>
        %dma_start3A_122 = arith.constant 0 : i32
        %dma_start3A_123 = arith.constant 0 : i32
        %dma_start3A_124 = tpu.memref_slice %arg11[%dma_start3A_122, %dma_start3A_123] : memref<10240x128xf32, #tpu.memory_space<vmem_shared>> -> memref<10240x128xf32, #tpu.memory_space<vmem_shared>>
        tpu.enqueue_indirect_dma source(%arg10 : memref<128x128xf32, #tpu.memory_space<vmem>>) target(%dma_start3A_124 : memref<10240x128xf32, #tpu.memory_space<vmem_shared>>) offsets(%dma_start3A_121 : memref<128xi32, #tpu.memory_space<vmem>>) semaphore(%run_scoped3A : memref<!tpu.dma_semaphore, #tpu.memory_space<semaphore_mem>>) {add = true}
        %dma_wait3A_125 = arith.constant 0 : i32
        %dma_wait3A_126 = tpu.memref_slice %arg8[%add3A_118, %dma_wait3A_125] : memref<40x128xi32, #tpu.memory_space<vmem>> -> memref<1x128xi32, #tpu.memory_space<vmem>>
        %dma_wait3A_127 = tpu.memref_squeeze %dma_wait3A_126 : memref<1x128xi32, #tpu.memory_space<vmem>> -> memref<128xi32, #tpu.memory_space<vmem>>
        %dma_wait3A_128 = arith.constant 0 : i32
        %dma_wait3A_129 = arith.constant 0 : i32
        %dma_wait3A_130 = tpu.memref_slice %arg11[%dma_wait3A_128, %dma_wait3A_129] : memref<10240x128xf32, #tpu.memory_space<vmem_shared>> -> memref<10240x128xf32, #tpu.memory_space<vmem_shared>>
        tpu.wait_indirect_dma semaphore(%run_scoped3A : memref<!tpu.dma_semaphore, #tpu.memory_space<semaphore_mem>>) src(%arg10 : memref<128x128xf32, #tpu.memory_space<vmem>>) dst(%dma_wait3A_130 : memref<10240x128xf32, #tpu.memory_space<vmem_shared>>)
        tpu.yield
      }) : () -> ()
    }
    %scan3A_44 = arith.constant 20 : i32
    %dma_wait3A_45 = arith.constant 0 : i32
    %dma_wait3A_46 = arith.constant 0 : i32
    %dma_wait3A_47 = tpu.memref_slice %arg2[%dma_wait3A_45, %dma_wait3A_46] : memref<20000x128xf32, #tpu.memory_space<hbm>> -> memref<128x128xf32, #tpu.memory_space<hbm>>
    %dma_wait3A_48 = arith.constant 0 : i32
    %dma_wait3A_49 = arith.constant 0 : i32
    %dma_wait3A_50 = tpu.memref_slice %arg2[%dma_wait3A_48, %dma_wait3A_49] : memref<20000x128xf32, #tpu.memory_space<hbm>> -> memref<128x128xf32, #tpu.memory_space<hbm>>
    tpu.wait_dma2 semaphore(%arg12 : memref<!tpu.dma_semaphore, #tpu.memory_space<semaphore_mem>>) src(%dma_wait3A_50 : memref<128x128xf32, #tpu.memory_space<hbm>>) dst(%arg9 : memref<128x128xf32, #tpu.memory_space<vmem>>)
    %barrier3A_51 = arith.constant 0 : index
    tpu.barrier barrier_id(%barrier3A_51)
    %mul3A_52 = arith.constant 624 : i32
    %mul3A_53 = arith.muli %arg1, %mul3A_52 : i32
    %add3A_54 = arith.constant 0 : i32
    %add3A_55 = arith.addi %mul3A_53, %add3A_54 : i32
    "tpu.region"() ({
      %run_scoped3A = tpu.sem_alloc : memref<!tpu.dma_semaphore, #tpu.memory_space<semaphore_mem>>
      %dma_start3A_79 = arith.constant 0 : i32
      %dma_start3A_80 = arith.constant 0 : i32
      %dma_start3A_81 = tpu.memref_slice %arg9[%dma_start3A_79, %dma_start3A_80] : memref<128x128xf32, #tpu.memory_space<vmem>> -> memref<128x128xf32, #tpu.memory_space<vmem>>
      %dma_start3A_82 = arith.constant 0 : i32
      %dma_start3A_83 = tpu.memref_slice %arg11[%add3A_55, %dma_start3A_82] : memref<10240x128xf32, #tpu.memory_space<vmem_shared>> -> memref<128x128xf32, #tpu.memory_space<vmem_shared>>
      %dma_start3A_84 = arith.constant 0 : i32
      %dma_start3A_85 = arith.constant 0 : i32
      %dma_start3A_86 = tpu.memref_slice %arg9[%dma_start3A_84, %dma_start3A_85] : memref<128x128xf32, #tpu.memory_space<vmem>> -> memref<128x128xf32, #tpu.memory_space<vmem>>
      %dma_start3A_87 = arith.constant 0 : i32
      %dma_start3A_88 = tpu.memref_slice %arg11[%add3A_55, %dma_start3A_87] : memref<10240x128xf32, #tpu.memory_space<vmem_shared>> -> memref<128x128xf32, #tpu.memory_space<vmem_shared>>
      tpu.enqueue_dma source(%dma_start3A_88 : memref<128x128xf32, #tpu.memory_space<vmem_shared>>) target(%dma_start3A_86 : memref<128x128xf32, #tpu.memory_space<vmem>>) target_semaphore(%run_scoped3A : memref<!tpu.dma_semaphore, #tpu.memory_space<semaphore_mem>>)
      %dma_wait3A_89 = arith.constant 0 : i32
      %dma_wait3A_90 = arith.constant 0 : i32
      %dma_wait3A_91 = tpu.memref_slice %arg9[%dma_wait3A_89, %dma_wait3A_90] : memref<128x128xf32, #tpu.memory_space<vmem>> -> memref<128x128xf32, #tpu.memory_space<vmem>>
      %dma_wait3A_92 = arith.constant 0 : i32
      %dma_wait3A_93 = tpu.memref_slice %arg11[%add3A_55, %dma_wait3A_92] : memref<10240x128xf32, #tpu.memory_space<vmem_shared>> -> memref<128x128xf32, #tpu.memory_space<vmem_shared>>
      %dma_wait3A_94 = arith.constant 0 : i32
      %dma_wait3A_95 = arith.constant 0 : i32
      %dma_wait3A_96 = tpu.memref_slice %arg9[%dma_wait3A_94, %dma_wait3A_95] : memref<128x128xf32, #tpu.memory_space<vmem>> -> memref<128x128xf32, #tpu.memory_space<vmem>>
      %dma_wait3A_97 = arith.constant 0 : i32
      %dma_wait3A_98 = tpu.memref_slice %arg11[%add3A_55, %dma_wait3A_97] : memref<10240x128xf32, #tpu.memory_space<vmem_shared>> -> memref<128x128xf32, #tpu.memory_space<vmem_shared>>
      tpu.wait_dma2 semaphore(%run_scoped3A : memref<!tpu.dma_semaphore, #tpu.memory_space<semaphore_mem>>) src(%dma_wait3A_98 : memref<128x128xf32, #tpu.memory_space<vmem_shared>>) dst(%dma_wait3A_96 : memref<128x128xf32, #tpu.memory_space<vmem>>)
      tpu.yield
    }) : () -> ()
    %add3A_56 = arith.addi %mul3A_3, %add3A_55 : i32
    "tpu.region"() ({
      %run_scoped3A = tpu.sem_alloc : memref<!tpu.dma_semaphore, #tpu.memory_space<semaphore_mem>>
      %dma_start3A_79 = arith.constant 0 : i32
      %dma_start3A_80 = arith.constant 0 : i32
      %dma_start3A_81 = tpu.memref_slice %arg9[%dma_start3A_79, %dma_start3A_80] : memref<128x128xf32, #tpu.memory_space<vmem>> -> memref<128x128xf32, #tpu.memory_space<vmem>>
      %dma_start3A_82 = arith.constant 0 : i32
      %dma_start3A_83 = tpu.memref_slice %arg6[%add3A_56, %dma_start3A_82] : memref<20000x128xf32, #tpu.memory_space<hbm>> -> memref<128x128xf32, #tpu.memory_space<hbm>>
      %dma_start3A_84 = arith.constant 0 : i32
      %dma_start3A_85 = tpu.memref_slice %arg6[%add3A_56, %dma_start3A_84] : memref<20000x128xf32, #tpu.memory_space<hbm>> -> memref<128x128xf32, #tpu.memory_space<hbm>>
      %dma_start3A_86 = arith.constant 0 : i32
      %dma_start3A_87 = arith.constant 0 : i32
      %dma_start3A_88 = tpu.memref_slice %arg9[%dma_start3A_86, %dma_start3A_87] : memref<128x128xf32, #tpu.memory_space<vmem>> -> memref<128x128xf32, #tpu.memory_space<vmem>>
      tpu.enqueue_dma source(%dma_start3A_88 : memref<128x128xf32, #tpu.memory_space<vmem>>) target(%dma_start3A_85 : memref<128x128xf32, #tpu.memory_space<hbm>>) target_semaphore(%run_scoped3A : memref<!tpu.dma_semaphore, #tpu.memory_space<semaphore_mem>>)
      %dma_wait3A_89 = arith.constant 0 : i32
      %dma_wait3A_90 = arith.constant 0 : i32
      %dma_wait3A_91 = tpu.memref_slice %arg9[%dma_wait3A_89, %dma_wait3A_90] : memref<128x128xf32, #tpu.memory_space<vmem>> -> memref<128x128xf32, #tpu.memory_space<vmem>>
      %dma_wait3A_92 = arith.constant 0 : i32
      %dma_wait3A_93 = tpu.memref_slice %arg6[%add3A_56, %dma_wait3A_92] : memref<20000x128xf32, #tpu.memory_space<hbm>> -> memref<128x128xf32, #tpu.memory_space<hbm>>
      %dma_wait3A_94 = arith.constant 0 : i32
      %dma_wait3A_95 = tpu.memref_slice %arg6[%add3A_56, %dma_wait3A_94] : memref<20000x128xf32, #tpu.memory_space<hbm>> -> memref<128x128xf32, #tpu.memory_space<hbm>>
      %dma_wait3A_96 = arith.constant 0 : i32
      %dma_wait3A_97 = arith.constant 0 : i32
      %dma_wait3A_98 = tpu.memref_slice %arg9[%dma_wait3A_96, %dma_wait3A_97] : memref<128x128xf32, #tpu.memory_space<vmem>> -> memref<128x128xf32, #tpu.memory_space<vmem>>
      tpu.wait_dma2 semaphore(%run_scoped3A : memref<!tpu.dma_semaphore, #tpu.memory_space<semaphore_mem>>) src(%dma_wait3A_98 : memref<128x128xf32, #tpu.memory_space<vmem>>) dst(%dma_wait3A_95 : memref<128x128xf32, #tpu.memory_space<hbm>>)
      tpu.yield
    }) : () -> ()
    %mul3A_57 = arith.constant 624 : i32
    %mul3A_58 = arith.muli %arg1, %mul3A_57 : i32
    %add3A_59 = arith.constant 128 : i32
    %add3A_60 = arith.addi %mul3A_58, %add3A_59 : i32
    "tpu.region"() ({
      %run_scoped3A = tpu.sem_alloc : memref<!tpu.dma_semaphore, #tpu.memory_space<semaphore_mem>>
      %dma_start3A_79 = arith.constant 0 : i32
      %dma_start3A_80 = arith.constant 0 : i32
      %dma_start3A_81 = tpu.memref_slice %arg9[%dma_start3A_79, %dma_start3A_80] : memref<128x128xf32, #tpu.memory_space<vmem>> -> memref<128x128xf32, #tpu.memory_space<vmem>>
      %dma_start3A_82 = arith.constant 0 : i32
      %dma_start3A_83 = tpu.memref_slice %arg11[%add3A_60, %dma_start3A_82] : memref<10240x128xf32, #tpu.memory_space<vmem_shared>> -> memref<128x128xf32, #tpu.memory_space<vmem_shared>>
      %dma_start3A_84 = arith.constant 0 : i32
      %dma_start3A_85 = arith.constant 0 : i32
      %dma_start3A_86 = tpu.memref_slice %arg9[%dma_start3A_84, %dma_start3A_85] : memref<128x128xf32, #tpu.memory_space<vmem>> -> memref<128x128xf32, #tpu.memory_space<vmem>>
      %dma_start3A_87 = arith.constant 0 : i32
      %dma_start3A_88 = tpu.memref_slice %arg11[%add3A_60, %dma_start3A_87] : memref<10240x128xf32, #tpu.memory_space<vmem_shared>> -> memref<128x128xf32, #tpu.memory_space<vmem_shared>>
      tpu.enqueue_dma source(%dma_start3A_88 : memref<128x128xf32, #tpu.memory_space<vmem_shared>>) target(%dma_start3A_86 : memref<128x128xf32, #tpu.memory_space<vmem>>) target_semaphore(%run_scoped3A : memref<!tpu.dma_semaphore, #tpu.memory_space<semaphore_mem>>)
      %dma_wait3A_89 = arith.constant 0 : i32
      %dma_wait3A_90 = arith.constant 0 : i32
      %dma_wait3A_91 = tpu.memref_slice %arg9[%dma_wait3A_89, %dma_wait3A_90] : memref<128x128xf32, #tpu.memory_space<vmem>> -> memref<128x128xf32, #tpu.memory_space<vmem>>
      %dma_wait3A_92 = arith.constant 0 : i32
      %dma_wait3A_93 = tpu.memref_slice %arg11[%add3A_60, %dma_wait3A_92] : memref<10240x128xf32, #tpu.memory_space<vmem_shared>> -> memref<128x128xf32, #tpu.memory_space<vmem_shared>>
      %dma_wait3A_94 = arith.constant 0 : i32
      %dma_wait3A_95 = arith.constant 0 : i32
      %dma_wait3A_96 = tpu.memref_slice %arg9[%dma_wait3A_94, %dma_wait3A_95] : memref<128x128xf32, #tpu.memory_space<vmem>> -> memref<128x128xf32, #tpu.memory_space<vmem>>
      %dma_wait3A_97 = arith.constant 0 : i32
      %dma_wait3A_98 = tpu.memref_slice %arg11[%add3A_60, %dma_wait3A_97] : memref<10240x128xf32, #tpu.memory_space<vmem_shared>> -> memref<128x128xf32, #tpu.memory_space<vmem_shared>>
      tpu.wait_dma2 semaphore(%run_scoped3A : memref<!tpu.dma_semaphore, #tpu.memory_space<semaphore_mem>>) src(%dma_wait3A_98 : memref<128x128xf32, #tpu.memory_space<vmem_shared>>) dst(%dma_wait3A_96 : memref<128x128xf32, #tpu.memory_space<vmem>>)
      tpu.yield
    }) : () -> ()
    %add3A_61 = arith.addi %mul3A_3, %add3A_60 : i32
    "tpu.region"() ({
      %run_scoped3A = tpu.sem_alloc : memref<!tpu.dma_semaphore, #tpu.memory_space<semaphore_mem>>
      %dma_start3A_79 = arith.constant 0 : i32
      %dma_start3A_80 = arith.constant 0 : i32
      %dma_start3A_81 = tpu.memref_slice %arg9[%dma_start3A_79, %dma_start3A_80] : memref<128x128xf32, #tpu.memory_space<vmem>> -> memref<128x128xf32, #tpu.memory_space<vmem>>
      %dma_start3A_82 = arith.constant 0 : i32
      %dma_start3A_83 = tpu.memref_slice %arg6[%add3A_61, %dma_start3A_82] : memref<20000x128xf32, #tpu.memory_space<hbm>> -> memref<128x128xf32, #tpu.memory_space<hbm>>
      %dma_start3A_84 = arith.constant 0 : i32
      %dma_start3A_85 = tpu.memref_slice %arg6[%add3A_61, %dma_start3A_84] : memref<20000x128xf32, #tpu.memory_space<hbm>> -> memref<128x128xf32, #tpu.memory_space<hbm>>
      %dma_start3A_86 = arith.constant 0 : i32
      %dma_start3A_87 = arith.constant 0 : i32
      %dma_start3A_88 = tpu.memref_slice %arg9[%dma_start3A_86, %dma_start3A_87] : memref<128x128xf32, #tpu.memory_space<vmem>> -> memref<128x128xf32, #tpu.memory_space<vmem>>
      tpu.enqueue_dma source(%dma_start3A_88 : memref<128x128xf32, #tpu.memory_space<vmem>>) target(%dma_start3A_85 : memref<128x128xf32, #tpu.memory_space<hbm>>) target_semaphore(%run_scoped3A : memref<!tpu.dma_semaphore, #tpu.memory_space<semaphore_mem>>)
      %dma_wait3A_89 = arith.constant 0 : i32
      %dma_wait3A_90 = arith.constant 0 : i32
      %dma_wait3A_91 = tpu.memref_slice %arg9[%dma_wait3A_89, %dma_wait3A_90] : memref<128x128xf32, #tpu.memory_space<vmem>> -> memref<128x128xf32, #tpu.memory_space<vmem>>
      %dma_wait3A_92 = arith.constant 0 : i32
      %dma_wait3A_93 = tpu.memref_slice %arg6[%add3A_61, %dma_wait3A_92] : memref<20000x128xf32, #tpu.memory_space<hbm>> -> memref<128x128xf32, #tpu.memory_space<hbm>>
      %dma_wait3A_94 = arith.constant 0 : i32
      %dma_wait3A_95 = tpu.memref_slice %arg6[%add3A_61, %dma_wait3A_94] : memref<20000x128xf32, #tpu.memory_space<hbm>> -> memref<128x128xf32, #tpu.memory_space<hbm>>
      %dma_wait3A_96 = arith.constant 0 : i32
      %dma_wait3A_97 = arith.constant 0 : i32
      %dma_wait3A_98 = tpu.memref_slice %arg9[%dma_wait3A_96, %dma_wait3A_97] : memref<128x128xf32, #tpu.memory_space<vmem>> -> memref<128x128xf32, #tpu.memory_space<vmem>>
      tpu.wait_dma2 semaphore(%run_scoped3A : memref<!tpu.dma_semaphore, #tpu.memory_space<semaphore_mem>>) src(%dma_wait3A_98 : memref<128x128xf32, #tpu.memory_space<vmem>>) dst(%dma_wait3A_95 : memref<128x128xf32, #tpu.memory_space<hbm>>)
      tpu.yield
    }) : () -> ()
    %mul3A_62 = arith.constant 624 : i32
    %mul3A_63 = arith.muli %arg1, %mul3A_62 : i32
    %add3A_64 = arith.constant 256 : i32
    %add3A_65 = arith.addi %mul3A_63, %add3A_64 : i32
    "tpu.region"() ({
      %run_scoped3A = tpu.sem_alloc : memref<!tpu.dma_semaphore, #tpu.memory_space<semaphore_mem>>
      %dma_start3A_79 = arith.constant 0 : i32
      %dma_start3A_80 = arith.constant 0 : i32
      %dma_start3A_81 = tpu.memref_slice %arg9[%dma_start3A_79, %dma_start3A_80] : memref<128x128xf32, #tpu.memory_space<vmem>> -> memref<128x128xf32, #tpu.memory_space<vmem>>
      %dma_start3A_82 = arith.constant 0 : i32
      %dma_start3A_83 = tpu.memref_slice %arg11[%add3A_65, %dma_start3A_82] : memref<10240x128xf32, #tpu.memory_space<vmem_shared>> -> memref<128x128xf32, #tpu.memory_space<vmem_shared>>
      %dma_start3A_84 = arith.constant 0 : i32
      %dma_start3A_85 = arith.constant 0 : i32
      %dma_start3A_86 = tpu.memref_slice %arg9[%dma_start3A_84, %dma_start3A_85] : memref<128x128xf32, #tpu.memory_space<vmem>> -> memref<128x128xf32, #tpu.memory_space<vmem>>
      %dma_start3A_87 = arith.constant 0 : i32
      %dma_start3A_88 = tpu.memref_slice %arg11[%add3A_65, %dma_start3A_87] : memref<10240x128xf32, #tpu.memory_space<vmem_shared>> -> memref<128x128xf32, #tpu.memory_space<vmem_shared>>
      tpu.enqueue_dma source(%dma_start3A_88 : memref<128x128xf32, #tpu.memory_space<vmem_shared>>) target(%dma_start3A_86 : memref<128x128xf32, #tpu.memory_space<vmem>>) target_semaphore(%run_scoped3A : memref<!tpu.dma_semaphore, #tpu.memory_space<semaphore_mem>>)
      %dma_wait3A_89 = arith.constant 0 : i32
      %dma_wait3A_90 = arith.constant 0 : i32
      %dma_wait3A_91 = tpu.memref_slice %arg9[%dma_wait3A_89, %dma_wait3A_90] : memref<128x128xf32, #tpu.memory_space<vmem>> -> memref<128x128xf32, #tpu.memory_space<vmem>>
      %dma_wait3A_92 = arith.constant 0 : i32
      %dma_wait3A_93 = tpu.memref_slice %arg11[%add3A_65, %dma_wait3A_92] : memref<10240x128xf32, #tpu.memory_space<vmem_shared>> -> memref<128x128xf32, #tpu.memory_space<vmem_shared>>
      %dma_wait3A_94 = arith.constant 0 : i32
      %dma_wait3A_95 = arith.constant 0 : i32
      %dma_wait3A_96 = tpu.memref_slice %arg9[%dma_wait3A_94, %dma_wait3A_95] : memref<128x128xf32, #tpu.memory_space<vmem>> -> memref<128x128xf32, #tpu.memory_space<vmem>>
      %dma_wait3A_97 = arith.constant 0 : i32
      %dma_wait3A_98 = tpu.memref_slice %arg11[%add3A_65, %dma_wait3A_97] : memref<10240x128xf32, #tpu.memory_space<vmem_shared>> -> memref<128x128xf32, #tpu.memory_space<vmem_shared>>
      tpu.wait_dma2 semaphore(%run_scoped3A : memref<!tpu.dma_semaphore, #tpu.memory_space<semaphore_mem>>) src(%dma_wait3A_98 : memref<128x128xf32, #tpu.memory_space<vmem_shared>>) dst(%dma_wait3A_96 : memref<128x128xf32, #tpu.memory_space<vmem>>)
      tpu.yield
    }) : () -> ()
    %add3A_66 = arith.addi %mul3A_3, %add3A_65 : i32
    "tpu.region"() ({
      %run_scoped3A = tpu.sem_alloc : memref<!tpu.dma_semaphore, #tpu.memory_space<semaphore_mem>>
      %dma_start3A_79 = arith.constant 0 : i32
      %dma_start3A_80 = arith.constant 0 : i32
      %dma_start3A_81 = tpu.memref_slice %arg9[%dma_start3A_79, %dma_start3A_80] : memref<128x128xf32, #tpu.memory_space<vmem>> -> memref<128x128xf32, #tpu.memory_space<vmem>>
      %dma_start3A_82 = arith.constant 0 : i32
      %dma_start3A_83 = tpu.memref_slice %arg6[%add3A_66, %dma_start3A_82] : memref<20000x128xf32, #tpu.memory_space<hbm>> -> memref<128x128xf32, #tpu.memory_space<hbm>>
      %dma_start3A_84 = arith.constant 0 : i32
      %dma_start3A_85 = tpu.memref_slice %arg6[%add3A_66, %dma_start3A_84] : memref<20000x128xf32, #tpu.memory_space<hbm>> -> memref<128x128xf32, #tpu.memory_space<hbm>>
      %dma_start3A_86 = arith.constant 0 : i32
      %dma_start3A_87 = arith.constant 0 : i32
      %dma_start3A_88 = tpu.memref_slice %arg9[%dma_start3A_86, %dma_start3A_87] : memref<128x128xf32, #tpu.memory_space<vmem>> -> memref<128x128xf32, #tpu.memory_space<vmem>>
      tpu.enqueue_dma source(%dma_start3A_88 : memref<128x128xf32, #tpu.memory_space<vmem>>) target(%dma_start3A_85 : memref<128x128xf32, #tpu.memory_space<hbm>>) target_semaphore(%run_scoped3A : memref<!tpu.dma_semaphore, #tpu.memory_space<semaphore_mem>>)
      %dma_wait3A_89 = arith.constant 0 : i32
      %dma_wait3A_90 = arith.constant 0 : i32
      %dma_wait3A_91 = tpu.memref_slice %arg9[%dma_wait3A_89, %dma_wait3A_90] : memref<128x128xf32, #tpu.memory_space<vmem>> -> memref<128x128xf32, #tpu.memory_space<vmem>>
      %dma_wait3A_92 = arith.constant 0 : i32
      %dma_wait3A_93 = tpu.memref_slice %arg6[%add3A_66, %dma_wait3A_92] : memref<20000x128xf32, #tpu.memory_space<hbm>> -> memref<128x128xf32, #tpu.memory_space<hbm>>
      %dma_wait3A_94 = arith.constant 0 : i32
      %dma_wait3A_95 = tpu.memref_slice %arg6[%add3A_66, %dma_wait3A_94] : memref<20000x128xf32, #tpu.memory_space<hbm>> -> memref<128x128xf32, #tpu.memory_space<hbm>>
      %dma_wait3A_96 = arith.constant 0 : i32
      %dma_wait3A_97 = arith.constant 0 : i32
      %dma_wait3A_98 = tpu.memref_slice %arg9[%dma_wait3A_96, %dma_wait3A_97] : memref<128x128xf32, #tpu.memory_space<vmem>> -> memref<128x128xf32, #tpu.memory_space<vmem>>
      tpu.wait_dma2 semaphore(%run_scoped3A : memref<!tpu.dma_semaphore, #tpu.memory_space<semaphore_mem>>) src(%dma_wait3A_98 : memref<128x128xf32, #tpu.memory_space<vmem>>) dst(%dma_wait3A_95 : memref<128x128xf32, #tpu.memory_space<hbm>>)
      tpu.yield
    }) : () -> ()
    %mul3A_67 = arith.constant 624 : i32
    %mul3A_68 = arith.muli %arg1, %mul3A_67 : i32
    %add3A_69 = arith.constant 384 : i32
    %add3A_70 = arith.addi %mul3A_68, %add3A_69 : i32
    "tpu.region"() ({
      %run_scoped3A = tpu.sem_alloc : memref<!tpu.dma_semaphore, #tpu.memory_space<semaphore_mem>>
      %dma_start3A_79 = arith.constant 0 : i32
      %dma_start3A_80 = arith.constant 0 : i32
      %dma_start3A_81 = tpu.memref_slice %arg9[%dma_start3A_79, %dma_start3A_80] : memref<128x128xf32, #tpu.memory_space<vmem>> -> memref<128x128xf32, #tpu.memory_space<vmem>>
      %dma_start3A_82 = arith.constant 0 : i32
      %dma_start3A_83 = tpu.memref_slice %arg11[%add3A_70, %dma_start3A_82] : memref<10240x128xf32, #tpu.memory_space<vmem_shared>> -> memref<128x128xf32, #tpu.memory_space<vmem_shared>>
      %dma_start3A_84 = arith.constant 0 : i32
      %dma_start3A_85 = arith.constant 0 : i32
      %dma_start3A_86 = tpu.memref_slice %arg9[%dma_start3A_84, %dma_start3A_85] : memref<128x128xf32, #tpu.memory_space<vmem>> -> memref<128x128xf32, #tpu.memory_space<vmem>>
      %dma_start3A_87 = arith.constant 0 : i32
      %dma_start3A_88 = tpu.memref_slice %arg11[%add3A_70, %dma_start3A_87] : memref<10240x128xf32, #tpu.memory_space<vmem_shared>> -> memref<128x128xf32, #tpu.memory_space<vmem_shared>>
      tpu.enqueue_dma source(%dma_start3A_88 : memref<128x128xf32, #tpu.memory_space<vmem_shared>>) target(%dma_start3A_86 : memref<128x128xf32, #tpu.memory_space<vmem>>) target_semaphore(%run_scoped3A : memref<!tpu.dma_semaphore, #tpu.memory_space<semaphore_mem>>)
      %dma_wait3A_89 = arith.constant 0 : i32
      %dma_wait3A_90 = arith.constant 0 : i32
      %dma_wait3A_91 = tpu.memref_slice %arg9[%dma_wait3A_89, %dma_wait3A_90] : memref<128x128xf32, #tpu.memory_space<vmem>> -> memref<128x128xf32, #tpu.memory_space<vmem>>
      %dma_wait3A_92 = arith.constant 0 : i32
      %dma_wait3A_93 = tpu.memref_slice %arg11[%add3A_70, %dma_wait3A_92] : memref<10240x128xf32, #tpu.memory_space<vmem_shared>> -> memref<128x128xf32, #tpu.memory_space<vmem_shared>>
      %dma_wait3A_94 = arith.constant 0 : i32
      %dma_wait3A_95 = arith.constant 0 : i32
      %dma_wait3A_96 = tpu.memref_slice %arg9[%dma_wait3A_94, %dma_wait3A_95] : memref<128x128xf32, #tpu.memory_space<vmem>> -> memref<128x128xf32, #tpu.memory_space<vmem>>
      %dma_wait3A_97 = arith.constant 0 : i32
      %dma_wait3A_98 = tpu.memref_slice %arg11[%add3A_70, %dma_wait3A_97] : memref<10240x128xf32, #tpu.memory_space<vmem_shared>> -> memref<128x128xf32, #tpu.memory_space<vmem_shared>>
      tpu.wait_dma2 semaphore(%run_scoped3A : memref<!tpu.dma_semaphore, #tpu.memory_space<semaphore_mem>>) src(%dma_wait3A_98 : memref<128x128xf32, #tpu.memory_space<vmem_shared>>) dst(%dma_wait3A_96 : memref<128x128xf32, #tpu.memory_space<vmem>>)
      tpu.yield
    }) : () -> ()
    %add3A_71 = arith.addi %mul3A_3, %add3A_70 : i32
    "tpu.region"() ({
      %run_scoped3A = tpu.sem_alloc : memref<!tpu.dma_semaphore, #tpu.memory_space<semaphore_mem>>
      %dma_start3A_79 = arith.constant 0 : i32
      %dma_start3A_80 = arith.constant 0 : i32
      %dma_start3A_81 = tpu.memref_slice %arg9[%dma_start3A_79, %dma_start3A_80] : memref<128x128xf32, #tpu.memory_space<vmem>> -> memref<128x128xf32, #tpu.memory_space<vmem>>
      %dma_start3A_82 = arith.constant 0 : i32
      %dma_start3A_83 = tpu.memref_slice %arg6[%add3A_71, %dma_start3A_82] : memref<20000x128xf32, #tpu.memory_space<hbm>> -> memref<128x128xf32, #tpu.memory_space<hbm>>
      %dma_start3A_84 = arith.constant 0 : i32
      %dma_start3A_85 = tpu.memref_slice %arg6[%add3A_71, %dma_start3A_84] : memref<20000x128xf32, #tpu.memory_space<hbm>> -> memref<128x128xf32, #tpu.memory_space<hbm>>
      %dma_start3A_86 = arith.constant 0 : i32
      %dma_start3A_87 = arith.constant 0 : i32
      %dma_start3A_88 = tpu.memref_slice %arg9[%dma_start3A_86, %dma_start3A_87] : memref<128x128xf32, #tpu.memory_space<vmem>> -> memref<128x128xf32, #tpu.memory_space<vmem>>
      tpu.enqueue_dma source(%dma_start3A_88 : memref<128x128xf32, #tpu.memory_space<vmem>>) target(%dma_start3A_85 : memref<128x128xf32, #tpu.memory_space<hbm>>) target_semaphore(%run_scoped3A : memref<!tpu.dma_semaphore, #tpu.memory_space<semaphore_mem>>)
      %dma_wait3A_89 = arith.constant 0 : i32
      %dma_wait3A_90 = arith.constant 0 : i32
      %dma_wait3A_91 = tpu.memref_slice %arg9[%dma_wait3A_89, %dma_wait3A_90] : memref<128x128xf32, #tpu.memory_space<vmem>> -> memref<128x128xf32, #tpu.memory_space<vmem>>
      %dma_wait3A_92 = arith.constant 0 : i32
      %dma_wait3A_93 = tpu.memref_slice %arg6[%add3A_71, %dma_wait3A_92] : memref<20000x128xf32, #tpu.memory_space<hbm>> -> memref<128x128xf32, #tpu.memory_space<hbm>>
      %dma_wait3A_94 = arith.constant 0 : i32
      %dma_wait3A_95 = tpu.memref_slice %arg6[%add3A_71, %dma_wait3A_94] : memref<20000x128xf32, #tpu.memory_space<hbm>> -> memref<128x128xf32, #tpu.memory_space<hbm>>
      %dma_wait3A_96 = arith.constant 0 : i32
      %dma_wait3A_97 = arith.constant 0 : i32
      %dma_wait3A_98 = tpu.memref_slice %arg9[%dma_wait3A_96, %dma_wait3A_97] : memref<128x128xf32, #tpu.memory_space<vmem>> -> memref<128x128xf32, #tpu.memory_space<vmem>>
      tpu.wait_dma2 semaphore(%run_scoped3A : memref<!tpu.dma_semaphore, #tpu.memory_space<semaphore_mem>>) src(%dma_wait3A_98 : memref<128x128xf32, #tpu.memory_space<vmem>>) dst(%dma_wait3A_95 : memref<128x128xf32, #tpu.memory_space<hbm>>)
      tpu.yield
    }) : () -> ()
    %mul3A_72 = arith.constant 624 : i32
    %mul3A_73 = arith.muli %arg1, %mul3A_72 : i32
    %add3A_74 = arith.constant 512 : i32
    %add3A_75 = arith.addi %mul3A_73, %add3A_74 : i32
    "tpu.region"() ({
      %run_scoped3A = tpu.sem_alloc : memref<!tpu.dma_semaphore, #tpu.memory_space<semaphore_mem>>
      %dma_start3A_79 = arith.constant 0 : i32
      %dma_start3A_80 = arith.constant 0 : i32
      %dma_start3A_81 = tpu.memref_slice %arg9[%dma_start3A_79, %dma_start3A_80] : memref<128x128xf32, #tpu.memory_space<vmem>> -> memref<112x128xf32, #tpu.memory_space<vmem>>
      %dma_start3A_82 = arith.constant 0 : i32
      %dma_start3A_83 = tpu.memref_slice %arg11[%add3A_75, %dma_start3A_82] : memref<10240x128xf32, #tpu.memory_space<vmem_shared>> -> memref<112x128xf32, #tpu.memory_space<vmem_shared>>
      %dma_start3A_84 = arith.constant 0 : i32
      %dma_start3A_85 = arith.constant 0 : i32
      %dma_start3A_86 = tpu.memref_slice %arg9[%dma_start3A_84, %dma_start3A_85] : memref<128x128xf32, #tpu.memory_space<vmem>> -> memref<112x128xf32, #tpu.memory_space<vmem>>
      %dma_start3A_87 = arith.constant 0 : i32
      %dma_start3A_88 = tpu.memref_slice %arg11[%add3A_75, %dma_start3A_87] : memref<10240x128xf32, #tpu.memory_space<vmem_shared>> -> memref<112x128xf32, #tpu.memory_space<vmem_shared>>
      tpu.enqueue_dma source(%dma_start3A_88 : memref<112x128xf32, #tpu.memory_space<vmem_shared>>) target(%dma_start3A_86 : memref<112x128xf32, #tpu.memory_space<vmem>>) target_semaphore(%run_scoped3A : memref<!tpu.dma_semaphore, #tpu.memory_space<semaphore_mem>>)
      %dma_wait3A_89 = arith.constant 0 : i32
      %dma_wait3A_90 = arith.constant 0 : i32
      %dma_wait3A_91 = tpu.memref_slice %arg9[%dma_wait3A_89, %dma_wait3A_90] : memref<128x128xf32, #tpu.memory_space<vmem>> -> memref<112x128xf32, #tpu.memory_space<vmem>>
      %dma_wait3A_92 = arith.constant 0 : i32
      %dma_wait3A_93 = tpu.memref_slice %arg11[%add3A_75, %dma_wait3A_92] : memref<10240x128xf32, #tpu.memory_space<vmem_shared>> -> memref<112x128xf32, #tpu.memory_space<vmem_shared>>
      %dma_wait3A_94 = arith.constant 0 : i32
      %dma_wait3A_95 = arith.constant 0 : i32
      %dma_wait3A_96 = tpu.memref_slice %arg9[%dma_wait3A_94, %dma_wait3A_95] : memref<128x128xf32, #tpu.memory_space<vmem>> -> memref<112x128xf32, #tpu.memory_space<vmem>>
      %dma_wait3A_97 = arith.constant 0 : i32
      %dma_wait3A_98 = tpu.memref_slice %arg11[%add3A_75, %dma_wait3A_97] : memref<10240x128xf32, #tpu.memory_space<vmem_shared>> -> memref<112x128xf32, #tpu.memory_space<vmem_shared>>
      tpu.wait_dma2 semaphore(%run_scoped3A : memref<!tpu.dma_semaphore, #tpu.memory_space<semaphore_mem>>) src(%dma_wait3A_98 : memref<112x128xf32, #tpu.memory_space<vmem_shared>>) dst(%dma_wait3A_96 : memref<112x128xf32, #tpu.memory_space<vmem>>)
      tpu.yield
    }) : () -> ()
    %add3A_76 = arith.addi %mul3A_3, %add3A_75 : i32
    "tpu.region"() ({
      %run_scoped3A = tpu.sem_alloc : memref<!tpu.dma_semaphore, #tpu.memory_space<semaphore_mem>>
      %dma_start3A_79 = arith.constant 0 : i32
      %dma_start3A_80 = arith.constant 0 : i32
      %dma_start3A_81 = tpu.memref_slice %arg9[%dma_start3A_79, %dma_start3A_80] : memref<128x128xf32, #tpu.memory_space<vmem>> -> memref<112x128xf32, #tpu.memory_space<vmem>>
      %dma_start3A_82 = arith.constant 0 : i32
      %dma_start3A_83 = tpu.memref_slice %arg6[%add3A_76, %dma_start3A_82] : memref<20000x128xf32, #tpu.memory_space<hbm>> -> memref<112x128xf32, #tpu.memory_space<hbm>>
      %dma_start3A_84 = arith.constant 0 : i32
      %dma_start3A_85 = tpu.memref_slice %arg6[%add3A_76, %dma_start3A_84] : memref<20000x128xf32, #tpu.memory_space<hbm>> -> memref<112x128xf32, #tpu.memory_space<hbm>>
      %dma_start3A_86 = arith.constant 0 : i32
      %dma_start3A_87 = arith.constant 0 : i32
      %dma_start3A_88 = tpu.memref_slice %arg9[%dma_start3A_86, %dma_start3A_87] : memref<128x128xf32, #tpu.memory_space<vmem>> -> memref<112x128xf32, #tpu.memory_space<vmem>>
      tpu.enqueue_dma source(%dma_start3A_88 : memref<112x128xf32, #tpu.memory_space<vmem>>) target(%dma_start3A_85 : memref<112x128xf32, #tpu.memory_space<hbm>>) target_semaphore(%run_scoped3A : memref<!tpu.dma_semaphore, #tpu.memory_space<semaphore_mem>>)
      %dma_wait3A_89 = arith.constant 0 : i32
      %dma_wait3A_90 = arith.constant 0 : i32
      %dma_wait3A_91 = tpu.memref_slice %arg9[%dma_wait3A_89, %dma_wait3A_90] : memref<128x128xf32, #tpu.memory_space<vmem>> -> memref<112x128xf32, #tpu.memory_space<vmem>>
      %dma_wait3A_92 = arith.constant 0 : i32
      %dma_wait3A_93 = tpu.memref_slice %arg6[%add3A_76, %dma_wait3A_92] : memref<20000x128xf32, #tpu.memory_space<hbm>> -> memref<112x128xf32, #tpu.memory_space<hbm>>
      %dma_wait3A_94 = arith.constant 0 : i32
      %dma_wait3A_95 = tpu.memref_slice %arg6[%add3A_76, %dma_wait3A_94] : memref<20000x128xf32, #tpu.memory_space<hbm>> -> memref<112x128xf32, #tpu.memory_space<hbm>>
      %dma_wait3A_96 = arith.constant 0 : i32
      %dma_wait3A_97 = arith.constant 0 : i32
      %dma_wait3A_98 = tpu.memref_slice %arg9[%dma_wait3A_96, %dma_wait3A_97] : memref<128x128xf32, #tpu.memory_space<vmem>> -> memref<112x128xf32, #tpu.memory_space<vmem>>
      tpu.wait_dma2 semaphore(%run_scoped3A : memref<!tpu.dma_semaphore, #tpu.memory_space<semaphore_mem>>) src(%dma_wait3A_98 : memref<112x128xf32, #tpu.memory_space<vmem>>) dst(%dma_wait3A_95 : memref<112x128xf32, #tpu.memory_space<hbm>>)
      tpu.yield
    }) : () -> ()
    %eq3A = arith.constant 15 : i32
    %eq3A_77 = arith.cmpi eq, %arg1, %eq3A : i32
    %convert_element_type3A = arith.extui %eq3A_77 : i1 to i32
    %cond3A = arith.constant 0 : i32
    %cond3A_78 = arith.cmpi ne, %convert_element_type3A, %cond3A : i32
    scf.if %cond3A_78 {
      "tpu.region"() ({
        %run_scoped3A = tpu.sem_alloc : memref<!tpu.dma_semaphore, #tpu.memory_space<semaphore_mem>>
        %dma_start3A_81 = arith.constant 0 : i32
        %dma_start3A_82 = arith.constant 0 : i32
        %dma_start3A_83 = tpu.memref_slice %arg9[%dma_start3A_81, %dma_start3A_82] : memref<128x128xf32, #tpu.memory_space<vmem>> -> memref<16x128xf32, #tpu.memory_space<vmem>>
        %dma_start3A_84 = arith.constant 9984 : i32
        %dma_start3A_85 = arith.constant 0 : i32
        %dma_start3A_86 = tpu.memref_slice %arg11[%dma_start3A_84, %dma_start3A_85] : memref<10240x128xf32, #tpu.memory_space<vmem_shared>> -> memref<16x128xf32, #tpu.memory_space<vmem_shared>>
        %dma_start3A_87 = arith.constant 0 : i32
        %dma_start3A_88 = arith.constant 0 : i32
        %dma_start3A_89 = tpu.memref_slice %arg9[%dma_start3A_87, %dma_start3A_88] : memref<128x128xf32, #tpu.memory_space<vmem>> -> memref<16x128xf32, #tpu.memory_space<vmem>>
        %dma_start3A_90 = arith.constant 9984 : i32
        %dma_start3A_91 = arith.constant 0 : i32
        %dma_start3A_92 = tpu.memref_slice %arg11[%dma_start3A_90, %dma_start3A_91] : memref<10240x128xf32, #tpu.memory_space<vmem_shared>> -> memref<16x128xf32, #tpu.memory_space<vmem_shared>>
        tpu.enqueue_dma source(%dma_start3A_92 : memref<16x128xf32, #tpu.memory_space<vmem_shared>>) target(%dma_start3A_89 : memref<16x128xf32, #tpu.memory_space<vmem>>) target_semaphore(%run_scoped3A : memref<!tpu.dma_semaphore, #tpu.memory_space<semaphore_mem>>)
        %dma_wait3A_93 = arith.constant 0 : i32
        %dma_wait3A_94 = arith.constant 0 : i32
        %dma_wait3A_95 = tpu.memref_slice %arg9[%dma_wait3A_93, %dma_wait3A_94] : memref<128x128xf32, #tpu.memory_space<vmem>> -> memref<16x128xf32, #tpu.memory_space<vmem>>
        %dma_wait3A_96 = arith.constant 9984 : i32
        %dma_wait3A_97 = arith.constant 0 : i32
        %dma_wait3A_98 = tpu.memref_slice %arg11[%dma_wait3A_96, %dma_wait3A_97] : memref<10240x128xf32, #tpu.memory_space<vmem_shared>> -> memref<16x128xf32, #tpu.memory_space<vmem_shared>>
        %dma_wait3A_99 = arith.constant 0 : i32
        %dma_wait3A_100 = arith.constant 0 : i32
        %dma_wait3A_101 = tpu.memref_slice %arg9[%dma_wait3A_99, %dma_wait3A_100] : memref<128x128xf32, #tpu.memory_space<vmem>> -> memref<16x128xf32, #tpu.memory_space<vmem>>
        %dma_wait3A_102 = arith.constant 9984 : i32
        %dma_wait3A_103 = arith.constant 0 : i32
        %dma_wait3A_104 = tpu.memref_slice %arg11[%dma_wait3A_102, %dma_wait3A_103] : memref<10240x128xf32, #tpu.memory_space<vmem_shared>> -> memref<16x128xf32, #tpu.memory_space<vmem_shared>>
        tpu.wait_dma2 semaphore(%run_scoped3A : memref<!tpu.dma_semaphore, #tpu.memory_space<semaphore_mem>>) src(%dma_wait3A_104 : memref<16x128xf32, #tpu.memory_space<vmem_shared>>) dst(%dma_wait3A_101 : memref<16x128xf32, #tpu.memory_space<vmem>>)
        tpu.yield
      }) : () -> ()
      %add3A_79 = arith.constant 9984 : i32
      %add3A_80 = arith.addi %mul3A_3, %add3A_79 : i32
      "tpu.region"() ({
        %run_scoped3A = tpu.sem_alloc : memref<!tpu.dma_semaphore, #tpu.memory_space<semaphore_mem>>
        %dma_start3A_81 = arith.constant 0 : i32
        %dma_start3A_82 = arith.constant 0 : i32
        %dma_start3A_83 = tpu.memref_slice %arg9[%dma_start3A_81, %dma_start3A_82] : memref<128x128xf32, #tpu.memory_space<vmem>> -> memref<16x128xf32, #tpu.memory_space<vmem>>
        %dma_start3A_84 = arith.constant 0 : i32
        %dma_start3A_85 = tpu.memref_slice %arg6[%add3A_80, %dma_start3A_84] : memref<20000x128xf32, #tpu.memory_space<hbm>> -> memref<16x128xf32, #tpu.memory_space<hbm>>
        %dma_start3A_86 = arith.constant 0 : i32
        %dma_start3A_87 = tpu.memref_slice %arg6[%add3A_80, %dma_start3A_86] : memref<20000x128xf32, #tpu.memory_space<hbm>> -> memref<16x128xf32, #tpu.memory_space<hbm>>
        %dma_start3A_88 = arith.constant 0 : i32
        %dma_start3A_89 = arith.constant 0 : i32
        %dma_start3A_90 = tpu.memref_slice %arg9[%dma_start3A_88, %dma_start3A_89] : memref<128x128xf32, #tpu.memory_space<vmem>> -> memref<16x128xf32, #tpu.memory_space<vmem>>
        tpu.enqueue_dma source(%dma_start3A_90 : memref<16x128xf32, #tpu.memory_space<vmem>>) target(%dma_start3A_87 : memref<16x128xf32, #tpu.memory_space<hbm>>) target_semaphore(%run_scoped3A : memref<!tpu.dma_semaphore, #tpu.memory_space<semaphore_mem>>)
        %dma_wait3A_91 = arith.constant 0 : i32
        %dma_wait3A_92 = arith.constant 0 : i32
        %dma_wait3A_93 = tpu.memref_slice %arg9[%dma_wait3A_91, %dma_wait3A_92] : memref<128x128xf32, #tpu.memory_space<vmem>> -> memref<16x128xf32, #tpu.memory_space<vmem>>
        %dma_wait3A_94 = arith.constant 0 : i32
        %dma_wait3A_95 = tpu.memref_slice %arg6[%add3A_80, %dma_wait3A_94] : memref<20000x128xf32, #tpu.memory_space<hbm>> -> memref<16x128xf32, #tpu.memory_space<hbm>>
        %dma_wait3A_96 = arith.constant 0 : i32
        %dma_wait3A_97 = tpu.memref_slice %arg6[%add3A_80, %dma_wait3A_96] : memref<20000x128xf32, #tpu.memory_space<hbm>> -> memref<16x128xf32, #tpu.memory_space<hbm>>
        %dma_wait3A_98 = arith.constant 0 : i32
        %dma_wait3A_99 = arith.constant 0 : i32
        %dma_wait3A_100 = tpu.memref_slice %arg9[%dma_wait3A_98, %dma_wait3A_99] : memref<128x128xf32, #tpu.memory_space<vmem>> -> memref<16x128xf32, #tpu.memory_space<vmem>>
        tpu.wait_dma2 semaphore(%run_scoped3A : memref<!tpu.dma_semaphore, #tpu.memory_space<semaphore_mem>>) src(%dma_wait3A_100 : memref<16x128xf32, #tpu.memory_space<vmem>>) dst(%dma_wait3A_97 : memref<16x128xf32, #tpu.memory_space<hbm>>)
        tpu.yield
      }) : () -> ()
    } else {
    }
    return
  }
}

#map = affine_map<(d0, d1) -> (0, 0)>
#map1 = affine_map<(d0, d1) -> (0)>
#map2 = affine_map<(d0, d1) -> (0, 0, 0)>
module attributes {stable_mosaic.version = 14 : i64} {
  func.func @segsum(%arg0: i32, %arg1: i32, %arg2: memref<40000x128xf32, #tpu.memory_space<hbm>>, %arg3: memref<655360xi32, #tpu.memory_space<hbm>>, %arg4: memref<16x80x128xi32, #tpu.memory_space<hbm>>, %arg5: memref<640x128xf32, #tpu.memory_space<hbm>>, %arg6: memref<40000x128xf32, #tpu.memory_space<hbm>>, %arg7: memref<5120xi32, #tpu.memory_space<vmem>>, %arg8: memref<40x128xi32, #tpu.memory_space<vmem>>, %arg9: memref<128x128xf32, #tpu.memory_space<vmem>>, %arg10: memref<128x128xf32, #tpu.memory_space<vmem>>, %arg11: memref<10240x128xf32, #tpu.memory_space<vmem_shared>>, %arg12: memref<!tpu.dma_semaphore, #tpu.memory_space<semaphore_mem>>, %arg13: memref<!tpu.dma_semaphore, #tpu.memory_space<semaphore_mem>>) attributes {dimension_semantics = [#tpu.dimension_semantics<core_parallel>, #tpu.dimension_semantics<subcore_parallel>], iteration_bounds = array<i64: 2, 16>, scalar_prefetch = 0 : i64, scratch_operands = 7 : i64, tpu.core_type = #tpu.core_type<sc_vector_subcore>, window_params = [{transform_indices = #map}, {transform_indices = #map1}, {transform_indices = #map2}, {transform_indices = #map}, {transform_indices = #map}]} {
    %mul3A = arith.constant 2 : i32
    %mul3A_0 = arith.muli %arg0, %mul3A : i32
    %add3A = arith.constant 0 : i32
    %add3A_1 = arith.addi %mul3A_0, %add3A : i32
    %mul3A_2 = arith.constant 10000 : i32
    %mul3A_3 = arith.muli %add3A_1, %mul3A_2 : i32
    %mul3A_4 = arith.constant 640 : i32
    %mul3A_5 = arith.muli %arg1, %mul3A_4 : i32
    "tpu.region"() ({
      %run_scoped3A = tpu.sem_alloc : memref<!tpu.dma_semaphore, #tpu.memory_space<semaphore_mem>>
      %dma_start3A_168 = arith.constant 0 : i32
      %dma_start3A_169 = tpu.memref_slice %arg11[%mul3A_5, %dma_start3A_168] : memref<10240x128xf32, #tpu.memory_space<vmem_shared>> -> memref<640x128xf32, #tpu.memory_space<vmem_shared>>
      tpu.enqueue_dma source(%arg5 : memref<640x128xf32, #tpu.memory_space<hbm>>) target(%dma_start3A_169 : memref<640x128xf32, #tpu.memory_space<vmem_shared>>) target_semaphore(%run_scoped3A : memref<!tpu.dma_semaphore, #tpu.memory_space<semaphore_mem>>)
      %dma_wait3A_170 = arith.constant 0 : i32
      %dma_wait3A_171 = tpu.memref_slice %arg11[%mul3A_5, %dma_wait3A_170] : memref<10240x128xf32, #tpu.memory_space<vmem_shared>> -> memref<640x128xf32, #tpu.memory_space<vmem_shared>>
      tpu.wait_dma2 semaphore(%run_scoped3A : memref<!tpu.dma_semaphore, #tpu.memory_space<semaphore_mem>>) src(%arg5 : memref<640x128xf32, #tpu.memory_space<hbm>>) dst(%dma_wait3A_171 : memref<640x128xf32, #tpu.memory_space<vmem_shared>>)
      tpu.yield
    }) : () -> ()
    %barrier3A = arith.constant 0 : index
    tpu.barrier barrier_id(%barrier3A)
    %mul3A_6 = arith.constant 163840 : i32
    %mul3A_7 = arith.muli %add3A_1, %mul3A_6 : i32
    %mul3A_8 = arith.constant 10240 : i32
    %mul3A_9 = arith.muli %arg1, %mul3A_8 : i32
    %add3A_10 = arith.addi %mul3A_7, %mul3A_9 : i32
    %add3A_11 = arith.constant 0 : i32
    %add3A_12 = arith.addi %add3A_10, %add3A_11 : i32
    "tpu.region"() ({
      %run_scoped3A = tpu.sem_alloc : memref<!tpu.dma_semaphore, #tpu.memory_space<semaphore_mem>>
      %dma_start3A_168 = tpu.memref_slice %arg3[%add3A_12] : memref<655360xi32, #tpu.memory_space<hbm>> -> memref<5120xi32, #tpu.memory_space<hbm>>
      %dma_start3A_169 = tpu.memref_slice %arg3[%add3A_12] : memref<655360xi32, #tpu.memory_space<hbm>> -> memref<5120xi32, #tpu.memory_space<hbm>>
      tpu.enqueue_dma source(%dma_start3A_169 : memref<5120xi32, #tpu.memory_space<hbm>>) target(%arg7 : memref<5120xi32, #tpu.memory_space<vmem>>) target_semaphore(%run_scoped3A : memref<!tpu.dma_semaphore, #tpu.memory_space<semaphore_mem>>)
      %dma_wait3A_170 = tpu.memref_slice %arg3[%add3A_12] : memref<655360xi32, #tpu.memory_space<hbm>> -> memref<5120xi32, #tpu.memory_space<hbm>>
      %dma_wait3A_171 = tpu.memref_slice %arg3[%add3A_12] : memref<655360xi32, #tpu.memory_space<hbm>> -> memref<5120xi32, #tpu.memory_space<hbm>>
      tpu.wait_dma2 semaphore(%run_scoped3A : memref<!tpu.dma_semaphore, #tpu.memory_space<semaphore_mem>>) src(%dma_wait3A_171 : memref<5120xi32, #tpu.memory_space<hbm>>) dst(%arg7 : memref<5120xi32, #tpu.memory_space<vmem>>)
      tpu.yield
    }) : () -> ()
    "tpu.region"() ({
      %run_scoped3A = tpu.sem_alloc : memref<!tpu.dma_semaphore, #tpu.memory_space<semaphore_mem>>
      %dma_start3A_168 = arith.constant 0 : i32
      %dma_start3A_169 = arith.constant 0 : i32
      %dma_start3A_170 = tpu.memref_slice %arg4[%arg1, %dma_start3A_168, %dma_start3A_169] : memref<16x80x128xi32, #tpu.memory_space<hbm>> -> memref<1x40x128xi32, #tpu.memory_space<hbm>>
      %dma_start3A_171 = tpu.memref_squeeze %dma_start3A_170 : memref<1x40x128xi32, #tpu.memory_space<hbm>> -> memref<40x128xi32, #tpu.memory_space<hbm>>
      %dma_start3A_172 = arith.constant 0 : i32
      %dma_start3A_173 = arith.constant 0 : i32
      %dma_start3A_174 = tpu.memref_slice %arg4[%arg1, %dma_start3A_172, %dma_start3A_173] : memref<16x80x128xi32, #tpu.memory_space<hbm>> -> memref<1x40x128xi32, #tpu.memory_space<hbm>>
      %dma_start3A_175 = tpu.memref_squeeze %dma_start3A_174 : memref<1x40x128xi32, #tpu.memory_space<hbm>> -> memref<40x128xi32, #tpu.memory_space<hbm>>
      tpu.enqueue_dma source(%dma_start3A_175 : memref<40x128xi32, #tpu.memory_space<hbm>>) target(%arg8 : memref<40x128xi32, #tpu.memory_space<vmem>>) target_semaphore(%run_scoped3A : memref<!tpu.dma_semaphore, #tpu.memory_space<semaphore_mem>>)
      %dma_wait3A_176 = arith.constant 0 : i32
      %dma_wait3A_177 = arith.constant 0 : i32
      %dma_wait3A_178 = tpu.memref_slice %arg4[%arg1, %dma_wait3A_176, %dma_wait3A_177] : memref<16x80x128xi32, #tpu.memory_space<hbm>> -> memref<1x40x128xi32, #tpu.memory_space<hbm>>
      %dma_wait3A_179 = tpu.memref_squeeze %dma_wait3A_178 : memref<1x40x128xi32, #tpu.memory_space<hbm>> -> memref<40x128xi32, #tpu.memory_space<hbm>>
      %dma_wait3A_180 = arith.constant 0 : i32
      %dma_wait3A_181 = arith.constant 0 : i32
      %dma_wait3A_182 = tpu.memref_slice %arg4[%arg1, %dma_wait3A_180, %dma_wait3A_181] : memref<16x80x128xi32, #tpu.memory_space<hbm>> -> memref<1x40x128xi32, #tpu.memory_space<hbm>>
      %dma_wait3A_183 = tpu.memref_squeeze %dma_wait3A_182 : memref<1x40x128xi32, #tpu.memory_space<hbm>> -> memref<40x128xi32, #tpu.memory_space<hbm>>
      tpu.wait_dma2 semaphore(%run_scoped3A : memref<!tpu.dma_semaphore, #tpu.memory_space<semaphore_mem>>) src(%dma_wait3A_183 : memref<40x128xi32, #tpu.memory_space<hbm>>) dst(%arg8 : memref<40x128xi32, #tpu.memory_space<vmem>>)
      tpu.yield
    }) : () -> ()
    %dma_start3A = arith.constant 0 : i32
    %dma_start3A_13 = tpu.memref_slice %arg7[%dma_start3A] : memref<5120xi32, #tpu.memory_space<vmem>> -> memref<128xi32, #tpu.memory_space<vmem>>
    %dma_start3A_14 = arith.constant 0 : i32
    %dma_start3A_15 = arith.constant 0 : i32
    %dma_start3A_16 = tpu.memref_slice %arg2[%dma_start3A_14, %dma_start3A_15] : memref<40000x128xf32, #tpu.memory_space<hbm>> -> memref<40000x128xf32, #tpu.memory_space<hbm>>
    tpu.enqueue_indirect_dma source(%dma_start3A_16 : memref<40000x128xf32, #tpu.memory_space<hbm>>) target(%arg9 : memref<128x128xf32, #tpu.memory_space<vmem>>) offsets(%dma_start3A_13 : memref<128xi32, #tpu.memory_space<vmem>>) semaphore(%arg12 : memref<!tpu.dma_semaphore, #tpu.memory_space<semaphore_mem>>)
    %scan3A = arith.constant 0 : i32
    %scan3A_17 = arith.constant 0 : i32
    %scan3A_18 = arith.constant 20 : i32
    %scan3A_19 = arith.addi %scan3A_17, %scan3A_18 : i32
    %scan3A_20 = arith.constant 1 : i32
    scf.for %scan3A_168 = %scan3A_17 to %scan3A_19 step %scan3A_20  : i32 {
      %mul3A_169 = arith.constant 2 : i32
      %mul3A_170 = arith.muli %mul3A_169, %scan3A_168 : i32
      %add3A_171 = arith.constant 1 : i32
      %add3A_172 = arith.addi %mul3A_170, %add3A_171 : i32
      %mul3A_173 = arith.constant 128 : i32
      %mul3A_174 = arith.muli %add3A_172, %mul3A_173 : i32
      %dma_start3A_175 = tpu.memref_slice %arg7[%mul3A_174] : memref<5120xi32, #tpu.memory_space<vmem>> -> memref<128xi32, #tpu.memory_space<vmem>>
      %dma_start3A_176 = arith.constant 0 : i32
      %dma_start3A_177 = arith.constant 0 : i32
      %dma_start3A_178 = tpu.memref_slice %arg2[%dma_start3A_176, %dma_start3A_177] : memref<40000x128xf32, #tpu.memory_space<hbm>> -> memref<40000x128xf32, #tpu.memory_space<hbm>>
      tpu.enqueue_indirect_dma source(%dma_start3A_178 : memref<40000x128xf32, #tpu.memory_space<hbm>>) target(%arg10 : memref<128x128xf32, #tpu.memory_space<vmem>>) offsets(%dma_start3A_175 : memref<128xi32, #tpu.memory_space<vmem>>) semaphore(%arg13 : memref<!tpu.dma_semaphore, #tpu.memory_space<semaphore_mem>>)
      %dma_wait3A_179 = arith.constant 0 : i32
      %dma_wait3A_180 = arith.constant 0 : i32
      %dma_wait3A_181 = tpu.memref_slice %arg2[%dma_wait3A_179, %dma_wait3A_180] : memref<40000x128xf32, #tpu.memory_space<hbm>> -> memref<128x128xf32, #tpu.memory_space<hbm>>
      %dma_wait3A_182 = arith.constant 0 : i32
      %dma_wait3A_183 = arith.constant 0 : i32
      %dma_wait3A_184 = tpu.memref_slice %arg2[%dma_wait3A_182, %dma_wait3A_183] : memref<40000x128xf32, #tpu.memory_space<hbm>> -> memref<128x128xf32, #tpu.memory_space<hbm>>
      tpu.wait_dma2 semaphore(%arg12 : memref<!tpu.dma_semaphore, #tpu.memory_space<semaphore_mem>>) src(%dma_wait3A_184 : memref<128x128xf32, #tpu.memory_space<hbm>>) dst(%arg9 : memref<128x128xf32, #tpu.memory_space<vmem>>)
      %mul3A_185 = arith.constant 2 : i32
      %mul3A_186 = arith.muli %mul3A_185, %scan3A_168 : i32
      "tpu.region"() ({
        %run_scoped3A = tpu.sem_alloc : memref<!tpu.dma_semaphore, #tpu.memory_space<semaphore_mem>>
        %dma_start3A_208 = arith.constant 0 : i32
        %dma_start3A_209 = tpu.memref_slice %arg8[%mul3A_186, %dma_start3A_208] : memref<40x128xi32, #tpu.memory_space<vmem>> -> memref<1x128xi32, #tpu.memory_space<vmem>>
        %dma_start3A_210 = tpu.memref_squeeze %dma_start3A_209 : memref<1x128xi32, #tpu.memory_space<vmem>> -> memref<128xi32, #tpu.memory_space<vmem>>
        %dma_start3A_211 = arith.constant 0 : i32
        %dma_start3A_212 = arith.constant 0 : i32
        %dma_start3A_213 = tpu.memref_slice %arg11[%dma_start3A_211, %dma_start3A_212] : memref<10240x128xf32, #tpu.memory_space<vmem_shared>> -> memref<10240x128xf32, #tpu.memory_space<vmem_shared>>
        tpu.enqueue_indirect_dma source(%arg9 : memref<128x128xf32, #tpu.memory_space<vmem>>) target(%dma_start3A_213 : memref<10240x128xf32, #tpu.memory_space<vmem_shared>>) offsets(%dma_start3A_210 : memref<128xi32, #tpu.memory_space<vmem>>) semaphore(%run_scoped3A : memref<!tpu.dma_semaphore, #tpu.memory_space<semaphore_mem>>) {add = true}
        %dma_wait3A_214 = arith.constant 0 : i32
        %dma_wait3A_215 = tpu.memref_slice %arg8[%mul3A_186, %dma_wait3A_214] : memref<40x128xi32, #tpu.memory_space<vmem>> -> memref<1x128xi32, #tpu.memory_space<vmem>>
        %dma_wait3A_216 = tpu.memref_squeeze %dma_wait3A_215 : memref<1x128xi32, #tpu.memory_space<vmem>> -> memref<128xi32, #tpu.memory_space<vmem>>
        %dma_wait3A_217 = arith.constant 0 : i32
        %dma_wait3A_218 = arith.constant 0 : i32
        %dma_wait3A_219 = tpu.memref_slice %arg11[%dma_wait3A_217, %dma_wait3A_218] : memref<10240x128xf32, #tpu.memory_space<vmem_shared>> -> memref<10240x128xf32, #tpu.memory_space<vmem_shared>>
        tpu.wait_indirect_dma semaphore(%run_scoped3A : memref<!tpu.dma_semaphore, #tpu.memory_space<semaphore_mem>>) src(%arg9 : memref<128x128xf32, #tpu.memory_space<vmem>>) dst(%dma_wait3A_219 : memref<10240x128xf32, #tpu.memory_space<vmem_shared>>)
        tpu.yield
      }) : () -> ()
      %mul3A_187 = arith.constant 2 : i32
      %mul3A_188 = arith.muli %mul3A_187, %scan3A_168 : i32
      %add3A_189 = arith.constant 2 : i32
      %add3A_190 = arith.addi %mul3A_188, %add3A_189 : i32
      %min3A = arith.constant 39 : i32
      %min3A_191 = arith.minsi %add3A_190, %min3A : i32
      %mul3A_192 = arith.constant 128 : i32
      %mul3A_193 = arith.muli %min3A_191, %mul3A_192 : i32
      %dma_start3A_194 = tpu.memref_slice %arg7[%mul3A_193] : memref<5120xi32, #tpu.memory_space<vmem>> -> memref<128xi32, #tpu.memory_space<vmem>>
      %dma_start3A_195 = arith.constant 0 : i32
      %dma_start3A_196 = arith.constant 0 : i32
      %dma_start3A_197 = tpu.memref_slice %arg2[%dma_start3A_195, %dma_start3A_196] : memref<40000x128xf32, #tpu.memory_space<hbm>> -> memref<40000x128xf32, #tpu.memory_space<hbm>>
      tpu.enqueue_indirect_dma source(%dma_start3A_197 : memref<40000x128xf32, #tpu.memory_space<hbm>>) target(%arg9 : memref<128x128xf32, #tpu.memory_space<vmem>>) offsets(%dma_start3A_194 : memref<128xi32, #tpu.memory_space<vmem>>) semaphore(%arg12 : memref<!tpu.dma_semaphore, #tpu.memory_space<semaphore_mem>>)
      %dma_wait3A_198 = arith.constant 0 : i32
      %dma_wait3A_199 = arith.constant 0 : i32
      %dma_wait3A_200 = tpu.memref_slice %arg2[%dma_wait3A_198, %dma_wait3A_199] : memref<40000x128xf32, #tpu.memory_space<hbm>> -> memref<128x128xf32, #tpu.memory_space<hbm>>
      %dma_wait3A_201 = arith.constant 0 : i32
      %dma_wait3A_202 = arith.constant 0 : i32
      %dma_wait3A_203 = tpu.memref_slice %arg2[%dma_wait3A_201, %dma_wait3A_202] : memref<40000x128xf32, #tpu.memory_space<hbm>> -> memref<128x128xf32, #tpu.memory_space<hbm>>
      tpu.wait_dma2 semaphore(%arg13 : memref<!tpu.dma_semaphore, #tpu.memory_space<semaphore_mem>>) src(%dma_wait3A_203 : memref<128x128xf32, #tpu.memory_space<hbm>>) dst(%arg10 : memref<128x128xf32, #tpu.memory_space<vmem>>)
      %mul3A_204 = arith.constant 2 : i32
      %mul3A_205 = arith.muli %mul3A_204, %scan3A_168 : i32
      %add3A_206 = arith.constant 1 : i32
      %add3A_207 = arith.addi %mul3A_205, %add3A_206 : i32
      "tpu.region"() ({
        %run_scoped3A = tpu.sem_alloc : memref<!tpu.dma_semaphore, #tpu.memory_space<semaphore_mem>>
        %dma_start3A_208 = arith.constant 0 : i32
        %dma_start3A_209 = tpu.memref_slice %arg8[%add3A_207, %dma_start3A_208] : memref<40x128xi32, #tpu.memory_space<vmem>> -> memref<1x128xi32, #tpu.memory_space<vmem>>
        %dma_start3A_210 = tpu.memref_squeeze %dma_start3A_209 : memref<1x128xi32, #tpu.memory_space<vmem>> -> memref<128xi32, #tpu.memory_space<vmem>>
        %dma_start3A_211 = arith.constant 0 : i32
        %dma_start3A_212 = arith.constant 0 : i32
        %dma_start3A_213 = tpu.memref_slice %arg11[%dma_start3A_211, %dma_start3A_212] : memref<10240x128xf32, #tpu.memory_space<vmem_shared>> -> memref<10240x128xf32, #tpu.memory_space<vmem_shared>>
        tpu.enqueue_indirect_dma source(%arg10 : memref<128x128xf32, #tpu.memory_space<vmem>>) target(%dma_start3A_213 : memref<10240x128xf32, #tpu.memory_space<vmem_shared>>) offsets(%dma_start3A_210 : memref<128xi32, #tpu.memory_space<vmem>>) semaphore(%run_scoped3A : memref<!tpu.dma_semaphore, #tpu.memory_space<semaphore_mem>>) {add = true}
        %dma_wait3A_214 = arith.constant 0 : i32
        %dma_wait3A_215 = tpu.memref_slice %arg8[%add3A_207, %dma_wait3A_214] : memref<40x128xi32, #tpu.memory_space<vmem>> -> memref<1x128xi32, #tpu.memory_space<vmem>>
        %dma_wait3A_216 = tpu.memref_squeeze %dma_wait3A_215 : memref<1x128xi32, #tpu.memory_space<vmem>> -> memref<128xi32, #tpu.memory_space<vmem>>
        %dma_wait3A_217 = arith.constant 0 : i32
        %dma_wait3A_218 = arith.constant 0 : i32
        %dma_wait3A_219 = tpu.memref_slice %arg11[%dma_wait3A_217, %dma_wait3A_218] : memref<10240x128xf32, #tpu.memory_space<vmem_shared>> -> memref<10240x128xf32, #tpu.memory_space<vmem_shared>>
        tpu.wait_indirect_dma semaphore(%run_scoped3A : memref<!tpu.dma_semaphore, #tpu.memory_space<semaphore_mem>>) src(%arg10 : memref<128x128xf32, #tpu.memory_space<vmem>>) dst(%dma_wait3A_219 : memref<10240x128xf32, #tpu.memory_space<vmem_shared>>)
        tpu.yield
      }) : () -> ()
    }
    %scan3A_21 = arith.constant 20 : i32
    %dma_wait3A = arith.constant 0 : i32
    %dma_wait3A_22 = arith.constant 0 : i32
    %dma_wait3A_23 = tpu.memref_slice %arg2[%dma_wait3A, %dma_wait3A_22] : memref<40000x128xf32, #tpu.memory_space<hbm>> -> memref<128x128xf32, #tpu.memory_space<hbm>>
    %dma_wait3A_24 = arith.constant 0 : i32
    %dma_wait3A_25 = arith.constant 0 : i32
    %dma_wait3A_26 = tpu.memref_slice %arg2[%dma_wait3A_24, %dma_wait3A_25] : memref<40000x128xf32, #tpu.memory_space<hbm>> -> memref<128x128xf32, #tpu.memory_space<hbm>>
    tpu.wait_dma2 semaphore(%arg12 : memref<!tpu.dma_semaphore, #tpu.memory_space<semaphore_mem>>) src(%dma_wait3A_26 : memref<128x128xf32, #tpu.memory_space<hbm>>) dst(%arg9 : memref<128x128xf32, #tpu.memory_space<vmem>>)
    %mul3A_27 = arith.constant 163840 : i32
    %mul3A_28 = arith.muli %add3A_1, %mul3A_27 : i32
    %mul3A_29 = arith.constant 10240 : i32
    %mul3A_30 = arith.muli %arg1, %mul3A_29 : i32
    %add3A_31 = arith.addi %mul3A_28, %mul3A_30 : i32
    %add3A_32 = arith.constant 5120 : i32
    %add3A_33 = arith.addi %add3A_31, %add3A_32 : i32
    "tpu.region"() ({
      %run_scoped3A = tpu.sem_alloc : memref<!tpu.dma_semaphore, #tpu.memory_space<semaphore_mem>>
      %dma_start3A_168 = tpu.memref_slice %arg3[%add3A_33] : memref<655360xi32, #tpu.memory_space<hbm>> -> memref<5120xi32, #tpu.memory_space<hbm>>
      %dma_start3A_169 = tpu.memref_slice %arg3[%add3A_33] : memref<655360xi32, #tpu.memory_space<hbm>> -> memref<5120xi32, #tpu.memory_space<hbm>>
      tpu.enqueue_dma source(%dma_start3A_169 : memref<5120xi32, #tpu.memory_space<hbm>>) target(%arg7 : memref<5120xi32, #tpu.memory_space<vmem>>) target_semaphore(%run_scoped3A : memref<!tpu.dma_semaphore, #tpu.memory_space<semaphore_mem>>)
      %dma_wait3A_170 = tpu.memref_slice %arg3[%add3A_33] : memref<655360xi32, #tpu.memory_space<hbm>> -> memref<5120xi32, #tpu.memory_space<hbm>>
      %dma_wait3A_171 = tpu.memref_slice %arg3[%add3A_33] : memref<655360xi32, #tpu.memory_space<hbm>> -> memref<5120xi32, #tpu.memory_space<hbm>>
      tpu.wait_dma2 semaphore(%run_scoped3A : memref<!tpu.dma_semaphore, #tpu.memory_space<semaphore_mem>>) src(%dma_wait3A_171 : memref<5120xi32, #tpu.memory_space<hbm>>) dst(%arg7 : memref<5120xi32, #tpu.memory_space<vmem>>)
      tpu.yield
    }) : () -> ()
    "tpu.region"() ({
      %run_scoped3A = tpu.sem_alloc : memref<!tpu.dma_semaphore, #tpu.memory_space<semaphore_mem>>
      %dma_start3A_168 = arith.constant 40 : i32
      %dma_start3A_169 = arith.constant 0 : i32
      %dma_start3A_170 = tpu.memref_slice %arg4[%arg1, %dma_start3A_168, %dma_start3A_169] : memref<16x80x128xi32, #tpu.memory_space<hbm>> -> memref<1x40x128xi32, #tpu.memory_space<hbm>>
      %dma_start3A_171 = tpu.memref_squeeze %dma_start3A_170 : memref<1x40x128xi32, #tpu.memory_space<hbm>> -> memref<40x128xi32, #tpu.memory_space<hbm>>
      %dma_start3A_172 = arith.constant 40 : i32
      %dma_start3A_173 = arith.constant 0 : i32
      %dma_start3A_174 = tpu.memref_slice %arg4[%arg1, %dma_start3A_172, %dma_start3A_173] : memref<16x80x128xi32, #tpu.memory_space<hbm>> -> memref<1x40x128xi32, #tpu.memory_space<hbm>>
      %dma_start3A_175 = tpu.memref_squeeze %dma_start3A_174 : memref<1x40x128xi32, #tpu.memory_space<hbm>> -> memref<40x128xi32, #tpu.memory_space<hbm>>
      tpu.enqueue_dma source(%dma_start3A_175 : memref<40x128xi32, #tpu.memory_space<hbm>>) target(%arg8 : memref<40x128xi32, #tpu.memory_space<vmem>>) target_semaphore(%run_scoped3A : memref<!tpu.dma_semaphore, #tpu.memory_space<semaphore_mem>>)
      %dma_wait3A_176 = arith.constant 40 : i32
      %dma_wait3A_177 = arith.constant 0 : i32
      %dma_wait3A_178 = tpu.memref_slice %arg4[%arg1, %dma_wait3A_176, %dma_wait3A_177] : memref<16x80x128xi32, #tpu.memory_space<hbm>> -> memref<1x40x128xi32, #tpu.memory_space<hbm>>
      %dma_wait3A_179 = tpu.memref_squeeze %dma_wait3A_178 : memref<1x40x128xi32, #tpu.memory_space<hbm>> -> memref<40x128xi32, #tpu.memory_space<hbm>>
      %dma_wait3A_180 = arith.constant 40 : i32
      %dma_wait3A_181 = arith.constant 0 : i32
      %dma_wait3A_182 = tpu.memref_slice %arg4[%arg1, %dma_wait3A_180, %dma_wait3A_181] : memref<16x80x128xi32, #tpu.memory_space<hbm>> -> memref<1x40x128xi32, #tpu.memory_space<hbm>>
      %dma_wait3A_183 = tpu.memref_squeeze %dma_wait3A_182 : memref<1x40x128xi32, #tpu.memory_space<hbm>> -> memref<40x128xi32, #tpu.memory_space<hbm>>
      tpu.wait_dma2 semaphore(%run_scoped3A : memref<!tpu.dma_semaphore, #tpu.memory_space<semaphore_mem>>) src(%dma_wait3A_183 : memref<40x128xi32, #tpu.memory_space<hbm>>) dst(%arg8 : memref<40x128xi32, #tpu.memory_space<vmem>>)
      tpu.yield
    }) : () -> ()
    %dma_start3A_34 = arith.constant 0 : i32
    %dma_start3A_35 = tpu.memref_slice %arg7[%dma_start3A_34] : memref<5120xi32, #tpu.memory_space<vmem>> -> memref<128xi32, #tpu.memory_space<vmem>>
    %dma_start3A_36 = arith.constant 0 : i32
    %dma_start3A_37 = arith.constant 0 : i32
    %dma_start3A_38 = tpu.memref_slice %arg2[%dma_start3A_36, %dma_start3A_37] : memref<40000x128xf32, #tpu.memory_space<hbm>> -> memref<40000x128xf32, #tpu.memory_space<hbm>>
    tpu.enqueue_indirect_dma source(%dma_start3A_38 : memref<40000x128xf32, #tpu.memory_space<hbm>>) target(%arg9 : memref<128x128xf32, #tpu.memory_space<vmem>>) offsets(%dma_start3A_35 : memref<128xi32, #tpu.memory_space<vmem>>) semaphore(%arg12 : memref<!tpu.dma_semaphore, #tpu.memory_space<semaphore_mem>>)
    %scan3A_39 = arith.constant 0 : i32
    %scan3A_40 = arith.constant 0 : i32
    %scan3A_41 = arith.constant 20 : i32
    %scan3A_42 = arith.addi %scan3A_40, %scan3A_41 : i32
    %scan3A_43 = arith.constant 1 : i32
    scf.for %scan3A_168 = %scan3A_40 to %scan3A_42 step %scan3A_43  : i32 {
      %mul3A_169 = arith.constant 2 : i32
      %mul3A_170 = arith.muli %mul3A_169, %scan3A_168 : i32
      %add3A_171 = arith.constant 1 : i32
      %add3A_172 = arith.addi %mul3A_170, %add3A_171 : i32
      %mul3A_173 = arith.constant 128 : i32
      %mul3A_174 = arith.muli %add3A_172, %mul3A_173 : i32
      %dma_start3A_175 = tpu.memref_slice %arg7[%mul3A_174] : memref<5120xi32, #tpu.memory_space<vmem>> -> memref<128xi32, #tpu.memory_space<vmem>>
      %dma_start3A_176 = arith.constant 0 : i32
      %dma_start3A_177 = arith.constant 0 : i32
      %dma_start3A_178 = tpu.memref_slice %arg2[%dma_start3A_176, %dma_start3A_177] : memref<40000x128xf32, #tpu.memory_space<hbm>> -> memref<40000x128xf32, #tpu.memory_space<hbm>>
      tpu.enqueue_indirect_dma source(%dma_start3A_178 : memref<40000x128xf32, #tpu.memory_space<hbm>>) target(%arg10 : memref<128x128xf32, #tpu.memory_space<vmem>>) offsets(%dma_start3A_175 : memref<128xi32, #tpu.memory_space<vmem>>) semaphore(%arg13 : memref<!tpu.dma_semaphore, #tpu.memory_space<semaphore_mem>>)
      %dma_wait3A_179 = arith.constant 0 : i32
      %dma_wait3A_180 = arith.constant 0 : i32
      %dma_wait3A_181 = tpu.memref_slice %arg2[%dma_wait3A_179, %dma_wait3A_180] : memref<40000x128xf32, #tpu.memory_space<hbm>> -> memref<128x128xf32, #tpu.memory_space<hbm>>
      %dma_wait3A_182 = arith.constant 0 : i32
      %dma_wait3A_183 = arith.constant 0 : i32
      %dma_wait3A_184 = tpu.memref_slice %arg2[%dma_wait3A_182, %dma_wait3A_183] : memref<40000x128xf32, #tpu.memory_space<hbm>> -> memref<128x128xf32, #tpu.memory_space<hbm>>
      tpu.wait_dma2 semaphore(%arg12 : memref<!tpu.dma_semaphore, #tpu.memory_space<semaphore_mem>>) src(%dma_wait3A_184 : memref<128x128xf32, #tpu.memory_space<hbm>>) dst(%arg9 : memref<128x128xf32, #tpu.memory_space<vmem>>)
      %mul3A_185 = arith.constant 2 : i32
      %mul3A_186 = arith.muli %mul3A_185, %scan3A_168 : i32
      "tpu.region"() ({
        %run_scoped3A = tpu.sem_alloc : memref<!tpu.dma_semaphore, #tpu.memory_space<semaphore_mem>>
        %dma_start3A_208 = arith.constant 0 : i32
        %dma_start3A_209 = tpu.memref_slice %arg8[%mul3A_186, %dma_start3A_208] : memref<40x128xi32, #tpu.memory_space<vmem>> -> memref<1x128xi32, #tpu.memory_space<vmem>>
        %dma_start3A_210 = tpu.memref_squeeze %dma_start3A_209 : memref<1x128xi32, #tpu.memory_space<vmem>> -> memref<128xi32, #tpu.memory_space<vmem>>
        %dma_start3A_211 = arith.constant 0 : i32
        %dma_start3A_212 = arith.constant 0 : i32
        %dma_start3A_213 = tpu.memref_slice %arg11[%dma_start3A_211, %dma_start3A_212] : memref<10240x128xf32, #tpu.memory_space<vmem_shared>> -> memref<10240x128xf32, #tpu.memory_space<vmem_shared>>
        tpu.enqueue_indirect_dma source(%arg9 : memref<128x128xf32, #tpu.memory_space<vmem>>) target(%dma_start3A_213 : memref<10240x128xf32, #tpu.memory_space<vmem_shared>>) offsets(%dma_start3A_210 : memref<128xi32, #tpu.memory_space<vmem>>) semaphore(%run_scoped3A : memref<!tpu.dma_semaphore, #tpu.memory_space<semaphore_mem>>) {add = true}
        %dma_wait3A_214 = arith.constant 0 : i32
        %dma_wait3A_215 = tpu.memref_slice %arg8[%mul3A_186, %dma_wait3A_214] : memref<40x128xi32, #tpu.memory_space<vmem>> -> memref<1x128xi32, #tpu.memory_space<vmem>>
        %dma_wait3A_216 = tpu.memref_squeeze %dma_wait3A_215 : memref<1x128xi32, #tpu.memory_space<vmem>> -> memref<128xi32, #tpu.memory_space<vmem>>
        %dma_wait3A_217 = arith.constant 0 : i32
        %dma_wait3A_218 = arith.constant 0 : i32
        %dma_wait3A_219 = tpu.memref_slice %arg11[%dma_wait3A_217, %dma_wait3A_218] : memref<10240x128xf32, #tpu.memory_space<vmem_shared>> -> memref<10240x128xf32, #tpu.memory_space<vmem_shared>>
        tpu.wait_indirect_dma semaphore(%run_scoped3A : memref<!tpu.dma_semaphore, #tpu.memory_space<semaphore_mem>>) src(%arg9 : memref<128x128xf32, #tpu.memory_space<vmem>>) dst(%dma_wait3A_219 : memref<10240x128xf32, #tpu.memory_space<vmem_shared>>)
        tpu.yield
      }) : () -> ()
      %mul3A_187 = arith.constant 2 : i32
      %mul3A_188 = arith.muli %mul3A_187, %scan3A_168 : i32
      %add3A_189 = arith.constant 2 : i32
      %add3A_190 = arith.addi %mul3A_188, %add3A_189 : i32
      %min3A = arith.constant 39 : i32
      %min3A_191 = arith.minsi %add3A_190, %min3A : i32
      %mul3A_192 = arith.constant 128 : i32
      %mul3A_193 = arith.muli %min3A_191, %mul3A_192 : i32
      %dma_start3A_194 = tpu.memref_slice %arg7[%mul3A_193] : memref<5120xi32, #tpu.memory_space<vmem>> -> memref<128xi32, #tpu.memory_space<vmem>>
      %dma_start3A_195 = arith.constant 0 : i32
      %dma_start3A_196 = arith.constant 0 : i32
      %dma_start3A_197 = tpu.memref_slice %arg2[%dma_start3A_195, %dma_start3A_196] : memref<40000x128xf32, #tpu.memory_space<hbm>> -> memref<40000x128xf32, #tpu.memory_space<hbm>>
      tpu.enqueue_indirect_dma source(%dma_start3A_197 : memref<40000x128xf32, #tpu.memory_space<hbm>>) target(%arg9 : memref<128x128xf32, #tpu.memory_space<vmem>>) offsets(%dma_start3A_194 : memref<128xi32, #tpu.memory_space<vmem>>) semaphore(%arg12 : memref<!tpu.dma_semaphore, #tpu.memory_space<semaphore_mem>>)
      %dma_wait3A_198 = arith.constant 0 : i32
      %dma_wait3A_199 = arith.constant 0 : i32
      %dma_wait3A_200 = tpu.memref_slice %arg2[%dma_wait3A_198, %dma_wait3A_199] : memref<40000x128xf32, #tpu.memory_space<hbm>> -> memref<128x128xf32, #tpu.memory_space<hbm>>
      %dma_wait3A_201 = arith.constant 0 : i32
      %dma_wait3A_202 = arith.constant 0 : i32
      %dma_wait3A_203 = tpu.memref_slice %arg2[%dma_wait3A_201, %dma_wait3A_202] : memref<40000x128xf32, #tpu.memory_space<hbm>> -> memref<128x128xf32, #tpu.memory_space<hbm>>
      tpu.wait_dma2 semaphore(%arg13 : memref<!tpu.dma_semaphore, #tpu.memory_space<semaphore_mem>>) src(%dma_wait3A_203 : memref<128x128xf32, #tpu.memory_space<hbm>>) dst(%arg10 : memref<128x128xf32, #tpu.memory_space<vmem>>)
      %mul3A_204 = arith.constant 2 : i32
      %mul3A_205 = arith.muli %mul3A_204, %scan3A_168 : i32
      %add3A_206 = arith.constant 1 : i32
      %add3A_207 = arith.addi %mul3A_205, %add3A_206 : i32
      "tpu.region"() ({
        %run_scoped3A = tpu.sem_alloc : memref<!tpu.dma_semaphore, #tpu.memory_space<semaphore_mem>>
        %dma_start3A_208 = arith.constant 0 : i32
        %dma_start3A_209 = tpu.memref_slice %arg8[%add3A_207, %dma_start3A_208] : memref<40x128xi32, #tpu.memory_space<vmem>> -> memref<1x128xi32, #tpu.memory_space<vmem>>
        %dma_start3A_210 = tpu.memref_squeeze %dma_start3A_209 : memref<1x128xi32, #tpu.memory_space<vmem>> -> memref<128xi32, #tpu.memory_space<vmem>>
        %dma_start3A_211 = arith.constant 0 : i32
        %dma_start3A_212 = arith.constant 0 : i32
        %dma_start3A_213 = tpu.memref_slice %arg11[%dma_start3A_211, %dma_start3A_212] : memref<10240x128xf32, #tpu.memory_space<vmem_shared>> -> memref<10240x128xf32, #tpu.memory_space<vmem_shared>>
        tpu.enqueue_indirect_dma source(%arg10 : memref<128x128xf32, #tpu.memory_space<vmem>>) target(%dma_start3A_213 : memref<10240x128xf32, #tpu.memory_space<vmem_shared>>) offsets(%dma_start3A_210 : memref<128xi32, #tpu.memory_space<vmem>>) semaphore(%run_scoped3A : memref<!tpu.dma_semaphore, #tpu.memory_space<semaphore_mem>>) {add = true}
        %dma_wait3A_214 = arith.constant 0 : i32
        %dma_wait3A_215 = tpu.memref_slice %arg8[%add3A_207, %dma_wait3A_214] : memref<40x128xi32, #tpu.memory_space<vmem>> -> memref<1x128xi32, #tpu.memory_space<vmem>>
        %dma_wait3A_216 = tpu.memref_squeeze %dma_wait3A_215 : memref<1x128xi32, #tpu.memory_space<vmem>> -> memref<128xi32, #tpu.memory_space<vmem>>
        %dma_wait3A_217 = arith.constant 0 : i32
        %dma_wait3A_218 = arith.constant 0 : i32
        %dma_wait3A_219 = tpu.memref_slice %arg11[%dma_wait3A_217, %dma_wait3A_218] : memref<10240x128xf32, #tpu.memory_space<vmem_shared>> -> memref<10240x128xf32, #tpu.memory_space<vmem_shared>>
        tpu.wait_indirect_dma semaphore(%run_scoped3A : memref<!tpu.dma_semaphore, #tpu.memory_space<semaphore_mem>>) src(%arg10 : memref<128x128xf32, #tpu.memory_space<vmem>>) dst(%dma_wait3A_219 : memref<10240x128xf32, #tpu.memory_space<vmem_shared>>)
        tpu.yield
      }) : () -> ()
    }
    %scan3A_44 = arith.constant 20 : i32
    %dma_wait3A_45 = arith.constant 0 : i32
    %dma_wait3A_46 = arith.constant 0 : i32
    %dma_wait3A_47 = tpu.memref_slice %arg2[%dma_wait3A_45, %dma_wait3A_46] : memref<40000x128xf32, #tpu.memory_space<hbm>> -> memref<128x128xf32, #tpu.memory_space<hbm>>
    %dma_wait3A_48 = arith.constant 0 : i32
    %dma_wait3A_49 = arith.constant 0 : i32
    %dma_wait3A_50 = tpu.memref_slice %arg2[%dma_wait3A_48, %dma_wait3A_49] : memref<40000x128xf32, #tpu.memory_space<hbm>> -> memref<128x128xf32, #tpu.memory_space<hbm>>
    tpu.wait_dma2 semaphore(%arg12 : memref<!tpu.dma_semaphore, #tpu.memory_space<semaphore_mem>>) src(%dma_wait3A_50 : memref<128x128xf32, #tpu.memory_space<hbm>>) dst(%arg9 : memref<128x128xf32, #tpu.memory_space<vmem>>)
    %barrier3A_51 = arith.constant 0 : index
    tpu.barrier barrier_id(%barrier3A_51)
    %mul3A_52 = arith.constant 624 : i32
    %mul3A_53 = arith.muli %arg1, %mul3A_52 : i32
    %add3A_54 = arith.constant 0 : i32
    %add3A_55 = arith.addi %mul3A_53, %add3A_54 : i32
    "tpu.region"() ({
      %run_scoped3A = tpu.sem_alloc : memref<!tpu.dma_semaphore, #tpu.memory_space<semaphore_mem>>
      %dma_start3A_168 = arith.constant 0 : i32
      %dma_start3A_169 = arith.constant 0 : i32
      %dma_start3A_170 = tpu.memref_slice %arg9[%dma_start3A_168, %dma_start3A_169] : memref<128x128xf32, #tpu.memory_space<vmem>> -> memref<128x128xf32, #tpu.memory_space<vmem>>
      %dma_start3A_171 = arith.constant 0 : i32
      %dma_start3A_172 = tpu.memref_slice %arg11[%add3A_55, %dma_start3A_171] : memref<10240x128xf32, #tpu.memory_space<vmem_shared>> -> memref<128x128xf32, #tpu.memory_space<vmem_shared>>
      %dma_start3A_173 = arith.constant 0 : i32
      %dma_start3A_174 = arith.constant 0 : i32
      %dma_start3A_175 = tpu.memref_slice %arg9[%dma_start3A_173, %dma_start3A_174] : memref<128x128xf32, #tpu.memory_space<vmem>> -> memref<128x128xf32, #tpu.memory_space<vmem>>
      %dma_start3A_176 = arith.constant 0 : i32
      %dma_start3A_177 = tpu.memref_slice %arg11[%add3A_55, %dma_start3A_176] : memref<10240x128xf32, #tpu.memory_space<vmem_shared>> -> memref<128x128xf32, #tpu.memory_space<vmem_shared>>
      tpu.enqueue_dma source(%dma_start3A_177 : memref<128x128xf32, #tpu.memory_space<vmem_shared>>) target(%dma_start3A_175 : memref<128x128xf32, #tpu.memory_space<vmem>>) target_semaphore(%run_scoped3A : memref<!tpu.dma_semaphore, #tpu.memory_space<semaphore_mem>>)
      %dma_wait3A_178 = arith.constant 0 : i32
      %dma_wait3A_179 = arith.constant 0 : i32
      %dma_wait3A_180 = tpu.memref_slice %arg9[%dma_wait3A_178, %dma_wait3A_179] : memref<128x128xf32, #tpu.memory_space<vmem>> -> memref<128x128xf32, #tpu.memory_space<vmem>>
      %dma_wait3A_181 = arith.constant 0 : i32
      %dma_wait3A_182 = tpu.memref_slice %arg11[%add3A_55, %dma_wait3A_181] : memref<10240x128xf32, #tpu.memory_space<vmem_shared>> -> memref<128x128xf32, #tpu.memory_space<vmem_shared>>
      %dma_wait3A_183 = arith.constant 0 : i32
      %dma_wait3A_184 = arith.constant 0 : i32
      %dma_wait3A_185 = tpu.memref_slice %arg9[%dma_wait3A_183, %dma_wait3A_184] : memref<128x128xf32, #tpu.memory_space<vmem>> -> memref<128x128xf32, #tpu.memory_space<vmem>>
      %dma_wait3A_186 = arith.constant 0 : i32
      %dma_wait3A_187 = tpu.memref_slice %arg11[%add3A_55, %dma_wait3A_186] : memref<10240x128xf32, #tpu.memory_space<vmem_shared>> -> memref<128x128xf32, #tpu.memory_space<vmem_shared>>
      tpu.wait_dma2 semaphore(%run_scoped3A : memref<!tpu.dma_semaphore, #tpu.memory_space<semaphore_mem>>) src(%dma_wait3A_187 : memref<128x128xf32, #tpu.memory_space<vmem_shared>>) dst(%dma_wait3A_185 : memref<128x128xf32, #tpu.memory_space<vmem>>)
      tpu.yield
    }) : () -> ()
    %add3A_56 = arith.addi %mul3A_3, %add3A_55 : i32
    "tpu.region"() ({
      %run_scoped3A = tpu.sem_alloc : memref<!tpu.dma_semaphore, #tpu.memory_space<semaphore_mem>>
      %dma_start3A_168 = arith.constant 0 : i32
      %dma_start3A_169 = arith.constant 0 : i32
      %dma_start3A_170 = tpu.memref_slice %arg9[%dma_start3A_168, %dma_start3A_169] : memref<128x128xf32, #tpu.memory_space<vmem>> -> memref<128x128xf32, #tpu.memory_space<vmem>>
      %dma_start3A_171 = arith.constant 0 : i32
      %dma_start3A_172 = tpu.memref_slice %arg6[%add3A_56, %dma_start3A_171] : memref<40000x128xf32, #tpu.memory_space<hbm>> -> memref<128x128xf32, #tpu.memory_space<hbm>>
      %dma_start3A_173 = arith.constant 0 : i32
      %dma_start3A_174 = tpu.memref_slice %arg6[%add3A_56, %dma_start3A_173] : memref<40000x128xf32, #tpu.memory_space<hbm>> -> memref<128x128xf32, #tpu.memory_space<hbm>>
      %dma_start3A_175 = arith.constant 0 : i32
      %dma_start3A_176 = arith.constant 0 : i32
      %dma_start3A_177 = tpu.memref_slice %arg9[%dma_start3A_175, %dma_start3A_176] : memref<128x128xf32, #tpu.memory_space<vmem>> -> memref<128x128xf32, #tpu.memory_space<vmem>>
      tpu.enqueue_dma source(%dma_start3A_177 : memref<128x128xf32, #tpu.memory_space<vmem>>) target(%dma_start3A_174 : memref<128x128xf32, #tpu.memory_space<hbm>>) target_semaphore(%run_scoped3A : memref<!tpu.dma_semaphore, #tpu.memory_space<semaphore_mem>>)
      %dma_wait3A_178 = arith.constant 0 : i32
      %dma_wait3A_179 = arith.constant 0 : i32
      %dma_wait3A_180 = tpu.memref_slice %arg9[%dma_wait3A_178, %dma_wait3A_179] : memref<128x128xf32, #tpu.memory_space<vmem>> -> memref<128x128xf32, #tpu.memory_space<vmem>>
      %dma_wait3A_181 = arith.constant 0 : i32
      %dma_wait3A_182 = tpu.memref_slice %arg6[%add3A_56, %dma_wait3A_181] : memref<40000x128xf32, #tpu.memory_space<hbm>> -> memref<128x128xf32, #tpu.memory_space<hbm>>
      %dma_wait3A_183 = arith.constant 0 : i32
      %dma_wait3A_184 = tpu.memref_slice %arg6[%add3A_56, %dma_wait3A_183] : memref<40000x128xf32, #tpu.memory_space<hbm>> -> memref<128x128xf32, #tpu.memory_space<hbm>>
      %dma_wait3A_185 = arith.constant 0 : i32
      %dma_wait3A_186 = arith.constant 0 : i32
      %dma_wait3A_187 = tpu.memref_slice %arg9[%dma_wait3A_185, %dma_wait3A_186] : memref<128x128xf32, #tpu.memory_space<vmem>> -> memref<128x128xf32, #tpu.memory_space<vmem>>
      tpu.wait_dma2 semaphore(%run_scoped3A : memref<!tpu.dma_semaphore, #tpu.memory_space<semaphore_mem>>) src(%dma_wait3A_187 : memref<128x128xf32, #tpu.memory_space<vmem>>) dst(%dma_wait3A_184 : memref<128x128xf32, #tpu.memory_space<hbm>>)
      tpu.yield
    }) : () -> ()
    %mul3A_57 = arith.constant 624 : i32
    %mul3A_58 = arith.muli %arg1, %mul3A_57 : i32
    %add3A_59 = arith.constant 128 : i32
    %add3A_60 = arith.addi %mul3A_58, %add3A_59 : i32
    "tpu.region"() ({
      %run_scoped3A = tpu.sem_alloc : memref<!tpu.dma_semaphore, #tpu.memory_space<semaphore_mem>>
      %dma_start3A_168 = arith.constant 0 : i32
      %dma_start3A_169 = arith.constant 0 : i32
      %dma_start3A_170 = tpu.memref_slice %arg9[%dma_start3A_168, %dma_start3A_169] : memref<128x128xf32, #tpu.memory_space<vmem>> -> memref<128x128xf32, #tpu.memory_space<vmem>>
      %dma_start3A_171 = arith.constant 0 : i32
      %dma_start3A_172 = tpu.memref_slice %arg11[%add3A_60, %dma_start3A_171] : memref<10240x128xf32, #tpu.memory_space<vmem_shared>> -> memref<128x128xf32, #tpu.memory_space<vmem_shared>>
      %dma_start3A_173 = arith.constant 0 : i32
      %dma_start3A_174 = arith.constant 0 : i32
      %dma_start3A_175 = tpu.memref_slice %arg9[%dma_start3A_173, %dma_start3A_174] : memref<128x128xf32, #tpu.memory_space<vmem>> -> memref<128x128xf32, #tpu.memory_space<vmem>>
      %dma_start3A_176 = arith.constant 0 : i32
      %dma_start3A_177 = tpu.memref_slice %arg11[%add3A_60, %dma_start3A_176] : memref<10240x128xf32, #tpu.memory_space<vmem_shared>> -> memref<128x128xf32, #tpu.memory_space<vmem_shared>>
      tpu.enqueue_dma source(%dma_start3A_177 : memref<128x128xf32, #tpu.memory_space<vmem_shared>>) target(%dma_start3A_175 : memref<128x128xf32, #tpu.memory_space<vmem>>) target_semaphore(%run_scoped3A : memref<!tpu.dma_semaphore, #tpu.memory_space<semaphore_mem>>)
      %dma_wait3A_178 = arith.constant 0 : i32
      %dma_wait3A_179 = arith.constant 0 : i32
      %dma_wait3A_180 = tpu.memref_slice %arg9[%dma_wait3A_178, %dma_wait3A_179] : memref<128x128xf32, #tpu.memory_space<vmem>> -> memref<128x128xf32, #tpu.memory_space<vmem>>
      %dma_wait3A_181 = arith.constant 0 : i32
      %dma_wait3A_182 = tpu.memref_slice %arg11[%add3A_60, %dma_wait3A_181] : memref<10240x128xf32, #tpu.memory_space<vmem_shared>> -> memref<128x128xf32, #tpu.memory_space<vmem_shared>>
      %dma_wait3A_183 = arith.constant 0 : i32
      %dma_wait3A_184 = arith.constant 0 : i32
      %dma_wait3A_185 = tpu.memref_slice %arg9[%dma_wait3A_183, %dma_wait3A_184] : memref<128x128xf32, #tpu.memory_space<vmem>> -> memref<128x128xf32, #tpu.memory_space<vmem>>
      %dma_wait3A_186 = arith.constant 0 : i32
      %dma_wait3A_187 = tpu.memref_slice %arg11[%add3A_60, %dma_wait3A_186] : memref<10240x128xf32, #tpu.memory_space<vmem_shared>> -> memref<128x128xf32, #tpu.memory_space<vmem_shared>>
      tpu.wait_dma2 semaphore(%run_scoped3A : memref<!tpu.dma_semaphore, #tpu.memory_space<semaphore_mem>>) src(%dma_wait3A_187 : memref<128x128xf32, #tpu.memory_space<vmem_shared>>) dst(%dma_wait3A_185 : memref<128x128xf32, #tpu.memory_space<vmem>>)
      tpu.yield
    }) : () -> ()
    %add3A_61 = arith.addi %mul3A_3, %add3A_60 : i32
    "tpu.region"() ({
      %run_scoped3A = tpu.sem_alloc : memref<!tpu.dma_semaphore, #tpu.memory_space<semaphore_mem>>
      %dma_start3A_168 = arith.constant 0 : i32
      %dma_start3A_169 = arith.constant 0 : i32
      %dma_start3A_170 = tpu.memref_slice %arg9[%dma_start3A_168, %dma_start3A_169] : memref<128x128xf32, #tpu.memory_space<vmem>> -> memref<128x128xf32, #tpu.memory_space<vmem>>
      %dma_start3A_171 = arith.constant 0 : i32
      %dma_start3A_172 = tpu.memref_slice %arg6[%add3A_61, %dma_start3A_171] : memref<40000x128xf32, #tpu.memory_space<hbm>> -> memref<128x128xf32, #tpu.memory_space<hbm>>
      %dma_start3A_173 = arith.constant 0 : i32
      %dma_start3A_174 = tpu.memref_slice %arg6[%add3A_61, %dma_start3A_173] : memref<40000x128xf32, #tpu.memory_space<hbm>> -> memref<128x128xf32, #tpu.memory_space<hbm>>
      %dma_start3A_175 = arith.constant 0 : i32
      %dma_start3A_176 = arith.constant 0 : i32
      %dma_start3A_177 = tpu.memref_slice %arg9[%dma_start3A_175, %dma_start3A_176] : memref<128x128xf32, #tpu.memory_space<vmem>> -> memref<128x128xf32, #tpu.memory_space<vmem>>
      tpu.enqueue_dma source(%dma_start3A_177 : memref<128x128xf32, #tpu.memory_space<vmem>>) target(%dma_start3A_174 : memref<128x128xf32, #tpu.memory_space<hbm>>) target_semaphore(%run_scoped3A : memref<!tpu.dma_semaphore, #tpu.memory_space<semaphore_mem>>)
      %dma_wait3A_178 = arith.constant 0 : i32
      %dma_wait3A_179 = arith.constant 0 : i32
      %dma_wait3A_180 = tpu.memref_slice %arg9[%dma_wait3A_178, %dma_wait3A_179] : memref<128x128xf32, #tpu.memory_space<vmem>> -> memref<128x128xf32, #tpu.memory_space<vmem>>
      %dma_wait3A_181 = arith.constant 0 : i32
      %dma_wait3A_182 = tpu.memref_slice %arg6[%add3A_61, %dma_wait3A_181] : memref<40000x128xf32, #tpu.memory_space<hbm>> -> memref<128x128xf32, #tpu.memory_space<hbm>>
      %dma_wait3A_183 = arith.constant 0 : i32
      %dma_wait3A_184 = tpu.memref_slice %arg6[%add3A_61, %dma_wait3A_183] : memref<40000x128xf32, #tpu.memory_space<hbm>> -> memref<128x128xf32, #tpu.memory_space<hbm>>
      %dma_wait3A_185 = arith.constant 0 : i32
      %dma_wait3A_186 = arith.constant 0 : i32
      %dma_wait3A_187 = tpu.memref_slice %arg9[%dma_wait3A_185, %dma_wait3A_186] : memref<128x128xf32, #tpu.memory_space<vmem>> -> memref<128x128xf32, #tpu.memory_space<vmem>>
      tpu.wait_dma2 semaphore(%run_scoped3A : memref<!tpu.dma_semaphore, #tpu.memory_space<semaphore_mem>>) src(%dma_wait3A_187 : memref<128x128xf32, #tpu.memory_space<vmem>>) dst(%dma_wait3A_184 : memref<128x128xf32, #tpu.memory_space<hbm>>)
      tpu.yield
    }) : () -> ()
    %mul3A_62 = arith.constant 624 : i32
    %mul3A_63 = arith.muli %arg1, %mul3A_62 : i32
    %add3A_64 = arith.constant 256 : i32
    %add3A_65 = arith.addi %mul3A_63, %add3A_64 : i32
    "tpu.region"() ({
      %run_scoped3A = tpu.sem_alloc : memref<!tpu.dma_semaphore, #tpu.memory_space<semaphore_mem>>
      %dma_start3A_168 = arith.constant 0 : i32
      %dma_start3A_169 = arith.constant 0 : i32
      %dma_start3A_170 = tpu.memref_slice %arg9[%dma_start3A_168, %dma_start3A_169] : memref<128x128xf32, #tpu.memory_space<vmem>> -> memref<128x128xf32, #tpu.memory_space<vmem>>
      %dma_start3A_171 = arith.constant 0 : i32
      %dma_start3A_172 = tpu.memref_slice %arg11[%add3A_65, %dma_start3A_171] : memref<10240x128xf32, #tpu.memory_space<vmem_shared>> -> memref<128x128xf32, #tpu.memory_space<vmem_shared>>
      %dma_start3A_173 = arith.constant 0 : i32
      %dma_start3A_174 = arith.constant 0 : i32
      %dma_start3A_175 = tpu.memref_slice %arg9[%dma_start3A_173, %dma_start3A_174] : memref<128x128xf32, #tpu.memory_space<vmem>> -> memref<128x128xf32, #tpu.memory_space<vmem>>
      %dma_start3A_176 = arith.constant 0 : i32
      %dma_start3A_177 = tpu.memref_slice %arg11[%add3A_65, %dma_start3A_176] : memref<10240x128xf32, #tpu.memory_space<vmem_shared>> -> memref<128x128xf32, #tpu.memory_space<vmem_shared>>
      tpu.enqueue_dma source(%dma_start3A_177 : memref<128x128xf32, #tpu.memory_space<vmem_shared>>) target(%dma_start3A_175 : memref<128x128xf32, #tpu.memory_space<vmem>>) target_semaphore(%run_scoped3A : memref<!tpu.dma_semaphore, #tpu.memory_space<semaphore_mem>>)
      %dma_wait3A_178 = arith.constant 0 : i32
      %dma_wait3A_179 = arith.constant 0 : i32
      %dma_wait3A_180 = tpu.memref_slice %arg9[%dma_wait3A_178, %dma_wait3A_179] : memref<128x128xf32, #tpu.memory_space<vmem>> -> memref<128x128xf32, #tpu.memory_space<vmem>>
      %dma_wait3A_181 = arith.constant 0 : i32
      %dma_wait3A_182 = tpu.memref_slice %arg11[%add3A_65, %dma_wait3A_181] : memref<10240x128xf32, #tpu.memory_space<vmem_shared>> -> memref<128x128xf32, #tpu.memory_space<vmem_shared>>
      %dma_wait3A_183 = arith.constant 0 : i32
      %dma_wait3A_184 = arith.constant 0 : i32
      %dma_wait3A_185 = tpu.memref_slice %arg9[%dma_wait3A_183, %dma_wait3A_184] : memref<128x128xf32, #tpu.memory_space<vmem>> -> memref<128x128xf32, #tpu.memory_space<vmem>>
      %dma_wait3A_186 = arith.constant 0 : i32
      %dma_wait3A_187 = tpu.memref_slice %arg11[%add3A_65, %dma_wait3A_186] : memref<10240x128xf32, #tpu.memory_space<vmem_shared>> -> memref<128x128xf32, #tpu.memory_space<vmem_shared>>
      tpu.wait_dma2 semaphore(%run_scoped3A : memref<!tpu.dma_semaphore, #tpu.memory_space<semaphore_mem>>) src(%dma_wait3A_187 : memref<128x128xf32, #tpu.memory_space<vmem_shared>>) dst(%dma_wait3A_185 : memref<128x128xf32, #tpu.memory_space<vmem>>)
      tpu.yield
    }) : () -> ()
    %add3A_66 = arith.addi %mul3A_3, %add3A_65 : i32
    "tpu.region"() ({
      %run_scoped3A = tpu.sem_alloc : memref<!tpu.dma_semaphore, #tpu.memory_space<semaphore_mem>>
      %dma_start3A_168 = arith.constant 0 : i32
      %dma_start3A_169 = arith.constant 0 : i32
      %dma_start3A_170 = tpu.memref_slice %arg9[%dma_start3A_168, %dma_start3A_169] : memref<128x128xf32, #tpu.memory_space<vmem>> -> memref<128x128xf32, #tpu.memory_space<vmem>>
      %dma_start3A_171 = arith.constant 0 : i32
      %dma_start3A_172 = tpu.memref_slice %arg6[%add3A_66, %dma_start3A_171] : memref<40000x128xf32, #tpu.memory_space<hbm>> -> memref<128x128xf32, #tpu.memory_space<hbm>>
      %dma_start3A_173 = arith.constant 0 : i32
      %dma_start3A_174 = tpu.memref_slice %arg6[%add3A_66, %dma_start3A_173] : memref<40000x128xf32, #tpu.memory_space<hbm>> -> memref<128x128xf32, #tpu.memory_space<hbm>>
      %dma_start3A_175 = arith.constant 0 : i32
      %dma_start3A_176 = arith.constant 0 : i32
      %dma_start3A_177 = tpu.memref_slice %arg9[%dma_start3A_175, %dma_start3A_176] : memref<128x128xf32, #tpu.memory_space<vmem>> -> memref<128x128xf32, #tpu.memory_space<vmem>>
      tpu.enqueue_dma source(%dma_start3A_177 : memref<128x128xf32, #tpu.memory_space<vmem>>) target(%dma_start3A_174 : memref<128x128xf32, #tpu.memory_space<hbm>>) target_semaphore(%run_scoped3A : memref<!tpu.dma_semaphore, #tpu.memory_space<semaphore_mem>>)
      %dma_wait3A_178 = arith.constant 0 : i32
      %dma_wait3A_179 = arith.constant 0 : i32
      %dma_wait3A_180 = tpu.memref_slice %arg9[%dma_wait3A_178, %dma_wait3A_179] : memref<128x128xf32, #tpu.memory_space<vmem>> -> memref<128x128xf32, #tpu.memory_space<vmem>>
      %dma_wait3A_181 = arith.constant 0 : i32
      %dma_wait3A_182 = tpu.memref_slice %arg6[%add3A_66, %dma_wait3A_181] : memref<40000x128xf32, #tpu.memory_space<hbm>> -> memref<128x128xf32, #tpu.memory_space<hbm>>
      %dma_wait3A_183 = arith.constant 0 : i32
      %dma_wait3A_184 = tpu.memref_slice %arg6[%add3A_66, %dma_wait3A_183] : memref<40000x128xf32, #tpu.memory_space<hbm>> -> memref<128x128xf32, #tpu.memory_space<hbm>>
      %dma_wait3A_185 = arith.constant 0 : i32
      %dma_wait3A_186 = arith.constant 0 : i32
      %dma_wait3A_187 = tpu.memref_slice %arg9[%dma_wait3A_185, %dma_wait3A_186] : memref<128x128xf32, #tpu.memory_space<vmem>> -> memref<128x128xf32, #tpu.memory_space<vmem>>
      tpu.wait_dma2 semaphore(%run_scoped3A : memref<!tpu.dma_semaphore, #tpu.memory_space<semaphore_mem>>) src(%dma_wait3A_187 : memref<128x128xf32, #tpu.memory_space<vmem>>) dst(%dma_wait3A_184 : memref<128x128xf32, #tpu.memory_space<hbm>>)
      tpu.yield
    }) : () -> ()
    %mul3A_67 = arith.constant 624 : i32
    %mul3A_68 = arith.muli %arg1, %mul3A_67 : i32
    %add3A_69 = arith.constant 384 : i32
    %add3A_70 = arith.addi %mul3A_68, %add3A_69 : i32
    "tpu.region"() ({
      %run_scoped3A = tpu.sem_alloc : memref<!tpu.dma_semaphore, #tpu.memory_space<semaphore_mem>>
      %dma_start3A_168 = arith.constant 0 : i32
      %dma_start3A_169 = arith.constant 0 : i32
      %dma_start3A_170 = tpu.memref_slice %arg9[%dma_start3A_168, %dma_start3A_169] : memref<128x128xf32, #tpu.memory_space<vmem>> -> memref<128x128xf32, #tpu.memory_space<vmem>>
      %dma_start3A_171 = arith.constant 0 : i32
      %dma_start3A_172 = tpu.memref_slice %arg11[%add3A_70, %dma_start3A_171] : memref<10240x128xf32, #tpu.memory_space<vmem_shared>> -> memref<128x128xf32, #tpu.memory_space<vmem_shared>>
      %dma_start3A_173 = arith.constant 0 : i32
      %dma_start3A_174 = arith.constant 0 : i32
      %dma_start3A_175 = tpu.memref_slice %arg9[%dma_start3A_173, %dma_start3A_174] : memref<128x128xf32, #tpu.memory_space<vmem>> -> memref<128x128xf32, #tpu.memory_space<vmem>>
      %dma_start3A_176 = arith.constant 0 : i32
      %dma_start3A_177 = tpu.memref_slice %arg11[%add3A_70, %dma_start3A_176] : memref<10240x128xf32, #tpu.memory_space<vmem_shared>> -> memref<128x128xf32, #tpu.memory_space<vmem_shared>>
      tpu.enqueue_dma source(%dma_start3A_177 : memref<128x128xf32, #tpu.memory_space<vmem_shared>>) target(%dma_start3A_175 : memref<128x128xf32, #tpu.memory_space<vmem>>) target_semaphore(%run_scoped3A : memref<!tpu.dma_semaphore, #tpu.memory_space<semaphore_mem>>)
      %dma_wait3A_178 = arith.constant 0 : i32
      %dma_wait3A_179 = arith.constant 0 : i32
      %dma_wait3A_180 = tpu.memref_slice %arg9[%dma_wait3A_178, %dma_wait3A_179] : memref<128x128xf32, #tpu.memory_space<vmem>> -> memref<128x128xf32, #tpu.memory_space<vmem>>
      %dma_wait3A_181 = arith.constant 0 : i32
      %dma_wait3A_182 = tpu.memref_slice %arg11[%add3A_70, %dma_wait3A_181] : memref<10240x128xf32, #tpu.memory_space<vmem_shared>> -> memref<128x128xf32, #tpu.memory_space<vmem_shared>>
      %dma_wait3A_183 = arith.constant 0 : i32
      %dma_wait3A_184 = arith.constant 0 : i32
      %dma_wait3A_185 = tpu.memref_slice %arg9[%dma_wait3A_183, %dma_wait3A_184] : memref<128x128xf32, #tpu.memory_space<vmem>> -> memref<128x128xf32, #tpu.memory_space<vmem>>
      %dma_wait3A_186 = arith.constant 0 : i32
      %dma_wait3A_187 = tpu.memref_slice %arg11[%add3A_70, %dma_wait3A_186] : memref<10240x128xf32, #tpu.memory_space<vmem_shared>> -> memref<128x128xf32, #tpu.memory_space<vmem_shared>>
      tpu.wait_dma2 semaphore(%run_scoped3A : memref<!tpu.dma_semaphore, #tpu.memory_space<semaphore_mem>>) src(%dma_wait3A_187 : memref<128x128xf32, #tpu.memory_space<vmem_shared>>) dst(%dma_wait3A_185 : memref<128x128xf32, #tpu.memory_space<vmem>>)
      tpu.yield
    }) : () -> ()
    %add3A_71 = arith.addi %mul3A_3, %add3A_70 : i32
    "tpu.region"() ({
      %run_scoped3A = tpu.sem_alloc : memref<!tpu.dma_semaphore, #tpu.memory_space<semaphore_mem>>
      %dma_start3A_168 = arith.constant 0 : i32
      %dma_start3A_169 = arith.constant 0 : i32
      %dma_start3A_170 = tpu.memref_slice %arg9[%dma_start3A_168, %dma_start3A_169] : memref<128x128xf32, #tpu.memory_space<vmem>> -> memref<128x128xf32, #tpu.memory_space<vmem>>
      %dma_start3A_171 = arith.constant 0 : i32
      %dma_start3A_172 = tpu.memref_slice %arg6[%add3A_71, %dma_start3A_171] : memref<40000x128xf32, #tpu.memory_space<hbm>> -> memref<128x128xf32, #tpu.memory_space<hbm>>
      %dma_start3A_173 = arith.constant 0 : i32
      %dma_start3A_174 = tpu.memref_slice %arg6[%add3A_71, %dma_start3A_173] : memref<40000x128xf32, #tpu.memory_space<hbm>> -> memref<128x128xf32, #tpu.memory_space<hbm>>
      %dma_start3A_175 = arith.constant 0 : i32
      %dma_start3A_176 = arith.constant 0 : i32
      %dma_start3A_177 = tpu.memref_slice %arg9[%dma_start3A_175, %dma_start3A_176] : memref<128x128xf32, #tpu.memory_space<vmem>> -> memref<128x128xf32, #tpu.memory_space<vmem>>
      tpu.enqueue_dma source(%dma_start3A_177 : memref<128x128xf32, #tpu.memory_space<vmem>>) target(%dma_start3A_174 : memref<128x128xf32, #tpu.memory_space<hbm>>) target_semaphore(%run_scoped3A : memref<!tpu.dma_semaphore, #tpu.memory_space<semaphore_mem>>)
      %dma_wait3A_178 = arith.constant 0 : i32
      %dma_wait3A_179 = arith.constant 0 : i32
      %dma_wait3A_180 = tpu.memref_slice %arg9[%dma_wait3A_178, %dma_wait3A_179] : memref<128x128xf32, #tpu.memory_space<vmem>> -> memref<128x128xf32, #tpu.memory_space<vmem>>
      %dma_wait3A_181 = arith.constant 0 : i32
      %dma_wait3A_182 = tpu.memref_slice %arg6[%add3A_71, %dma_wait3A_181] : memref<40000x128xf32, #tpu.memory_space<hbm>> -> memref<128x128xf32, #tpu.memory_space<hbm>>
      %dma_wait3A_183 = arith.constant 0 : i32
      %dma_wait3A_184 = tpu.memref_slice %arg6[%add3A_71, %dma_wait3A_183] : memref<40000x128xf32, #tpu.memory_space<hbm>> -> memref<128x128xf32, #tpu.memory_space<hbm>>
      %dma_wait3A_185 = arith.constant 0 : i32
      %dma_wait3A_186 = arith.constant 0 : i32
      %dma_wait3A_187 = tpu.memref_slice %arg9[%dma_wait3A_185, %dma_wait3A_186] : memref<128x128xf32, #tpu.memory_space<vmem>> -> memref<128x128xf32, #tpu.memory_space<vmem>>
      tpu.wait_dma2 semaphore(%run_scoped3A : memref<!tpu.dma_semaphore, #tpu.memory_space<semaphore_mem>>) src(%dma_wait3A_187 : memref<128x128xf32, #tpu.memory_space<vmem>>) dst(%dma_wait3A_184 : memref<128x128xf32, #tpu.memory_space<hbm>>)
      tpu.yield
    }) : () -> ()
    %mul3A_72 = arith.constant 624 : i32
    %mul3A_73 = arith.muli %arg1, %mul3A_72 : i32
    %add3A_74 = arith.constant 512 : i32
    %add3A_75 = arith.addi %mul3A_73, %add3A_74 : i32
    "tpu.region"() ({
      %run_scoped3A = tpu.sem_alloc : memref<!tpu.dma_semaphore, #tpu.memory_space<semaphore_mem>>
      %dma_start3A_168 = arith.constant 0 : i32
      %dma_start3A_169 = arith.constant 0 : i32
      %dma_start3A_170 = tpu.memref_slice %arg9[%dma_start3A_168, %dma_start3A_169] : memref<128x128xf32, #tpu.memory_space<vmem>> -> memref<112x128xf32, #tpu.memory_space<vmem>>
      %dma_start3A_171 = arith.constant 0 : i32
      %dma_start3A_172 = tpu.memref_slice %arg11[%add3A_75, %dma_start3A_171] : memref<10240x128xf32, #tpu.memory_space<vmem_shared>> -> memref<112x128xf32, #tpu.memory_space<vmem_shared>>
      %dma_start3A_173 = arith.constant 0 : i32
      %dma_start3A_174 = arith.constant 0 : i32
      %dma_start3A_175 = tpu.memref_slice %arg9[%dma_start3A_173, %dma_start3A_174] : memref<128x128xf32, #tpu.memory_space<vmem>> -> memref<112x128xf32, #tpu.memory_space<vmem>>
      %dma_start3A_176 = arith.constant 0 : i32
      %dma_start3A_177 = tpu.memref_slice %arg11[%add3A_75, %dma_start3A_176] : memref<10240x128xf32, #tpu.memory_space<vmem_shared>> -> memref<112x128xf32, #tpu.memory_space<vmem_shared>>
      tpu.enqueue_dma source(%dma_start3A_177 : memref<112x128xf32, #tpu.memory_space<vmem_shared>>) target(%dma_start3A_175 : memref<112x128xf32, #tpu.memory_space<vmem>>) target_semaphore(%run_scoped3A : memref<!tpu.dma_semaphore, #tpu.memory_space<semaphore_mem>>)
      %dma_wait3A_178 = arith.constant 0 : i32
      %dma_wait3A_179 = arith.constant 0 : i32
      %dma_wait3A_180 = tpu.memref_slice %arg9[%dma_wait3A_178, %dma_wait3A_179] : memref<128x128xf32, #tpu.memory_space<vmem>> -> memref<112x128xf32, #tpu.memory_space<vmem>>
      %dma_wait3A_181 = arith.constant 0 : i32
      %dma_wait3A_182 = tpu.memref_slice %arg11[%add3A_75, %dma_wait3A_181] : memref<10240x128xf32, #tpu.memory_space<vmem_shared>> -> memref<112x128xf32, #tpu.memory_space<vmem_shared>>
      %dma_wait3A_183 = arith.constant 0 : i32
      %dma_wait3A_184 = arith.constant 0 : i32
      %dma_wait3A_185 = tpu.memref_slice %arg9[%dma_wait3A_183, %dma_wait3A_184] : memref<128x128xf32, #tpu.memory_space<vmem>> -> memref<112x128xf32, #tpu.memory_space<vmem>>
      %dma_wait3A_186 = arith.constant 0 : i32
      %dma_wait3A_187 = tpu.memref_slice %arg11[%add3A_75, %dma_wait3A_186] : memref<10240x128xf32, #tpu.memory_space<vmem_shared>> -> memref<112x128xf32, #tpu.memory_space<vmem_shared>>
      tpu.wait_dma2 semaphore(%run_scoped3A : memref<!tpu.dma_semaphore, #tpu.memory_space<semaphore_mem>>) src(%dma_wait3A_187 : memref<112x128xf32, #tpu.memory_space<vmem_shared>>) dst(%dma_wait3A_185 : memref<112x128xf32, #tpu.memory_space<vmem>>)
      tpu.yield
    }) : () -> ()
    %add3A_76 = arith.addi %mul3A_3, %add3A_75 : i32
    "tpu.region"() ({
      %run_scoped3A = tpu.sem_alloc : memref<!tpu.dma_semaphore, #tpu.memory_space<semaphore_mem>>
      %dma_start3A_168 = arith.constant 0 : i32
      %dma_start3A_169 = arith.constant 0 : i32
      %dma_start3A_170 = tpu.memref_slice %arg9[%dma_start3A_168, %dma_start3A_169] : memref<128x128xf32, #tpu.memory_space<vmem>> -> memref<112x128xf32, #tpu.memory_space<vmem>>
      %dma_start3A_171 = arith.constant 0 : i32
      %dma_start3A_172 = tpu.memref_slice %arg6[%add3A_76, %dma_start3A_171] : memref<40000x128xf32, #tpu.memory_space<hbm>> -> memref<112x128xf32, #tpu.memory_space<hbm>>
      %dma_start3A_173 = arith.constant 0 : i32
      %dma_start3A_174 = tpu.memref_slice %arg6[%add3A_76, %dma_start3A_173] : memref<40000x128xf32, #tpu.memory_space<hbm>> -> memref<112x128xf32, #tpu.memory_space<hbm>>
      %dma_start3A_175 = arith.constant 0 : i32
      %dma_start3A_176 = arith.constant 0 : i32
      %dma_start3A_177 = tpu.memref_slice %arg9[%dma_start3A_175, %dma_start3A_176] : memref<128x128xf32, #tpu.memory_space<vmem>> -> memref<112x128xf32, #tpu.memory_space<vmem>>
      tpu.enqueue_dma source(%dma_start3A_177 : memref<112x128xf32, #tpu.memory_space<vmem>>) target(%dma_start3A_174 : memref<112x128xf32, #tpu.memory_space<hbm>>) target_semaphore(%run_scoped3A : memref<!tpu.dma_semaphore, #tpu.memory_space<semaphore_mem>>)
      %dma_wait3A_178 = arith.constant 0 : i32
      %dma_wait3A_179 = arith.constant 0 : i32
      %dma_wait3A_180 = tpu.memref_slice %arg9[%dma_wait3A_178, %dma_wait3A_179] : memref<128x128xf32, #tpu.memory_space<vmem>> -> memref<112x128xf32, #tpu.memory_space<vmem>>
      %dma_wait3A_181 = arith.constant 0 : i32
      %dma_wait3A_182 = tpu.memref_slice %arg6[%add3A_76, %dma_wait3A_181] : memref<40000x128xf32, #tpu.memory_space<hbm>> -> memref<112x128xf32, #tpu.memory_space<hbm>>
      %dma_wait3A_183 = arith.constant 0 : i32
      %dma_wait3A_184 = tpu.memref_slice %arg6[%add3A_76, %dma_wait3A_183] : memref<40000x128xf32, #tpu.memory_space<hbm>> -> memref<112x128xf32, #tpu.memory_space<hbm>>
      %dma_wait3A_185 = arith.constant 0 : i32
      %dma_wait3A_186 = arith.constant 0 : i32
      %dma_wait3A_187 = tpu.memref_slice %arg9[%dma_wait3A_185, %dma_wait3A_186] : memref<128x128xf32, #tpu.memory_space<vmem>> -> memref<112x128xf32, #tpu.memory_space<vmem>>
      tpu.wait_dma2 semaphore(%run_scoped3A : memref<!tpu.dma_semaphore, #tpu.memory_space<semaphore_mem>>) src(%dma_wait3A_187 : memref<112x128xf32, #tpu.memory_space<vmem>>) dst(%dma_wait3A_184 : memref<112x128xf32, #tpu.memory_space<hbm>>)
      tpu.yield
    }) : () -> ()
    %eq3A = arith.constant 15 : i32
    %eq3A_77 = arith.cmpi eq, %arg1, %eq3A : i32
    %convert_element_type3A = arith.extui %eq3A_77 : i1 to i32
    %cond3A = arith.constant 0 : i32
    %cond3A_78 = arith.cmpi ne, %convert_element_type3A, %cond3A : i32
    scf.if %cond3A_78 {
      "tpu.region"() ({
        %run_scoped3A = tpu.sem_alloc : memref<!tpu.dma_semaphore, #tpu.memory_space<semaphore_mem>>
        %dma_start3A_170 = arith.constant 0 : i32
        %dma_start3A_171 = arith.constant 0 : i32
        %dma_start3A_172 = tpu.memref_slice %arg9[%dma_start3A_170, %dma_start3A_171] : memref<128x128xf32, #tpu.memory_space<vmem>> -> memref<16x128xf32, #tpu.memory_space<vmem>>
        %dma_start3A_173 = arith.constant 9984 : i32
        %dma_start3A_174 = arith.constant 0 : i32
        %dma_start3A_175 = tpu.memref_slice %arg11[%dma_start3A_173, %dma_start3A_174] : memref<10240x128xf32, #tpu.memory_space<vmem_shared>> -> memref<16x128xf32, #tpu.memory_space<vmem_shared>>
        %dma_start3A_176 = arith.constant 0 : i32
        %dma_start3A_177 = arith.constant 0 : i32
        %dma_start3A_178 = tpu.memref_slice %arg9[%dma_start3A_176, %dma_start3A_177] : memref<128x128xf32, #tpu.memory_space<vmem>> -> memref<16x128xf32, #tpu.memory_space<vmem>>
        %dma_start3A_179 = arith.constant 9984 : i32
        %dma_start3A_180 = arith.constant 0 : i32
        %dma_start3A_181 = tpu.memref_slice %arg11[%dma_start3A_179, %dma_start3A_180] : memref<10240x128xf32, #tpu.memory_space<vmem_shared>> -> memref<16x128xf32, #tpu.memory_space<vmem_shared>>
        tpu.enqueue_dma source(%dma_start3A_181 : memref<16x128xf32, #tpu.memory_space<vmem_shared>>) target(%dma_start3A_178 : memref<16x128xf32, #tpu.memory_space<vmem>>) target_semaphore(%run_scoped3A : memref<!tpu.dma_semaphore, #tpu.memory_space<semaphore_mem>>)
        %dma_wait3A_182 = arith.constant 0 : i32
        %dma_wait3A_183 = arith.constant 0 : i32
        %dma_wait3A_184 = tpu.memref_slice %arg9[%dma_wait3A_182, %dma_wait3A_183] : memref<128x128xf32, #tpu.memory_space<vmem>> -> memref<16x128xf32, #tpu.memory_space<vmem>>
        %dma_wait3A_185 = arith.constant 9984 : i32
        %dma_wait3A_186 = arith.constant 0 : i32
        %dma_wait3A_187 = tpu.memref_slice %arg11[%dma_wait3A_185, %dma_wait3A_186] : memref<10240x128xf32, #tpu.memory_space<vmem_shared>> -> memref<16x128xf32, #tpu.memory_space<vmem_shared>>
        %dma_wait3A_188 = arith.constant 0 : i32
        %dma_wait3A_189 = arith.constant 0 : i32
        %dma_wait3A_190 = tpu.memref_slice %arg9[%dma_wait3A_188, %dma_wait3A_189] : memref<128x128xf32, #tpu.memory_space<vmem>> -> memref<16x128xf32, #tpu.memory_space<vmem>>
        %dma_wait3A_191 = arith.constant 9984 : i32
        %dma_wait3A_192 = arith.constant 0 : i32
        %dma_wait3A_193 = tpu.memref_slice %arg11[%dma_wait3A_191, %dma_wait3A_192] : memref<10240x128xf32, #tpu.memory_space<vmem_shared>> -> memref<16x128xf32, #tpu.memory_space<vmem_shared>>
        tpu.wait_dma2 semaphore(%run_scoped3A : memref<!tpu.dma_semaphore, #tpu.memory_space<semaphore_mem>>) src(%dma_wait3A_193 : memref<16x128xf32, #tpu.memory_space<vmem_shared>>) dst(%dma_wait3A_190 : memref<16x128xf32, #tpu.memory_space<vmem>>)
        tpu.yield
      }) : () -> ()
      %add3A_168 = arith.constant 9984 : i32
      %add3A_169 = arith.addi %mul3A_3, %add3A_168 : i32
      "tpu.region"() ({
        %run_scoped3A = tpu.sem_alloc : memref<!tpu.dma_semaphore, #tpu.memory_space<semaphore_mem>>
        %dma_start3A_170 = arith.constant 0 : i32
        %dma_start3A_171 = arith.constant 0 : i32
        %dma_start3A_172 = tpu.memref_slice %arg9[%dma_start3A_170, %dma_start3A_171] : memref<128x128xf32, #tpu.memory_space<vmem>> -> memref<16x128xf32, #tpu.memory_space<vmem>>
        %dma_start3A_173 = arith.constant 0 : i32
        %dma_start3A_174 = tpu.memref_slice %arg6[%add3A_169, %dma_start3A_173] : memref<40000x128xf32, #tpu.memory_space<hbm>> -> memref<16x128xf32, #tpu.memory_space<hbm>>
        %dma_start3A_175 = arith.constant 0 : i32
        %dma_start3A_176 = tpu.memref_slice %arg6[%add3A_169, %dma_start3A_175] : memref<40000x128xf32, #tpu.memory_space<hbm>> -> memref<16x128xf32, #tpu.memory_space<hbm>>
        %dma_start3A_177 = arith.constant 0 : i32
        %dma_start3A_178 = arith.constant 0 : i32
        %dma_start3A_179 = tpu.memref_slice %arg9[%dma_start3A_177, %dma_start3A_178] : memref<128x128xf32, #tpu.memory_space<vmem>> -> memref<16x128xf32, #tpu.memory_space<vmem>>
        tpu.enqueue_dma source(%dma_start3A_179 : memref<16x128xf32, #tpu.memory_space<vmem>>) target(%dma_start3A_176 : memref<16x128xf32, #tpu.memory_space<hbm>>) target_semaphore(%run_scoped3A : memref<!tpu.dma_semaphore, #tpu.memory_space<semaphore_mem>>)
        %dma_wait3A_180 = arith.constant 0 : i32
        %dma_wait3A_181 = arith.constant 0 : i32
        %dma_wait3A_182 = tpu.memref_slice %arg9[%dma_wait3A_180, %dma_wait3A_181] : memref<128x128xf32, #tpu.memory_space<vmem>> -> memref<16x128xf32, #tpu.memory_space<vmem>>
        %dma_wait3A_183 = arith.constant 0 : i32
        %dma_wait3A_184 = tpu.memref_slice %arg6[%add3A_169, %dma_wait3A_183] : memref<40000x128xf32, #tpu.memory_space<hbm>> -> memref<16x128xf32, #tpu.memory_space<hbm>>
        %dma_wait3A_185 = arith.constant 0 : i32
        %dma_wait3A_186 = tpu.memref_slice %arg6[%add3A_169, %dma_wait3A_185] : memref<40000x128xf32, #tpu.memory_space<hbm>> -> memref<16x128xf32, #tpu.memory_space<hbm>>
        %dma_wait3A_187 = arith.constant 0 : i32
        %dma_wait3A_188 = arith.constant 0 : i32
        %dma_wait3A_189 = tpu.memref_slice %arg9[%dma_wait3A_187, %dma_wait3A_188] : memref<128x128xf32, #tpu.memory_space<vmem>> -> memref<16x128xf32, #tpu.memory_space<vmem>>
        tpu.wait_dma2 semaphore(%run_scoped3A : memref<!tpu.dma_semaphore, #tpu.memory_space<semaphore_mem>>) src(%dma_wait3A_189 : memref<16x128xf32, #tpu.memory_space<vmem>>) dst(%dma_wait3A_186 : memref<16x128xf32, #tpu.memory_space<hbm>>)
        tpu.yield
      }) : () -> ()
    } else {
    }
    %barrier3A_79 = arith.constant 0 : index
    tpu.barrier barrier_id(%barrier3A_79)
    %mul3A_80 = arith.constant 2 : i32
    %mul3A_81 = arith.muli %arg0, %mul3A_80 : i32
    %add3A_82 = arith.constant 1 : i32
    %add3A_83 = arith.addi %mul3A_81, %add3A_82 : i32
    %mul3A_84 = arith.constant 10000 : i32
    %mul3A_85 = arith.muli %add3A_83, %mul3A_84 : i32
    %mul3A_86 = arith.constant 640 : i32
    %mul3A_87 = arith.muli %arg1, %mul3A_86 : i32
    "tpu.region"() ({
      %run_scoped3A = tpu.sem_alloc : memref<!tpu.dma_semaphore, #tpu.memory_space<semaphore_mem>>
      %dma_start3A_168 = arith.constant 0 : i32
      %dma_start3A_169 = tpu.memref_slice %arg11[%mul3A_87, %dma_start3A_168] : memref<10240x128xf32, #tpu.memory_space<vmem_shared>> -> memref<640x128xf32, #tpu.memory_space<vmem_shared>>
      tpu.enqueue_dma source(%arg5 : memref<640x128xf32, #tpu.memory_space<hbm>>) target(%dma_start3A_169 : memref<640x128xf32, #tpu.memory_space<vmem_shared>>) target_semaphore(%run_scoped3A : memref<!tpu.dma_semaphore, #tpu.memory_space<semaphore_mem>>)
      %dma_wait3A_170 = arith.constant 0 : i32
      %dma_wait3A_171 = tpu.memref_slice %arg11[%mul3A_87, %dma_wait3A_170] : memref<10240x128xf32, #tpu.memory_space<vmem_shared>> -> memref<640x128xf32, #tpu.memory_space<vmem_shared>>
      tpu.wait_dma2 semaphore(%run_scoped3A : memref<!tpu.dma_semaphore, #tpu.memory_space<semaphore_mem>>) src(%arg5 : memref<640x128xf32, #tpu.memory_space<hbm>>) dst(%dma_wait3A_171 : memref<640x128xf32, #tpu.memory_space<vmem_shared>>)
      tpu.yield
    }) : () -> ()
    %barrier3A_88 = arith.constant 0 : index
    tpu.barrier barrier_id(%barrier3A_88)
    %mul3A_89 = arith.constant 163840 : i32
    %mul3A_90 = arith.muli %add3A_83, %mul3A_89 : i32
    %mul3A_91 = arith.constant 10240 : i32
    %mul3A_92 = arith.muli %arg1, %mul3A_91 : i32
    %add3A_93 = arith.addi %mul3A_90, %mul3A_92 : i32
    %add3A_94 = arith.constant 0 : i32
    %add3A_95 = arith.addi %add3A_93, %add3A_94 : i32
    "tpu.region"() ({
      %run_scoped3A = tpu.sem_alloc : memref<!tpu.dma_semaphore, #tpu.memory_space<semaphore_mem>>
      %dma_start3A_168 = tpu.memref_slice %arg3[%add3A_95] : memref<655360xi32, #tpu.memory_space<hbm>> -> memref<5120xi32, #tpu.memory_space<hbm>>
      %dma_start3A_169 = tpu.memref_slice %arg3[%add3A_95] : memref<655360xi32, #tpu.memory_space<hbm>> -> memref<5120xi32, #tpu.memory_space<hbm>>
      tpu.enqueue_dma source(%dma_start3A_169 : memref<5120xi32, #tpu.memory_space<hbm>>) target(%arg7 : memref<5120xi32, #tpu.memory_space<vmem>>) target_semaphore(%run_scoped3A : memref<!tpu.dma_semaphore, #tpu.memory_space<semaphore_mem>>)
      %dma_wait3A_170 = tpu.memref_slice %arg3[%add3A_95] : memref<655360xi32, #tpu.memory_space<hbm>> -> memref<5120xi32, #tpu.memory_space<hbm>>
      %dma_wait3A_171 = tpu.memref_slice %arg3[%add3A_95] : memref<655360xi32, #tpu.memory_space<hbm>> -> memref<5120xi32, #tpu.memory_space<hbm>>
      tpu.wait_dma2 semaphore(%run_scoped3A : memref<!tpu.dma_semaphore, #tpu.memory_space<semaphore_mem>>) src(%dma_wait3A_171 : memref<5120xi32, #tpu.memory_space<hbm>>) dst(%arg7 : memref<5120xi32, #tpu.memory_space<vmem>>)
      tpu.yield
    }) : () -> ()
    "tpu.region"() ({
      %run_scoped3A = tpu.sem_alloc : memref<!tpu.dma_semaphore, #tpu.memory_space<semaphore_mem>>
      %dma_start3A_168 = arith.constant 0 : i32
      %dma_start3A_169 = arith.constant 0 : i32
      %dma_start3A_170 = tpu.memref_slice %arg4[%arg1, %dma_start3A_168, %dma_start3A_169] : memref<16x80x128xi32, #tpu.memory_space<hbm>> -> memref<1x40x128xi32, #tpu.memory_space<hbm>>
      %dma_start3A_171 = tpu.memref_squeeze %dma_start3A_170 : memref<1x40x128xi32, #tpu.memory_space<hbm>> -> memref<40x128xi32, #tpu.memory_space<hbm>>
      %dma_start3A_172 = arith.constant 0 : i32
      %dma_start3A_173 = arith.constant 0 : i32
      %dma_start3A_174 = tpu.memref_slice %arg4[%arg1, %dma_start3A_172, %dma_start3A_173] : memref<16x80x128xi32, #tpu.memory_space<hbm>> -> memref<1x40x128xi32, #tpu.memory_space<hbm>>
      %dma_start3A_175 = tpu.memref_squeeze %dma_start3A_174 : memref<1x40x128xi32, #tpu.memory_space<hbm>> -> memref<40x128xi32, #tpu.memory_space<hbm>>
      tpu.enqueue_dma source(%dma_start3A_175 : memref<40x128xi32, #tpu.memory_space<hbm>>) target(%arg8 : memref<40x128xi32, #tpu.memory_space<vmem>>) target_semaphore(%run_scoped3A : memref<!tpu.dma_semaphore, #tpu.memory_space<semaphore_mem>>)
      %dma_wait3A_176 = arith.constant 0 : i32
      %dma_wait3A_177 = arith.constant 0 : i32
      %dma_wait3A_178 = tpu.memref_slice %arg4[%arg1, %dma_wait3A_176, %dma_wait3A_177] : memref<16x80x128xi32, #tpu.memory_space<hbm>> -> memref<1x40x128xi32, #tpu.memory_space<hbm>>
      %dma_wait3A_179 = tpu.memref_squeeze %dma_wait3A_178 : memref<1x40x128xi32, #tpu.memory_space<hbm>> -> memref<40x128xi32, #tpu.memory_space<hbm>>
      %dma_wait3A_180 = arith.constant 0 : i32
      %dma_wait3A_181 = arith.constant 0 : i32
      %dma_wait3A_182 = tpu.memref_slice %arg4[%arg1, %dma_wait3A_180, %dma_wait3A_181] : memref<16x80x128xi32, #tpu.memory_space<hbm>> -> memref<1x40x128xi32, #tpu.memory_space<hbm>>
      %dma_wait3A_183 = tpu.memref_squeeze %dma_wait3A_182 : memref<1x40x128xi32, #tpu.memory_space<hbm>> -> memref<40x128xi32, #tpu.memory_space<hbm>>
      tpu.wait_dma2 semaphore(%run_scoped3A : memref<!tpu.dma_semaphore, #tpu.memory_space<semaphore_mem>>) src(%dma_wait3A_183 : memref<40x128xi32, #tpu.memory_space<hbm>>) dst(%arg8 : memref<40x128xi32, #tpu.memory_space<vmem>>)
      tpu.yield
    }) : () -> ()
    %dma_start3A_96 = arith.constant 0 : i32
    %dma_start3A_97 = tpu.memref_slice %arg7[%dma_start3A_96] : memref<5120xi32, #tpu.memory_space<vmem>> -> memref<128xi32, #tpu.memory_space<vmem>>
    %dma_start3A_98 = arith.constant 0 : i32
    %dma_start3A_99 = arith.constant 0 : i32
    %dma_start3A_100 = tpu.memref_slice %arg2[%dma_start3A_98, %dma_start3A_99] : memref<40000x128xf32, #tpu.memory_space<hbm>> -> memref<40000x128xf32, #tpu.memory_space<hbm>>
    tpu.enqueue_indirect_dma source(%dma_start3A_100 : memref<40000x128xf32, #tpu.memory_space<hbm>>) target(%arg9 : memref<128x128xf32, #tpu.memory_space<vmem>>) offsets(%dma_start3A_97 : memref<128xi32, #tpu.memory_space<vmem>>) semaphore(%arg12 : memref<!tpu.dma_semaphore, #tpu.memory_space<semaphore_mem>>)
    %scan3A_101 = arith.constant 0 : i32
    %scan3A_102 = arith.constant 0 : i32
    %scan3A_103 = arith.constant 20 : i32
    %scan3A_104 = arith.addi %scan3A_102, %scan3A_103 : i32
    %scan3A_105 = arith.constant 1 : i32
    scf.for %scan3A_168 = %scan3A_102 to %scan3A_104 step %scan3A_105  : i32 {
      %mul3A_169 = arith.constant 2 : i32
      %mul3A_170 = arith.muli %mul3A_169, %scan3A_168 : i32
      %add3A_171 = arith.constant 1 : i32
      %add3A_172 = arith.addi %mul3A_170, %add3A_171 : i32
      %mul3A_173 = arith.constant 128 : i32
      %mul3A_174 = arith.muli %add3A_172, %mul3A_173 : i32
      %dma_start3A_175 = tpu.memref_slice %arg7[%mul3A_174] : memref<5120xi32, #tpu.memory_space<vmem>> -> memref<128xi32, #tpu.memory_space<vmem>>
      %dma_start3A_176 = arith.constant 0 : i32
      %dma_start3A_177 = arith.constant 0 : i32
      %dma_start3A_178 = tpu.memref_slice %arg2[%dma_start3A_176, %dma_start3A_177] : memref<40000x128xf32, #tpu.memory_space<hbm>> -> memref<40000x128xf32, #tpu.memory_space<hbm>>
      tpu.enqueue_indirect_dma source(%dma_start3A_178 : memref<40000x128xf32, #tpu.memory_space<hbm>>) target(%arg10 : memref<128x128xf32, #tpu.memory_space<vmem>>) offsets(%dma_start3A_175 : memref<128xi32, #tpu.memory_space<vmem>>) semaphore(%arg13 : memref<!tpu.dma_semaphore, #tpu.memory_space<semaphore_mem>>)
      %dma_wait3A_179 = arith.constant 0 : i32
      %dma_wait3A_180 = arith.constant 0 : i32
      %dma_wait3A_181 = tpu.memref_slice %arg2[%dma_wait3A_179, %dma_wait3A_180] : memref<40000x128xf32, #tpu.memory_space<hbm>> -> memref<128x128xf32, #tpu.memory_space<hbm>>
      %dma_wait3A_182 = arith.constant 0 : i32
      %dma_wait3A_183 = arith.constant 0 : i32
      %dma_wait3A_184 = tpu.memref_slice %arg2[%dma_wait3A_182, %dma_wait3A_183] : memref<40000x128xf32, #tpu.memory_space<hbm>> -> memref<128x128xf32, #tpu.memory_space<hbm>>
      tpu.wait_dma2 semaphore(%arg12 : memref<!tpu.dma_semaphore, #tpu.memory_space<semaphore_mem>>) src(%dma_wait3A_184 : memref<128x128xf32, #tpu.memory_space<hbm>>) dst(%arg9 : memref<128x128xf32, #tpu.memory_space<vmem>>)
      %mul3A_185 = arith.constant 2 : i32
      %mul3A_186 = arith.muli %mul3A_185, %scan3A_168 : i32
      "tpu.region"() ({
        %run_scoped3A = tpu.sem_alloc : memref<!tpu.dma_semaphore, #tpu.memory_space<semaphore_mem>>
        %dma_start3A_208 = arith.constant 0 : i32
        %dma_start3A_209 = tpu.memref_slice %arg8[%mul3A_186, %dma_start3A_208] : memref<40x128xi32, #tpu.memory_space<vmem>> -> memref<1x128xi32, #tpu.memory_space<vmem>>
        %dma_start3A_210 = tpu.memref_squeeze %dma_start3A_209 : memref<1x128xi32, #tpu.memory_space<vmem>> -> memref<128xi32, #tpu.memory_space<vmem>>
        %dma_start3A_211 = arith.constant 0 : i32
        %dma_start3A_212 = arith.constant 0 : i32
        %dma_start3A_213 = tpu.memref_slice %arg11[%dma_start3A_211, %dma_start3A_212] : memref<10240x128xf32, #tpu.memory_space<vmem_shared>> -> memref<10240x128xf32, #tpu.memory_space<vmem_shared>>
        tpu.enqueue_indirect_dma source(%arg9 : memref<128x128xf32, #tpu.memory_space<vmem>>) target(%dma_start3A_213 : memref<10240x128xf32, #tpu.memory_space<vmem_shared>>) offsets(%dma_start3A_210 : memref<128xi32, #tpu.memory_space<vmem>>) semaphore(%run_scoped3A : memref<!tpu.dma_semaphore, #tpu.memory_space<semaphore_mem>>) {add = true}
        %dma_wait3A_214 = arith.constant 0 : i32
        %dma_wait3A_215 = tpu.memref_slice %arg8[%mul3A_186, %dma_wait3A_214] : memref<40x128xi32, #tpu.memory_space<vmem>> -> memref<1x128xi32, #tpu.memory_space<vmem>>
        %dma_wait3A_216 = tpu.memref_squeeze %dma_wait3A_215 : memref<1x128xi32, #tpu.memory_space<vmem>> -> memref<128xi32, #tpu.memory_space<vmem>>
        %dma_wait3A_217 = arith.constant 0 : i32
        %dma_wait3A_218 = arith.constant 0 : i32
        %dma_wait3A_219 = tpu.memref_slice %arg11[%dma_wait3A_217, %dma_wait3A_218] : memref<10240x128xf32, #tpu.memory_space<vmem_shared>> -> memref<10240x128xf32, #tpu.memory_space<vmem_shared>>
        tpu.wait_indirect_dma semaphore(%run_scoped3A : memref<!tpu.dma_semaphore, #tpu.memory_space<semaphore_mem>>) src(%arg9 : memref<128x128xf32, #tpu.memory_space<vmem>>) dst(%dma_wait3A_219 : memref<10240x128xf32, #tpu.memory_space<vmem_shared>>)
        tpu.yield
      }) : () -> ()
      %mul3A_187 = arith.constant 2 : i32
      %mul3A_188 = arith.muli %mul3A_187, %scan3A_168 : i32
      %add3A_189 = arith.constant 2 : i32
      %add3A_190 = arith.addi %mul3A_188, %add3A_189 : i32
      %min3A = arith.constant 39 : i32
      %min3A_191 = arith.minsi %add3A_190, %min3A : i32
      %mul3A_192 = arith.constant 128 : i32
      %mul3A_193 = arith.muli %min3A_191, %mul3A_192 : i32
      %dma_start3A_194 = tpu.memref_slice %arg7[%mul3A_193] : memref<5120xi32, #tpu.memory_space<vmem>> -> memref<128xi32, #tpu.memory_space<vmem>>
      %dma_start3A_195 = arith.constant 0 : i32
      %dma_start3A_196 = arith.constant 0 : i32
      %dma_start3A_197 = tpu.memref_slice %arg2[%dma_start3A_195, %dma_start3A_196] : memref<40000x128xf32, #tpu.memory_space<hbm>> -> memref<40000x128xf32, #tpu.memory_space<hbm>>
      tpu.enqueue_indirect_dma source(%dma_start3A_197 : memref<40000x128xf32, #tpu.memory_space<hbm>>) target(%arg9 : memref<128x128xf32, #tpu.memory_space<vmem>>) offsets(%dma_start3A_194 : memref<128xi32, #tpu.memory_space<vmem>>) semaphore(%arg12 : memref<!tpu.dma_semaphore, #tpu.memory_space<semaphore_mem>>)
      %dma_wait3A_198 = arith.constant 0 : i32
      %dma_wait3A_199 = arith.constant 0 : i32
      %dma_wait3A_200 = tpu.memref_slice %arg2[%dma_wait3A_198, %dma_wait3A_199] : memref<40000x128xf32, #tpu.memory_space<hbm>> -> memref<128x128xf32, #tpu.memory_space<hbm>>
      %dma_wait3A_201 = arith.constant 0 : i32
      %dma_wait3A_202 = arith.constant 0 : i32
      %dma_wait3A_203 = tpu.memref_slice %arg2[%dma_wait3A_201, %dma_wait3A_202] : memref<40000x128xf32, #tpu.memory_space<hbm>> -> memref<128x128xf32, #tpu.memory_space<hbm>>
      tpu.wait_dma2 semaphore(%arg13 : memref<!tpu.dma_semaphore, #tpu.memory_space<semaphore_mem>>) src(%dma_wait3A_203 : memref<128x128xf32, #tpu.memory_space<hbm>>) dst(%arg10 : memref<128x128xf32, #tpu.memory_space<vmem>>)
      %mul3A_204 = arith.constant 2 : i32
      %mul3A_205 = arith.muli %mul3A_204, %scan3A_168 : i32
      %add3A_206 = arith.constant 1 : i32
      %add3A_207 = arith.addi %mul3A_205, %add3A_206 : i32
      "tpu.region"() ({
        %run_scoped3A = tpu.sem_alloc : memref<!tpu.dma_semaphore, #tpu.memory_space<semaphore_mem>>
        %dma_start3A_208 = arith.constant 0 : i32
        %dma_start3A_209 = tpu.memref_slice %arg8[%add3A_207, %dma_start3A_208] : memref<40x128xi32, #tpu.memory_space<vmem>> -> memref<1x128xi32, #tpu.memory_space<vmem>>
        %dma_start3A_210 = tpu.memref_squeeze %dma_start3A_209 : memref<1x128xi32, #tpu.memory_space<vmem>> -> memref<128xi32, #tpu.memory_space<vmem>>
        %dma_start3A_211 = arith.constant 0 : i32
        %dma_start3A_212 = arith.constant 0 : i32
        %dma_start3A_213 = tpu.memref_slice %arg11[%dma_start3A_211, %dma_start3A_212] : memref<10240x128xf32, #tpu.memory_space<vmem_shared>> -> memref<10240x128xf32, #tpu.memory_space<vmem_shared>>
        tpu.enqueue_indirect_dma source(%arg10 : memref<128x128xf32, #tpu.memory_space<vmem>>) target(%dma_start3A_213 : memref<10240x128xf32, #tpu.memory_space<vmem_shared>>) offsets(%dma_start3A_210 : memref<128xi32, #tpu.memory_space<vmem>>) semaphore(%run_scoped3A : memref<!tpu.dma_semaphore, #tpu.memory_space<semaphore_mem>>) {add = true}
        %dma_wait3A_214 = arith.constant 0 : i32
        %dma_wait3A_215 = tpu.memref_slice %arg8[%add3A_207, %dma_wait3A_214] : memref<40x128xi32, #tpu.memory_space<vmem>> -> memref<1x128xi32, #tpu.memory_space<vmem>>
        %dma_wait3A_216 = tpu.memref_squeeze %dma_wait3A_215 : memref<1x128xi32, #tpu.memory_space<vmem>> -> memref<128xi32, #tpu.memory_space<vmem>>
        %dma_wait3A_217 = arith.constant 0 : i32
        %dma_wait3A_218 = arith.constant 0 : i32
        %dma_wait3A_219 = tpu.memref_slice %arg11[%dma_wait3A_217, %dma_wait3A_218] : memref<10240x128xf32, #tpu.memory_space<vmem_shared>> -> memref<10240x128xf32, #tpu.memory_space<vmem_shared>>
        tpu.wait_indirect_dma semaphore(%run_scoped3A : memref<!tpu.dma_semaphore, #tpu.memory_space<semaphore_mem>>) src(%arg10 : memref<128x128xf32, #tpu.memory_space<vmem>>) dst(%dma_wait3A_219 : memref<10240x128xf32, #tpu.memory_space<vmem_shared>>)
        tpu.yield
      }) : () -> ()
    }
    %scan3A_106 = arith.constant 20 : i32
    %dma_wait3A_107 = arith.constant 0 : i32
    %dma_wait3A_108 = arith.constant 0 : i32
    %dma_wait3A_109 = tpu.memref_slice %arg2[%dma_wait3A_107, %dma_wait3A_108] : memref<40000x128xf32, #tpu.memory_space<hbm>> -> memref<128x128xf32, #tpu.memory_space<hbm>>
    %dma_wait3A_110 = arith.constant 0 : i32
    %dma_wait3A_111 = arith.constant 0 : i32
    %dma_wait3A_112 = tpu.memref_slice %arg2[%dma_wait3A_110, %dma_wait3A_111] : memref<40000x128xf32, #tpu.memory_space<hbm>> -> memref<128x128xf32, #tpu.memory_space<hbm>>
    tpu.wait_dma2 semaphore(%arg12 : memref<!tpu.dma_semaphore, #tpu.memory_space<semaphore_mem>>) src(%dma_wait3A_112 : memref<128x128xf32, #tpu.memory_space<hbm>>) dst(%arg9 : memref<128x128xf32, #tpu.memory_space<vmem>>)
    %mul3A_113 = arith.constant 163840 : i32
    %mul3A_114 = arith.muli %add3A_83, %mul3A_113 : i32
    %mul3A_115 = arith.constant 10240 : i32
    %mul3A_116 = arith.muli %arg1, %mul3A_115 : i32
    %add3A_117 = arith.addi %mul3A_114, %mul3A_116 : i32
    %add3A_118 = arith.constant 5120 : i32
    %add3A_119 = arith.addi %add3A_117, %add3A_118 : i32
    "tpu.region"() ({
      %run_scoped3A = tpu.sem_alloc : memref<!tpu.dma_semaphore, #tpu.memory_space<semaphore_mem>>
      %dma_start3A_168 = tpu.memref_slice %arg3[%add3A_119] : memref<655360xi32, #tpu.memory_space<hbm>> -> memref<5120xi32, #tpu.memory_space<hbm>>
      %dma_start3A_169 = tpu.memref_slice %arg3[%add3A_119] : memref<655360xi32, #tpu.memory_space<hbm>> -> memref<5120xi32, #tpu.memory_space<hbm>>
      tpu.enqueue_dma source(%dma_start3A_169 : memref<5120xi32, #tpu.memory_space<hbm>>) target(%arg7 : memref<5120xi32, #tpu.memory_space<vmem>>) target_semaphore(%run_scoped3A : memref<!tpu.dma_semaphore, #tpu.memory_space<semaphore_mem>>)
      %dma_wait3A_170 = tpu.memref_slice %arg3[%add3A_119] : memref<655360xi32, #tpu.memory_space<hbm>> -> memref<5120xi32, #tpu.memory_space<hbm>>
      %dma_wait3A_171 = tpu.memref_slice %arg3[%add3A_119] : memref<655360xi32, #tpu.memory_space<hbm>> -> memref<5120xi32, #tpu.memory_space<hbm>>
      tpu.wait_dma2 semaphore(%run_scoped3A : memref<!tpu.dma_semaphore, #tpu.memory_space<semaphore_mem>>) src(%dma_wait3A_171 : memref<5120xi32, #tpu.memory_space<hbm>>) dst(%arg7 : memref<5120xi32, #tpu.memory_space<vmem>>)
      tpu.yield
    }) : () -> ()
    "tpu.region"() ({
      %run_scoped3A = tpu.sem_alloc : memref<!tpu.dma_semaphore, #tpu.memory_space<semaphore_mem>>
      %dma_start3A_168 = arith.constant 40 : i32
      %dma_start3A_169 = arith.constant 0 : i32
      %dma_start3A_170 = tpu.memref_slice %arg4[%arg1, %dma_start3A_168, %dma_start3A_169] : memref<16x80x128xi32, #tpu.memory_space<hbm>> -> memref<1x40x128xi32, #tpu.memory_space<hbm>>
      %dma_start3A_171 = tpu.memref_squeeze %dma_start3A_170 : memref<1x40x128xi32, #tpu.memory_space<hbm>> -> memref<40x128xi32, #tpu.memory_space<hbm>>
      %dma_start3A_172 = arith.constant 40 : i32
      %dma_start3A_173 = arith.constant 0 : i32
      %dma_start3A_174 = tpu.memref_slice %arg4[%arg1, %dma_start3A_172, %dma_start3A_173] : memref<16x80x128xi32, #tpu.memory_space<hbm>> -> memref<1x40x128xi32, #tpu.memory_space<hbm>>
      %dma_start3A_175 = tpu.memref_squeeze %dma_start3A_174 : memref<1x40x128xi32, #tpu.memory_space<hbm>> -> memref<40x128xi32, #tpu.memory_space<hbm>>
      tpu.enqueue_dma source(%dma_start3A_175 : memref<40x128xi32, #tpu.memory_space<hbm>>) target(%arg8 : memref<40x128xi32, #tpu.memory_space<vmem>>) target_semaphore(%run_scoped3A : memref<!tpu.dma_semaphore, #tpu.memory_space<semaphore_mem>>)
      %dma_wait3A_176 = arith.constant 40 : i32
      %dma_wait3A_177 = arith.constant 0 : i32
      %dma_wait3A_178 = tpu.memref_slice %arg4[%arg1, %dma_wait3A_176, %dma_wait3A_177] : memref<16x80x128xi32, #tpu.memory_space<hbm>> -> memref<1x40x128xi32, #tpu.memory_space<hbm>>
      %dma_wait3A_179 = tpu.memref_squeeze %dma_wait3A_178 : memref<1x40x128xi32, #tpu.memory_space<hbm>> -> memref<40x128xi32, #tpu.memory_space<hbm>>
      %dma_wait3A_180 = arith.constant 40 : i32
      %dma_wait3A_181 = arith.constant 0 : i32
      %dma_wait3A_182 = tpu.memref_slice %arg4[%arg1, %dma_wait3A_180, %dma_wait3A_181] : memref<16x80x128xi32, #tpu.memory_space<hbm>> -> memref<1x40x128xi32, #tpu.memory_space<hbm>>
      %dma_wait3A_183 = tpu.memref_squeeze %dma_wait3A_182 : memref<1x40x128xi32, #tpu.memory_space<hbm>> -> memref<40x128xi32, #tpu.memory_space<hbm>>
      tpu.wait_dma2 semaphore(%run_scoped3A : memref<!tpu.dma_semaphore, #tpu.memory_space<semaphore_mem>>) src(%dma_wait3A_183 : memref<40x128xi32, #tpu.memory_space<hbm>>) dst(%arg8 : memref<40x128xi32, #tpu.memory_space<vmem>>)
      tpu.yield
    }) : () -> ()
    %dma_start3A_120 = arith.constant 0 : i32
    %dma_start3A_121 = tpu.memref_slice %arg7[%dma_start3A_120] : memref<5120xi32, #tpu.memory_space<vmem>> -> memref<128xi32, #tpu.memory_space<vmem>>
    %dma_start3A_122 = arith.constant 0 : i32
    %dma_start3A_123 = arith.constant 0 : i32
    %dma_start3A_124 = tpu.memref_slice %arg2[%dma_start3A_122, %dma_start3A_123] : memref<40000x128xf32, #tpu.memory_space<hbm>> -> memref<40000x128xf32, #tpu.memory_space<hbm>>
    tpu.enqueue_indirect_dma source(%dma_start3A_124 : memref<40000x128xf32, #tpu.memory_space<hbm>>) target(%arg9 : memref<128x128xf32, #tpu.memory_space<vmem>>) offsets(%dma_start3A_121 : memref<128xi32, #tpu.memory_space<vmem>>) semaphore(%arg12 : memref<!tpu.dma_semaphore, #tpu.memory_space<semaphore_mem>>)
    %scan3A_125 = arith.constant 0 : i32
    %scan3A_126 = arith.constant 0 : i32
    %scan3A_127 = arith.constant 20 : i32
    %scan3A_128 = arith.addi %scan3A_126, %scan3A_127 : i32
    %scan3A_129 = arith.constant 1 : i32
    scf.for %scan3A_168 = %scan3A_126 to %scan3A_128 step %scan3A_129  : i32 {
      %mul3A_169 = arith.constant 2 : i32
      %mul3A_170 = arith.muli %mul3A_169, %scan3A_168 : i32
      %add3A_171 = arith.constant 1 : i32
      %add3A_172 = arith.addi %mul3A_170, %add3A_171 : i32
      %mul3A_173 = arith.constant 128 : i32
      %mul3A_174 = arith.muli %add3A_172, %mul3A_173 : i32
      %dma_start3A_175 = tpu.memref_slice %arg7[%mul3A_174] : memref<5120xi32, #tpu.memory_space<vmem>> -> memref<128xi32, #tpu.memory_space<vmem>>
      %dma_start3A_176 = arith.constant 0 : i32
      %dma_start3A_177 = arith.constant 0 : i32
      %dma_start3A_178 = tpu.memref_slice %arg2[%dma_start3A_176, %dma_start3A_177] : memref<40000x128xf32, #tpu.memory_space<hbm>> -> memref<40000x128xf32, #tpu.memory_space<hbm>>
      tpu.enqueue_indirect_dma source(%dma_start3A_178 : memref<40000x128xf32, #tpu.memory_space<hbm>>) target(%arg10 : memref<128x128xf32, #tpu.memory_space<vmem>>) offsets(%dma_start3A_175 : memref<128xi32, #tpu.memory_space<vmem>>) semaphore(%arg13 : memref<!tpu.dma_semaphore, #tpu.memory_space<semaphore_mem>>)
      %dma_wait3A_179 = arith.constant 0 : i32
      %dma_wait3A_180 = arith.constant 0 : i32
      %dma_wait3A_181 = tpu.memref_slice %arg2[%dma_wait3A_179, %dma_wait3A_180] : memref<40000x128xf32, #tpu.memory_space<hbm>> -> memref<128x128xf32, #tpu.memory_space<hbm>>
      %dma_wait3A_182 = arith.constant 0 : i32
      %dma_wait3A_183 = arith.constant 0 : i32
      %dma_wait3A_184 = tpu.memref_slice %arg2[%dma_wait3A_182, %dma_wait3A_183] : memref<40000x128xf32, #tpu.memory_space<hbm>> -> memref<128x128xf32, #tpu.memory_space<hbm>>
      tpu.wait_dma2 semaphore(%arg12 : memref<!tpu.dma_semaphore, #tpu.memory_space<semaphore_mem>>) src(%dma_wait3A_184 : memref<128x128xf32, #tpu.memory_space<hbm>>) dst(%arg9 : memref<128x128xf32, #tpu.memory_space<vmem>>)
      %mul3A_185 = arith.constant 2 : i32
      %mul3A_186 = arith.muli %mul3A_185, %scan3A_168 : i32
      "tpu.region"() ({
        %run_scoped3A = tpu.sem_alloc : memref<!tpu.dma_semaphore, #tpu.memory_space<semaphore_mem>>
        %dma_start3A_208 = arith.constant 0 : i32
        %dma_start3A_209 = tpu.memref_slice %arg8[%mul3A_186, %dma_start3A_208] : memref<40x128xi32, #tpu.memory_space<vmem>> -> memref<1x128xi32, #tpu.memory_space<vmem>>
        %dma_start3A_210 = tpu.memref_squeeze %dma_start3A_209 : memref<1x128xi32, #tpu.memory_space<vmem>> -> memref<128xi32, #tpu.memory_space<vmem>>
        %dma_start3A_211 = arith.constant 0 : i32
        %dma_start3A_212 = arith.constant 0 : i32
        %dma_start3A_213 = tpu.memref_slice %arg11[%dma_start3A_211, %dma_start3A_212] : memref<10240x128xf32, #tpu.memory_space<vmem_shared>> -> memref<10240x128xf32, #tpu.memory_space<vmem_shared>>
        tpu.enqueue_indirect_dma source(%arg9 : memref<128x128xf32, #tpu.memory_space<vmem>>) target(%dma_start3A_213 : memref<10240x128xf32, #tpu.memory_space<vmem_shared>>) offsets(%dma_start3A_210 : memref<128xi32, #tpu.memory_space<vmem>>) semaphore(%run_scoped3A : memref<!tpu.dma_semaphore, #tpu.memory_space<semaphore_mem>>) {add = true}
        %dma_wait3A_214 = arith.constant 0 : i32
        %dma_wait3A_215 = tpu.memref_slice %arg8[%mul3A_186, %dma_wait3A_214] : memref<40x128xi32, #tpu.memory_space<vmem>> -> memref<1x128xi32, #tpu.memory_space<vmem>>
        %dma_wait3A_216 = tpu.memref_squeeze %dma_wait3A_215 : memref<1x128xi32, #tpu.memory_space<vmem>> -> memref<128xi32, #tpu.memory_space<vmem>>
        %dma_wait3A_217 = arith.constant 0 : i32
        %dma_wait3A_218 = arith.constant 0 : i32
        %dma_wait3A_219 = tpu.memref_slice %arg11[%dma_wait3A_217, %dma_wait3A_218] : memref<10240x128xf32, #tpu.memory_space<vmem_shared>> -> memref<10240x128xf32, #tpu.memory_space<vmem_shared>>
        tpu.wait_indirect_dma semaphore(%run_scoped3A : memref<!tpu.dma_semaphore, #tpu.memory_space<semaphore_mem>>) src(%arg9 : memref<128x128xf32, #tpu.memory_space<vmem>>) dst(%dma_wait3A_219 : memref<10240x128xf32, #tpu.memory_space<vmem_shared>>)
        tpu.yield
      }) : () -> ()
      %mul3A_187 = arith.constant 2 : i32
      %mul3A_188 = arith.muli %mul3A_187, %scan3A_168 : i32
      %add3A_189 = arith.constant 2 : i32
      %add3A_190 = arith.addi %mul3A_188, %add3A_189 : i32
      %min3A = arith.constant 39 : i32
      %min3A_191 = arith.minsi %add3A_190, %min3A : i32
      %mul3A_192 = arith.constant 128 : i32
      %mul3A_193 = arith.muli %min3A_191, %mul3A_192 : i32
      %dma_start3A_194 = tpu.memref_slice %arg7[%mul3A_193] : memref<5120xi32, #tpu.memory_space<vmem>> -> memref<128xi32, #tpu.memory_space<vmem>>
      %dma_start3A_195 = arith.constant 0 : i32
      %dma_start3A_196 = arith.constant 0 : i32
      %dma_start3A_197 = tpu.memref_slice %arg2[%dma_start3A_195, %dma_start3A_196] : memref<40000x128xf32, #tpu.memory_space<hbm>> -> memref<40000x128xf32, #tpu.memory_space<hbm>>
      tpu.enqueue_indirect_dma source(%dma_start3A_197 : memref<40000x128xf32, #tpu.memory_space<hbm>>) target(%arg9 : memref<128x128xf32, #tpu.memory_space<vmem>>) offsets(%dma_start3A_194 : memref<128xi32, #tpu.memory_space<vmem>>) semaphore(%arg12 : memref<!tpu.dma_semaphore, #tpu.memory_space<semaphore_mem>>)
      %dma_wait3A_198 = arith.constant 0 : i32
      %dma_wait3A_199 = arith.constant 0 : i32
      %dma_wait3A_200 = tpu.memref_slice %arg2[%dma_wait3A_198, %dma_wait3A_199] : memref<40000x128xf32, #tpu.memory_space<hbm>> -> memref<128x128xf32, #tpu.memory_space<hbm>>
      %dma_wait3A_201 = arith.constant 0 : i32
      %dma_wait3A_202 = arith.constant 0 : i32
      %dma_wait3A_203 = tpu.memref_slice %arg2[%dma_wait3A_201, %dma_wait3A_202] : memref<40000x128xf32, #tpu.memory_space<hbm>> -> memref<128x128xf32, #tpu.memory_space<hbm>>
      tpu.wait_dma2 semaphore(%arg13 : memref<!tpu.dma_semaphore, #tpu.memory_space<semaphore_mem>>) src(%dma_wait3A_203 : memref<128x128xf32, #tpu.memory_space<hbm>>) dst(%arg10 : memref<128x128xf32, #tpu.memory_space<vmem>>)
      %mul3A_204 = arith.constant 2 : i32
      %mul3A_205 = arith.muli %mul3A_204, %scan3A_168 : i32
      %add3A_206 = arith.constant 1 : i32
      %add3A_207 = arith.addi %mul3A_205, %add3A_206 : i32
      "tpu.region"() ({
        %run_scoped3A = tpu.sem_alloc : memref<!tpu.dma_semaphore, #tpu.memory_space<semaphore_mem>>
        %dma_start3A_208 = arith.constant 0 : i32
        %dma_start3A_209 = tpu.memref_slice %arg8[%add3A_207, %dma_start3A_208] : memref<40x128xi32, #tpu.memory_space<vmem>> -> memref<1x128xi32, #tpu.memory_space<vmem>>
        %dma_start3A_210 = tpu.memref_squeeze %dma_start3A_209 : memref<1x128xi32, #tpu.memory_space<vmem>> -> memref<128xi32, #tpu.memory_space<vmem>>
        %dma_start3A_211 = arith.constant 0 : i32
        %dma_start3A_212 = arith.constant 0 : i32
        %dma_start3A_213 = tpu.memref_slice %arg11[%dma_start3A_211, %dma_start3A_212] : memref<10240x128xf32, #tpu.memory_space<vmem_shared>> -> memref<10240x128xf32, #tpu.memory_space<vmem_shared>>
        tpu.enqueue_indirect_dma source(%arg10 : memref<128x128xf32, #tpu.memory_space<vmem>>) target(%dma_start3A_213 : memref<10240x128xf32, #tpu.memory_space<vmem_shared>>) offsets(%dma_start3A_210 : memref<128xi32, #tpu.memory_space<vmem>>) semaphore(%run_scoped3A : memref<!tpu.dma_semaphore, #tpu.memory_space<semaphore_mem>>) {add = true}
        %dma_wait3A_214 = arith.constant 0 : i32
        %dma_wait3A_215 = tpu.memref_slice %arg8[%add3A_207, %dma_wait3A_214] : memref<40x128xi32, #tpu.memory_space<vmem>> -> memref<1x128xi32, #tpu.memory_space<vmem>>
        %dma_wait3A_216 = tpu.memref_squeeze %dma_wait3A_215 : memref<1x128xi32, #tpu.memory_space<vmem>> -> memref<128xi32, #tpu.memory_space<vmem>>
        %dma_wait3A_217 = arith.constant 0 : i32
        %dma_wait3A_218 = arith.constant 0 : i32
        %dma_wait3A_219 = tpu.memref_slice %arg11[%dma_wait3A_217, %dma_wait3A_218] : memref<10240x128xf32, #tpu.memory_space<vmem_shared>> -> memref<10240x128xf32, #tpu.memory_space<vmem_shared>>
        tpu.wait_indirect_dma semaphore(%run_scoped3A : memref<!tpu.dma_semaphore, #tpu.memory_space<semaphore_mem>>) src(%arg10 : memref<128x128xf32, #tpu.memory_space<vmem>>) dst(%dma_wait3A_219 : memref<10240x128xf32, #tpu.memory_space<vmem_shared>>)
        tpu.yield
      }) : () -> ()
    }
    %scan3A_130 = arith.constant 20 : i32
    %dma_wait3A_131 = arith.constant 0 : i32
    %dma_wait3A_132 = arith.constant 0 : i32
    %dma_wait3A_133 = tpu.memref_slice %arg2[%dma_wait3A_131, %dma_wait3A_132] : memref<40000x128xf32, #tpu.memory_space<hbm>> -> memref<128x128xf32, #tpu.memory_space<hbm>>
    %dma_wait3A_134 = arith.constant 0 : i32
    %dma_wait3A_135 = arith.constant 0 : i32
    %dma_wait3A_136 = tpu.memref_slice %arg2[%dma_wait3A_134, %dma_wait3A_135] : memref<40000x128xf32, #tpu.memory_space<hbm>> -> memref<128x128xf32, #tpu.memory_space<hbm>>
    tpu.wait_dma2 semaphore(%arg12 : memref<!tpu.dma_semaphore, #tpu.memory_space<semaphore_mem>>) src(%dma_wait3A_136 : memref<128x128xf32, #tpu.memory_space<hbm>>) dst(%arg9 : memref<128x128xf32, #tpu.memory_space<vmem>>)
    %barrier3A_137 = arith.constant 0 : index
    tpu.barrier barrier_id(%barrier3A_137)
    %mul3A_138 = arith.constant 624 : i32
    %mul3A_139 = arith.muli %arg1, %mul3A_138 : i32
    %add3A_140 = arith.constant 0 : i32
    %add3A_141 = arith.addi %mul3A_139, %add3A_140 : i32
    "tpu.region"() ({
      %run_scoped3A = tpu.sem_alloc : memref<!tpu.dma_semaphore, #tpu.memory_space<semaphore_mem>>
      %dma_start3A_168 = arith.constant 0 : i32
      %dma_start3A_169 = arith.constant 0 : i32
      %dma_start3A_170 = tpu.memref_slice %arg9[%dma_start3A_168, %dma_start3A_169] : memref<128x128xf32, #tpu.memory_space<vmem>> -> memref<128x128xf32, #tpu.memory_space<vmem>>
      %dma_start3A_171 = arith.constant 0 : i32
      %dma_start3A_172 = tpu.memref_slice %arg11[%add3A_141, %dma_start3A_171] : memref<10240x128xf32, #tpu.memory_space<vmem_shared>> -> memref<128x128xf32, #tpu.memory_space<vmem_shared>>
      %dma_start3A_173 = arith.constant 0 : i32
      %dma_start3A_174 = arith.constant 0 : i32
      %dma_start3A_175 = tpu.memref_slice %arg9[%dma_start3A_173, %dma_start3A_174] : memref<128x128xf32, #tpu.memory_space<vmem>> -> memref<128x128xf32, #tpu.memory_space<vmem>>
      %dma_start3A_176 = arith.constant 0 : i32
      %dma_start3A_177 = tpu.memref_slice %arg11[%add3A_141, %dma_start3A_176] : memref<10240x128xf32, #tpu.memory_space<vmem_shared>> -> memref<128x128xf32, #tpu.memory_space<vmem_shared>>
      tpu.enqueue_dma source(%dma_start3A_177 : memref<128x128xf32, #tpu.memory_space<vmem_shared>>) target(%dma_start3A_175 : memref<128x128xf32, #tpu.memory_space<vmem>>) target_semaphore(%run_scoped3A : memref<!tpu.dma_semaphore, #tpu.memory_space<semaphore_mem>>)
      %dma_wait3A_178 = arith.constant 0 : i32
      %dma_wait3A_179 = arith.constant 0 : i32
      %dma_wait3A_180 = tpu.memref_slice %arg9[%dma_wait3A_178, %dma_wait3A_179] : memref<128x128xf32, #tpu.memory_space<vmem>> -> memref<128x128xf32, #tpu.memory_space<vmem>>
      %dma_wait3A_181 = arith.constant 0 : i32
      %dma_wait3A_182 = tpu.memref_slice %arg11[%add3A_141, %dma_wait3A_181] : memref<10240x128xf32, #tpu.memory_space<vmem_shared>> -> memref<128x128xf32, #tpu.memory_space<vmem_shared>>
      %dma_wait3A_183 = arith.constant 0 : i32
      %dma_wait3A_184 = arith.constant 0 : i32
      %dma_wait3A_185 = tpu.memref_slice %arg9[%dma_wait3A_183, %dma_wait3A_184] : memref<128x128xf32, #tpu.memory_space<vmem>> -> memref<128x128xf32, #tpu.memory_space<vmem>>
      %dma_wait3A_186 = arith.constant 0 : i32
      %dma_wait3A_187 = tpu.memref_slice %arg11[%add3A_141, %dma_wait3A_186] : memref<10240x128xf32, #tpu.memory_space<vmem_shared>> -> memref<128x128xf32, #tpu.memory_space<vmem_shared>>
      tpu.wait_dma2 semaphore(%run_scoped3A : memref<!tpu.dma_semaphore, #tpu.memory_space<semaphore_mem>>) src(%dma_wait3A_187 : memref<128x128xf32, #tpu.memory_space<vmem_shared>>) dst(%dma_wait3A_185 : memref<128x128xf32, #tpu.memory_space<vmem>>)
      tpu.yield
    }) : () -> ()
    %add3A_142 = arith.addi %mul3A_85, %add3A_141 : i32
    "tpu.region"() ({
      %run_scoped3A = tpu.sem_alloc : memref<!tpu.dma_semaphore, #tpu.memory_space<semaphore_mem>>
      %dma_start3A_168 = arith.constant 0 : i32
      %dma_start3A_169 = arith.constant 0 : i32
      %dma_start3A_170 = tpu.memref_slice %arg9[%dma_start3A_168, %dma_start3A_169] : memref<128x128xf32, #tpu.memory_space<vmem>> -> memref<128x128xf32, #tpu.memory_space<vmem>>
      %dma_start3A_171 = arith.constant 0 : i32
      %dma_start3A_172 = tpu.memref_slice %arg6[%add3A_142, %dma_start3A_171] : memref<40000x128xf32, #tpu.memory_space<hbm>> -> memref<128x128xf32, #tpu.memory_space<hbm>>
      %dma_start3A_173 = arith.constant 0 : i32
      %dma_start3A_174 = tpu.memref_slice %arg6[%add3A_142, %dma_start3A_173] : memref<40000x128xf32, #tpu.memory_space<hbm>> -> memref<128x128xf32, #tpu.memory_space<hbm>>
      %dma_start3A_175 = arith.constant 0 : i32
      %dma_start3A_176 = arith.constant 0 : i32
      %dma_start3A_177 = tpu.memref_slice %arg9[%dma_start3A_175, %dma_start3A_176] : memref<128x128xf32, #tpu.memory_space<vmem>> -> memref<128x128xf32, #tpu.memory_space<vmem>>
      tpu.enqueue_dma source(%dma_start3A_177 : memref<128x128xf32, #tpu.memory_space<vmem>>) target(%dma_start3A_174 : memref<128x128xf32, #tpu.memory_space<hbm>>) target_semaphore(%run_scoped3A : memref<!tpu.dma_semaphore, #tpu.memory_space<semaphore_mem>>)
      %dma_wait3A_178 = arith.constant 0 : i32
      %dma_wait3A_179 = arith.constant 0 : i32
      %dma_wait3A_180 = tpu.memref_slice %arg9[%dma_wait3A_178, %dma_wait3A_179] : memref<128x128xf32, #tpu.memory_space<vmem>> -> memref<128x128xf32, #tpu.memory_space<vmem>>
      %dma_wait3A_181 = arith.constant 0 : i32
      %dma_wait3A_182 = tpu.memref_slice %arg6[%add3A_142, %dma_wait3A_181] : memref<40000x128xf32, #tpu.memory_space<hbm>> -> memref<128x128xf32, #tpu.memory_space<hbm>>
      %dma_wait3A_183 = arith.constant 0 : i32
      %dma_wait3A_184 = tpu.memref_slice %arg6[%add3A_142, %dma_wait3A_183] : memref<40000x128xf32, #tpu.memory_space<hbm>> -> memref<128x128xf32, #tpu.memory_space<hbm>>
      %dma_wait3A_185 = arith.constant 0 : i32
      %dma_wait3A_186 = arith.constant 0 : i32
      %dma_wait3A_187 = tpu.memref_slice %arg9[%dma_wait3A_185, %dma_wait3A_186] : memref<128x128xf32, #tpu.memory_space<vmem>> -> memref<128x128xf32, #tpu.memory_space<vmem>>
      tpu.wait_dma2 semaphore(%run_scoped3A : memref<!tpu.dma_semaphore, #tpu.memory_space<semaphore_mem>>) src(%dma_wait3A_187 : memref<128x128xf32, #tpu.memory_space<vmem>>) dst(%dma_wait3A_184 : memref<128x128xf32, #tpu.memory_space<hbm>>)
      tpu.yield
    }) : () -> ()
    %mul3A_143 = arith.constant 624 : i32
    %mul3A_144 = arith.muli %arg1, %mul3A_143 : i32
    %add3A_145 = arith.constant 128 : i32
    %add3A_146 = arith.addi %mul3A_144, %add3A_145 : i32
    "tpu.region"() ({
      %run_scoped3A = tpu.sem_alloc : memref<!tpu.dma_semaphore, #tpu.memory_space<semaphore_mem>>
      %dma_start3A_168 = arith.constant 0 : i32
      %dma_start3A_169 = arith.constant 0 : i32
      %dma_start3A_170 = tpu.memref_slice %arg9[%dma_start3A_168, %dma_start3A_169] : memref<128x128xf32, #tpu.memory_space<vmem>> -> memref<128x128xf32, #tpu.memory_space<vmem>>
      %dma_start3A_171 = arith.constant 0 : i32
      %dma_start3A_172 = tpu.memref_slice %arg11[%add3A_146, %dma_start3A_171] : memref<10240x128xf32, #tpu.memory_space<vmem_shared>> -> memref<128x128xf32, #tpu.memory_space<vmem_shared>>
      %dma_start3A_173 = arith.constant 0 : i32
      %dma_start3A_174 = arith.constant 0 : i32
      %dma_start3A_175 = tpu.memref_slice %arg9[%dma_start3A_173, %dma_start3A_174] : memref<128x128xf32, #tpu.memory_space<vmem>> -> memref<128x128xf32, #tpu.memory_space<vmem>>
      %dma_start3A_176 = arith.constant 0 : i32
      %dma_start3A_177 = tpu.memref_slice %arg11[%add3A_146, %dma_start3A_176] : memref<10240x128xf32, #tpu.memory_space<vmem_shared>> -> memref<128x128xf32, #tpu.memory_space<vmem_shared>>
      tpu.enqueue_dma source(%dma_start3A_177 : memref<128x128xf32, #tpu.memory_space<vmem_shared>>) target(%dma_start3A_175 : memref<128x128xf32, #tpu.memory_space<vmem>>) target_semaphore(%run_scoped3A : memref<!tpu.dma_semaphore, #tpu.memory_space<semaphore_mem>>)
      %dma_wait3A_178 = arith.constant 0 : i32
      %dma_wait3A_179 = arith.constant 0 : i32
      %dma_wait3A_180 = tpu.memref_slice %arg9[%dma_wait3A_178, %dma_wait3A_179] : memref<128x128xf32, #tpu.memory_space<vmem>> -> memref<128x128xf32, #tpu.memory_space<vmem>>
      %dma_wait3A_181 = arith.constant 0 : i32
      %dma_wait3A_182 = tpu.memref_slice %arg11[%add3A_146, %dma_wait3A_181] : memref<10240x128xf32, #tpu.memory_space<vmem_shared>> -> memref<128x128xf32, #tpu.memory_space<vmem_shared>>
      %dma_wait3A_183 = arith.constant 0 : i32
      %dma_wait3A_184 = arith.constant 0 : i32
      %dma_wait3A_185 = tpu.memref_slice %arg9[%dma_wait3A_183, %dma_wait3A_184] : memref<128x128xf32, #tpu.memory_space<vmem>> -> memref<128x128xf32, #tpu.memory_space<vmem>>
      %dma_wait3A_186 = arith.constant 0 : i32
      %dma_wait3A_187 = tpu.memref_slice %arg11[%add3A_146, %dma_wait3A_186] : memref<10240x128xf32, #tpu.memory_space<vmem_shared>> -> memref<128x128xf32, #tpu.memory_space<vmem_shared>>
      tpu.wait_dma2 semaphore(%run_scoped3A : memref<!tpu.dma_semaphore, #tpu.memory_space<semaphore_mem>>) src(%dma_wait3A_187 : memref<128x128xf32, #tpu.memory_space<vmem_shared>>) dst(%dma_wait3A_185 : memref<128x128xf32, #tpu.memory_space<vmem>>)
      tpu.yield
    }) : () -> ()
    %add3A_147 = arith.addi %mul3A_85, %add3A_146 : i32
    "tpu.region"() ({
      %run_scoped3A = tpu.sem_alloc : memref<!tpu.dma_semaphore, #tpu.memory_space<semaphore_mem>>
      %dma_start3A_168 = arith.constant 0 : i32
      %dma_start3A_169 = arith.constant 0 : i32
      %dma_start3A_170 = tpu.memref_slice %arg9[%dma_start3A_168, %dma_start3A_169] : memref<128x128xf32, #tpu.memory_space<vmem>> -> memref<128x128xf32, #tpu.memory_space<vmem>>
      %dma_start3A_171 = arith.constant 0 : i32
      %dma_start3A_172 = tpu.memref_slice %arg6[%add3A_147, %dma_start3A_171] : memref<40000x128xf32, #tpu.memory_space<hbm>> -> memref<128x128xf32, #tpu.memory_space<hbm>>
      %dma_start3A_173 = arith.constant 0 : i32
      %dma_start3A_174 = tpu.memref_slice %arg6[%add3A_147, %dma_start3A_173] : memref<40000x128xf32, #tpu.memory_space<hbm>> -> memref<128x128xf32, #tpu.memory_space<hbm>>
      %dma_start3A_175 = arith.constant 0 : i32
      %dma_start3A_176 = arith.constant 0 : i32
      %dma_start3A_177 = tpu.memref_slice %arg9[%dma_start3A_175, %dma_start3A_176] : memref<128x128xf32, #tpu.memory_space<vmem>> -> memref<128x128xf32, #tpu.memory_space<vmem>>
      tpu.enqueue_dma source(%dma_start3A_177 : memref<128x128xf32, #tpu.memory_space<vmem>>) target(%dma_start3A_174 : memref<128x128xf32, #tpu.memory_space<hbm>>) target_semaphore(%run_scoped3A : memref<!tpu.dma_semaphore, #tpu.memory_space<semaphore_mem>>)
      %dma_wait3A_178 = arith.constant 0 : i32
      %dma_wait3A_179 = arith.constant 0 : i32
      %dma_wait3A_180 = tpu.memref_slice %arg9[%dma_wait3A_178, %dma_wait3A_179] : memref<128x128xf32, #tpu.memory_space<vmem>> -> memref<128x128xf32, #tpu.memory_space<vmem>>
      %dma_wait3A_181 = arith.constant 0 : i32
      %dma_wait3A_182 = tpu.memref_slice %arg6[%add3A_147, %dma_wait3A_181] : memref<40000x128xf32, #tpu.memory_space<hbm>> -> memref<128x128xf32, #tpu.memory_space<hbm>>
      %dma_wait3A_183 = arith.constant 0 : i32
      %dma_wait3A_184 = tpu.memref_slice %arg6[%add3A_147, %dma_wait3A_183] : memref<40000x128xf32, #tpu.memory_space<hbm>> -> memref<128x128xf32, #tpu.memory_space<hbm>>
      %dma_wait3A_185 = arith.constant 0 : i32
      %dma_wait3A_186 = arith.constant 0 : i32
      %dma_wait3A_187 = tpu.memref_slice %arg9[%dma_wait3A_185, %dma_wait3A_186] : memref<128x128xf32, #tpu.memory_space<vmem>> -> memref<128x128xf32, #tpu.memory_space<vmem>>
      tpu.wait_dma2 semaphore(%run_scoped3A : memref<!tpu.dma_semaphore, #tpu.memory_space<semaphore_mem>>) src(%dma_wait3A_187 : memref<128x128xf32, #tpu.memory_space<vmem>>) dst(%dma_wait3A_184 : memref<128x128xf32, #tpu.memory_space<hbm>>)
      tpu.yield
    }) : () -> ()
    %mul3A_148 = arith.constant 624 : i32
    %mul3A_149 = arith.muli %arg1, %mul3A_148 : i32
    %add3A_150 = arith.constant 256 : i32
    %add3A_151 = arith.addi %mul3A_149, %add3A_150 : i32
    "tpu.region"() ({
      %run_scoped3A = tpu.sem_alloc : memref<!tpu.dma_semaphore, #tpu.memory_space<semaphore_mem>>
      %dma_start3A_168 = arith.constant 0 : i32
      %dma_start3A_169 = arith.constant 0 : i32
      %dma_start3A_170 = tpu.memref_slice %arg9[%dma_start3A_168, %dma_start3A_169] : memref<128x128xf32, #tpu.memory_space<vmem>> -> memref<128x128xf32, #tpu.memory_space<vmem>>
      %dma_start3A_171 = arith.constant 0 : i32
      %dma_start3A_172 = tpu.memref_slice %arg11[%add3A_151, %dma_start3A_171] : memref<10240x128xf32, #tpu.memory_space<vmem_shared>> -> memref<128x128xf32, #tpu.memory_space<vmem_shared>>
      %dma_start3A_173 = arith.constant 0 : i32
      %dma_start3A_174 = arith.constant 0 : i32
      %dma_start3A_175 = tpu.memref_slice %arg9[%dma_start3A_173, %dma_start3A_174] : memref<128x128xf32, #tpu.memory_space<vmem>> -> memref<128x128xf32, #tpu.memory_space<vmem>>
      %dma_start3A_176 = arith.constant 0 : i32
      %dma_start3A_177 = tpu.memref_slice %arg11[%add3A_151, %dma_start3A_176] : memref<10240x128xf32, #tpu.memory_space<vmem_shared>> -> memref<128x128xf32, #tpu.memory_space<vmem_shared>>
      tpu.enqueue_dma source(%dma_start3A_177 : memref<128x128xf32, #tpu.memory_space<vmem_shared>>) target(%dma_start3A_175 : memref<128x128xf32, #tpu.memory_space<vmem>>) target_semaphore(%run_scoped3A : memref<!tpu.dma_semaphore, #tpu.memory_space<semaphore_mem>>)
      %dma_wait3A_178 = arith.constant 0 : i32
      %dma_wait3A_179 = arith.constant 0 : i32
      %dma_wait3A_180 = tpu.memref_slice %arg9[%dma_wait3A_178, %dma_wait3A_179] : memref<128x128xf32, #tpu.memory_space<vmem>> -> memref<128x128xf32, #tpu.memory_space<vmem>>
      %dma_wait3A_181 = arith.constant 0 : i32
      %dma_wait3A_182 = tpu.memref_slice %arg11[%add3A_151, %dma_wait3A_181] : memref<10240x128xf32, #tpu.memory_space<vmem_shared>> -> memref<128x128xf32, #tpu.memory_space<vmem_shared>>
      %dma_wait3A_183 = arith.constant 0 : i32
      %dma_wait3A_184 = arith.constant 0 : i32
      %dma_wait3A_185 = tpu.memref_slice %arg9[%dma_wait3A_183, %dma_wait3A_184] : memref<128x128xf32, #tpu.memory_space<vmem>> -> memref<128x128xf32, #tpu.memory_space<vmem>>
      %dma_wait3A_186 = arith.constant 0 : i32
      %dma_wait3A_187 = tpu.memref_slice %arg11[%add3A_151, %dma_wait3A_186] : memref<10240x128xf32, #tpu.memory_space<vmem_shared>> -> memref<128x128xf32, #tpu.memory_space<vmem_shared>>
      tpu.wait_dma2 semaphore(%run_scoped3A : memref<!tpu.dma_semaphore, #tpu.memory_space<semaphore_mem>>) src(%dma_wait3A_187 : memref<128x128xf32, #tpu.memory_space<vmem_shared>>) dst(%dma_wait3A_185 : memref<128x128xf32, #tpu.memory_space<vmem>>)
      tpu.yield
    }) : () -> ()
    %add3A_152 = arith.addi %mul3A_85, %add3A_151 : i32
    "tpu.region"() ({
      %run_scoped3A = tpu.sem_alloc : memref<!tpu.dma_semaphore, #tpu.memory_space<semaphore_mem>>
      %dma_start3A_168 = arith.constant 0 : i32
      %dma_start3A_169 = arith.constant 0 : i32
      %dma_start3A_170 = tpu.memref_slice %arg9[%dma_start3A_168, %dma_start3A_169] : memref<128x128xf32, #tpu.memory_space<vmem>> -> memref<128x128xf32, #tpu.memory_space<vmem>>
      %dma_start3A_171 = arith.constant 0 : i32
      %dma_start3A_172 = tpu.memref_slice %arg6[%add3A_152, %dma_start3A_171] : memref<40000x128xf32, #tpu.memory_space<hbm>> -> memref<128x128xf32, #tpu.memory_space<hbm>>
      %dma_start3A_173 = arith.constant 0 : i32
      %dma_start3A_174 = tpu.memref_slice %arg6[%add3A_152, %dma_start3A_173] : memref<40000x128xf32, #tpu.memory_space<hbm>> -> memref<128x128xf32, #tpu.memory_space<hbm>>
      %dma_start3A_175 = arith.constant 0 : i32
      %dma_start3A_176 = arith.constant 0 : i32
      %dma_start3A_177 = tpu.memref_slice %arg9[%dma_start3A_175, %dma_start3A_176] : memref<128x128xf32, #tpu.memory_space<vmem>> -> memref<128x128xf32, #tpu.memory_space<vmem>>
      tpu.enqueue_dma source(%dma_start3A_177 : memref<128x128xf32, #tpu.memory_space<vmem>>) target(%dma_start3A_174 : memref<128x128xf32, #tpu.memory_space<hbm>>) target_semaphore(%run_scoped3A : memref<!tpu.dma_semaphore, #tpu.memory_space<semaphore_mem>>)
      %dma_wait3A_178 = arith.constant 0 : i32
      %dma_wait3A_179 = arith.constant 0 : i32
      %dma_wait3A_180 = tpu.memref_slice %arg9[%dma_wait3A_178, %dma_wait3A_179] : memref<128x128xf32, #tpu.memory_space<vmem>> -> memref<128x128xf32, #tpu.memory_space<vmem>>
      %dma_wait3A_181 = arith.constant 0 : i32
      %dma_wait3A_182 = tpu.memref_slice %arg6[%add3A_152, %dma_wait3A_181] : memref<40000x128xf32, #tpu.memory_space<hbm>> -> memref<128x128xf32, #tpu.memory_space<hbm>>
      %dma_wait3A_183 = arith.constant 0 : i32
      %dma_wait3A_184 = tpu.memref_slice %arg6[%add3A_152, %dma_wait3A_183] : memref<40000x128xf32, #tpu.memory_space<hbm>> -> memref<128x128xf32, #tpu.memory_space<hbm>>
      %dma_wait3A_185 = arith.constant 0 : i32
      %dma_wait3A_186 = arith.constant 0 : i32
      %dma_wait3A_187 = tpu.memref_slice %arg9[%dma_wait3A_185, %dma_wait3A_186] : memref<128x128xf32, #tpu.memory_space<vmem>> -> memref<128x128xf32, #tpu.memory_space<vmem>>
      tpu.wait_dma2 semaphore(%run_scoped3A : memref<!tpu.dma_semaphore, #tpu.memory_space<semaphore_mem>>) src(%dma_wait3A_187 : memref<128x128xf32, #tpu.memory_space<vmem>>) dst(%dma_wait3A_184 : memref<128x128xf32, #tpu.memory_space<hbm>>)
      tpu.yield
    }) : () -> ()
    %mul3A_153 = arith.constant 624 : i32
    %mul3A_154 = arith.muli %arg1, %mul3A_153 : i32
    %add3A_155 = arith.constant 384 : i32
    %add3A_156 = arith.addi %mul3A_154, %add3A_155 : i32
    "tpu.region"() ({
      %run_scoped3A = tpu.sem_alloc : memref<!tpu.dma_semaphore, #tpu.memory_space<semaphore_mem>>
      %dma_start3A_168 = arith.constant 0 : i32
      %dma_start3A_169 = arith.constant 0 : i32
      %dma_start3A_170 = tpu.memref_slice %arg9[%dma_start3A_168, %dma_start3A_169] : memref<128x128xf32, #tpu.memory_space<vmem>> -> memref<128x128xf32, #tpu.memory_space<vmem>>
      %dma_start3A_171 = arith.constant 0 : i32
      %dma_start3A_172 = tpu.memref_slice %arg11[%add3A_156, %dma_start3A_171] : memref<10240x128xf32, #tpu.memory_space<vmem_shared>> -> memref<128x128xf32, #tpu.memory_space<vmem_shared>>
      %dma_start3A_173 = arith.constant 0 : i32
      %dma_start3A_174 = arith.constant 0 : i32
      %dma_start3A_175 = tpu.memref_slice %arg9[%dma_start3A_173, %dma_start3A_174] : memref<128x128xf32, #tpu.memory_space<vmem>> -> memref<128x128xf32, #tpu.memory_space<vmem>>
      %dma_start3A_176 = arith.constant 0 : i32
      %dma_start3A_177 = tpu.memref_slice %arg11[%add3A_156, %dma_start3A_176] : memref<10240x128xf32, #tpu.memory_space<vmem_shared>> -> memref<128x128xf32, #tpu.memory_space<vmem_shared>>
      tpu.enqueue_dma source(%dma_start3A_177 : memref<128x128xf32, #tpu.memory_space<vmem_shared>>) target(%dma_start3A_175 : memref<128x128xf32, #tpu.memory_space<vmem>>) target_semaphore(%run_scoped3A : memref<!tpu.dma_semaphore, #tpu.memory_space<semaphore_mem>>)
      %dma_wait3A_178 = arith.constant 0 : i32
      %dma_wait3A_179 = arith.constant 0 : i32
      %dma_wait3A_180 = tpu.memref_slice %arg9[%dma_wait3A_178, %dma_wait3A_179] : memref<128x128xf32, #tpu.memory_space<vmem>> -> memref<128x128xf32, #tpu.memory_space<vmem>>
      %dma_wait3A_181 = arith.constant 0 : i32
      %dma_wait3A_182 = tpu.memref_slice %arg11[%add3A_156, %dma_wait3A_181] : memref<10240x128xf32, #tpu.memory_space<vmem_shared>> -> memref<128x128xf32, #tpu.memory_space<vmem_shared>>
      %dma_wait3A_183 = arith.constant 0 : i32
      %dma_wait3A_184 = arith.constant 0 : i32
      %dma_wait3A_185 = tpu.memref_slice %arg9[%dma_wait3A_183, %dma_wait3A_184] : memref<128x128xf32, #tpu.memory_space<vmem>> -> memref<128x128xf32, #tpu.memory_space<vmem>>
      %dma_wait3A_186 = arith.constant 0 : i32
      %dma_wait3A_187 = tpu.memref_slice %arg11[%add3A_156, %dma_wait3A_186] : memref<10240x128xf32, #tpu.memory_space<vmem_shared>> -> memref<128x128xf32, #tpu.memory_space<vmem_shared>>
      tpu.wait_dma2 semaphore(%run_scoped3A : memref<!tpu.dma_semaphore, #tpu.memory_space<semaphore_mem>>) src(%dma_wait3A_187 : memref<128x128xf32, #tpu.memory_space<vmem_shared>>) dst(%dma_wait3A_185 : memref<128x128xf32, #tpu.memory_space<vmem>>)
      tpu.yield
    }) : () -> ()
    %add3A_157 = arith.addi %mul3A_85, %add3A_156 : i32
    "tpu.region"() ({
      %run_scoped3A = tpu.sem_alloc : memref<!tpu.dma_semaphore, #tpu.memory_space<semaphore_mem>>
      %dma_start3A_168 = arith.constant 0 : i32
      %dma_start3A_169 = arith.constant 0 : i32
      %dma_start3A_170 = tpu.memref_slice %arg9[%dma_start3A_168, %dma_start3A_169] : memref<128x128xf32, #tpu.memory_space<vmem>> -> memref<128x128xf32, #tpu.memory_space<vmem>>
      %dma_start3A_171 = arith.constant 0 : i32
      %dma_start3A_172 = tpu.memref_slice %arg6[%add3A_157, %dma_start3A_171] : memref<40000x128xf32, #tpu.memory_space<hbm>> -> memref<128x128xf32, #tpu.memory_space<hbm>>
      %dma_start3A_173 = arith.constant 0 : i32
      %dma_start3A_174 = tpu.memref_slice %arg6[%add3A_157, %dma_start3A_173] : memref<40000x128xf32, #tpu.memory_space<hbm>> -> memref<128x128xf32, #tpu.memory_space<hbm>>
      %dma_start3A_175 = arith.constant 0 : i32
      %dma_start3A_176 = arith.constant 0 : i32
      %dma_start3A_177 = tpu.memref_slice %arg9[%dma_start3A_175, %dma_start3A_176] : memref<128x128xf32, #tpu.memory_space<vmem>> -> memref<128x128xf32, #tpu.memory_space<vmem>>
      tpu.enqueue_dma source(%dma_start3A_177 : memref<128x128xf32, #tpu.memory_space<vmem>>) target(%dma_start3A_174 : memref<128x128xf32, #tpu.memory_space<hbm>>) target_semaphore(%run_scoped3A : memref<!tpu.dma_semaphore, #tpu.memory_space<semaphore_mem>>)
      %dma_wait3A_178 = arith.constant 0 : i32
      %dma_wait3A_179 = arith.constant 0 : i32
      %dma_wait3A_180 = tpu.memref_slice %arg9[%dma_wait3A_178, %dma_wait3A_179] : memref<128x128xf32, #tpu.memory_space<vmem>> -> memref<128x128xf32, #tpu.memory_space<vmem>>
      %dma_wait3A_181 = arith.constant 0 : i32
      %dma_wait3A_182 = tpu.memref_slice %arg6[%add3A_157, %dma_wait3A_181] : memref<40000x128xf32, #tpu.memory_space<hbm>> -> memref<128x128xf32, #tpu.memory_space<hbm>>
      %dma_wait3A_183 = arith.constant 0 : i32
      %dma_wait3A_184 = tpu.memref_slice %arg6[%add3A_157, %dma_wait3A_183] : memref<40000x128xf32, #tpu.memory_space<hbm>> -> memref<128x128xf32, #tpu.memory_space<hbm>>
      %dma_wait3A_185 = arith.constant 0 : i32
      %dma_wait3A_186 = arith.constant 0 : i32
      %dma_wait3A_187 = tpu.memref_slice %arg9[%dma_wait3A_185, %dma_wait3A_186] : memref<128x128xf32, #tpu.memory_space<vmem>> -> memref<128x128xf32, #tpu.memory_space<vmem>>
      tpu.wait_dma2 semaphore(%run_scoped3A : memref<!tpu.dma_semaphore, #tpu.memory_space<semaphore_mem>>) src(%dma_wait3A_187 : memref<128x128xf32, #tpu.memory_space<vmem>>) dst(%dma_wait3A_184 : memref<128x128xf32, #tpu.memory_space<hbm>>)
      tpu.yield
    }) : () -> ()
    %mul3A_158 = arith.constant 624 : i32
    %mul3A_159 = arith.muli %arg1, %mul3A_158 : i32
    %add3A_160 = arith.constant 512 : i32
    %add3A_161 = arith.addi %mul3A_159, %add3A_160 : i32
    "tpu.region"() ({
      %run_scoped3A = tpu.sem_alloc : memref<!tpu.dma_semaphore, #tpu.memory_space<semaphore_mem>>
      %dma_start3A_168 = arith.constant 0 : i32
      %dma_start3A_169 = arith.constant 0 : i32
      %dma_start3A_170 = tpu.memref_slice %arg9[%dma_start3A_168, %dma_start3A_169] : memref<128x128xf32, #tpu.memory_space<vmem>> -> memref<112x128xf32, #tpu.memory_space<vmem>>
      %dma_start3A_171 = arith.constant 0 : i32
      %dma_start3A_172 = tpu.memref_slice %arg11[%add3A_161, %dma_start3A_171] : memref<10240x128xf32, #tpu.memory_space<vmem_shared>> -> memref<112x128xf32, #tpu.memory_space<vmem_shared>>
      %dma_start3A_173 = arith.constant 0 : i32
      %dma_start3A_174 = arith.constant 0 : i32
      %dma_start3A_175 = tpu.memref_slice %arg9[%dma_start3A_173, %dma_start3A_174] : memref<128x128xf32, #tpu.memory_space<vmem>> -> memref<112x128xf32, #tpu.memory_space<vmem>>
      %dma_start3A_176 = arith.constant 0 : i32
      %dma_start3A_177 = tpu.memref_slice %arg11[%add3A_161, %dma_start3A_176] : memref<10240x128xf32, #tpu.memory_space<vmem_shared>> -> memref<112x128xf32, #tpu.memory_space<vmem_shared>>
      tpu.enqueue_dma source(%dma_start3A_177 : memref<112x128xf32, #tpu.memory_space<vmem_shared>>) target(%dma_start3A_175 : memref<112x128xf32, #tpu.memory_space<vmem>>) target_semaphore(%run_scoped3A : memref<!tpu.dma_semaphore, #tpu.memory_space<semaphore_mem>>)
      %dma_wait3A_178 = arith.constant 0 : i32
      %dma_wait3A_179 = arith.constant 0 : i32
      %dma_wait3A_180 = tpu.memref_slice %arg9[%dma_wait3A_178, %dma_wait3A_179] : memref<128x128xf32, #tpu.memory_space<vmem>> -> memref<112x128xf32, #tpu.memory_space<vmem>>
      %dma_wait3A_181 = arith.constant 0 : i32
      %dma_wait3A_182 = tpu.memref_slice %arg11[%add3A_161, %dma_wait3A_181] : memref<10240x128xf32, #tpu.memory_space<vmem_shared>> -> memref<112x128xf32, #tpu.memory_space<vmem_shared>>
      %dma_wait3A_183 = arith.constant 0 : i32
      %dma_wait3A_184 = arith.constant 0 : i32
      %dma_wait3A_185 = tpu.memref_slice %arg9[%dma_wait3A_183, %dma_wait3A_184] : memref<128x128xf32, #tpu.memory_space<vmem>> -> memref<112x128xf32, #tpu.memory_space<vmem>>
      %dma_wait3A_186 = arith.constant 0 : i32
      %dma_wait3A_187 = tpu.memref_slice %arg11[%add3A_161, %dma_wait3A_186] : memref<10240x128xf32, #tpu.memory_space<vmem_shared>> -> memref<112x128xf32, #tpu.memory_space<vmem_shared>>
      tpu.wait_dma2 semaphore(%run_scoped3A : memref<!tpu.dma_semaphore, #tpu.memory_space<semaphore_mem>>) src(%dma_wait3A_187 : memref<112x128xf32, #tpu.memory_space<vmem_shared>>) dst(%dma_wait3A_185 : memref<112x128xf32, #tpu.memory_space<vmem>>)
      tpu.yield
    }) : () -> ()
    %add3A_162 = arith.addi %mul3A_85, %add3A_161 : i32
    "tpu.region"() ({
      %run_scoped3A = tpu.sem_alloc : memref<!tpu.dma_semaphore, #tpu.memory_space<semaphore_mem>>
      %dma_start3A_168 = arith.constant 0 : i32
      %dma_start3A_169 = arith.constant 0 : i32
      %dma_start3A_170 = tpu.memref_slice %arg9[%dma_start3A_168, %dma_start3A_169] : memref<128x128xf32, #tpu.memory_space<vmem>> -> memref<112x128xf32, #tpu.memory_space<vmem>>
      %dma_start3A_171 = arith.constant 0 : i32
      %dma_start3A_172 = tpu.memref_slice %arg6[%add3A_162, %dma_start3A_171] : memref<40000x128xf32, #tpu.memory_space<hbm>> -> memref<112x128xf32, #tpu.memory_space<hbm>>
      %dma_start3A_173 = arith.constant 0 : i32
      %dma_start3A_174 = tpu.memref_slice %arg6[%add3A_162, %dma_start3A_173] : memref<40000x128xf32, #tpu.memory_space<hbm>> -> memref<112x128xf32, #tpu.memory_space<hbm>>
      %dma_start3A_175 = arith.constant 0 : i32
      %dma_start3A_176 = arith.constant 0 : i32
      %dma_start3A_177 = tpu.memref_slice %arg9[%dma_start3A_175, %dma_start3A_176] : memref<128x128xf32, #tpu.memory_space<vmem>> -> memref<112x128xf32, #tpu.memory_space<vmem>>
      tpu.enqueue_dma source(%dma_start3A_177 : memref<112x128xf32, #tpu.memory_space<vmem>>) target(%dma_start3A_174 : memref<112x128xf32, #tpu.memory_space<hbm>>) target_semaphore(%run_scoped3A : memref<!tpu.dma_semaphore, #tpu.memory_space<semaphore_mem>>)
      %dma_wait3A_178 = arith.constant 0 : i32
      %dma_wait3A_179 = arith.constant 0 : i32
      %dma_wait3A_180 = tpu.memref_slice %arg9[%dma_wait3A_178, %dma_wait3A_179] : memref<128x128xf32, #tpu.memory_space<vmem>> -> memref<112x128xf32, #tpu.memory_space<vmem>>
      %dma_wait3A_181 = arith.constant 0 : i32
      %dma_wait3A_182 = tpu.memref_slice %arg6[%add3A_162, %dma_wait3A_181] : memref<40000x128xf32, #tpu.memory_space<hbm>> -> memref<112x128xf32, #tpu.memory_space<hbm>>
      %dma_wait3A_183 = arith.constant 0 : i32
      %dma_wait3A_184 = tpu.memref_slice %arg6[%add3A_162, %dma_wait3A_183] : memref<40000x128xf32, #tpu.memory_space<hbm>> -> memref<112x128xf32, #tpu.memory_space<hbm>>
      %dma_wait3A_185 = arith.constant 0 : i32
      %dma_wait3A_186 = arith.constant 0 : i32
      %dma_wait3A_187 = tpu.memref_slice %arg9[%dma_wait3A_185, %dma_wait3A_186] : memref<128x128xf32, #tpu.memory_space<vmem>> -> memref<112x128xf32, #tpu.memory_space<vmem>>
      tpu.wait_dma2 semaphore(%run_scoped3A : memref<!tpu.dma_semaphore, #tpu.memory_space<semaphore_mem>>) src(%dma_wait3A_187 : memref<112x128xf32, #tpu.memory_space<vmem>>) dst(%dma_wait3A_184 : memref<112x128xf32, #tpu.memory_space<hbm>>)
      tpu.yield
    }) : () -> ()
    %eq3A_163 = arith.constant 15 : i32
    %eq3A_164 = arith.cmpi eq, %arg1, %eq3A_163 : i32
    %convert_element_type3A_165 = arith.extui %eq3A_164 : i1 to i32
    %cond3A_166 = arith.constant 0 : i32
    %cond3A_167 = arith.cmpi ne, %convert_element_type3A_165, %cond3A_166 : i32
    scf.if %cond3A_167 {
      "tpu.region"() ({
        %run_scoped3A = tpu.sem_alloc : memref<!tpu.dma_semaphore, #tpu.memory_space<semaphore_mem>>
        %dma_start3A_170 = arith.constant 0 : i32
        %dma_start3A_171 = arith.constant 0 : i32
        %dma_start3A_172 = tpu.memref_slice %arg9[%dma_start3A_170, %dma_start3A_171] : memref<128x128xf32, #tpu.memory_space<vmem>> -> memref<16x128xf32, #tpu.memory_space<vmem>>
        %dma_start3A_173 = arith.constant 9984 : i32
        %dma_start3A_174 = arith.constant 0 : i32
        %dma_start3A_175 = tpu.memref_slice %arg11[%dma_start3A_173, %dma_start3A_174] : memref<10240x128xf32, #tpu.memory_space<vmem_shared>> -> memref<16x128xf32, #tpu.memory_space<vmem_shared>>
        %dma_start3A_176 = arith.constant 0 : i32
        %dma_start3A_177 = arith.constant 0 : i32
        %dma_start3A_178 = tpu.memref_slice %arg9[%dma_start3A_176, %dma_start3A_177] : memref<128x128xf32, #tpu.memory_space<vmem>> -> memref<16x128xf32, #tpu.memory_space<vmem>>
        %dma_start3A_179 = arith.constant 9984 : i32
        %dma_start3A_180 = arith.constant 0 : i32
        %dma_start3A_181 = tpu.memref_slice %arg11[%dma_start3A_179, %dma_start3A_180] : memref<10240x128xf32, #tpu.memory_space<vmem_shared>> -> memref<16x128xf32, #tpu.memory_space<vmem_shared>>
        tpu.enqueue_dma source(%dma_start3A_181 : memref<16x128xf32, #tpu.memory_space<vmem_shared>>) target(%dma_start3A_178 : memref<16x128xf32, #tpu.memory_space<vmem>>) target_semaphore(%run_scoped3A : memref<!tpu.dma_semaphore, #tpu.memory_space<semaphore_mem>>)
        %dma_wait3A_182 = arith.constant 0 : i32
        %dma_wait3A_183 = arith.constant 0 : i32
        %dma_wait3A_184 = tpu.memref_slice %arg9[%dma_wait3A_182, %dma_wait3A_183] : memref<128x128xf32, #tpu.memory_space<vmem>> -> memref<16x128xf32, #tpu.memory_space<vmem>>
        %dma_wait3A_185 = arith.constant 9984 : i32
        %dma_wait3A_186 = arith.constant 0 : i32
        %dma_wait3A_187 = tpu.memref_slice %arg11[%dma_wait3A_185, %dma_wait3A_186] : memref<10240x128xf32, #tpu.memory_space<vmem_shared>> -> memref<16x128xf32, #tpu.memory_space<vmem_shared>>
        %dma_wait3A_188 = arith.constant 0 : i32
        %dma_wait3A_189 = arith.constant 0 : i32
        %dma_wait3A_190 = tpu.memref_slice %arg9[%dma_wait3A_188, %dma_wait3A_189] : memref<128x128xf32, #tpu.memory_space<vmem>> -> memref<16x128xf32, #tpu.memory_space<vmem>>
        %dma_wait3A_191 = arith.constant 9984 : i32
        %dma_wait3A_192 = arith.constant 0 : i32
        %dma_wait3A_193 = tpu.memref_slice %arg11[%dma_wait3A_191, %dma_wait3A_192] : memref<10240x128xf32, #tpu.memory_space<vmem_shared>> -> memref<16x128xf32, #tpu.memory_space<vmem_shared>>
        tpu.wait_dma2 semaphore(%run_scoped3A : memref<!tpu.dma_semaphore, #tpu.memory_space<semaphore_mem>>) src(%dma_wait3A_193 : memref<16x128xf32, #tpu.memory_space<vmem_shared>>) dst(%dma_wait3A_190 : memref<16x128xf32, #tpu.memory_space<vmem>>)
        tpu.yield
      }) : () -> ()
      %add3A_168 = arith.constant 9984 : i32
      %add3A_169 = arith.addi %mul3A_85, %add3A_168 : i32
      "tpu.region"() ({
        %run_scoped3A = tpu.sem_alloc : memref<!tpu.dma_semaphore, #tpu.memory_space<semaphore_mem>>
        %dma_start3A_170 = arith.constant 0 : i32
        %dma_start3A_171 = arith.constant 0 : i32
        %dma_start3A_172 = tpu.memref_slice %arg9[%dma_start3A_170, %dma_start3A_171] : memref<128x128xf32, #tpu.memory_space<vmem>> -> memref<16x128xf32, #tpu.memory_space<vmem>>
        %dma_start3A_173 = arith.constant 0 : i32
        %dma_start3A_174 = tpu.memref_slice %arg6[%add3A_169, %dma_start3A_173] : memref<40000x128xf32, #tpu.memory_space<hbm>> -> memref<16x128xf32, #tpu.memory_space<hbm>>
        %dma_start3A_175 = arith.constant 0 : i32
        %dma_start3A_176 = tpu.memref_slice %arg6[%add3A_169, %dma_start3A_175] : memref<40000x128xf32, #tpu.memory_space<hbm>> -> memref<16x128xf32, #tpu.memory_space<hbm>>
        %dma_start3A_177 = arith.constant 0 : i32
        %dma_start3A_178 = arith.constant 0 : i32
        %dma_start3A_179 = tpu.memref_slice %arg9[%dma_start3A_177, %dma_start3A_178] : memref<128x128xf32, #tpu.memory_space<vmem>> -> memref<16x128xf32, #tpu.memory_space<vmem>>
        tpu.enqueue_dma source(%dma_start3A_179 : memref<16x128xf32, #tpu.memory_space<vmem>>) target(%dma_start3A_176 : memref<16x128xf32, #tpu.memory_space<hbm>>) target_semaphore(%run_scoped3A : memref<!tpu.dma_semaphore, #tpu.memory_space<semaphore_mem>>)
        %dma_wait3A_180 = arith.constant 0 : i32
        %dma_wait3A_181 = arith.constant 0 : i32
        %dma_wait3A_182 = tpu.memref_slice %arg9[%dma_wait3A_180, %dma_wait3A_181] : memref<128x128xf32, #tpu.memory_space<vmem>> -> memref<16x128xf32, #tpu.memory_space<vmem>>
        %dma_wait3A_183 = arith.constant 0 : i32
        %dma_wait3A_184 = tpu.memref_slice %arg6[%add3A_169, %dma_wait3A_183] : memref<40000x128xf32, #tpu.memory_space<hbm>> -> memref<16x128xf32, #tpu.memory_space<hbm>>
        %dma_wait3A_185 = arith.constant 0 : i32
        %dma_wait3A_186 = tpu.memref_slice %arg6[%add3A_169, %dma_wait3A_185] : memref<40000x128xf32, #tpu.memory_space<hbm>> -> memref<16x128xf32, #tpu.memory_space<hbm>>
        %dma_wait3A_187 = arith.constant 0 : i32
        %dma_wait3A_188 = arith.constant 0 : i32
        %dma_wait3A_189 = tpu.memref_slice %arg9[%dma_wait3A_187, %dma_wait3A_188] : memref<128x128xf32, #tpu.memory_space<vmem>> -> memref<16x128xf32, #tpu.memory_space<vmem>>
        tpu.wait_dma2 semaphore(%run_scoped3A : memref<!tpu.dma_semaphore, #tpu.memory_space<semaphore_mem>>) src(%dma_wait3A_189 : memref<16x128xf32, #tpu.memory_space<vmem>>) dst(%dma_wait3A_186 : memref<16x128xf32, #tpu.memory_space<hbm>>)
        tpu.yield
      }) : () -> ()
    } else {
    }
    return
  }
}

module attributes {stable_mosaic.version = 14 : i64} {
  func.func @_k0_body(%arg0: i32, %arg1: memref<400x256xf32, #tpu.memory_space<vmem>>, %arg2: memref<256x512xf32, #tpu.memory_space<vmem>>, %arg3: memref<400x512xf32, #tpu.memory_space<vmem>>) attributes {dimension_semantics = [#tpu.dimension_semantics<arbitrary>], iteration_bounds = array<i64: 25>, scalar_prefetch = 0 : i64, scratch_operands = 0 : i64, tpu.core_type = #tpu.core_type<tc>, window_params = [{transform_indices = @transform_0, window_bounds = array<i64: 400, 256>}, {pipeline_mode = #tpu.pipeline_mode<synchronous>, transform_indices = @transform_1, window_bounds = array<i64: 256, 512>}, {transform_indices = @transform_2, window_bounds = array<i64: 400, 512>}]} {
    %get3A = arith.constant 0 : index
    %get3A_0 = arith.constant 0 : index
    %get3A_1 = vector.load %arg1[%get3A, %get3A_0] : memref<400x256xf32, #tpu.memory_space<vmem>>, vector<400x256xf32>
    %get3A_2 = arith.constant 0 : index
    %get3A_3 = arith.constant 0 : index
    %get3A_4 = vector.load %arg2[%get3A_2, %get3A_3] : memref<256x512xf32, #tpu.memory_space<vmem>>, vector<256x512xf32>
    %dot_general3A = arith.constant dense<0.000000e+00> : vector<400x512xf32>
    %dot_general3A_5 = tpu.matmul %get3A_1, %get3A_4, %dot_general3A {dimension_numbers = #tpu.dot_dimension_numbers<[1], [0], [0], [1], [0, 0, 1, 1], [], []>, transpose_lhs_hint = false} : vector<400x256xf32>, vector<256x512xf32>, vector<400x512xf32> -> vector<400x512xf32>
    %swap3A = arith.constant 0 : index
    %swap3A_6 = arith.constant 0 : index
    %swap3A_7 = vector.load %arg3[%swap3A, %swap3A_6] : memref<400x512xf32, #tpu.memory_space<vmem>>, vector<400x512xf32>
    tpu.vector_store %arg3[%swap3A, %swap3A_6], %dot_general3A_5 {strides = array<i32>} : memref<400x512xf32, #tpu.memory_space<vmem>>, vector<400x512xf32>,
    return
  }
  func.func @transform_0(%arg0: i32) -> (i32, i32) {
    %c0_i32 = arith.constant 0 : i32
    %c0_i32_0 = arith.constant 0 : i32
    return %arg0, %c0_i32 : i32, i32
  }
  func.func @transform_1(%arg0: i32) -> (i32, i32) {
    %c0_i32 = arith.constant 0 : i32
    %c0_i32_0 = arith.constant 0 : i32
    %c0_i32_1 = arith.constant 0 : i32
    return %c0_i32, %c0_i32_0 : i32, i32
  }
  func.func @transform_2(%arg0: i32) -> (i32, i32) {
    %c0_i32 = arith.constant 0 : i32
    %c0_i32_0 = arith.constant 0 : i32
    return %arg0, %c0_i32 : i32, i32
  }
}

module attributes {stable_mosaic.version = 14 : i64} {
  func.func @_k2_body(%arg0: i32, %arg1: memref<400x512xf32, #tpu.memory_space<vmem>>, %arg2: memref<2x512xf32, #tpu.memory_space<vmem>>, %arg3: memref<1x512xf32, #tpu.memory_space<vmem>>, %arg4: memref<1x512xf32, #tpu.memory_space<vmem>>, %arg5: memref<512x512xf32, #tpu.memory_space<vmem>>, %arg6: memref<1x512xf32, #tpu.memory_space<vmem>>, %arg7: memref<400x512xf32, #tpu.memory_space<vmem>>, %arg8: memref<2x512xf32, #tpu.memory_space<vmem>>, %arg9: memref<2x512xf32, #tpu.memory_space<vmem>>) attributes {dimension_semantics = [#tpu.dimension_semantics<arbitrary>], iteration_bounds = array<i64: 25>, scalar_prefetch = 0 : i64, scratch_operands = 1 : i64, tpu.core_type = #tpu.core_type<tc>, window_params = [{transform_indices = @transform_0, window_bounds = array<i64: 400, 512>}, {pipeline_mode = #tpu.pipeline_mode<synchronous>, transform_indices = @transform_1, window_bounds = array<i64: 2, 512>}, {pipeline_mode = #tpu.pipeline_mode<synchronous>, transform_indices = @transform_2, window_bounds = array<i64: 1, 512>}, {pipeline_mode = #tpu.pipeline_mode<synchronous>, transform_indices = @transform_3, window_bounds = array<i64: 1, 512>}, {pipeline_mode = #tpu.pipeline_mode<synchronous>, transform_indices = @transform_4, window_bounds = array<i64: 512, 512>}, {pipeline_mode = #tpu.pipeline_mode<synchronous>, transform_indices = @transform_5, window_bounds = array<i64: 1, 512>}, {transform_indices = @transform_6, window_bounds = array<i64: 400, 512>}, {pipeline_mode = #tpu.pipeline_mode<synchronous>, transform_indices = @transform_7, window_bounds = array<i64: 2, 512>}]} {
    %get3A = arith.constant 0 : index
    %get3A_0 = arith.constant 0 : index
    %get3A_1 = vector.load %arg1[%get3A, %get3A_0] : memref<400x512xf32, #tpu.memory_space<vmem>>, vector<400x512xf32>
    %get3A_2 = arith.constant 0 : index
    %get3A_3 = arith.constant 0 : index
    %get3A_4 = vector.load %arg2[%get3A_2, %get3A_3] : memref<2x512xf32, #tpu.memory_space<vmem>>, vector<2x512xf32>
    %get3A_5 = arith.constant 0 : index
    %get3A_6 = arith.constant 0 : index
    %get3A_7 = vector.load %arg3[%get3A_5, %get3A_6] : memref<1x512xf32, #tpu.memory_space<vmem>>, vector<1x512xf32>
    %get3A_8 = arith.constant 0 : index
    %get3A_9 = arith.constant 0 : index
    %get3A_10 = vector.load %arg4[%get3A_8, %get3A_9] : memref<1x512xf32, #tpu.memory_space<vmem>>, vector<1x512xf32>
    %slice3A = vector.extract_strided_slice %get3A_4 {offsets = [0, 0], sizes = [1, 512], strides = [1, 1]} : vector<2x512xf32> to vector<1x512xf32>
    %div3A = arith.constant 1.000000e+04 : f32
    %div3A_11 = vector.broadcast %div3A : f32 to vector<1x512xf32>
    %div3A_12 = arith.divf %slice3A, %div3A_11 : vector<1x512xf32>
    %slice3A_13 = vector.extract_strided_slice %get3A_4 {offsets = [1, 0], sizes = [1, 512], strides = [1, 1]} : vector<2x512xf32> to vector<1x512xf32>
    %div3A_14 = arith.constant 1.000000e+04 : f32
    %div3A_15 = vector.broadcast %div3A_14 : f32 to vector<1x512xf32>
    %div3A_16 = arith.divf %slice3A_13, %div3A_15 : vector<1x512xf32>
    %mul3A = arith.mulf %div3A_12, %div3A_12 : vector<1x512xf32>
    %sub3A = arith.subf %div3A_16, %mul3A : vector<1x512xf32>
    %add3A = arith.constant 9.99999974E-6 : f32
    %add3A_17 = vector.broadcast %add3A : f32 to vector<1x512xf32>
    %add3A_18 = arith.addf %sub3A, %add3A_17 : vector<1x512xf32>
    %rsqrt3A = math.rsqrt %add3A_18 : vector<1x512xf32>
    %sub3A_19 = vector.broadcast %div3A_12 : vector<1x512xf32> to vector<400x512xf32>
    %sub3A_20 = arith.subf %get3A_1, %sub3A_19 : vector<400x512xf32>
    %mul3A_21 = vector.broadcast %rsqrt3A : vector<1x512xf32> to vector<400x512xf32>
    %mul3A_22 = arith.mulf %sub3A_20, %mul3A_21 : vector<400x512xf32>
    %mul3A_23 = vector.broadcast %get3A_7 : vector<1x512xf32> to vector<400x512xf32>
    %mul3A_24 = arith.mulf %mul3A_22, %mul3A_23 : vector<400x512xf32>
    %add3A_25 = vector.broadcast %get3A_10 : vector<1x512xf32> to vector<400x512xf32>
    %add3A_26 = arith.addf %mul3A_24, %add3A_25 : vector<400x512xf32>
    %max3A = arith.constant 0.000000e+00 : f32
    %max3A_27 = vector.broadcast %max3A : f32 to vector<400x512xf32>
    %max3A_28 = arith.maximumf %add3A_26, %max3A_27 : vector<400x512xf32>
    %get3A_29 = arith.constant 0 : index
    %get3A_30 = arith.constant 0 : index
    %get3A_31 = vector.load %arg5[%get3A_29, %get3A_30] : memref<512x512xf32, #tpu.memory_space<vmem>>, vector<512x512xf32>
    %dot_general3A = arith.constant dense<0.000000e+00> : vector<400x512xf32>
    %dot_general3A_32 = tpu.matmul %max3A_28, %get3A_31, %dot_general3A {dimension_numbers = #tpu.dot_dimension_numbers<[1], [0], [0], [1], [0, 0, 1, 1], [], []>, transpose_lhs_hint = false} : vector<400x512xf32>, vector<512x512xf32>, vector<400x512xf32> -> vector<400x512xf32>
    %get3A_33 = arith.constant 0 : index
    %get3A_34 = arith.constant 0 : index
    %get3A_35 = vector.load %arg6[%get3A_33, %get3A_34] : memref<1x512xf32, #tpu.memory_space<vmem>>, vector<1x512xf32>
    %add3A_36 = vector.broadcast %get3A_35 : vector<1x512xf32> to vector<400x512xf32>
    %add3A_37 = arith.addf %dot_general3A_32, %add3A_36 : vector<400x512xf32>
    %swap3A = arith.constant 0 : index
    %swap3A_38 = arith.constant 0 : index
    %swap3A_39 = vector.load %arg7[%swap3A, %swap3A_38] : memref<400x512xf32, #tpu.memory_space<vmem>>, vector<400x512xf32>
    tpu.vector_store %arg7[%swap3A, %swap3A_38], %add3A_37 {strides = array<i32>} : memref<400x512xf32, #tpu.memory_space<vmem>>, vector<400x512xf32>,
    %eq3A = arith.constant 0 : i32
    %eq3A_40 = arith.cmpi eq, %arg0, %eq3A : i32
    %convert_element_type3A = arith.extui %eq3A_40 : i1 to i32
    %cond3A = arith.constant 0 : i32
    %cond3A_41 = arith.cmpi ne, %convert_element_type3A, %cond3A : i32
    scf.if %cond3A_41 {
      %broadcast_in_dim3A_66 = arith.constant 0.000000e+00 : f32
      %broadcast_in_dim3A_67 = vector.broadcast %broadcast_in_dim3A_66 : f32 to vector<2x512xf32>
      %swap3A_68 = arith.constant 0 : index
      %swap3A_69 = arith.constant 0 : index
      %swap3A_70 = vector.load %arg9[%swap3A_68, %swap3A_69] : memref<2x512xf32, #tpu.memory_space<vmem>>, vector<2x512xf32>
      tpu.vector_store %arg9[%swap3A_68, %swap3A_69], %broadcast_in_dim3A_67 {strides = array<i32>} : memref<2x512xf32, #tpu.memory_space<vmem>>, vector<2x512xf32>,
    } else {
    }
    %get3A_42 = arith.constant 0 : index
    %get3A_43 = arith.constant 0 : index
    %get3A_44 = vector.load %arg9[%get3A_42, %get3A_43] : memref<2x512xf32, #tpu.memory_space<vmem>>, vector<1x512xf32>
    %reduce_sum3A = arith.constant dense<0.000000e+00> : vector<512xf32>
    %reduce_sum3A_45 = vector.multi_reduction <add>, %add3A_37, %reduce_sum3A [0] : vector<400x512xf32> to vector<512xf32>
    %broadcast_in_dim3A = vector.shape_cast %reduce_sum3A_45 : vector<512xf32> to vector<1x512xf32>
    %add3A_46 = arith.addf %get3A_44, %broadcast_in_dim3A : vector<1x512xf32>
    %swap3A_47 = arith.constant 0 : index
    %swap3A_48 = arith.constant 0 : index
    %swap3A_49 = vector.load %arg9[%swap3A_47, %swap3A_48] : memref<2x512xf32, #tpu.memory_space<vmem>>, vector<1x512xf32>
    tpu.vector_store %arg9[%swap3A_47, %swap3A_48], %add3A_46 {strides = array<i32>} : memref<2x512xf32, #tpu.memory_space<vmem>>, vector<1x512xf32>,
    %get3A_50 = arith.constant 1 : index
    %get3A_51 = arith.constant 0 : index
    %get3A_52 = vector.load %arg9[%get3A_50, %get3A_51] : memref<2x512xf32, #tpu.memory_space<vmem>>, vector<1x512xf32>
    %mul3A_53 = arith.mulf %add3A_37, %add3A_37 : vector<400x512xf32>
    %reduce_sum3A_54 = arith.constant dense<0.000000e+00> : vector<512xf32>
    %reduce_sum3A_55 = vector.multi_reduction <add>, %mul3A_53, %reduce_sum3A_54 [0] : vector<400x512xf32> to vector<512xf32>
    %broadcast_in_dim3A_56 = vector.shape_cast %reduce_sum3A_55 : vector<512xf32> to vector<1x512xf32>
    %add3A_57 = arith.addf %get3A_52, %broadcast_in_dim3A_56 : vector<1x512xf32>
    %swap3A_58 = arith.constant 1 : index
    %swap3A_59 = arith.constant 0 : index
    %swap3A_60 = vector.load %arg9[%swap3A_58, %swap3A_59] : memref<2x512xf32, #tpu.memory_space<vmem>>, vector<1x512xf32>
    tpu.vector_store %arg9[%swap3A_58, %swap3A_59], %add3A_57 {strides = array<i32>} : memref<2x512xf32, #tpu.memory_space<vmem>>, vector<1x512xf32>,
    %eq3A_61 = arith.constant 24 : i32
    %eq3A_62 = arith.cmpi eq, %arg0, %eq3A_61 : i32
    %convert_element_type3A_63 = arith.extui %eq3A_62 : i1 to i32
    %cond3A_64 = arith.constant 0 : i32
    %cond3A_65 = arith.cmpi ne, %convert_element_type3A_63, %cond3A_64 : i32
    scf.if %cond3A_65 {
      %get3A_66 = arith.constant 0 : index
      %get3A_67 = arith.constant 0 : index
      %get3A_68 = vector.load %arg9[%get3A_66, %get3A_67] : memref<2x512xf32, #tpu.memory_space<vmem>>, vector<2x512xf32>
      %swap3A_69 = arith.constant 0 : index
      %swap3A_70 = arith.constant 0 : index
      %swap3A_71 = vector.load %arg8[%swap3A_69, %swap3A_70] : memref<2x512xf32, #tpu.memory_space<vmem>>, vector<2x512xf32>
      tpu.vector_store %arg8[%swap3A_69, %swap3A_70], %get3A_68 {strides = array<i32>} : memref<2x512xf32, #tpu.memory_space<vmem>>, vector<2x512xf32>,
    } else {
    }
    return
  }
  func.func @transform_0(%arg0: i32) -> (i32, i32) {
    %c0_i32 = arith.constant 0 : i32
    %c0_i32_0 = arith.constant 0 : i32
    return %arg0, %c0_i32 : i32, i32
  }
  func.func @transform_1(%arg0: i32) -> (i32, i32) {
    %c0_i32 = arith.constant 0 : i32
    %c0_i32_0 = arith.constant 0 : i32
    %c0_i32_1 = arith.constant 0 : i32
    return %c0_i32, %c0_i32_0 : i32, i32
  }
  func.func @transform_2(%arg0: i32) -> (i32, i32) {
    %c0_i32 = arith.constant 0 : i32
    %c0_i32_0 = arith.constant 0 : i32
    %c0_i32_1 = arith.constant 0 : i32
    return %c0_i32, %c0_i32_0 : i32, i32
  }
  func.func @transform_3(%arg0: i32) -> (i32, i32) {
    %c0_i32 = arith.constant 0 : i32
    %c0_i32_0 = arith.constant 0 : i32
    %c0_i32_1 = arith.constant 0 : i32
    return %c0_i32, %c0_i32_0 : i32, i32
  }
  func.func @transform_4(%arg0: i32) -> (i32, i32) {
    %c0_i32 = arith.constant 0 : i32
    %c0_i32_0 = arith.constant 0 : i32
    %c0_i32_1 = arith.constant 0 : i32
    return %c0_i32, %c0_i32_0 : i32, i32
  }
  func.func @transform_5(%arg0: i32) -> (i32, i32) {
    %c0_i32 = arith.constant 0 : i32
    %c0_i32_0 = arith.constant 0 : i32
    %c0_i32_1 = arith.constant 0 : i32
    return %c0_i32, %c0_i32_0 : i32, i32
  }
  func.func @transform_6(%arg0: i32) -> (i32, i32) {
    %c0_i32 = arith.constant 0 : i32
    %c0_i32_0 = arith.constant 0 : i32
    return %arg0, %c0_i32 : i32, i32
  }
  func.func @transform_7(%arg0: i32) -> (i32, i32) {
    %c0_i32 = arith.constant 0 : i32
    %c0_i32_0 = arith.constant 0 : i32
    %c0_i32_1 = arith.constant 0 : i32
    return %c0_i32, %c0_i32_0 : i32, i32
  }
}

module attributes {stable_mosaic.version = 14 : i64} {
  func.func @_kmain_body(%arg0: i32, %arg1: memref<400x512xf32, #tpu.memory_space<vmem>>, %arg2: memref<2x400x128xf32, #tpu.memory_space<vmem>>, %arg3: memref<256x512xf32, #tpu.memory_space<vmem>>, %arg4: memref<1x512xf32, #tpu.memory_space<vmem>>, %arg5: memref<400x512xf32, #tpu.memory_space<vmem>>, %arg6: memref<2x512xf32, #tpu.memory_space<vmem>>, %arg7: memref<2x512xf32, #tpu.memory_space<vmem>>) attributes {dimension_semantics = [#tpu.dimension_semantics<arbitrary>], iteration_bounds = array<i64: 25>, scalar_prefetch = 0 : i64, scratch_operands = 1 : i64, tpu.core_type = #tpu.core_type<tc>, window_params = [{transform_indices = @transform_0, window_bounds = array<i64: 400, 512>}, {transform_indices = @transform_1, window_bounds = array<i64: 2, 400, 128>}, {pipeline_mode = #tpu.pipeline_mode<synchronous>, transform_indices = @transform_2, window_bounds = array<i64: 256, 512>}, {pipeline_mode = #tpu.pipeline_mode<synchronous>, transform_indices = @transform_3, window_bounds = array<i64: 1, 512>}, {transform_indices = @transform_4, window_bounds = array<i64: 400, 512>}, {pipeline_mode = #tpu.pipeline_mode<synchronous>, transform_indices = @transform_5, window_bounds = array<i64: 2, 512>}]} {
    %get3A = arith.constant 0 : index
    %get3A_0 = arith.constant 0 : index
    %get3A_1 = vector.load %arg1[%get3A, %get3A_0] : memref<400x512xf32, #tpu.memory_space<vmem>>, vector<400x512xf32>
    %get3A_2 = arith.constant 0 : index
    %get3A_3 = arith.constant 0 : index
    %get3A_4 = vector.load %arg4[%get3A_2, %get3A_3] : memref<1x512xf32, #tpu.memory_space<vmem>>, vector<1x512xf32>
    %add3A = vector.broadcast %get3A_4 : vector<1x512xf32> to vector<400x512xf32>
    %add3A_5 = arith.addf %get3A_1, %add3A : vector<400x512xf32>
    %get3A_6 = arith.constant 0 : index
    %get3A_7 = arith.constant 0 : index
    %get3A_8 = arith.constant 0 : index
    %get3A_9 = vector.load %arg2[%get3A_6, %get3A_7, %get3A_8] : memref<2x400x128xf32, #tpu.memory_space<vmem>>, vector<1x400x128xf32>
    %get3A_10 = vector.shape_cast %get3A_9 : vector<1x400x128xf32> to vector<400x128xf32>
    %get3A_11 = arith.constant 0 : index
    %get3A_12 = arith.constant 0 : index
    %get3A_13 = vector.load %arg3[%get3A_11, %get3A_12] : memref<256x512xf32, #tpu.memory_space<vmem>>, vector<128x512xf32>
    %dot_general3A = arith.constant dense<0.000000e+00> : vector<400x512xf32>
    %dot_general3A_14 = tpu.matmul %get3A_10, %get3A_13, %dot_general3A {dimension_numbers = #tpu.dot_dimension_numbers<[1], [0], [0], [1], [0, 0, 1, 1], [], []>, transpose_lhs_hint = false} : vector<400x128xf32>, vector<128x512xf32>, vector<400x512xf32> -> vector<400x512xf32>
    %add3A_15 = arith.addf %add3A_5, %dot_general3A_14 : vector<400x512xf32>
    %get3A_16 = arith.constant 1 : index
    %get3A_17 = arith.constant 0 : index
    %get3A_18 = arith.constant 0 : index
    %get3A_19 = vector.load %arg2[%get3A_16, %get3A_17, %get3A_18] : memref<2x400x128xf32, #tpu.memory_space<vmem>>, vector<1x400x128xf32>
    %get3A_20 = vector.shape_cast %get3A_19 : vector<1x400x128xf32> to vector<400x128xf32>
    %get3A_21 = arith.constant 128 : index
    %get3A_22 = arith.constant 0 : index
    %get3A_23 = vector.load %arg3[%get3A_21, %get3A_22] : memref<256x512xf32, #tpu.memory_space<vmem>>, vector<128x512xf32>
    %dot_general3A_24 = arith.constant dense<0.000000e+00> : vector<400x512xf32>
    %dot_general3A_25 = tpu.matmul %get3A_20, %get3A_23, %dot_general3A_24 {dimension_numbers = #tpu.dot_dimension_numbers<[1], [0], [0], [1], [0, 0, 1, 1], [], []>, transpose_lhs_hint = false} : vector<400x128xf32>, vector<128x512xf32>, vector<400x512xf32> -> vector<400x512xf32>
    %add3A_26 = arith.addf %add3A_15, %dot_general3A_25 : vector<400x512xf32>
    %swap3A = arith.constant 0 : index
    %swap3A_27 = arith.constant 0 : index
    %swap3A_28 = vector.load %arg5[%swap3A, %swap3A_27] : memref<400x512xf32, #tpu.memory_space<vmem>>, vector<400x512xf32>
    tpu.vector_store %arg5[%swap3A, %swap3A_27], %add3A_26 {strides = array<i32>} : memref<400x512xf32, #tpu.memory_space<vmem>>, vector<400x512xf32>,
    %eq3A = arith.constant 0 : i32
    %eq3A_29 = arith.cmpi eq, %arg0, %eq3A : i32
    %convert_element_type3A = arith.extui %eq3A_29 : i1 to i32
    %cond3A = arith.constant 0 : i32
    %cond3A_30 = arith.cmpi ne, %convert_element_type3A, %cond3A : i32
    scf.if %cond3A_30 {
      %broadcast_in_dim3A_54 = arith.constant 0.000000e+00 : f32
      %broadcast_in_dim3A_55 = vector.broadcast %broadcast_in_dim3A_54 : f32 to vector<2x512xf32>
      %swap3A_56 = arith.constant 0 : index
      %swap3A_57 = arith.constant 0 : index
      %swap3A_58 = vector.load %arg7[%swap3A_56, %swap3A_57] : memref<2x512xf32, #tpu.memory_space<vmem>>, vector<2x512xf32>
      tpu.vector_store %arg7[%swap3A_56, %swap3A_57], %broadcast_in_dim3A_55 {strides = array<i32>} : memref<2x512xf32, #tpu.memory_space<vmem>>, vector<2x512xf32>,
    } else {
    }
    %get3A_31 = arith.constant 0 : index
    %get3A_32 = arith.constant 0 : index
    %get3A_33 = vector.load %arg7[%get3A_31, %get3A_32] : memref<2x512xf32, #tpu.memory_space<vmem>>, vector<1x512xf32>
    %reduce_sum3A = arith.constant dense<0.000000e+00> : vector<512xf32>
    %reduce_sum3A_34 = vector.multi_reduction <add>, %add3A_26, %reduce_sum3A [0] : vector<400x512xf32> to vector<512xf32>
    %broadcast_in_dim3A = vector.shape_cast %reduce_sum3A_34 : vector<512xf32> to vector<1x512xf32>
    %add3A_35 = arith.addf %get3A_33, %broadcast_in_dim3A : vector<1x512xf32>
    %swap3A_36 = arith.constant 0 : index
    %swap3A_37 = arith.constant 0 : index
    %swap3A_38 = vector.load %arg7[%swap3A_36, %swap3A_37] : memref<2x512xf32, #tpu.memory_space<vmem>>, vector<1x512xf32>
    tpu.vector_store %arg7[%swap3A_36, %swap3A_37], %add3A_35 {strides = array<i32>} : memref<2x512xf32, #tpu.memory_space<vmem>>, vector<1x512xf32>,
    %get3A_39 = arith.constant 1 : index
    %get3A_40 = arith.constant 0 : index
    %get3A_41 = vector.load %arg7[%get3A_39, %get3A_40] : memref<2x512xf32, #tpu.memory_space<vmem>>, vector<1x512xf32>
    %mul3A = arith.mulf %add3A_26, %add3A_26 : vector<400x512xf32>
    %reduce_sum3A_42 = arith.constant dense<0.000000e+00> : vector<512xf32>
    %reduce_sum3A_43 = vector.multi_reduction <add>, %mul3A, %reduce_sum3A_42 [0] : vector<400x512xf32> to vector<512xf32>
    %broadcast_in_dim3A_44 = vector.shape_cast %reduce_sum3A_43 : vector<512xf32> to vector<1x512xf32>
    %add3A_45 = arith.addf %get3A_41, %broadcast_in_dim3A_44 : vector<1x512xf32>
    %swap3A_46 = arith.constant 1 : index
    %swap3A_47 = arith.constant 0 : index
    %swap3A_48 = vector.load %arg7[%swap3A_46, %swap3A_47] : memref<2x512xf32, #tpu.memory_space<vmem>>, vector<1x512xf32>
    tpu.vector_store %arg7[%swap3A_46, %swap3A_47], %add3A_45 {strides = array<i32>} : memref<2x512xf32, #tpu.memory_space<vmem>>, vector<1x512xf32>,
    %eq3A_49 = arith.constant 24 : i32
    %eq3A_50 = arith.cmpi eq, %arg0, %eq3A_49 : i32
    %convert_element_type3A_51 = arith.extui %eq3A_50 : i1 to i32
    %cond3A_52 = arith.constant 0 : i32
    %cond3A_53 = arith.cmpi ne, %convert_element_type3A_51, %cond3A_52 : i32
    scf.if %cond3A_53 {
      %get3A_54 = arith.constant 0 : index
      %get3A_55 = arith.constant 0 : index
      %get3A_56 = vector.load %arg7[%get3A_54, %get3A_55] : memref<2x512xf32, #tpu.memory_space<vmem>>, vector<2x512xf32>
      %swap3A_57 = arith.constant 0 : index
      %swap3A_58 = arith.constant 0 : index
      %swap3A_59 = vector.load %arg6[%swap3A_57, %swap3A_58] : memref<2x512xf32, #tpu.memory_space<vmem>>, vector<2x512xf32>
      tpu.vector_store %arg6[%swap3A_57, %swap3A_58], %get3A_56 {strides = array<i32>} : memref<2x512xf32, #tpu.memory_space<vmem>>, vector<2x512xf32>,
    } else {
    }
    return
  }
  func.func @transform_0(%arg0: i32) -> (i32, i32) {
    %c0_i32 = arith.constant 0 : i32
    %c0_i32_0 = arith.constant 0 : i32
    return %arg0, %c0_i32 : i32, i32
  }
  func.func @transform_1(%arg0: i32) -> (i32, i32, i32) {
    %c0_i32 = arith.constant 0 : i32
    %c0_i32_0 = arith.constant 0 : i32
    %c0_i32_1 = arith.constant 0 : i32
    return %c0_i32, %arg0, %c0_i32_0 : i32, i32, i32
  }
  func.func @transform_2(%arg0: i32) -> (i32, i32) {
    %c0_i32 = arith.constant 0 : i32
    %c0_i32_0 = arith.constant 0 : i32
    %c0_i32_1 = arith.constant 0 : i32
    return %c0_i32, %c0_i32_0 : i32, i32
  }
  func.func @transform_3(%arg0: i32) -> (i32, i32) {
    %c0_i32 = arith.constant 0 : i32
    %c0_i32_0 = arith.constant 0 : i32
    %c0_i32_1 = arith.constant 0 : i32
    return %c0_i32, %c0_i32_0 : i32, i32
  }
  func.func @transform_4(%arg0: i32) -> (i32, i32) {
    %c0_i32 = arith.constant 0 : i32
    %c0_i32_0 = arith.constant 0 : i32
    return %arg0, %c0_i32 : i32, i32
  }
  func.func @transform_5(%arg0: i32) -> (i32, i32) {
    %c0_i32 = arith.constant 0 : i32
    %c0_i32_0 = arith.constant 0 : i32
    %c0_i32_1 = arith.constant 0 : i32
    return %c0_i32, %c0_i32_0 : i32, i32
  }
}

module attributes {stable_mosaic.version = 14 : i64} {
  func.func @_k3_body(%arg0: i32, %arg1: memref<400x512xf32, #tpu.memory_space<vmem>>, %arg2: memref<2x512xf32, #tpu.memory_space<vmem>>, %arg3: memref<1x512xf32, #tpu.memory_space<vmem>>, %arg4: memref<1x512xf32, #tpu.memory_space<vmem>>, %arg5: memref<4x400x128xf32, #tpu.memory_space<vmem>>) attributes {dimension_semantics = [#tpu.dimension_semantics<arbitrary>], iteration_bounds = array<i64: 25>, scalar_prefetch = 0 : i64, scratch_operands = 0 : i64, tpu.core_type = #tpu.core_type<tc>, window_params = [{transform_indices = @transform_0, window_bounds = array<i64: 400, 512>}, {pipeline_mode = #tpu.pipeline_mode<synchronous>, transform_indices = @transform_1, window_bounds = array<i64: 2, 512>}, {pipeline_mode = #tpu.pipeline_mode<synchronous>, transform_indices = @transform_2, window_bounds = array<i64: 1, 512>}, {pipeline_mode = #tpu.pipeline_mode<synchronous>, transform_indices = @transform_3, window_bounds = array<i64: 1, 512>}, {transform_indices = @transform_4, window_bounds = array<i64: 4, 400, 128>}]} {
    %get3A = arith.constant 0 : index
    %get3A_0 = arith.constant 0 : index
    %get3A_1 = vector.load %arg1[%get3A, %get3A_0] : memref<400x512xf32, #tpu.memory_space<vmem>>, vector<400x512xf32>
    %get3A_2 = arith.constant 0 : index
    %get3A_3 = arith.constant 0 : index
    %get3A_4 = vector.load %arg2[%get3A_2, %get3A_3] : memref<2x512xf32, #tpu.memory_space<vmem>>, vector<2x512xf32>
    %get3A_5 = arith.constant 0 : index
    %get3A_6 = arith.constant 0 : index
    %get3A_7 = vector.load %arg3[%get3A_5, %get3A_6] : memref<1x512xf32, #tpu.memory_space<vmem>>, vector<1x512xf32>
    %get3A_8 = arith.constant 0 : index
    %get3A_9 = arith.constant 0 : index
    %get3A_10 = vector.load %arg4[%get3A_8, %get3A_9] : memref<1x512xf32, #tpu.memory_space<vmem>>, vector<1x512xf32>
    %slice3A = vector.extract_strided_slice %get3A_4 {offsets = [0, 0], sizes = [1, 512], strides = [1, 1]} : vector<2x512xf32> to vector<1x512xf32>
    %div3A = arith.constant 1.000000e+04 : f32
    %div3A_11 = vector.broadcast %div3A : f32 to vector<1x512xf32>
    %div3A_12 = arith.divf %slice3A, %div3A_11 : vector<1x512xf32>
    %slice3A_13 = vector.extract_strided_slice %get3A_4 {offsets = [1, 0], sizes = [1, 512], strides = [1, 1]} : vector<2x512xf32> to vector<1x512xf32>
    %div3A_14 = arith.constant 1.000000e+04 : f32
    %div3A_15 = vector.broadcast %div3A_14 : f32 to vector<1x512xf32>
    %div3A_16 = arith.divf %slice3A_13, %div3A_15 : vector<1x512xf32>
    %mul3A = arith.mulf %div3A_12, %div3A_12 : vector<1x512xf32>
    %sub3A = arith.subf %div3A_16, %mul3A : vector<1x512xf32>
    %add3A = arith.constant 9.99999974E-6 : f32
    %add3A_17 = vector.broadcast %add3A : f32 to vector<1x512xf32>
    %add3A_18 = arith.addf %sub3A, %add3A_17 : vector<1x512xf32>
    %rsqrt3A = math.rsqrt %add3A_18 : vector<1x512xf32>
    %sub3A_19 = vector.broadcast %div3A_12 : vector<1x512xf32> to vector<400x512xf32>
    %sub3A_20 = arith.subf %get3A_1, %sub3A_19 : vector<400x512xf32>
    %mul3A_21 = vector.broadcast %rsqrt3A : vector<1x512xf32> to vector<400x512xf32>
    %mul3A_22 = arith.mulf %sub3A_20, %mul3A_21 : vector<400x512xf32>
    %mul3A_23 = vector.broadcast %get3A_7 : vector<1x512xf32> to vector<400x512xf32>
    %mul3A_24 = arith.mulf %mul3A_22, %mul3A_23 : vector<400x512xf32>
    %add3A_25 = vector.broadcast %get3A_10 : vector<1x512xf32> to vector<400x512xf32>
    %add3A_26 = arith.addf %mul3A_24, %add3A_25 : vector<400x512xf32>
    %max3A = arith.constant 0.000000e+00 : f32
    %max3A_27 = vector.broadcast %max3A : f32 to vector<400x512xf32>
    %max3A_28 = arith.maximumf %add3A_26, %max3A_27 : vector<400x512xf32>
    %slice3A_29 = vector.extract_strided_slice %max3A_28 {offsets = [0, 0], sizes = [400, 128], strides = [1, 1]} : vector<400x512xf32> to vector<400x128xf32>
    %swap3A = arith.constant 0 : index
    %swap3A_30 = arith.constant 0 : index
    %swap3A_31 = arith.constant 0 : index
    %swap3A_32 = vector.load %arg5[%swap3A, %swap3A_30, %swap3A_31] : memref<4x400x128xf32, #tpu.memory_space<vmem>>, vector<1x400x128xf32>
    %swap3A_33 = vector.shape_cast %swap3A_32 : vector<1x400x128xf32> to vector<400x128xf32>
    %swap3A_34 = vector.shape_cast %slice3A_29 : vector<400x128xf32> to vector<1x400x128xf32>
    tpu.vector_store %arg5[%swap3A, %swap3A_30, %swap3A_31], %swap3A_34 {strides = array<i32>} : memref<4x400x128xf32, #tpu.memory_space<vmem>>, vector<1x400x128xf32>,
    %slice3A_35 = vector.extract_strided_slice %max3A_28 {offsets = [0, 128], sizes = [400, 128], strides = [1, 1]} : vector<400x512xf32> to vector<400x128xf32>
    %swap3A_36 = arith.constant 1 : index
    %swap3A_37 = arith.constant 0 : index
    %swap3A_38 = arith.constant 0 : index
    %swap3A_39 = vector.load %arg5[%swap3A_36, %swap3A_37, %swap3A_38] : memref<4x400x128xf32, #tpu.memory_space<vmem>>, vector<1x400x128xf32>
    %swap3A_40 = vector.shape_cast %swap3A_39 : vector<1x400x128xf32> to vector<400x128xf32>
    %swap3A_41 = vector.shape_cast %slice3A_35 : vector<400x128xf32> to vector<1x400x128xf32>
    tpu.vector_store %arg5[%swap3A_36, %swap3A_37, %swap3A_38], %swap3A_41 {strides = array<i32>} : memref<4x400x128xf32, #tpu.memory_space<vmem>>, vector<1x400x128xf32>,
    %slice3A_42 = vector.extract_strided_slice %max3A_28 {offsets = [0, 256], sizes = [400, 128], strides = [1, 1]} : vector<400x512xf32> to vector<400x128xf32>
    %swap3A_43 = arith.constant 2 : index
    %swap3A_44 = arith.constant 0 : index
    %swap3A_45 = arith.constant 0 : index
    %swap3A_46 = vector.load %arg5[%swap3A_43, %swap3A_44, %swap3A_45] : memref<4x400x128xf32, #tpu.memory_space<vmem>>, vector<1x400x128xf32>
    %swap3A_47 = vector.shape_cast %swap3A_46 : vector<1x400x128xf32> to vector<400x128xf32>
    %swap3A_48 = vector.shape_cast %slice3A_42 : vector<400x128xf32> to vector<1x400x128xf32>
    tpu.vector_store %arg5[%swap3A_43, %swap3A_44, %swap3A_45], %swap3A_48 {strides = array<i32>} : memref<4x400x128xf32, #tpu.memory_space<vmem>>, vector<1x400x128xf32>,
    %slice3A_49 = vector.extract_strided_slice %max3A_28 {offsets = [0, 384], sizes = [400, 128], strides = [1, 1]} : vector<400x512xf32> to vector<400x128xf32>
    %swap3A_50 = arith.constant 3 : index
    %swap3A_51 = arith.constant 0 : index
    %swap3A_52 = arith.constant 0 : index
    %swap3A_53 = vector.load %arg5[%swap3A_50, %swap3A_51, %swap3A_52] : memref<4x400x128xf32, #tpu.memory_space<vmem>>, vector<1x400x128xf32>
    %swap3A_54 = vector.shape_cast %swap3A_53 : vector<1x400x128xf32> to vector<400x128xf32>
    %swap3A_55 = vector.shape_cast %slice3A_49 : vector<400x128xf32> to vector<1x400x128xf32>
    tpu.vector_store %arg5[%swap3A_50, %swap3A_51, %swap3A_52], %swap3A_55 {strides = array<i32>} : memref<4x400x128xf32, #tpu.memory_space<vmem>>, vector<1x400x128xf32>,
    return
  }
  func.func @transform_0(%arg0: i32) -> (i32, i32) {
    %c0_i32 = arith.constant 0 : i32
    %c0_i32_0 = arith.constant 0 : i32
    return %arg0, %c0_i32 : i32, i32
  }
  func.func @transform_1(%arg0: i32) -> (i32, i32) {
    %c0_i32 = arith.constant 0 : i32
    %c0_i32_0 = arith.constant 0 : i32
    %c0_i32_1 = arith.constant 0 : i32
    return %c0_i32, %c0_i32_0 : i32, i32
  }
  func.func @transform_2(%arg0: i32) -> (i32, i32) {
    %c0_i32 = arith.constant 0 : i32
    %c0_i32_0 = arith.constant 0 : i32
    %c0_i32_1 = arith.constant 0 : i32
    return %c0_i32, %c0_i32_0 : i32, i32
  }
  func.func @transform_3(%arg0: i32) -> (i32, i32) {
    %c0_i32 = arith.constant 0 : i32
    %c0_i32_0 = arith.constant 0 : i32
    %c0_i32_1 = arith.constant 0 : i32
    return %c0_i32, %c0_i32_0 : i32, i32
  }
  func.func @transform_4(%arg0: i32) -> (i32, i32, i32) {
    %c0_i32 = arith.constant 0 : i32
    %c0_i32_0 = arith.constant 0 : i32
    %c0_i32_1 = arith.constant 0 : i32
    return %c0_i32, %arg0, %c0_i32_0 : i32, i32, i32
  }
}

module attributes {stable_mosaic.version = 14 : i64} {
  func.func @_k6a_body(%arg0: i32, %arg1: memref<400x8xf32, #tpu.memory_space<vmem>>, %arg2: memref<8x512xf32, #tpu.memory_space<vmem>>, %arg3: memref<1x512xf32, #tpu.memory_space<vmem>>, %arg4: memref<512x32xf32, #tpu.memory_space<vmem>>, %arg5: memref<1x32xf32, #tpu.memory_space<vmem>>, %arg6: memref<32x512xf32, #tpu.memory_space<vmem>>, %arg7: memref<1x512xf32, #tpu.memory_space<vmem>>, %arg8: memref<400x32xf32, #tpu.memory_space<vmem>>, %arg9: memref<400x512xf32, #tpu.memory_space<vmem>>) attributes {dimension_semantics = [#tpu.dimension_semantics<arbitrary>], iteration_bounds = array<i64: 25>, scalar_prefetch = 0 : i64, scratch_operands = 0 : i64, tpu.core_type = #tpu.core_type<tc>, window_params = [{transform_indices = @transform_0, window_bounds = array<i64: 400, 8>}, {pipeline_mode = #tpu.pipeline_mode<synchronous>, transform_indices = @transform_1, window_bounds = array<i64: 8, 512>}, {pipeline_mode = #tpu.pipeline_mode<synchronous>, transform_indices = @transform_2, window_bounds = array<i64: 1, 512>}, {pipeline_mode = #tpu.pipeline_mode<synchronous>, transform_indices = @transform_3, window_bounds = array<i64: 512, 32>}, {pipeline_mode = #tpu.pipeline_mode<synchronous>, transform_indices = @transform_4, window_bounds = array<i64: 1, 32>}, {pipeline_mode = #tpu.pipeline_mode<synchronous>, transform_indices = @transform_5, window_bounds = array<i64: 32, 512>}, {pipeline_mode = #tpu.pipeline_mode<synchronous>, transform_indices = @transform_6, window_bounds = array<i64: 1, 512>}, {transform_indices = @transform_7, window_bounds = array<i64: 400, 32>}, {transform_indices = @transform_8, window_bounds = array<i64: 400, 512>}]} {
    %get3A = arith.constant 0 : index
    %get3A_0 = arith.constant 0 : index
    %get3A_1 = vector.load %arg1[%get3A, %get3A_0] : memref<400x8xf32, #tpu.memory_space<vmem>>, vector<400x8xf32>
    %get3A_2 = arith.constant 0 : index
    %get3A_3 = arith.constant 0 : index
    %get3A_4 = vector.load %arg2[%get3A_2, %get3A_3] : memref<8x512xf32, #tpu.memory_space<vmem>>, vector<8x512xf32>
    %dot_general3A = arith.constant dense<0.000000e+00> : vector<400x512xf32>
    %dot_general3A_5 = tpu.matmul %get3A_1, %get3A_4, %dot_general3A {dimension_numbers = #tpu.dot_dimension_numbers<[1], [0], [0], [1], [0, 0, 1, 1], [], []>, transpose_lhs_hint = false} : vector<400x8xf32>, vector<8x512xf32>, vector<400x512xf32> -> vector<400x512xf32>
    %get3A_6 = arith.constant 0 : index
    %get3A_7 = arith.constant 0 : index
    %get3A_8 = vector.load %arg3[%get3A_6, %get3A_7] : memref<1x512xf32, #tpu.memory_space<vmem>>, vector<1x512xf32>
    %add3A = vector.broadcast %get3A_8 : vector<1x512xf32> to vector<400x512xf32>
    %add3A_9 = arith.addf %dot_general3A_5, %add3A : vector<400x512xf32>
    %max3A = arith.constant 0.000000e+00 : f32
    %max3A_10 = vector.broadcast %max3A : f32 to vector<400x512xf32>
    %max3A_11 = arith.maximumf %add3A_9, %max3A_10 : vector<400x512xf32>
    %get3A_12 = arith.constant 0 : index
    %get3A_13 = arith.constant 0 : index
    %get3A_14 = vector.load %arg4[%get3A_12, %get3A_13] : memref<512x32xf32, #tpu.memory_space<vmem>>, vector<512x32xf32>
    %dot_general3A_15 = arith.constant dense<0.000000e+00> : vector<400x32xf32>
    %dot_general3A_16 = tpu.matmul %max3A_11, %get3A_14, %dot_general3A_15 {dimension_numbers = #tpu.dot_dimension_numbers<[1], [0], [0], [1], [0, 0, 1, 1], [], []>, transpose_lhs_hint = false} : vector<400x512xf32>, vector<512x32xf32>, vector<400x32xf32> -> vector<400x32xf32>
    %get3A_17 = arith.constant 0 : index
    %get3A_18 = arith.constant 0 : index
    %get3A_19 = vector.load %arg5[%get3A_17, %get3A_18] : memref<1x32xf32, #tpu.memory_space<vmem>>, vector<1x32xf32>
    %add3A_20 = vector.broadcast %get3A_19 : vector<1x32xf32> to vector<400x32xf32>
    %add3A_21 = arith.addf %dot_general3A_16, %add3A_20 : vector<400x32xf32>
    %swap3A = arith.constant 0 : index
    %swap3A_22 = arith.constant 0 : index
    %swap3A_23 = vector.load %arg8[%swap3A, %swap3A_22] : memref<400x32xf32, #tpu.memory_space<vmem>>, vector<400x32xf32>
    tpu.vector_store %arg8[%swap3A, %swap3A_22], %add3A_21 {strides = array<i32>} : memref<400x32xf32, #tpu.memory_space<vmem>>, vector<400x32xf32>,
    %get3A_24 = arith.constant 0 : index
    %get3A_25 = arith.constant 0 : index
    %get3A_26 = vector.load %arg6[%get3A_24, %get3A_25] : memref<32x512xf32, #tpu.memory_space<vmem>>, vector<32x512xf32>
    %dot_general3A_27 = arith.constant dense<0.000000e+00> : vector<400x512xf32>
    %dot_general3A_28 = tpu.matmul %add3A_21, %get3A_26, %dot_general3A_27 {dimension_numbers = #tpu.dot_dimension_numbers<[1], [0], [0], [1], [0, 0, 1, 1], [], []>, transpose_lhs_hint = false} : vector<400x32xf32>, vector<32x512xf32>, vector<400x512xf32> -> vector<400x512xf32>
    %get3A_29 = arith.constant 0 : index
    %get3A_30 = arith.constant 0 : index
    %get3A_31 = vector.load %arg7[%get3A_29, %get3A_30] : memref<1x512xf32, #tpu.memory_space<vmem>>, vector<1x512xf32>
    %add3A_32 = vector.broadcast %get3A_31 : vector<1x512xf32> to vector<400x512xf32>
    %add3A_33 = arith.addf %dot_general3A_28, %add3A_32 : vector<400x512xf32>
    %swap3A_34 = arith.constant 0 : index
    %swap3A_35 = arith.constant 0 : index
    %swap3A_36 = vector.load %arg9[%swap3A_34, %swap3A_35] : memref<400x512xf32, #tpu.memory_space<vmem>>, vector<400x512xf32>
    tpu.vector_store %arg9[%swap3A_34, %swap3A_35], %add3A_33 {strides = array<i32>} : memref<400x512xf32, #tpu.memory_space<vmem>>, vector<400x512xf32>,
    return
  }
  func.func @transform_0(%arg0: i32) -> (i32, i32) {
    %c0_i32 = arith.constant 0 : i32
    %c0_i32_0 = arith.constant 0 : i32
    return %arg0, %c0_i32 : i32, i32
  }
  func.func @transform_1(%arg0: i32) -> (i32, i32) {
    %c0_i32 = arith.constant 0 : i32
    %c0_i32_0 = arith.constant 0 : i32
    %c0_i32_1 = arith.constant 0 : i32
    return %c0_i32, %c0_i32_0 : i32, i32
  }
  func.func @transform_2(%arg0: i32) -> (i32, i32) {
    %c0_i32 = arith.constant 0 : i32
    %c0_i32_0 = arith.constant 0 : i32
    %c0_i32_1 = arith.constant 0 : i32
    return %c0_i32, %c0_i32_0 : i32, i32
  }
  func.func @transform_3(%arg0: i32) -> (i32, i32) {
    %c0_i32 = arith.constant 0 : i32
    %c0_i32_0 = arith.constant 0 : i32
    %c0_i32_1 = arith.constant 0 : i32
    return %c0_i32, %c0_i32_0 : i32, i32
  }
  func.func @transform_4(%arg0: i32) -> (i32, i32) {
    %c0_i32 = arith.constant 0 : i32
    %c0_i32_0 = arith.constant 0 : i32
    %c0_i32_1 = arith.constant 0 : i32
    return %c0_i32, %c0_i32_0 : i32, i32
  }
  func.func @transform_5(%arg0: i32) -> (i32, i32) {
    %c0_i32 = arith.constant 0 : i32
    %c0_i32_0 = arith.constant 0 : i32
    %c0_i32_1 = arith.constant 0 : i32
    return %c0_i32, %c0_i32_0 : i32, i32
  }
  func.func @transform_6(%arg0: i32) -> (i32, i32) {
    %c0_i32 = arith.constant 0 : i32
    %c0_i32_0 = arith.constant 0 : i32
    %c0_i32_1 = arith.constant 0 : i32
    return %c0_i32, %c0_i32_0 : i32, i32
  }
  func.func @transform_7(%arg0: i32) -> (i32, i32) {
    %c0_i32 = arith.constant 0 : i32
    %c0_i32_0 = arith.constant 0 : i32
    return %arg0, %c0_i32 : i32, i32
  }
  func.func @transform_8(%arg0: i32) -> (i32, i32) {
    %c0_i32 = arith.constant 0 : i32
    %c0_i32_0 = arith.constant 0 : i32
    return %arg0, %c0_i32 : i32, i32
  }
}

module attributes {stable_mosaic.version = 14 : i64} {
  func.func @_k0b_body(%arg0: i32, %arg1: memref<4x400x128xf32, #tpu.memory_space<vmem>>, %arg2: memref<512x512xf32, #tpu.memory_space<vmem>>, %arg3: memref<400x512xf32, #tpu.memory_space<vmem>>) attributes {dimension_semantics = [#tpu.dimension_semantics<arbitrary>], iteration_bounds = array<i64: 25>, scalar_prefetch = 0 : i64, scratch_operands = 0 : i64, tpu.core_type = #tpu.core_type<tc>, window_params = [{transform_indices = @transform_0, window_bounds = array<i64: 4, 400, 128>}, {pipeline_mode = #tpu.pipeline_mode<synchronous>, transform_indices = @transform_1, window_bounds = array<i64: 512, 512>}, {transform_indices = @transform_2, window_bounds = array<i64: 400, 512>}]} {
    %get3A = arith.constant 0 : index
    %get3A_0 = arith.constant 0 : index
    %get3A_1 = arith.constant 0 : index
    %get3A_2 = vector.load %arg1[%get3A, %get3A_0, %get3A_1] : memref<4x400x128xf32, #tpu.memory_space<vmem>>, vector<1x400x128xf32>
    %get3A_3 = vector.shape_cast %get3A_2 : vector<1x400x128xf32> to vector<400x128xf32>
    %get3A_4 = arith.constant 0 : index
    %get3A_5 = arith.constant 0 : index
    %get3A_6 = vector.load %arg2[%get3A_4, %get3A_5] : memref<512x512xf32, #tpu.memory_space<vmem>>, vector<128x512xf32>
    %dot_general3A = arith.constant dense<0.000000e+00> : vector<400x512xf32>
    %dot_general3A_7 = tpu.matmul %get3A_3, %get3A_6, %dot_general3A {dimension_numbers = #tpu.dot_dimension_numbers<[1], [0], [0], [1], [0, 0, 1, 1], [], []>, transpose_lhs_hint = false} : vector<400x128xf32>, vector<128x512xf32>, vector<400x512xf32> -> vector<400x512xf32>
    %get3A_8 = arith.constant 1 : index
    %get3A_9 = arith.constant 0 : index
    %get3A_10 = arith.constant 0 : index
    %get3A_11 = vector.load %arg1[%get3A_8, %get3A_9, %get3A_10] : memref<4x400x128xf32, #tpu.memory_space<vmem>>, vector<1x400x128xf32>
    %get3A_12 = vector.shape_cast %get3A_11 : vector<1x400x128xf32> to vector<400x128xf32>
    %get3A_13 = arith.constant 128 : index
    %get3A_14 = arith.constant 0 : index
    %get3A_15 = vector.load %arg2[%get3A_13, %get3A_14] : memref<512x512xf32, #tpu.memory_space<vmem>>, vector<128x512xf32>
    %dot_general3A_16 = arith.constant dense<0.000000e+00> : vector<400x512xf32>
    %dot_general3A_17 = tpu.matmul %get3A_12, %get3A_15, %dot_general3A_16 {dimension_numbers = #tpu.dot_dimension_numbers<[1], [0], [0], [1], [0, 0, 1, 1], [], []>, transpose_lhs_hint = false} : vector<400x128xf32>, vector<128x512xf32>, vector<400x512xf32> -> vector<400x512xf32>
    %add3A = arith.addf %dot_general3A_7, %dot_general3A_17 : vector<400x512xf32>
    %get3A_18 = arith.constant 2 : index
    %get3A_19 = arith.constant 0 : index
    %get3A_20 = arith.constant 0 : index
    %get3A_21 = vector.load %arg1[%get3A_18, %get3A_19, %get3A_20] : memref<4x400x128xf32, #tpu.memory_space<vmem>>, vector<1x400x128xf32>
    %get3A_22 = vector.shape_cast %get3A_21 : vector<1x400x128xf32> to vector<400x128xf32>
    %get3A_23 = arith.constant 256 : index
    %get3A_24 = arith.constant 0 : index
    %get3A_25 = vector.load %arg2[%get3A_23, %get3A_24] : memref<512x512xf32, #tpu.memory_space<vmem>>, vector<128x512xf32>
    %dot_general3A_26 = arith.constant dense<0.000000e+00> : vector<400x512xf32>
    %dot_general3A_27 = tpu.matmul %get3A_22, %get3A_25, %dot_general3A_26 {dimension_numbers = #tpu.dot_dimension_numbers<[1], [0], [0], [1], [0, 0, 1, 1], [], []>, transpose_lhs_hint = false} : vector<400x128xf32>, vector<128x512xf32>, vector<400x512xf32> -> vector<400x512xf32>
    %add3A_28 = arith.addf %add3A, %dot_general3A_27 : vector<400x512xf32>
    %get3A_29 = arith.constant 3 : index
    %get3A_30 = arith.constant 0 : index
    %get3A_31 = arith.constant 0 : index
    %get3A_32 = vector.load %arg1[%get3A_29, %get3A_30, %get3A_31] : memref<4x400x128xf32, #tpu.memory_space<vmem>>, vector<1x400x128xf32>
    %get3A_33 = vector.shape_cast %get3A_32 : vector<1x400x128xf32> to vector<400x128xf32>
    %get3A_34 = arith.constant 384 : index
    %get3A_35 = arith.constant 0 : index
    %get3A_36 = vector.load %arg2[%get3A_34, %get3A_35] : memref<512x512xf32, #tpu.memory_space<vmem>>, vector<128x512xf32>
    %dot_general3A_37 = arith.constant dense<0.000000e+00> : vector<400x512xf32>
    %dot_general3A_38 = tpu.matmul %get3A_33, %get3A_36, %dot_general3A_37 {dimension_numbers = #tpu.dot_dimension_numbers<[1], [0], [0], [1], [0, 0, 1, 1], [], []>, transpose_lhs_hint = false} : vector<400x128xf32>, vector<128x512xf32>, vector<400x512xf32> -> vector<400x512xf32>
    %add3A_39 = arith.addf %add3A_28, %dot_general3A_38 : vector<400x512xf32>
    %swap3A = arith.constant 0 : index
    %swap3A_40 = arith.constant 0 : index
    %swap3A_41 = vector.load %arg3[%swap3A, %swap3A_40] : memref<400x512xf32, #tpu.memory_space<vmem>>, vector<400x512xf32>
    tpu.vector_store %arg3[%swap3A, %swap3A_40], %add3A_39 {strides = array<i32>} : memref<400x512xf32, #tpu.memory_space<vmem>>, vector<400x512xf32>,
    return
  }
  func.func @transform_0(%arg0: i32) -> (i32, i32, i32) {
    %c0_i32 = arith.constant 0 : i32
    %c0_i32_0 = arith.constant 0 : i32
    %c0_i32_1 = arith.constant 0 : i32
    return %c0_i32, %arg0, %c0_i32_0 : i32, i32, i32
  }
  func.func @transform_1(%arg0: i32) -> (i32, i32) {
    %c0_i32 = arith.constant 0 : i32
    %c0_i32_0 = arith.constant 0 : i32
    %c0_i32_1 = arith.constant 0 : i32
    return %c0_i32, %c0_i32_0 : i32, i32
  }
  func.func @transform_2(%arg0: i32) -> (i32, i32) {
    %c0_i32 = arith.constant 0 : i32
    %c0_i32_0 = arith.constant 0 : i32
    return %arg0, %c0_i32 : i32, i32
  }
}

module attributes {stable_mosaic.version = 14 : i64} {
  func.func @_kmain_body(%arg0: i32, %arg1: memref<400x512xf32, #tpu.memory_space<vmem>>, %arg2: memref<4x400x128xf32, #tpu.memory_space<vmem>>, %arg3: memref<512x512xf32, #tpu.memory_space<vmem>>, %arg4: memref<1x512xf32, #tpu.memory_space<vmem>>, %arg5: memref<400x512xf32, #tpu.memory_space<vmem>>, %arg6: memref<2x512xf32, #tpu.memory_space<vmem>>, %arg7: memref<2x512xf32, #tpu.memory_space<vmem>>) attributes {dimension_semantics = [#tpu.dimension_semantics<arbitrary>], iteration_bounds = array<i64: 25>, scalar_prefetch = 0 : i64, scratch_operands = 1 : i64, tpu.core_type = #tpu.core_type<tc>, window_params = [{transform_indices = @transform_0, window_bounds = array<i64: 400, 512>}, {transform_indices = @transform_1, window_bounds = array<i64: 4, 400, 128>}, {pipeline_mode = #tpu.pipeline_mode<synchronous>, transform_indices = @transform_2, window_bounds = array<i64: 512, 512>}, {pipeline_mode = #tpu.pipeline_mode<synchronous>, transform_indices = @transform_3, window_bounds = array<i64: 1, 512>}, {transform_indices = @transform_4, window_bounds = array<i64: 400, 512>}, {pipeline_mode = #tpu.pipeline_mode<synchronous>, transform_indices = @transform_5, window_bounds = array<i64: 2, 512>}]} {
    %get3A = arith.constant 0 : index
    %get3A_0 = arith.constant 0 : index
    %get3A_1 = vector.load %arg1[%get3A, %get3A_0] : memref<400x512xf32, #tpu.memory_space<vmem>>, vector<400x512xf32>
    %get3A_2 = arith.constant 0 : index
    %get3A_3 = arith.constant 0 : index
    %get3A_4 = vector.load %arg4[%get3A_2, %get3A_3] : memref<1x512xf32, #tpu.memory_space<vmem>>, vector<1x512xf32>
    %add3A = vector.broadcast %get3A_4 : vector<1x512xf32> to vector<400x512xf32>
    %add3A_5 = arith.addf %get3A_1, %add3A : vector<400x512xf32>
    %get3A_6 = arith.constant 0 : index
    %get3A_7 = arith.constant 0 : index
    %get3A_8 = arith.constant 0 : index
    %get3A_9 = vector.load %arg2[%get3A_6, %get3A_7, %get3A_8] : memref<4x400x128xf32, #tpu.memory_space<vmem>>, vector<1x400x128xf32>
    %get3A_10 = vector.shape_cast %get3A_9 : vector<1x400x128xf32> to vector<400x128xf32>
    %get3A_11 = arith.constant 0 : index
    %get3A_12 = arith.constant 0 : index
    %get3A_13 = vector.load %arg3[%get3A_11, %get3A_12] : memref<512x512xf32, #tpu.memory_space<vmem>>, vector<128x512xf32>
    %dot_general3A = arith.constant dense<0.000000e+00> : vector<400x512xf32>
    %dot_general3A_14 = tpu.matmul %get3A_10, %get3A_13, %dot_general3A {dimension_numbers = #tpu.dot_dimension_numbers<[1], [0], [0], [1], [0, 0, 1, 1], [], []>, transpose_lhs_hint = false} : vector<400x128xf32>, vector<128x512xf32>, vector<400x512xf32> -> vector<400x512xf32>
    %add3A_15 = arith.addf %add3A_5, %dot_general3A_14 : vector<400x512xf32>
    %get3A_16 = arith.constant 1 : index
    %get3A_17 = arith.constant 0 : index
    %get3A_18 = arith.constant 0 : index
    %get3A_19 = vector.load %arg2[%get3A_16, %get3A_17, %get3A_18] : memref<4x400x128xf32, #tpu.memory_space<vmem>>, vector<1x400x128xf32>
    %get3A_20 = vector.shape_cast %get3A_19 : vector<1x400x128xf32> to vector<400x128xf32>
    %get3A_21 = arith.constant 128 : index
    %get3A_22 = arith.constant 0 : index
    %get3A_23 = vector.load %arg3[%get3A_21, %get3A_22] : memref<512x512xf32, #tpu.memory_space<vmem>>, vector<128x512xf32>
    %dot_general3A_24 = arith.constant dense<0.000000e+00> : vector<400x512xf32>
    %dot_general3A_25 = tpu.matmul %get3A_20, %get3A_23, %dot_general3A_24 {dimension_numbers = #tpu.dot_dimension_numbers<[1], [0], [0], [1], [0, 0, 1, 1], [], []>, transpose_lhs_hint = false} : vector<400x128xf32>, vector<128x512xf32>, vector<400x512xf32> -> vector<400x512xf32>
    %add3A_26 = arith.addf %add3A_15, %dot_general3A_25 : vector<400x512xf32>
    %get3A_27 = arith.constant 2 : index
    %get3A_28 = arith.constant 0 : index
    %get3A_29 = arith.constant 0 : index
    %get3A_30 = vector.load %arg2[%get3A_27, %get3A_28, %get3A_29] : memref<4x400x128xf32, #tpu.memory_space<vmem>>, vector<1x400x128xf32>
    %get3A_31 = vector.shape_cast %get3A_30 : vector<1x400x128xf32> to vector<400x128xf32>
    %get3A_32 = arith.constant 256 : index
    %get3A_33 = arith.constant 0 : index
    %get3A_34 = vector.load %arg3[%get3A_32, %get3A_33] : memref<512x512xf32, #tpu.memory_space<vmem>>, vector<128x512xf32>
    %dot_general3A_35 = arith.constant dense<0.000000e+00> : vector<400x512xf32>
    %dot_general3A_36 = tpu.matmul %get3A_31, %get3A_34, %dot_general3A_35 {dimension_numbers = #tpu.dot_dimension_numbers<[1], [0], [0], [1], [0, 0, 1, 1], [], []>, transpose_lhs_hint = false} : vector<400x128xf32>, vector<128x512xf32>, vector<400x512xf32> -> vector<400x512xf32>
    %add3A_37 = arith.addf %add3A_26, %dot_general3A_36 : vector<400x512xf32>
    %get3A_38 = arith.constant 3 : index
    %get3A_39 = arith.constant 0 : index
    %get3A_40 = arith.constant 0 : index
    %get3A_41 = vector.load %arg2[%get3A_38, %get3A_39, %get3A_40] : memref<4x400x128xf32, #tpu.memory_space<vmem>>, vector<1x400x128xf32>
    %get3A_42 = vector.shape_cast %get3A_41 : vector<1x400x128xf32> to vector<400x128xf32>
    %get3A_43 = arith.constant 384 : index
    %get3A_44 = arith.constant 0 : index
    %get3A_45 = vector.load %arg3[%get3A_43, %get3A_44] : memref<512x512xf32, #tpu.memory_space<vmem>>, vector<128x512xf32>
    %dot_general3A_46 = arith.constant dense<0.000000e+00> : vector<400x512xf32>
    %dot_general3A_47 = tpu.matmul %get3A_42, %get3A_45, %dot_general3A_46 {dimension_numbers = #tpu.dot_dimension_numbers<[1], [0], [0], [1], [0, 0, 1, 1], [], []>, transpose_lhs_hint = false} : vector<400x128xf32>, vector<128x512xf32>, vector<400x512xf32> -> vector<400x512xf32>
    %add3A_48 = arith.addf %add3A_37, %dot_general3A_47 : vector<400x512xf32>
    %swap3A = arith.constant 0 : index
    %swap3A_49 = arith.constant 0 : index
    %swap3A_50 = vector.load %arg5[%swap3A, %swap3A_49] : memref<400x512xf32, #tpu.memory_space<vmem>>, vector<400x512xf32>
    tpu.vector_store %arg5[%swap3A, %swap3A_49], %add3A_48 {strides = array<i32>} : memref<400x512xf32, #tpu.memory_space<vmem>>, vector<400x512xf32>,
    %eq3A = arith.constant 0 : i32
    %eq3A_51 = arith.cmpi eq, %arg0, %eq3A : i32
    %convert_element_type3A = arith.extui %eq3A_51 : i1 to i32
    %cond3A = arith.constant 0 : i32
    %cond3A_52 = arith.cmpi ne, %convert_element_type3A, %cond3A : i32
    scf.if %cond3A_52 {
      %broadcast_in_dim3A_76 = arith.constant 0.000000e+00 : f32
      %broadcast_in_dim3A_77 = vector.broadcast %broadcast_in_dim3A_76 : f32 to vector<2x512xf32>
      %swap3A_78 = arith.constant 0 : index
      %swap3A_79 = arith.constant 0 : index
      %swap3A_80 = vector.load %arg7[%swap3A_78, %swap3A_79] : memref<2x512xf32, #tpu.memory_space<vmem>>, vector<2x512xf32>
      tpu.vector_store %arg7[%swap3A_78, %swap3A_79], %broadcast_in_dim3A_77 {strides = array<i32>} : memref<2x512xf32, #tpu.memory_space<vmem>>, vector<2x512xf32>,
    } else {
    }
    %get3A_53 = arith.constant 0 : index
    %get3A_54 = arith.constant 0 : index
    %get3A_55 = vector.load %arg7[%get3A_53, %get3A_54] : memref<2x512xf32, #tpu.memory_space<vmem>>, vector<1x512xf32>
    %reduce_sum3A = arith.constant dense<0.000000e+00> : vector<512xf32>
    %reduce_sum3A_56 = vector.multi_reduction <add>, %add3A_48, %reduce_sum3A [0] : vector<400x512xf32> to vector<512xf32>
    %broadcast_in_dim3A = vector.shape_cast %reduce_sum3A_56 : vector<512xf32> to vector<1x512xf32>
    %add3A_57 = arith.addf %get3A_55, %broadcast_in_dim3A : vector<1x512xf32>
    %swap3A_58 = arith.constant 0 : index
    %swap3A_59 = arith.constant 0 : index
    %swap3A_60 = vector.load %arg7[%swap3A_58, %swap3A_59] : memref<2x512xf32, #tpu.memory_space<vmem>>, vector<1x512xf32>
    tpu.vector_store %arg7[%swap3A_58, %swap3A_59], %add3A_57 {strides = array<i32>} : memref<2x512xf32, #tpu.memory_space<vmem>>, vector<1x512xf32>,
    %get3A_61 = arith.constant 1 : index
    %get3A_62 = arith.constant 0 : index
    %get3A_63 = vector.load %arg7[%get3A_61, %get3A_62] : memref<2x512xf32, #tpu.memory_space<vmem>>, vector<1x512xf32>
    %mul3A = arith.mulf %add3A_48, %add3A_48 : vector<400x512xf32>
    %reduce_sum3A_64 = arith.constant dense<0.000000e+00> : vector<512xf32>
    %reduce_sum3A_65 = vector.multi_reduction <add>, %mul3A, %reduce_sum3A_64 [0] : vector<400x512xf32> to vector<512xf32>
    %broadcast_in_dim3A_66 = vector.shape_cast %reduce_sum3A_65 : vector<512xf32> to vector<1x512xf32>
    %add3A_67 = arith.addf %get3A_63, %broadcast_in_dim3A_66 : vector<1x512xf32>
    %swap3A_68 = arith.constant 1 : index
    %swap3A_69 = arith.constant 0 : index
    %swap3A_70 = vector.load %arg7[%swap3A_68, %swap3A_69] : memref<2x512xf32, #tpu.memory_space<vmem>>, vector<1x512xf32>
    tpu.vector_store %arg7[%swap3A_68, %swap3A_69], %add3A_67 {strides = array<i32>} : memref<2x512xf32, #tpu.memory_space<vmem>>, vector<1x512xf32>,
    %eq3A_71 = arith.constant 24 : i32
    %eq3A_72 = arith.cmpi eq, %arg0, %eq3A_71 : i32
    %convert_element_type3A_73 = arith.extui %eq3A_72 : i1 to i32
    %cond3A_74 = arith.constant 0 : i32
    %cond3A_75 = arith.cmpi ne, %convert_element_type3A_73, %cond3A_74 : i32
    scf.if %cond3A_75 {
      %get3A_76 = arith.constant 0 : index
      %get3A_77 = arith.constant 0 : index
      %get3A_78 = vector.load %arg7[%get3A_76, %get3A_77] : memref<2x512xf32, #tpu.memory_space<vmem>>, vector<2x512xf32>
      %swap3A_79 = arith.constant 0 : index
      %swap3A_80 = arith.constant 0 : index
      %swap3A_81 = vector.load %arg6[%swap3A_79, %swap3A_80] : memref<2x512xf32, #tpu.memory_space<vmem>>, vector<2x512xf32>
      tpu.vector_store %arg6[%swap3A_79, %swap3A_80], %get3A_78 {strides = array<i32>} : memref<2x512xf32, #tpu.memory_space<vmem>>, vector<2x512xf32>,
    } else {
    }
    return
  }
  func.func @transform_0(%arg0: i32) -> (i32, i32) {
    %c0_i32 = arith.constant 0 : i32
    %c0_i32_0 = arith.constant 0 : i32
    return %arg0, %c0_i32 : i32, i32
  }
  func.func @transform_1(%arg0: i32) -> (i32, i32, i32) {
    %c0_i32 = arith.constant 0 : i32
    %c0_i32_0 = arith.constant 0 : i32
    %c0_i32_1 = arith.constant 0 : i32
    return %c0_i32, %arg0, %c0_i32_0 : i32, i32, i32
  }
  func.func @transform_2(%arg0: i32) -> (i32, i32) {
    %c0_i32 = arith.constant 0 : i32
    %c0_i32_0 = arith.constant 0 : i32
    %c0_i32_1 = arith.constant 0 : i32
    return %c0_i32, %c0_i32_0 : i32, i32
  }
  func.func @transform_3(%arg0: i32) -> (i32, i32) {
    %c0_i32 = arith.constant 0 : i32
    %c0_i32_0 = arith.constant 0 : i32
    %c0_i32_1 = arith.constant 0 : i32
    return %c0_i32, %c0_i32_0 : i32, i32
  }
  func.func @transform_4(%arg0: i32) -> (i32, i32) {
    %c0_i32 = arith.constant 0 : i32
    %c0_i32_0 = arith.constant 0 : i32
    return %arg0, %c0_i32 : i32, i32
  }
  func.func @transform_5(%arg0: i32) -> (i32, i32) {
    %c0_i32 = arith.constant 0 : i32
    %c0_i32_0 = arith.constant 0 : i32
    %c0_i32_1 = arith.constant 0 : i32
    return %c0_i32, %c0_i32_0 : i32, i32
  }
}

module attributes {stable_mosaic.version = 14 : i64} {
  func.func @_k56_body(%arg0: i32, %arg1: memref<400x512xf32, #tpu.memory_space<vmem>>, %arg2: memref<2x512xf32, #tpu.memory_space<vmem>>, %arg3: memref<1x512xf32, #tpu.memory_space<vmem>>, %arg4: memref<1x512xf32, #tpu.memory_space<vmem>>, %arg5: memref<512x512xf32, #tpu.memory_space<vmem>>, %arg6: memref<1x512xf32, #tpu.memory_space<vmem>>, %arg7: memref<400x512xf32, #tpu.memory_space<vmem>>, %arg8: memref<512x64xf32, #tpu.memory_space<vmem>>, %arg9: memref<1x64xf32, #tpu.memory_space<vmem>>, %arg10: memref<400x64xf32, #tpu.memory_space<vmem>>) attributes {dimension_semantics = [#tpu.dimension_semantics<arbitrary>], iteration_bounds = array<i64: 25>, scalar_prefetch = 0 : i64, scratch_operands = 0 : i64, tpu.core_type = #tpu.core_type<tc>, window_params = [{transform_indices = @transform_0, window_bounds = array<i64: 400, 512>}, {pipeline_mode = #tpu.pipeline_mode<synchronous>, transform_indices = @transform_1, window_bounds = array<i64: 2, 512>}, {pipeline_mode = #tpu.pipeline_mode<synchronous>, transform_indices = @transform_2, window_bounds = array<i64: 1, 512>}, {pipeline_mode = #tpu.pipeline_mode<synchronous>, transform_indices = @transform_3, window_bounds = array<i64: 1, 512>}, {pipeline_mode = #tpu.pipeline_mode<synchronous>, transform_indices = @transform_4, window_bounds = array<i64: 512, 512>}, {pipeline_mode = #tpu.pipeline_mode<synchronous>, transform_indices = @transform_5, window_bounds = array<i64: 1, 512>}, {transform_indices = @transform_6, window_bounds = array<i64: 400, 512>}, {pipeline_mode = #tpu.pipeline_mode<synchronous>, transform_indices = @transform_7, window_bounds = array<i64: 512, 64>}, {pipeline_mode = #tpu.pipeline_mode<synchronous>, transform_indices = @transform_8, window_bounds = array<i64: 1, 64>}, {transform_indices = @transform_9, window_bounds = array<i64: 400, 64>}]} {
    %get3A = arith.constant 0 : index
    %get3A_0 = arith.constant 0 : index
    %get3A_1 = vector.load %arg1[%get3A, %get3A_0] : memref<400x512xf32, #tpu.memory_space<vmem>>, vector<400x512xf32>
    %get3A_2 = arith.constant 0 : index
    %get3A_3 = arith.constant 0 : index
    %get3A_4 = vector.load %arg2[%get3A_2, %get3A_3] : memref<2x512xf32, #tpu.memory_space<vmem>>, vector<2x512xf32>
    %get3A_5 = arith.constant 0 : index
    %get3A_6 = arith.constant 0 : index
    %get3A_7 = vector.load %arg3[%get3A_5, %get3A_6] : memref<1x512xf32, #tpu.memory_space<vmem>>, vector<1x512xf32>
    %get3A_8 = arith.constant 0 : index
    %get3A_9 = arith.constant 0 : index
    %get3A_10 = vector.load %arg4[%get3A_8, %get3A_9] : memref<1x512xf32, #tpu.memory_space<vmem>>, vector<1x512xf32>
    %slice3A = vector.extract_strided_slice %get3A_4 {offsets = [0, 0], sizes = [1, 512], strides = [1, 1]} : vector<2x512xf32> to vector<1x512xf32>
    %div3A = arith.constant 1.000000e+04 : f32
    %div3A_11 = vector.broadcast %div3A : f32 to vector<1x512xf32>
    %div3A_12 = arith.divf %slice3A, %div3A_11 : vector<1x512xf32>
    %slice3A_13 = vector.extract_strided_slice %get3A_4 {offsets = [1, 0], sizes = [1, 512], strides = [1, 1]} : vector<2x512xf32> to vector<1x512xf32>
    %div3A_14 = arith.constant 1.000000e+04 : f32
    %div3A_15 = vector.broadcast %div3A_14 : f32 to vector<1x512xf32>
    %div3A_16 = arith.divf %slice3A_13, %div3A_15 : vector<1x512xf32>
    %mul3A = arith.mulf %div3A_12, %div3A_12 : vector<1x512xf32>
    %sub3A = arith.subf %div3A_16, %mul3A : vector<1x512xf32>
    %add3A = arith.constant 9.99999974E-6 : f32
    %add3A_17 = vector.broadcast %add3A : f32 to vector<1x512xf32>
    %add3A_18 = arith.addf %sub3A, %add3A_17 : vector<1x512xf32>
    %rsqrt3A = math.rsqrt %add3A_18 : vector<1x512xf32>
    %sub3A_19 = vector.broadcast %div3A_12 : vector<1x512xf32> to vector<400x512xf32>
    %sub3A_20 = arith.subf %get3A_1, %sub3A_19 : vector<400x512xf32>
    %mul3A_21 = vector.broadcast %rsqrt3A : vector<1x512xf32> to vector<400x512xf32>
    %mul3A_22 = arith.mulf %sub3A_20, %mul3A_21 : vector<400x512xf32>
    %mul3A_23 = vector.broadcast %get3A_7 : vector<1x512xf32> to vector<400x512xf32>
    %mul3A_24 = arith.mulf %mul3A_22, %mul3A_23 : vector<400x512xf32>
    %add3A_25 = vector.broadcast %get3A_10 : vector<1x512xf32> to vector<400x512xf32>
    %add3A_26 = arith.addf %mul3A_24, %add3A_25 : vector<400x512xf32>
    %max3A = arith.constant 0.000000e+00 : f32
    %max3A_27 = vector.broadcast %max3A : f32 to vector<400x512xf32>
    %max3A_28 = arith.maximumf %add3A_26, %max3A_27 : vector<400x512xf32>
    %get3A_29 = arith.constant 0 : index
    %get3A_30 = arith.constant 0 : index
    %get3A_31 = vector.load %arg5[%get3A_29, %get3A_30] : memref<512x512xf32, #tpu.memory_space<vmem>>, vector<512x512xf32>
    %dot_general3A = arith.constant dense<0.000000e+00> : vector<400x512xf32>
    %dot_general3A_32 = tpu.matmul %max3A_28, %get3A_31, %dot_general3A {dimension_numbers = #tpu.dot_dimension_numbers<[1], [0], [0], [1], [0, 0, 1, 1], [], []>, transpose_lhs_hint = false} : vector<400x512xf32>, vector<512x512xf32>, vector<400x512xf32> -> vector<400x512xf32>
    %get3A_33 = arith.constant 0 : index
    %get3A_34 = arith.constant 0 : index
    %get3A_35 = vector.load %arg6[%get3A_33, %get3A_34] : memref<1x512xf32, #tpu.memory_space<vmem>>, vector<1x512xf32>
    %add3A_36 = vector.broadcast %get3A_35 : vector<1x512xf32> to vector<400x512xf32>
    %add3A_37 = arith.addf %dot_general3A_32, %add3A_36 : vector<400x512xf32>
    %get3A_38 = arith.constant 0 : index
    %get3A_39 = arith.constant 0 : index
    %get3A_40 = vector.load %arg7[%get3A_38, %get3A_39] : memref<400x512xf32, #tpu.memory_space<vmem>>, vector<400x512xf32>
    %mul3A_41 = arith.constant 1.000000e-01 : f32
    %mul3A_42 = vector.broadcast %mul3A_41 : f32 to vector<400x512xf32>
    %mul3A_43 = arith.mulf %mul3A_42, %get3A_40 : vector<400x512xf32>
    %add3A_44 = arith.addf %add3A_37, %mul3A_43 : vector<400x512xf32>
    %get3A_45 = arith.constant 0 : index
    %get3A_46 = arith.constant 0 : index
    %get3A_47 = vector.load %arg8[%get3A_45, %get3A_46] : memref<512x64xf32, #tpu.memory_space<vmem>>, vector<512x64xf32>
    %dot_general3A_48 = arith.constant dense<0.000000e+00> : vector<400x64xf32>
    %dot_general3A_49 = tpu.matmul %add3A_44, %get3A_47, %dot_general3A_48 {dimension_numbers = #tpu.dot_dimension_numbers<[1], [0], [0], [1], [0, 0, 1, 1], [], []>, transpose_lhs_hint = false} : vector<400x512xf32>, vector<512x64xf32>, vector<400x64xf32> -> vector<400x64xf32>
    %get3A_50 = arith.constant 0 : index
    %get3A_51 = arith.constant 0 : index
    %get3A_52 = vector.load %arg9[%get3A_50, %get3A_51] : memref<1x64xf32, #tpu.memory_space<vmem>>, vector<1x64xf32>
    %add3A_53 = vector.broadcast %get3A_52 : vector<1x64xf32> to vector<400x64xf32>
    %add3A_54 = arith.addf %dot_general3A_49, %add3A_53 : vector<400x64xf32>
    %reduce_max3A = arith.constant dense<0xFF800000> : vector<400xf32>
    %reduce_max3A_55 = vector.multi_reduction <maximumf>, %add3A_54, %reduce_max3A [1] : vector<400x64xf32> to vector<400xf32>
    %broadcast_in_dim3A = vector.shape_cast %reduce_max3A_55 : vector<400xf32> to vector<400x1xf32>
    %sub3A_56 = vector.broadcast %broadcast_in_dim3A : vector<400x1xf32> to vector<400x64xf32>
    %sub3A_57 = arith.subf %add3A_54, %sub3A_56 : vector<400x64xf32>
    %exp3A = math.exp %sub3A_57 : vector<400x64xf32>
    %reduce_sum3A = arith.constant dense<0.000000e+00> : vector<400xf32>
    %reduce_sum3A_58 = vector.multi_reduction <add>, %exp3A, %reduce_sum3A [1] : vector<400x64xf32> to vector<400xf32>
    %broadcast_in_dim3A_59 = vector.shape_cast %reduce_sum3A_58 : vector<400xf32> to vector<400x1xf32>
    %log3A = math.log %broadcast_in_dim3A_59 : vector<400x1xf32>
    %add3A_60 = arith.addf %log3A, %broadcast_in_dim3A : vector<400x1xf32>
    %sub3A_61 = vector.broadcast %add3A_60 : vector<400x1xf32> to vector<400x64xf32>
    %sub3A_62 = arith.subf %add3A_54, %sub3A_61 : vector<400x64xf32>
    %swap3A = arith.constant 0 : index
    %swap3A_63 = arith.constant 0 : index
    %swap3A_64 = vector.load %arg10[%swap3A, %swap3A_63] : memref<400x64xf32, #tpu.memory_space<vmem>>, vector<400x64xf32>
    tpu.vector_store %arg10[%swap3A, %swap3A_63], %sub3A_62 {strides = array<i32>} : memref<400x64xf32, #tpu.memory_space<vmem>>, vector<400x64xf32>,
    return
  }
  func.func @transform_0(%arg0: i32) -> (i32, i32) {
    %c0_i32 = arith.constant 0 : i32
    %c0_i32_0 = arith.constant 0 : i32
    return %arg0, %c0_i32 : i32, i32
  }
  func.func @transform_1(%arg0: i32) -> (i32, i32) {
    %c0_i32 = arith.constant 0 : i32
    %c0_i32_0 = arith.constant 0 : i32
    %c0_i32_1 = arith.constant 0 : i32
    return %c0_i32, %c0_i32_0 : i32, i32
  }
  func.func @transform_2(%arg0: i32) -> (i32, i32) {
    %c0_i32 = arith.constant 0 : i32
    %c0_i32_0 = arith.constant 0 : i32
    %c0_i32_1 = arith.constant 0 : i32
    return %c0_i32, %c0_i32_0 : i32, i32
  }
  func.func @transform_3(%arg0: i32) -> (i32, i32) {
    %c0_i32 = arith.constant 0 : i32
    %c0_i32_0 = arith.constant 0 : i32
    %c0_i32_1 = arith.constant 0 : i32
    return %c0_i32, %c0_i32_0 : i32, i32
  }
  func.func @transform_4(%arg0: i32) -> (i32, i32) {
    %c0_i32 = arith.constant 0 : i32
    %c0_i32_0 = arith.constant 0 : i32
    %c0_i32_1 = arith.constant 0 : i32
    return %c0_i32, %c0_i32_0 : i32, i32
  }
  func.func @transform_5(%arg0: i32) -> (i32, i32) {
    %c0_i32 = arith.constant 0 : i32
    %c0_i32_0 = arith.constant 0 : i32
    %c0_i32_1 = arith.constant 0 : i32
    return %c0_i32, %c0_i32_0 : i32, i32
  }
  func.func @transform_6(%arg0: i32) -> (i32, i32) {
    %c0_i32 = arith.constant 0 : i32
    %c0_i32_0 = arith.constant 0 : i32
    return %arg0, %c0_i32 : i32, i32
  }
  func.func @transform_7(%arg0: i32) -> (i32, i32) {
    %c0_i32 = arith.constant 0 : i32
    %c0_i32_0 = arith.constant 0 : i32
    %c0_i32_1 = arith.constant 0 : i32
    return %c0_i32, %c0_i32_0 : i32, i32
  }
  func.func @transform_8(%arg0: i32) -> (i32, i32) {
    %c0_i32 = arith.constant 0 : i32
    %c0_i32_0 = arith.constant 0 : i32
    %c0_i32_1 = arith.constant 0 : i32
    return %c0_i32, %c0_i32_0 : i32, i32
  }
  func.func @transform_9(%arg0: i32) -> (i32, i32) {
    %c0_i32 = arith.constant 0 : i32
    %c0_i32_0 = arith.constant 0 : i32
    return %arg0, %c0_i32 : i32, i32
  }
}

</mosaic_0001>

<sc_bundles>
// kernel: kernel.12.cloned.1.call-start
scs
__scs_entry_jumppad:
0x0: {  	(pc) =	sbr.rel $0x88, $3  }
0x1: {  	(tag) =	ssettag $0x0;
	lr =	simm.s32 $0x1  }
0x2: {  	[smem:$0x3F88] =	sst lr;
	_ =	strace $0xD0000000  }
0x3: {  	_ = 	snop  }
0x4: {  	_ = 	snop  }
0x5: {  	_ = 	snop  }
0x6: {  	_ = 	snop  }
0x7: {  	_ = 	snop  }
__scs_overlays_trampoline_lowered:
0x8: {  	[smem:$0x3F97] =	sst s0  }
0x9: {  	[smem:$0x3F98] =	sst s1  }
0xa: {  	[smem:$0x3F99] =	sst s2  }
0xb: {  	[smem:$0x3F9A] =	sst s3  }
0xc: {  	[smem:$0x3F9B] =	sst s4  }
0xd: {  	[smem:$0x3F9C] =	sst s5  }
0xe: {  	[smem:$0x3F9D] =	sst s6  }
0xf: {  	[smem:$0x3F9E] =	sst s7  }
0x10: {  	[smem:$0x3F9F] =	sst s8  }
0x11: {  	[smem:$0x3FA0] =	sst s9;
	s0 =	simm.s32 @!p0 $0x0  }
0x12: {  	s1 =	sld [smem:$0x3F86];
	s0 =	simm.s32 @p0 $0x1  }
0x13: {  	[smem:$0x3FA1] =	sst s0;
	s0 =	simm.s32 @!p1 $0x0  }
0x14: {  	s2 =	sld [smem:$0x3F85];
	s0 =	simm.s32 @p1 $0x1  }
0x15: {  	[smem:$0x3FA2] =	sst s0;
	s0 =	simm.s32 @!p2 $0x0  }
0x16: {  	s3 =	sld [smem:$0x3FDB];
	s0 =	simm.s32 @p2 $0x1  }
0x17: {  	s4 =	simm.s32 $0x1BF5;
	[smem:$0x3FA4] =	sst s0  }
0x18: {  	s0 =	sld [smem:$0x3F87];
	_ =	swait.ge [sflag:s4], $0x0  }
0x19: {  	s7 =	sld [smem:$0x3F88]  }
0x1a: {  	s8 =	sadd.s32 $0xFFFFE003, lr  }
0x1b: {  	s9 =	sadd.s32 $0xFFFFFEF7, lr;
	s5 =	simm.s32 $0xFFFFFFFF;
	p2 =	slt.u32 s8, $0xFFFFF086  }
0x1c: {  	p1 =	slt.u32 s9, $0xF7A;
	s5 =	simm.s32 @!p2 $0x0  }
0x1d: {  	s5 =	simm.s32 @p1 $0x1;
	p0 =	seq.s32 s7, s2  }
0x1e: {  	s7 =	smul.u32 @!p0 $0xF7A, s2;
	p2 =	seq.s32 @!p0 s5, $0x0  }
0x1f: {  	s9 =	smul.u32 $0xF7A, s1;
	s8 =	simm.s32 @!p0 $0x1BF5;
	p2 =	por !p2, p0  }
0x20: {  	[sflag:s8] =	ssyncset.s32 @!p0 $0xFFFFF086;
	s6 =	sadd.s32 @!p0 s3, s7;
	s7 =	simm.s32 @!p0 $0x108  }
0x21: {  	s3 =	sadd.s32 s3, s9;
	s6 =	sadd.s32 @!p0 $0x88, s6;
	s7 =	simm.s32 @p2 $0x1082  }
0x22: {  	[simem:s7], [sflag:s8] =	dma.local @!p0 [hbm:s6], $0xF7A  }
0x23: {  	s9 =	sor.u32 $0xD0000000, s2;
	s6 =	simm.s32 $0x108;
	_ =	swait.ge @!p0 [sflag:s8], $0x0  }
0x24: {  	s3 =	sadd.s32 $0x88, s3;
	s6 =	simm.s32 @!p1 $0x1082;
	[sflag:s4] =	ssyncset.s32 $0xFFFFF086  }
0x25: {  	[simem:s6], [sflag:s4] =	dma.local [hbm:s3], $0xF7A  }
0x26: {  	[smem:$0x3F88] =	sst s1;
	(tag) =	ssettag s2;
	_ =	strace s9  }
0x27: {  	s1 =	sld [smem:$0x3F98]  }
0x28: {  	s2 =	sld [smem:$0x3F99]  }
0x29: {  	s4 =	sld [smem:$0x3F9B]  }
0x2a: {  	p0 =	seq.s32 s5, $0x0;
	s5 =	sld [smem:$0x3F9C]  }
0x2b: {  	s6 =	sld [smem:$0x3F9D]  }
0x2c: {  	s7 =	sld [smem:$0x3F9E]  }
0x2d: {  	s3 =	simm.s32 $0x108;
	s8 =	sld [smem:$0x3F9F]  }
0x2e: {  	s3 =	simm.s32 @!p0 $0x1082;
	s9 =	sld [smem:$0x3FA0]  }
0x2f: {  	lr =	sadd.s32 s0, s3;
	s0 =	sld [smem:$0x3F97]  }
0x30: {  	s3 =	sld [smem:$0x3F9A]  }
0x31: {  	[smem:$0x3FA3] =	sst s10  }
0x32: {  	s10 =	sld [smem:$0x3FA1];
	_ =	sdelay $0x3  }
0x33: {  	p0 =	seq.s32 s10, $0x1;
	s10 =	sld [smem:$0x3FA3];
	_ =	sdelay $0x3  }
0x34: {  	[smem:$0x3FA3] =	sst s10  }
0x35: {  	s10 =	sld [smem:$0x3FA2];
	_ =	sdelay $0x3  }
0x36: {  	p1 =	seq.s32 s10, $0x1;
	s10 =	sld [smem:$0x3FA3];
	_ =	sdelay $0x3  }
0x37: {  	[smem:$0x3FA3] =	sst s10  }
0x38: {  	s10 =	sld [smem:$0x3FA4]  }
0x39: {  	_ = 	snop;
	(pc) =	sbr.ind lr, $3  }
0x3a: {  	_ = 	snop  }
0x3b: {  	_ = 	snop  }
0x3c: {  	p2 =	seq.s32 s10, $0x1;
	s10 =	sld [smem:$0x3FA3]  }
0x3d: {  	_ =	shalt  }
0x3e: {  	_ =	shalt  }
0x3f: {  	_ =	shalt  }
0x40: {  	_ =	shalt  }
0x41: {  	_ =	shalt  }
0x42: {  	_ =	shalt  }
0x43: {  	_ =	shalt  }
0x44: {  	_ =	shalt  }
0x45: {  	_ =	shalt  }
0x46: {  	_ =	shalt  }
0x47: {  	_ =	shalt  }
0x48: {  	_ =	shalt  }
0x49: {  	_ =	shalt  }
0x4a: {  	_ =	shalt  }
0x4b: {  	_ =	shalt  }
0x4c: {  	_ =	shalt  }
0x4d: {  	_ =	shalt  }
0x4e: {  	_ =	shalt  }
0x4f: {  	_ =	shalt  }
0x50: {  	_ =	shalt  }
0x51: {  	_ =	shalt  }
0x52: {  	_ =	shalt  }
0x53: {  	_ =	shalt  }
0x54: {  	_ =	shalt  }
0x55: {  	_ =	shalt  }
0x56: {  	_ =	shalt  }
0x57: {  	_ =	shalt  }
0x58: {  	_ =	shalt  }
0x59: {  	_ =	shalt  }
0x5a: {  	_ =	shalt  }
0x5b: {  	_ =	shalt  }
0x5c: {  	_ =	shalt  }
0x5d: {  	_ =	shalt  }
0x5e: {  	_ =	shalt  }
0x5f: {  	_ =	shalt  }
0x60: {  	_ =	shalt  }
0x61: {  	_ =	shalt  }
0x62: {  	_ =	shalt  }
0x63: {  	_ =	shalt  }
0x64: {  	_ =	shalt  }
0x65: {  	_ =	shalt  }
0x66: {  	_ =	shalt  }
0x67: {  	_ =	shalt  }
0x68: {  	_ =	shalt  }
0x69: {  	_ =	shalt  }
0x6a: {  	_ =	shalt  }
0x6b: {  	_ =	shalt  }
0x6c: {  	_ =	shalt  }
0x6d: {  	_ =	shalt  }
0x6e: {  	_ =	shalt  }
0x6f: {  	_ =	shalt  }
0x70: {  	_ =	shalt  }
0x71: {  	_ =	shalt  }
0x72: {  	_ =	shalt  }
0x73: {  	_ =	shalt  }
0x74: {  	_ =	shalt  }
0x75: {  	_ =	shalt  }
0x76: {  	_ =	shalt  }
0x77: {  	_ =	shalt  }
0x78: {  	_ =	shalt  }
0x79: {  	_ =	shalt  }
0x7a: {  	_ =	shalt  }
0x7b: {  	_ =	shalt  }
0x7c: {  	_ =	shalt  }
0x7d: {  	_ =	shalt  }
0x7e: {  	_ =	shalt  }
0x7f: {  	_ =	shalt  }
0x80: {  	_ =	shalt  }
0x81: {  	_ =	shalt  }
0x82: {  	_ =	shalt  }
0x83: {  	_ =	shalt  }
0x84: {  	_ =	shalt  }
0x85: {  	_ =	shalt  }
0x86: {  	_ =	shalt  }
0x87: {  	_ =	shalt  }
.Lfunc_end0:
.L_simem_size_0:
called_computation_lowered:
.L_overlay_start_0:
0x88: {  	s2 =	sld [smem:$0x3FD9]  }
0x89: {  	s3 =	sld [smem:$0x3FFE];
	_ =	sdelay $0x1  }
0x8a: {  	s1 =	srdreg.scid  }
0x8b: {  	s0 =	sand.u32 $0x1, s1  }
0x8c: {  	s14 =	sshll.u32 s0, $0xA;
	s2 =	sadd.s32 s3, s2  }
0x8d: {  	s2 =	sadd.s32 s2, s14  }
0x8e: {  	[smem:$0x3FAF] =	sst s2  }
0x8f: {  	_ = 	snop  }
0x90: {  	s2 =	sld [smem:$0x3FD0];
	_ =	sdelay $0x2  }
0x91: {  	s15 =	simm.s32 $0xA;
	s4 =	simm.s32 $0x10  }
0x92: {  	[smem:s4], [sflag:s15] =	dma.local [hbm:s2], $0x1  }
0x93: {  	_ =	swait.eq [sflag:s15], $0x1  }
0x94: {  	[sflag:s15] =	ssyncset.done $0x0  }
0x95: {  	[sflag:s15] =	ssyncadd.s32 $0xFFFFFFFF  }
0x96: {  	s16 =	sld [smem:$0x10];
	(tm) =	ssettm $0x1  }
0x97: {  	s17 =	sld [smem:$0x3FFB];
	_ =	sdelay $0x3  }
0x98: {  	_ =	strace s17  }
0x99: {  	s3 =	sld [smem:$0x3FFC];
	_ =	sdelay $0x3  }
0x9a: {  	_ =	strace s3  }
0x9b: {  	s3 =	sld [smem:$0x3FFD];
	_ =	sdelay $0x3  }
0x9c: {  	_ =	strace s3  }
0x9d: {  	_ =	strace $0x8FFFFFFF  }
0x9e: {  	s18 =	sld [smem:$0x3FDB];
	_ =	sdelay $0x1  }
0x9f: {  	s19 =	simm.s32 $_scs_section_size  }
0xa0: {  	s5 =	simm.s32 $_size__tile_overlayer_lowered;
	s6 =	simm.s32 $_tile_overlayer_lowered  }
0xa1: {  	s22 =	simm.s32 $0x1BFF;
	s21 =	sshll.u32 s6, $0x1;
	s3 =	sadd.s32 s19, s18  }
0xa2: {  	s7 =	simm.s32 $0x0;
	s20 =	sshll.u32 s5, $0x1;
	s5 =	sadd.s32 s21, s3  }
0xa3: {  	[timem:s7], [sflag:s22] =	dma.local [hbm:s5], s20  }
0xa4: {  	_ =	swait.ge [sflag:s22], s20  }
0xa5: {  	s4 =	ssub.s32 $0x0, s20;
	[sflag:s22] =	ssyncset.done $0x0  }
0xa6: {  	[sflag:s22] =	ssyncadd.s32 s4;
	_ =	sdelay $0x1  }
0xa7: {  	s23 =	simm.s32 $0x1B8B  }
0xa8: {  	_ =	swait.ge [sflag:s23], $0x1  }
0xa9: {  	[sflag:s23] =	ssyncset.done $0x0  }
0xaa: {  	s25 =	simm.s32 $0x1B8E;
	s24 =	sld [smem:$0x3FFE];
	[sflag:s23] =	ssyncadd.s32 $0xFFFFFFFF  }
0xab: {  	s26 =	simm.s32 $execute0_lowered;
	[smem:$0x3FD2] =	sst s25  }
0xac: {  	s5 =	sshll.u32 s26, $0x1;
	_ =	strace $0x80000046;
	[dreg:$0x1] =	wrdreg $0xFFFFFFFF  }
0xad: {  	s28 =	simm.s32 $_size_execute0_lowered;
	s3 =	sadd.s32 s3, s5;
	[dreg:$0x0] =	wrdreg $0x0  }
0xae: {  	s5 =	sshll.u32 s28, $0x1;
	[dreg:$0x2] =	wrdreg s3  }
0xaf: {  	[dreg:$0x3] =	wrdreg s5  }
0xb0: {  	[dreg:$0x4] =	wrdreg $0xC0  }
0xb1: {  	_ =	task [dreg:s7], $0x5FFFF  }
0xb2: {  	[dreg:$0x1] =	wrdreg $0xFFFFFFFF  }
0xb3: {  	[dreg:$0x0] =	wrdreg $0x60  }
0xb4: {  	[dreg:$0x2] =	wrdreg s24  }
0xb5: {  	[dreg:$0x3] =	wrdreg s16  }
0xb6: {  	[dreg:$0x4] =	wrdreg $0xA8000  }
0xb7: {  	[dreg:$0x5] =	wrdreg $0x9  }
0xb8: {  	_ =	task.clear_ibuf [dreg:s7], $0x6FFFF;
	_ =	strace $0x90000046  }
0xb9: {  	s29 =	simm.s32 $0x9;
	_ =	strace $0x80000048  }
0xba: {  	_ =	swait.ge [sflag:s29], $0x1  }
0xbb: {  	[sflag:s29] =	ssyncadd.s32 $0xFFFFFFFF  }
0xbc: {  	_ =	strace $0x90000048  }
0xbd: {  	_ =	sfence  }
0xbe: {  	s30 =	sld [smem:$0x0];
	_ =	sdelay $0x2  }
0xbf: {  	s31 =	sshll.u32 s1, $0xD;
	s1 =	sshrl.u32 s1, $0x2  }
0xc0: {  	s3 =	sand.u32 $0x4000, s31;
	s1 =	sadd.s32 s1, s30  }
0xc1: {  	s0 =	sor.u32 s3, s0;
	s1 =	sshll.u32 s1, $0x11  }
0xc2: {  	s0 =	sor.u32 s1, s0  }
0xc3: {  	s0 =	sadd.s32 $0x8F2B, s0  }
0xc4: {  	[sflag:s0] =	ssyncadd.remote.s32 $0x1  }
0xc5: {  	_ =	sfence.sel $0xFFFF  }
0xc6: {  	[dreg:$0x0] =	wrdreg $0xFFFFFFFF;
	(pc) =	sbr.abs _section_cstart, $3  }
0xc7: {  	[dreg:$0x1] =	wrdreg $0xFFFFFFFF  }
0xc8: {  	_ =	task.clear_ibuf [dreg:s7], $0x2FFFF;
	_ =	strace $0x9FFFFFFF  }
0xc9: {  	(tm) =	ssettm $0x7FFFFFFF  }
tec
execute0_lowered:
.L_overlay_start_1:
0x0: {  	(tag) =	ssettag $0x1  }
0x1: {  	s0 =	rddreg [dreg:$0x0]  }
0x2: {  	s1 =	rddreg [dreg:$0x1]  }
0x3: {  	s2 =	rddreg [dreg:$0x2];
	s3 =	simm.s32 $0x0;
	s12 =	stileid.u32  }
0x4: {  	s6 =	srdreg.scid;
	s28 =	simm.s32 $0x80;
	s29 =	simm.s32 $0x2800  }
0x5: {  	s30 =	simm.s32 $0x6800;
	s31 =	simm.s32 $0x1;
	s5 =	smul.u32 $0x2800, s12  }
0x6: {  	[smem:$0x7FF] =	sst s3;
	s4 =	sadd.s32 $0x4C00, s0;
	s9 =	smul.u32 $0x50000, s12  }
0x7: {  	s6 =	sand.u32 $0x1, s6;
	s10 =	sadd.s32 $0x57E00, s0;
	s18 =	smul.u32 $0x270, s12  }
0x8: {  	s23 =	sshll.u32 s12, $0x6;
	s25 =	smul.u32 $0x4E000, s12;
	p0 =	sne.s32 s12, $0xF  }
0x9: {  	_ =	strace $0x80000047;
	s20 =	ssub.s32 $0x2, s6;
	[dreg:$0x4] =	wrdreg s10  }
0xa: {  	s11 =	smul.u32 $0x28000, s6;
	s7 =	sshrl.u32 s5, $0x3;
	s21 =	sshrl.u32 s20, $0x1  }
0xb: {  	s22 =	sshrl.u32 s9, $0x2;
	s9 =	smul.u32 $0x2710, s6;
	s16 =	sadd.s32 $0x100, s18  }
0xc: {  	s19 =	sadd.s32 $0x180, s18;
	s6 =	smul.u32 $0x138800, s6;
	s8 =	sadd.s32 s7, s0  }
0xd: {  	s0 =	sadd.s32 $0x5A600, s0;
	s10 =	ssub.s32 s20, s21;
	s24 =	sadd.s32 s22, s2  }
0xe: {  	s5 =	sadd.s32 s5, s11;
	s7 =	sor.u32 $0x1C03, s23;
	s11 =	sadd.s32 $0x80, s18  }
0xf: {  	s17 =	sshll.u32 s16, $0x7;
	s20 =	sshll.u32 s19, $0x7;
	s22 =	sadd.s32 $0x200, s18  }
0x10: {  	s5 =	sshrl.u32 s5, $0x3;
	[dreg:$0x5] =	wrdreg s7;
	s26 =	sadd.s32 $0x52E00, s8  }
0x11: {  	s7 =	sadd.s32 $0x53080, s8;
	s8 =	sadd.s32 s18, s9;
	s14 =	sadd.s32 s9, s11  }
0x12: {  	s15 =	sshll.u32 s11, $0x7;
	s21 =	sadd.s32 s9, s19;
	s23 =	sshll.u32 s22, $0x7  }
0x13: {  	s24 =	sshrl.u32 s24, $0x3;
	s5 =	sadd.s32 s1, s5;
	[dreg:$0x7] =	wrdreg s26  }
0x14: {  	[dreg:$0x9] =	wrdreg s7;
	s1 =	sshrl.u32 s25, $0x2;
	s13 =	sshll.u32 s8, $0x4  }
0x15: {  	s19 =	sadd.s32 s23, s2;
	s26 =	sshrl.u32 s6, $0x3;
	s23 =	smax.u32 s10, $0x1  }
0x16: {  	s6 =	simm.s32 $0x2780;
	[dreg:$0x6] =	wrdreg s5;
	s5 =	sadd.s32 $0x280, s5  }
0x17: {  	s8 =	simm.s32 $0x0;
	s1 =	sadd.s32 s1, s2;
	[dreg:$0x8] =	wrdreg s5  }
0x18: {  	[dreg:$0xa] =	wrdreg s1;
	s1 =	sadd.s32 s0, s13;
	s5 =	sshll.u32 s14, $0x4  }
0x19: {  	s13 =	sadd.s32 s15, s2;
	s15 =	sadd.s32 s17, s2;
	[dreg:$0xb] =	wrdreg s1  }
0x1a: {  	s14 =	sadd.s32 s0, s5;
	s1 =	sadd.s32 s9, s16;
	s5 =	sadd.s32 s9, s22  }
0x1b: {  	s17 =	sadd.s32 s20, s2;
	s1 =	sshll.u32 s1, $0x4;
	s25 =	sshll.u32 s5, $0x4  }
0x1c: {  	s5 =	simm.s32 $0x2700;
	s16 =	sadd.s32 s0, s1;
	s1 =	sshll.u32 s21, $0x4  }
0x1d: {  	s20 =	sadd.s32 s0, s25;
	s21 =	sadd.s32 $0x138000, s2;
	s25 =	simm.s32 $0x3  }
0x1e: {  	s18 =	sadd.s32 s0, s1;
	s0 =	sadd.s32 s0, s26;
	s26 =	simm.s32 $0x1400  }
0x1f: {  	s1 =	simm.s32 $0x1380;
	s22 =	sadd.s32 $0x27000, s0;
	s0 =	simm.s32 $0x2  }
.LBB2_1:
0x20: {  	s7 =	rddreg [dreg:$0x4]  }
0x21: {  	s9 =	rddreg [dreg:$0x5]  }
0x22: {  	[spmem:s24], [sflag:s9] =	dma.local [hbm:s7], $0x2800  }
0x23: {  	_ =	swait.ge [sflag:s25], $0x2800  }
0x24: {  	[sflag:s25] =	ssyncset.done $0x0  }
0x25: {  	[sflag:s25] =	ssyncadd.s32 $0xFFFFD800  }
0x26: {  	[bflag:$0x0] =	sbarrier.arrive $0xFFFF  }
0x27: {  	s11 =	rddreg [dreg:$0x6]  }
0x28: {  	[tilespmem:s3], [sflag:$0x3] =	stream.linear.gather [hbm4b:s11+s3], $0x1400, $0x38;
	[tilespmem:$0x1E800] =	vst v63  }
0x29: {  	_ =	swait.ge [sflag:s25], $0x1400  }
0x2a: {  	[sflag:s25] =	ssyncset.done $0x0  }
0x2b: {  	s12 =	rddreg [dreg:$0x7];
	[sflag:s25] =	ssyncadd.s32 $0xFFFFEC00  }
0x2c: {  	[tilespmem:s26], [sflag:$0x3] =	stream.linear.gather [hbm4b:s12+s3], $0x1400, $0x38;
	[tilespmem:$0x1E800] =	vst v63  }
0x2d: {  	_ =	swait.ge [sflag:s25], $0x1400  }
0x2e: {  	[sflag:s25] =	ssyncset.done $0x0  }
0x2f: {  	[sflag:s25] =	ssyncadd.s32 $0xFFFFEC00  }
0x30: {  	[tilespmem:s29], [sflag:$0x1] =	stream.indirect.gather [hbm4b:s4+s28], $0x80, s3, s28, $0xb8;
	[tilespmem:$0x1E800] =	vst v63  }
0x31: {  	s7 =	simm.s32 $0x80  }
0x32: {  	[tilespmem:s30], [sflag:$0x2] =	stream.indirect.gather [hbm4b:s4+s28], $0x80, s7, s28, $0xb8;
	[tilespmem:$0x1E800] =	vst v63  }
0x33: {  	_ =	swait.ge [sflag:s31], $0x4000  }
0x34: {  	[sflag:s31] =	ssyncset.done $0x0  }
0x35: {  	s10 =	simm.s32 $0x1400;
	[sflag:s31] =	ssyncadd.s32 $0xFFFFC000  }
0x36: {  	[spmem:s2] =	stream.indirect.scatter.add.f32 [tilespmem:s29], [sflag:$0x3], $0x80, s10, s28, $0xb8;
	[tilespmem:$0x1E800] =	vst v63  }
0x37: {  	_ =	swait.ge [sflag:s25], $0x4000  }
0x38: {  	[sflag:s25] =	ssyncset.done $0x0  }
0x39: {  	s11 =	simm.s32 $0x100;
	[sflag:s25] =	ssyncadd.s32 $0xFFFFC000  }
0x3a: {  	[tilespmem:s29], [sflag:$0x1] =	stream.indirect.gather [hbm4b:s4+s28], $0x80, s11, s28, $0xb8;
	[tilespmem:$0x1E800] =	vst v63  }
0x3b: {  	_ =	swait.ge [sflag:s0], $0x4000  }
0x3c: {  	[sflag:s0] =	ssyncset.done $0x0  }
0x3d: {  	s12 =	simm.s32 $0x1480;
	[sflag:s0] =	ssyncadd.s32 $0xFFFFC000  }
0x3e: {  	[spmem:s2] =	stream.indirect.scatter.add.f32 [tilespmem:s30], [sflag:$0x3], $0x80, s12, s28, $0xb8;
	[tilespmem:$0x1E800] =	vst v63  }
0x3f: {  	_ =	swait.ge [sflag:s25], $0x4000  }
0x40: {  	s9 =	simm.s32 $0x100;
	s10 =	simm.s32 $0x800;
	[sflag:s25] =	ssyncset.done $0x0  }
.LBB2_2:
0x41: {  	s11 =	sadd.s32 $0x80, s9  }
0x42: {  	[sflag:s25] =	ssyncadd.s32 $0xFFFFC000;
	s7 =	smov.u32 s10;
	s12 =	sadd.s32 $0x400, s10  }
0x43: {  	[tilespmem:s30], [sflag:$0x2] =	stream.indirect.gather [hbm4b:s4+s28], $0x80, s11, s28, $0xb8;
	[tilespmem:$0x1E800] =	vst v63  }
0x44: {  	p1 =	sne.s32 s10, $0x4800;
	_ =	swait.ge [sflag:s31], $0x4000  }
0x45: {  	[sflag:s31] =	ssyncset.done $0x0  }
0x46: {  	s10 =	sadd.s32 $0x1400, s9;
	[sflag:s31] =	ssyncadd.s32 $0xFFFFC000  }
0x47: {  	[spmem:s2] =	stream.indirect.scatter.add.f32 [tilespmem:s29], [sflag:$0x3], $0x80, s10, s28, $0xb8;
	[tilespmem:$0x1E800] =	vst v63  }
0x48: {  	_ =	swait.ge [sflag:s25], $0x4000  }
0x49: {  	[sflag:s25] =	ssyncset.done $0x0  }
0x4a: {  	s10 =	sadd.s32 $0x100, s9;
	[sflag:s25] =	ssyncadd.s32 $0xFFFFC000  }
0x4b: {  	[tilespmem:s29], [sflag:$0x1] =	stream.indirect.gather [hbm4b:s4+s28], $0x80, s10, s28, $0xb8;
	[tilespmem:$0x1E800] =	vst v63  }
0x4c: {  	_ =	swait.ge [sflag:s0], $0x4000  }
.Ltmp0:
0x4d: {  	[sflag:s0] =	ssyncset.done $0x0;
	(pc) =	sbr.rel @p1 .LBB2_2-.Ltmp0, $4  }
0x4e: {  	s9 =	sadd.s32 $0x1480, s9;
	[sflag:s0] =	ssyncadd.s32 $0xFFFFC000  }
0x4f: {  	[spmem:s2] =	stream.indirect.scatter.add.f32 [tilespmem:s30], [sflag:$0x3], $0x80, s9, s28, $0xb8;
	[tilespmem:$0x1E800] =	vst v63  }
0x50: {  	_ =	swait.ge [sflag:s25], $0x4000  }
0x51: {  	s10 =	smov.u32 s12;
	s9 =	sshra.s32 s7, $0x2;
	[sflag:s25] =	ssyncset.done $0x0  }
0x52: {  	s7 =	sadd.s32 $0x80, s9;
	[sflag:s25] =	ssyncadd.s32 $0xFFFFC000  }
0x53: {  	[tilespmem:s30], [sflag:$0x2] =	stream.indirect.gather [hbm4b:s4+s28], $0x80, s7, s28, $0xb8;
	[tilespmem:$0x1E800] =	vst v63  }
0x54: {  	_ =	swait.ge [sflag:s31], $0x4000  }
0x55: {  	[sflag:s31] =	ssyncset.done $0x0  }
0x56: {  	s11 =	sadd.s32 $0x1400, s9;
	[sflag:s31] =	ssyncadd.s32 $0xFFFFC000  }
0x57: {  	[spmem:s2] =	stream.indirect.scatter.add.f32 [tilespmem:s29], [sflag:$0x3], $0x80, s11, s28, $0xb8;
	[tilespmem:$0x1E800] =	vst v63  }
0x58: {  	_ =	swait.ge [sflag:s25], $0x4000  }
0x59: {  	[sflag:s25] =	ssyncset.done $0x0  }
0x5a: {  	s12 =	sadd.s32 $0x100, s9;
	[sflag:s25] =	ssyncadd.s32 $0xFFFFC000  }
0x5b: {  	[tilespmem:s29], [sflag:$0x1] =	stream.indirect.gather [hbm4b:s4+s28], $0x80, s12, s28, $0xb8;
	[tilespmem:$0x1E800] =	vst v63  }
0x5c: {  	_ =	swait.ge [sflag:s0], $0x4000  }
0x5d: {  	[sflag:s0] =	ssyncset.done $0x0  }
0x5e: {  	s9 =	sadd.s32 $0x1480, s9;
	[sflag:s0] =	ssyncadd.s32 $0xFFFFC000  }
0x5f: {  	[spmem:s2] =	stream.indirect.scatter.add.f32 [tilespmem:s30], [sflag:$0x3], $0x80, s9, s28, $0xb8;
	[tilespmem:$0x1E800] =	vst v63  }
0x60: {  	_ =	swait.ge [sflag:s25], $0x4000  }
0x61: {  	[sflag:s25] =	ssyncset.done $0x0  }
0x62: {  	[sflag:s25] =	ssyncadd.s32 $0xFFFFC000  }
0x63: {  	[tilespmem:s30], [sflag:$0x2] =	stream.indirect.gather [hbm4b:s4+s28], $0x80, s1, s28, $0xb8;
	[tilespmem:$0x1E800] =	vst v63  }
0x64: {  	_ =	swait.ge [sflag:s31], $0x4000  }
0x65: {  	[sflag:s31] =	ssyncset.done $0x0  }
0x66: {  	[sflag:s31] =	ssyncadd.s32 $0xFFFFC000  }
0x67: {  	[spmem:s2] =	stream.indirect.scatter.add.f32 [tilespmem:s29], [sflag:$0x3], $0x80, s5, s28, $0xb8;
	[tilespmem:$0x1E800] =	vst v63  }
0x68: {  	_ =	swait.ge [sflag:s25], $0x4000  }
0x69: {  	[sflag:s25] =	ssyncset.done $0x0  }
0x6a: {  	[sflag:s25] =	ssyncadd.s32 $0xFFFFC000  }
0x6b: {  	[tilespmem:s29], [sflag:$0x1] =	stream.indirect.gather [hbm4b:s4+s28], $0x80, s1, s28, $0xb8;
	[tilespmem:$0x1E800] =	vst v63  }
0x6c: {  	_ =	swait.ge [sflag:s0], $0x4000  }
0x6d: {  	[sflag:s0] =	ssyncset.done $0x0  }
0x6e: {  	[sflag:s0] =	ssyncadd.s32 $0xFFFFC000  }
0x6f: {  	[spmem:s2] =	stream.indirect.scatter.add.f32 [tilespmem:s30], [sflag:$0x3], $0x80, s6, s28, $0xb8;
	[tilespmem:$0x1E800] =	vst v63  }
0x70: {  	_ =	swait.ge [sflag:s25], $0x4000  }
0x71: {  	[sflag:s25] =	ssyncset.done $0x0  }
0x72: {  	[sflag:s25] =	ssyncadd.s32 $0xFFFFC000  }
0x73: {  	_ =	swait.ge [sflag:s31], $0x4000  }
0x74: {  	[sflag:s31] =	ssyncset.done $0x0  }
0x75: {  	s10 =	simm.s32 $0x0;
	s11 =	rddreg [dreg:$0x8];
	[sflag:s31] =	ssyncadd.s32 $0xFFFFC000  }
0x76: {  	[tilespmem:s10], [sflag:$0x3] =	stream.linear.gather [hbm4b:s11+s10], $0x1400, $0x38;
	[tilespmem:$0x1E800] =	vst v63  }
0x77: {  	_ =	swait.ge [sflag:s25], $0x1400  }
0x78: {  	[sflag:s25] =	ssyncset.done $0x0  }
0x79: {  	s12 =	rddreg [dreg:$0x9];
	[sflag:s25] =	ssyncadd.s32 $0xFFFFEC00  }
0x7a: {  	[tilespmem:s26], [sflag:$0x3] =	stream.linear.gather [hbm4b:s12+s10], $0x1400, $0x38;
	[tilespmem:$0x1E800] =	vst v63  }
0x7b: {  	_ =	swait.ge [sflag:s25], $0x1400  }
0x7c: {  	[sflag:s25] =	ssyncset.done $0x0  }
0x7d: {  	[sflag:s25] =	ssyncadd.s32 $0xFFFFEC00  }
0x7e: {  	[tilespmem:s29], [sflag:$0x1] =	stream.indirect.gather [hbm4b:s4+s28], $0x80, s10, s28, $0xb8;
	[tilespmem:$0x1E800] =	vst v63  }
0x7f: {  	s9 =	simm.s32 $0x80  }
0x80: {  	[tilespmem:s30], [sflag:$0x2] =	stream.indirect.gather [hbm4b:s4+s28], $0x80, s9, s28, $0xb8;
	[tilespmem:$0x1E800] =	vst v63  }
0x81: {  	_ =	swait.ge [sflag:s31], $0x4000  }
0x82: {  	[sflag:s31] =	ssyncset.done $0x0  }
0x83: {  	s10 =	simm.s32 $0x1400;
	[sflag:s31] =	ssyncadd.s32 $0xFFFFC000  }
0x84: {  	[spmem:s2] =	stream.indirect.scatter.add.f32 [tilespmem:s29], [sflag:$0x3], $0x80, s10, s28, $0xb8;
	[tilespmem:$0x1E800] =	vst v63  }
0x85: {  	_ =	swait.ge [sflag:s25], $0x4000  }
0x86: {  	[sflag:s25] =	ssyncset.done $0x0  }
0x87: {  	s11 =	simm.s32 $0x100;
	[sflag:s25] =	ssyncadd.s32 $0xFFFFC000  }
0x88: {  	[tilespmem:s29], [sflag:$0x1] =	stream.indirect.gather [hbm4b:s4+s28], $0x80, s11, s28, $0xb8;
	[tilespmem:$0x1E800] =	vst v63  }
0x89: {  	_ =	swait.ge [sflag:s0], $0x4000  }
0x8a: {  	[sflag:s0] =	ssyncset.done $0x0  }
0x8b: {  	s12 =	simm.s32 $0x1480;
	[sflag:s0] =	ssyncadd.s32 $0xFFFFC000  }
0x8c: {  	[spmem:s2] =	stream.indirect.scatter.add.f32 [tilespmem:s30], [sflag:$0x3], $0x80, s12, s28, $0xb8;
	[tilespmem:$0x1E800] =	vst v63  }
0x8d: {  	_ =	swait.ge [sflag:s25], $0x4000  }
0x8e: {  	s9 =	simm.s32 $0x100;
	s10 =	simm.s32 $0x800;
	[sflag:s25] =	ssyncset.done $0x0  }
.LBB2_4:
0x8f: {  	s7 =	sadd.s32 $0x80, s9  }
0x90: {  	[sflag:s25] =	ssyncadd.s32 $0xFFFFC000;
	s11 =	smov.u32 s10;
	s12 =	sadd.s32 $0x400, s10  }
0x91: {  	[tilespmem:s30], [sflag:$0x2] =	stream.indirect.gather [hbm4b:s4+s28], $0x80, s7, s28, $0xb8;
	[tilespmem:$0x1E800] =	vst v63  }
0x92: {  	p1 =	sne.s32 s10, $0x4800;
	_ =	swait.ge [sflag:s31], $0x4000  }
0x93: {  	[sflag:s31] =	ssyncset.done $0x0  }
0x94: {  	s7 =	sadd.s32 $0x1400, s9;
	[sflag:s31] =	ssyncadd.s32 $0xFFFFC000  }
0x95: {  	[spmem:s2] =	stream.indirect.scatter.add.f32 [tilespmem:s29], [sflag:$0x3], $0x80, s7, s28, $0xb8;
	[tilespmem:$0x1E800] =	vst v63  }
0x96: {  	_ =	swait.ge [sflag:s25], $0x4000  }
0x97: {  	[sflag:s25] =	ssyncset.done $0x0  }
0x98: {  	s7 =	sadd.s32 $0x100, s9;
	[sflag:s25] =	ssyncadd.s32 $0xFFFFC000  }
0x99: {  	[tilespmem:s29], [sflag:$0x1] =	stream.indirect.gather [hbm4b:s4+s28], $0x80, s7, s28, $0xb8;
	[tilespmem:$0x1E800] =	vst v63  }
0x9a: {  	_ =	swait.ge [sflag:s0], $0x4000  }
.Ltmp1:
0x9b: {  	[sflag:s0] =	ssyncset.done $0x0;
	(pc) =	sbr.rel @p1 .LBB2_4-.Ltmp1, $4  }
0x9c: {  	s7 =	sadd.s32 $0x1480, s9;
	[sflag:s0] =	ssyncadd.s32 $0xFFFFC000  }
0x9d: {  	[spmem:s2] =	stream.indirect.scatter.add.f32 [tilespmem:s30], [sflag:$0x3], $0x80, s7, s28, $0xb8;
	[tilespmem:$0x1E800] =	vst v63  }
0x9e: {  	_ =	swait.ge [sflag:s25], $0x4000  }
0x9f: {  	s10 =	smov.u32 s12;
	s9 =	sshra.s32 s11, $0x2;
	[sflag:s25] =	ssyncset.done $0x0  }
0xa0: {  	s7 =	sadd.s32 $0x80, s9;
	[sflag:s25] =	ssyncadd.s32 $0xFFFFC000  }
0xa1: {  	[tilespmem:s30], [sflag:$0x2] =	stream.indirect.gather [hbm4b:s4+s28], $0x80, s7, s28, $0xb8;
	[tilespmem:$0x1E800] =	vst v63  }
0xa2: {  	_ =	swait.ge [sflag:s31], $0x4000  }
0xa3: {  	[sflag:s31] =	ssyncset.done $0x0  }
0xa4: {  	s11 =	sadd.s32 $0x1400, s9;
	[sflag:s31] =	ssyncadd.s32 $0xFFFFC000  }
0xa5: {  	[spmem:s2] =	stream.indirect.scatter.add.f32 [tilespmem:s29], [sflag:$0x3], $0x80, s11, s28, $0xb8;
	[tilespmem:$0x1E800] =	vst v63  }
0xa6: {  	_ =	swait.ge [sflag:s25], $0x4000  }
0xa7: {  	[sflag:s25] =	ssyncset.done $0x0  }
0xa8: {  	s12 =	sadd.s32 $0x100, s9;
	[sflag:s25] =	ssyncadd.s32 $0xFFFFC000  }
0xa9: {  	[tilespmem:s29], [sflag:$0x1] =	stream.indirect.gather [hbm4b:s4+s28], $0x80, s12, s28, $0xb8;
	[tilespmem:$0x1E800] =	vst v63  }
0xaa: {  	_ =	swait.ge [sflag:s0], $0x4000  }
0xab: {  	[sflag:s0] =	ssyncset.done $0x0  }
0xac: {  	s10 =	sadd.s32 $0x1480, s9;
	[sflag:s0] =	ssyncadd.s32 $0xFFFFC000  }
0xad: {  	[spmem:s2] =	stream.indirect.scatter.add.f32 [tilespmem:s30], [sflag:$0x3], $0x80, s10, s28, $0xb8;
	[tilespmem:$0x1E800] =	vst v63  }
0xae: {  	_ =	swait.ge [sflag:s25], $0x4000  }
0xaf: {  	[sflag:s25] =	ssyncset.done $0x0  }
0xb0: {  	[sflag:s25] =	ssyncadd.s32 $0xFFFFC000  }
0xb1: {  	[tilespmem:s30], [sflag:$0x2] =	stream.indirect.gather [hbm4b:s4+s28], $0x80, s1, s28, $0xb8;
	[tilespmem:$0x1E800] =	vst v63  }
0xb2: {  	_ =	swait.ge [sflag:s31], $0x4000  }
0xb3: {  	[sflag:s31] =	ssyncset.done $0x0  }
0xb4: {  	[sflag:s31] =	ssyncadd.s32 $0xFFFFC000  }
0xb5: {  	[spmem:s2] =	stream.indirect.scatter.add.f32 [tilespmem:s29], [sflag:$0x3], $0x80, s5, s28, $0xb8;
	[tilespmem:$0x1E800] =	vst v63  }
0xb6: {  	_ =	swait.ge [sflag:s25], $0x4000  }
0xb7: {  	[sflag:s25] =	ssyncset.done $0x0  }
0xb8: {  	[sflag:s25] =	ssyncadd.s32 $0xFFFFC000  }
0xb9: {  	[tilespmem:s29], [sflag:$0x1] =	stream.indirect.gather [hbm4b:s4+s28], $0x80, s1, s28, $0xb8;
	[tilespmem:$0x1E800] =	vst v63  }
0xba: {  	_ =	swait.ge [sflag:s0], $0x4000  }
0xbb: {  	[sflag:s0] =	ssyncset.done $0x0  }
0xbc: {  	[sflag:s0] =	ssyncadd.s32 $0xFFFFC000  }
0xbd: {  	[spmem:s2] =	stream.indirect.scatter.add.f32 [tilespmem:s30], [sflag:$0x3], $0x80, s6, s28, $0xb8;
	[tilespmem:$0x1E800] =	vst v63  }
0xbe: {  	_ =	swait.ge [sflag:s25], $0x4000  }
0xbf: {  	[sflag:s25] =	ssyncset.done $0x0  }
0xc0: {  	[sflag:s25] =	ssyncadd.s32 $0xFFFFC000  }
0xc1: {  	_ =	swait.ge [sflag:s31], $0x4000  }
0xc2: {  	[sflag:s31] =	ssyncset.done $0x0  }
0xc3: {  	[sflag:s31] =	ssyncadd.s32 $0xFFFFC000  }
0xc4: {  	[bflag:$0x0] =	sbarrier.arrive $0xFFFF  }
0xc5: {  	s11 =	rddreg [dreg:$0xa]  }
0xc6: {  	[tilespmem:s29], [sflag:$0x3] =	stream.linear.gather [spmem:s11], $0x4000, $0x38;
	[tilespmem:$0x1E800] =	vst v63  }
0xc7: {  	_ =	swait.ge [sflag:s25], $0x4000  }
0xc8: {  	[sflag:s25] =	ssyncset.done $0x0  }
0xc9: {  	s12 =	rddreg [dreg:$0xb];
	[sflag:s25] =	ssyncadd.s32 $0xFFFFC000  }
0xca: {  	[hbm4b:s12+s3] =	stream.linear.scatter [tilespmem:s29], [sflag:$0x3], $0x4000, $0x38;
	[tilespmem:$0x1E800] =	vst v63  }
0xcb: {  	_ =	swait.ge [sflag:s25], $0x4000  }
0xcc: {  	[sflag:s25] =	ssyncset.done $0x0  }
0xcd: {  	[sflag:s25] =	ssyncadd.s32 $0xFFFFC000  }
0xce: {  	[tilespmem:s29], [sflag:$0x3] =	stream.linear.gather [spmem:s13], $0x4000, $0x38;
	[tilespmem:$0x1E800] =	vst v63  }
0xcf: {  	_ =	swait.ge [sflag:s25], $0x4000  }
0xd0: {  	[sflag:s25] =	ssyncset.done $0x0  }
0xd1: {  	[sflag:s25] =	ssyncadd.s32 $0xFFFFC000  }
0xd2: {  	[hbm4b:s14+s3] =	stream.linear.scatter [tilespmem:s29], [sflag:$0x3], $0x4000, $0x38;
	[tilespmem:$0x1E800] =	vst v63  }
0xd3: {  	_ =	swait.ge [sflag:s25], $0x4000  }
0xd4: {  	[sflag:s25] =	ssyncset.done $0x0  }
0xd5: {  	[sflag:s25] =	ssyncadd.s32 $0xFFFFC000  }
0xd6: {  	[tilespmem:s29], [sflag:$0x3] =	stream.linear.gather [spmem:s15], $0x4000, $0x38;
	[tilespmem:$0x1E800] =	vst v63  }
0xd7: {  	_ =	swait.ge [sflag:s25], $0x4000  }
0xd8: {  	[sflag:s25] =	ssyncset.done $0x0  }
0xd9: {  	[sflag:s25] =	ssyncadd.s32 $0xFFFFC000  }
0xda: {  	[hbm4b:s16+s3] =	stream.linear.scatter [tilespmem:s29], [sflag:$0x3], $0x4000, $0x38;
	[tilespmem:$0x1E800] =	vst v63  }
0xdb: {  	_ =	swait.ge [sflag:s25], $0x4000  }
0xdc: {  	[sflag:s25] =	ssyncset.done $0x0  }
0xdd: {  	[sflag:s25] =	ssyncadd.s32 $0xFFFFC000  }
0xde: {  	[tilespmem:s29], [sflag:$0x3] =	stream.linear.gather [spmem:s17], $0x4000, $0x38;
	[tilespmem:$0x1E800] =	vst v63  }
0xdf: {  	_ =	swait.ge [sflag:s25], $0x4000  }
0xe0: {  	[sflag:s25] =	ssyncset.done $0x0  }
0xe1: {  	[sflag:s25] =	ssyncadd.s32 $0xFFFFC000  }
0xe2: {  	[hbm4b:s18+s3] =	stream.linear.scatter [tilespmem:s29], [sflag:$0x3], $0x4000, $0x38;
	[tilespmem:$0x1E800] =	vst v63  }
0xe3: {  	_ =	swait.ge [sflag:s25], $0x4000  }
0xe4: {  	[sflag:s25] =	ssyncset.done $0x0  }
0xe5: {  	[sflag:s25] =	ssyncadd.s32 $0xFFFFC000  }
0xe6: {  	[tilespmem:s29], [sflag:$0x3] =	stream.linear.gather [spmem:s19], $0x3800, $0x38;
	[tilespmem:$0x1E800] =	vst v63  }
0xe7: {  	_ =	swait.ge [sflag:s25], $0x3800  }
0xe8: {  	[sflag:s25] =	ssyncset.done $0x0  }
0xe9: {  	[sflag:s25] =	ssyncadd.s32 $0xFFFFC800  }
0xea: {  	[hbm4b:s20+s3] =	stream.linear.scatter [tilespmem:s29], [sflag:$0x3], $0x3800, $0x38;
	[tilespmem:$0x1E800] =	vst v63  }
0xeb: {  	_ =	swait.ge [sflag:s25], $0x3800  }
0xec: {  	[sflag:s25] =	ssyncset.done $0x0  }
0xed: {  	s9 =	simm.s32 @!p0 $0x3;
	s7 =	simm.s32 @!p0 $0x2800;
	[sflag:s25] =	ssyncadd.s32 $0xFFFFC800  }
0xee: {  	[tilespmem:s7], [sflag:$0x3] =	stream.linear.gather @!p0 [spmem:s21], $0x800, $0x38;
	[tilespmem:$0x1E800] =	vst v63  }
0xef: {  	s8 =	sadd.s32 $0x1, s8;
	_ =	swait.ge @!p0 [sflag:s9], $0x800  }
0xf0: {  	p1 =	sne.s32 s8, s23;
	[sflag:s9] =	ssyncset.done @!p0 $0x0  }
.Ltmp2:
0xf1: {  	s10 =	simm.s32 @!p0 $0x0;
	[sflag:s9] =	ssyncadd.s32 @!p0 $0xFFFFF800;
	(pc) =	sbr.rel @p1 .LBB2_1-.Ltmp2, $4  }
0xf2: {  	[hbm4b:s22+s10] =	stream.linear.scatter @!p0 [tilespmem:s7], [sflag:$0x3], $0x800, $0x38;
	[tilespmem:$0x1E800] =	vst v63  }
0xf3: {  	_ =	swait.ge @!p0 [sflag:s9], $0x800  }
0xf4: {  	[sflag:s9] =	ssyncset.done @!p0 $0x0  }
0xf5: {  	[sflag:s9] =	ssyncadd.s32 @!p0 $0xFFFFF800  }
0xf6: {  	_ =	sfence.sel $0x180000  }
0xf7: {  	[bflag:$0x0] =	sbarrier.arrive $0xFFFF  }
0xf8: {  	_ =	strace $0x90000047  }
0xf9: {  	s0 =	stileid.u32;
	[bflag:$0x2] =	sbarrier.arrive $0xFFFF  }
0xfa: {  	p0 =	sne.s32 s0, $0x0;
	s0 =	rddreg [dreg:$0x3]  }
0xfb: {  	s0 =	sadd.s32 @!p0 $0x100000, s0  }
0xfc: {  	[sflag:s0] =	ssyncadd.tile.s32 @!p0 $0x1;
	_ =	shalt  }
.Lfunc_end2:
_tile_overlayer_lowered:
.L_overlay_start_2:
0xfd: {  	(tag) =	ssettag $0x2  }
0xfe: {  	s0 =	rddreg [dreg:$0x0];
	s2 =	stileid.u32  }
0xff: {  	s1 =	rddreg [dreg:$0x1];
	p0 =	sne.s32 s2, $0x0  }
0x100: {  	s3 =	rddreg [dreg:$0x2];
	[bflag:$0x3] =	sbarrier.arrive $0xFFFF;
	s2 =	simm.s32 @!p0 $0x1C03  }
0x101: {  	[timem:s3], [sflag:s2] =	dma.local @!p0 [hbm:s0], s1  }
0x102: {  	s0 =	simm.s32 @!p0 $0x3  }
0x103: {  	_ =	swait.ge @!p0 [sflag:s0], s1  }
0x104: {  	s1 =	ssub.s32 @!p0 $0x0, s1;
	[sflag:s0] =	ssyncset.done @!p0 $0x0  }
0x105: {  	[sflag:s0] =	ssyncadd.s32 @!p0 s1  }
0x106: {  	[bflag:$0x3] =	sbarrier.arrive $0xFFFF  }
0x107: {  	_ =	shalt  }

// kernel: kernel.15.cloned.1.call-start
scs
__scs_entry_jumppad:
0x0: {  	(pc) =	sbr.rel $0x88, $3  }
0x1: {  	(tag) =	ssettag $0x0;
	lr =	simm.s32 $0x1  }
0x2: {  	[smem:$0x3F88] =	sst lr;
	_ =	strace $0xD0000000  }
0x3: {  	_ = 	snop  }
0x4: {  	_ = 	snop  }
0x5: {  	_ = 	snop  }
0x6: {  	_ = 	snop  }
0x7: {  	_ = 	snop  }
__scs_overlays_trampoline_lowered:
0x8: {  	[smem:$0x3F97] =	sst s0  }
0x9: {  	[smem:$0x3F98] =	sst s1  }
0xa: {  	[smem:$0x3F99] =	sst s2  }
0xb: {  	[smem:$0x3F9A] =	sst s3  }
0xc: {  	[smem:$0x3F9B] =	sst s4  }
0xd: {  	[smem:$0x3F9C] =	sst s5  }
0xe: {  	[smem:$0x3F9D] =	sst s6  }
0xf: {  	[smem:$0x3F9E] =	sst s7  }
0x10: {  	[smem:$0x3F9F] =	sst s8  }
0x11: {  	[smem:$0x3FA0] =	sst s9;
	s0 =	simm.s32 @!p0 $0x0  }
0x12: {  	s1 =	sld [smem:$0x3F86];
	s0 =	simm.s32 @p0 $0x1  }
0x13: {  	[smem:$0x3FA1] =	sst s0;
	s0 =	simm.s32 @!p1 $0x0  }
0x14: {  	s2 =	sld [smem:$0x3F85];
	s0 =	simm.s32 @p1 $0x1  }
0x15: {  	[smem:$0x3FA2] =	sst s0;
	s0 =	simm.s32 @!p2 $0x0  }
0x16: {  	s3 =	sld [smem:$0x3FDB];
	s0 =	simm.s32 @p2 $0x1  }
0x17: {  	s4 =	simm.s32 $0x1BF5;
	[smem:$0x3FA4] =	sst s0  }
0x18: {  	s0 =	sld [smem:$0x3F87];
	_ =	swait.ge [sflag:s4], $0x0  }
0x19: {  	s7 =	sld [smem:$0x3F88]  }
0x1a: {  	s8 =	sadd.s32 $0xFFFFE003, lr  }
0x1b: {  	s9 =	sadd.s32 $0xFFFFFEF7, lr;
	s5 =	simm.s32 $0xFFFFFFFF;
	p2 =	slt.u32 s8, $0xFFFFF086  }
0x1c: {  	p1 =	slt.u32 s9, $0xF7A;
	s5 =	simm.s32 @!p2 $0x0  }
0x1d: {  	s5 =	simm.s32 @p1 $0x1;
	p0 =	seq.s32 s7, s2  }
0x1e: {  	s7 =	smul.u32 @!p0 $0xF7A, s2;
	p2 =	seq.s32 @!p0 s5, $0x0  }
0x1f: {  	s9 =	smul.u32 $0xF7A, s1;
	s8 =	simm.s32 @!p0 $0x1BF5;
	p2 =	por !p2, p0  }
0x20: {  	[sflag:s8] =	ssyncset.s32 @!p0 $0xFFFFF086;
	s6 =	sadd.s32 @!p0 s3, s7;
	s7 =	simm.s32 @!p0 $0x108  }
0x21: {  	s3 =	sadd.s32 s3, s9;
	s6 =	sadd.s32 @!p0 $0x88, s6;
	s7 =	simm.s32 @p2 $0x1082  }
0x22: {  	[simem:s7], [sflag:s8] =	dma.local @!p0 [hbm:s6], $0xF7A  }
0x23: {  	s9 =	sor.u32 $0xD0000000, s2;
	s6 =	simm.s32 $0x108;
	_ =	swait.ge @!p0 [sflag:s8], $0x0  }
0x24: {  	s3 =	sadd.s32 $0x88, s3;
	s6 =	simm.s32 @!p1 $0x1082;
	[sflag:s4] =	ssyncset.s32 $0xFFFFF086  }
0x25: {  	[simem:s6], [sflag:s4] =	dma.local [hbm:s3], $0xF7A  }
0x26: {  	[smem:$0x3F88] =	sst s1;
	(tag) =	ssettag s2;
	_ =	strace s9  }
0x27: {  	s1 =	sld [smem:$0x3F98]  }
0x28: {  	s2 =	sld [smem:$0x3F99]  }
0x29: {  	s4 =	sld [smem:$0x3F9B]  }
0x2a: {  	p0 =	seq.s32 s5, $0x0;
	s5 =	sld [smem:$0x3F9C]  }
0x2b: {  	s6 =	sld [smem:$0x3F9D]  }
0x2c: {  	s7 =	sld [smem:$0x3F9E]  }
0x2d: {  	s3 =	simm.s32 $0x108;
	s8 =	sld [smem:$0x3F9F]  }
0x2e: {  	s3 =	simm.s32 @!p0 $0x1082;
	s9 =	sld [smem:$0x3FA0]  }
0x2f: {  	lr =	sadd.s32 s0, s3;
	s0 =	sld [smem:$0x3F97]  }
0x30: {  	s3 =	sld [smem:$0x3F9A]  }
0x31: {  	[smem:$0x3FA3] =	sst s10  }
0x32: {  	s10 =	sld [smem:$0x3FA1];
	_ =	sdelay $0x3  }
0x33: {  	p0 =	seq.s32 s10, $0x1;
	s10 =	sld [smem:$0x3FA3];
	_ =	sdelay $0x3  }
0x34: {  	[smem:$0x3FA3] =	sst s10  }
0x35: {  	s10 =	sld [smem:$0x3FA2];
	_ =	sdelay $0x3  }
0x36: {  	p1 =	seq.s32 s10, $0x1;
	s10 =	sld [smem:$0x3FA3];
	_ =	sdelay $0x3  }
0x37: {  	[smem:$0x3FA3] =	sst s10  }
0x38: {  	s10 =	sld [smem:$0x3FA4]  }
0x39: {  	_ = 	snop;
	(pc) =	sbr.ind lr, $3  }
0x3a: {  	_ = 	snop  }
0x3b: {  	_ = 	snop  }
0x3c: {  	p2 =	seq.s32 s10, $0x1;
	s10 =	sld [smem:$0x3FA3]  }
0x3d: {  	_ =	shalt  }
0x3e: {  	_ =	shalt  }
0x3f: {  	_ =	shalt  }
0x40: {  	_ =	shalt  }
0x41: {  	_ =	shalt  }
0x42: {  	_ =	shalt  }
0x43: {  	_ =	shalt  }
0x44: {  	_ =	shalt  }
0x45: {  	_ =	shalt  }
0x46: {  	_ =	shalt  }
0x47: {  	_ =	shalt  }
0x48: {  	_ =	shalt  }
0x49: {  	_ =	shalt  }
0x4a: {  	_ =	shalt  }
0x4b: {  	_ =	shalt  }
0x4c: {  	_ =	shalt  }
0x4d: {  	_ =	shalt  }
0x4e: {  	_ =	shalt  }
0x4f: {  	_ =	shalt  }
0x50: {  	_ =	shalt  }
0x51: {  	_ =	shalt  }
0x52: {  	_ =	shalt  }
0x53: {  	_ =	shalt  }
0x54: {  	_ =	shalt  }
0x55: {  	_ =	shalt  }
0x56: {  	_ =	shalt  }
0x57: {  	_ =	shalt  }
0x58: {  	_ =	shalt  }
0x59: {  	_ =	shalt  }
0x5a: {  	_ =	shalt  }
0x5b: {  	_ =	shalt  }
0x5c: {  	_ =	shalt  }
0x5d: {  	_ =	shalt  }
0x5e: {  	_ =	shalt  }
0x5f: {  	_ =	shalt  }
0x60: {  	_ =	shalt  }
0x61: {  	_ =	shalt  }
0x62: {  	_ =	shalt  }
0x63: {  	_ =	shalt  }
0x64: {  	_ =	shalt  }
0x65: {  	_ =	shalt  }
0x66: {  	_ =	shalt  }
0x67: {  	_ =	shalt  }
0x68: {  	_ =	shalt  }
0x69: {  	_ =	shalt  }
0x6a: {  	_ =	shalt  }
0x6b: {  	_ =	shalt  }
0x6c: {  	_ =	shalt  }
0x6d: {  	_ =	shalt  }
0x6e: {  	_ =	shalt  }
0x6f: {  	_ =	shalt  }
0x70: {  	_ =	shalt  }
0x71: {  	_ =	shalt  }
0x72: {  	_ =	shalt  }
0x73: {  	_ =	shalt  }
0x74: {  	_ =	shalt  }
0x75: {  	_ =	shalt  }
0x76: {  	_ =	shalt  }
0x77: {  	_ =	shalt  }
0x78: {  	_ =	shalt  }
0x79: {  	_ =	shalt  }
0x7a: {  	_ =	shalt  }
0x7b: {  	_ =	shalt  }
0x7c: {  	_ =	shalt  }
0x7d: {  	_ =	shalt  }
0x7e: {  	_ =	shalt  }
0x7f: {  	_ =	shalt  }
0x80: {  	_ =	shalt  }
0x81: {  	_ =	shalt  }
0x82: {  	_ =	shalt  }
0x83: {  	_ =	shalt  }
0x84: {  	_ =	shalt  }
0x85: {  	_ =	shalt  }
0x86: {  	_ =	shalt  }
0x87: {  	_ =	shalt  }
.Lfunc_end0:
.L_simem_size_0:
called_computation.1_lowered:
.L_overlay_start_0:
0x88: {  	s2 =	sld [smem:$0x3FD9]  }
0x89: {  	s3 =	sld [smem:$0x3FFE];
	_ =	sdelay $0x1  }
0x8a: {  	s1 =	srdreg.scid  }
0x8b: {  	s0 =	sand.u32 $0x1, s1  }
0x8c: {  	s16 =	sshll.u32 s0, $0xA;
	s2 =	sadd.s32 s3, s2  }
0x8d: {  	s2 =	sadd.s32 s2, s16  }
0x8e: {  	[smem:$0x3FAF] =	sst s2  }
0x8f: {  	_ = 	snop  }
0x90: {  	(tm) =	ssettm $0x1  }
0x91: {  	s17 =	sld [smem:$0x3FFB];
	_ =	sdelay $0x3  }
0x92: {  	_ =	strace s17  }
0x93: {  	s2 =	sld [smem:$0x3FFC];
	_ =	sdelay $0x3  }
0x94: {  	_ =	strace s2  }
0x95: {  	s2 =	sld [smem:$0x3FFD];
	_ =	sdelay $0x3  }
0x96: {  	_ =	strace s2  }
0x97: {  	_ =	strace $0x8FFFFFFF  }
0x98: {  	s18 =	sld [smem:$0x3FDB];
	_ =	sdelay $0x1  }
0x99: {  	s19 =	simm.s32 $_scs_section_size  }
0x9a: {  	s4 =	simm.s32 $_size__tile_overlayer_lowered;
	s5 =	simm.s32 $_tile_overlayer_lowered  }
0x9b: {  	s22 =	simm.s32 $0x1BFF;
	s21 =	sshll.u32 s5, $0x1;
	s2 =	sadd.s32 s19, s18  }
0x9c: {  	s6 =	simm.s32 $0x0;
	s20 =	sshll.u32 s4, $0x1;
	s4 =	sadd.s32 s21, s2  }
0x9d: {  	[timem:s6], [sflag:s22] =	dma.local [hbm:s4], s20  }
0x9e: {  	_ =	swait.ge [sflag:s22], s20  }
0x9f: {  	s3 =	ssub.s32 $0x0, s20;
	[sflag:s22] =	ssyncset.done $0x0  }
0xa0: {  	[sflag:s22] =	ssyncadd.s32 s3;
	_ =	sdelay $0x1  }
0xa1: {  	s23 =	simm.s32 $0x1B8B  }
0xa2: {  	_ =	swait.ge [sflag:s23], $0x1  }
0xa3: {  	[sflag:s23] =	ssyncset.done $0x0  }
0xa4: {  	s25 =	simm.s32 $0x1B8E;
	s24 =	sld [smem:$0x3FFE];
	[sflag:s23] =	ssyncadd.s32 $0xFFFFFFFF  }
0xa5: {  	s26 =	simm.s32 $execute0_lowered;
	[smem:$0x3FD2] =	sst s25  }
0xa6: {  	s4 =	sshll.u32 s26, $0x1;
	_ =	strace $0x80000049;
	[dreg:$0x1] =	wrdreg $0xFFFFFFFF  }
0xa7: {  	s28 =	simm.s32 $_size_execute0_lowered;
	s2 =	sadd.s32 s2, s4;
	[dreg:$0x0] =	wrdreg $0x0  }
0xa8: {  	s4 =	sshll.u32 s28, $0x1;
	[dreg:$0x2] =	wrdreg s2  }
0xa9: {  	[dreg:$0x3] =	wrdreg s4  }
0xaa: {  	[dreg:$0x4] =	wrdreg $0xC0  }
0xab: {  	_ =	task [dreg:s6], $0x5FFFF  }
0xac: {  	[dreg:$0x1] =	wrdreg $0xFFFFFFFF  }
0xad: {  	[dreg:$0x0] =	wrdreg $0x60  }
0xae: {  	[dreg:$0x2] =	wrdreg s24  }
0xaf: {  	[dreg:$0x3] =	wrdreg $0xA8000  }
0xb0: {  	[dreg:$0x4] =	wrdreg $0x9  }
0xb1: {  	_ =	task.clear_ibuf [dreg:s6], $0x5FFFF;
	_ =	strace $0x90000049  }
0xb2: {  	s29 =	simm.s32 $0x9;
	_ =	strace $0x8000004B  }
0xb3: {  	_ =	swait.ge [sflag:s29], $0x1  }
0xb4: {  	[sflag:s29] =	ssyncadd.s32 $0xFFFFFFFF  }
0xb5: {  	_ =	strace $0x9000004B  }
0xb6: {  	_ =	sfence  }
0xb7: {  	s30 =	sld [smem:$0x0];
	_ =	sdelay $0x2  }
0xb8: {  	s31 =	sshll.u32 s1, $0xD;
	s1 =	sshrl.u32 s1, $0x2  }
0xb9: {  	s3 =	sand.u32 $0x4000, s31;
	s1 =	sadd.s32 s1, s30  }
0xba: {  	s0 =	sor.u32 s3, s0;
	s1 =	sshll.u32 s1, $0x11  }
0xbb: {  	s0 =	sor.u32 s1, s0  }
0xbc: {  	s0 =	sadd.s32 $0x8F2B, s0  }
0xbd: {  	[sflag:s0] =	ssyncadd.remote.s32 $0x1  }
0xbe: {  	_ =	sfence.sel $0xFFFF  }
0xbf: {  	[dreg:$0x0] =	wrdreg $0xFFFFFFFF;
	(pc) =	sbr.abs _section_cstart, $3  }
0xc0: {  	[dreg:$0x1] =	wrdreg $0xFFFFFFFF  }
0xc1: {  	_ =	task.clear_ibuf [dreg:s6], $0x2FFFF;
	_ =	strace $0x9FFFFFFF  }
0xc2: {  	(tm) =	ssettm $0x7FFFFFFF  }
0xc3: {  	_ =	shalt  }
tec
execute0_lowered:
.L_overlay_start_1:
0x0: {  	(tag) =	ssettag $0x1  }
0x1: {  	s18 =	stileid.u32  }
0x2: {  	s1 =	srdreg.scid;
	s4 =	smul.u32 $0x2800, s18  }
0x3: {  	s5 =	sand.u32 $0x1, s1;
	s9 =	smul.u32 $0x270, s18  }
0x4: {  	s0 =	rddreg [dreg:$0x0];
	s1 =	smul.u32 $0x50000, s5  }
0x5: {  	s2 =	rddreg [dreg:$0x1];
	s6 =	sadd.s32 $0x144C00, s0;
	s7 =	smul.u32 $0x4E20, s5  }
0x6: {  	s8 =	ssub.s32 $0x2, s5;
	s15 =	smul.u32 $0x271000, s5;
	s5 =	sshllo.u32 s5, $0x1  }
0x7: {  	s3 =	simm.s32 $0x0;
	s10 =	sadd.s32 $0x158C00, s0;
	s16 =	smul.u32 $0x28000, s5  }
0x8: {  	[smem:$0x7FF] =	sst s3;
	p0 =	sne.s32 s18, $0xF;
	s31 =	smul.u32 $0x2710, s5  }
0x9: {  	s11 =	sshrl.u32 s8, $0x1;
	s14 =	sadd.s32 $0x180, s9;
	s5 =	smul.u32 $0x138800, s5  }
0xa: {  	s1 =	sadd.s32 s4, s1;
	s25 =	sadd.s32 s9, s7;
	s30 =	sadd.s32 s7, s14  }
0xb: {  	s15 =	sshrl.u32 s15, $0x3;
	s12 =	sshrl.u32 s1, $0x3;
	s1 =	ssub.s32 s8, s11  }
0xc: {  	s8 =	sshll.u32 s25, $0x4;
	s11 =	sadd.s32 $0x80, s9;
	s17 =	sadd.s32 s4, s16  }
0xd: {  	s24 =	sadd.s32 s14, s31;
	s5 =	sshrl.u32 s5, $0x3;
	s4 =	sshrl.u32 s4, $0x3  }
0xe: {  	s16 =	sadd.s32 $0x5A600, s0;
	s28 =	sadd.s32 s6, s12;
	s12 =	sadd.s32 $0x100, s9  }
0xf: {  	s8 =	sadd.s32 s10, s8;
	s26 =	sadd.s32 s7, s11;
	s20 =	sadd.s32 s11, s31  }
0x10: {  	s5 =	sadd.s32 s10, s5;
	s4 =	sadd.s32 s4, s0;
	[dreg:$0x3] =	wrdreg s8  }
0x11: {  	s13 =	sadd.s32 s7, s12;
	s8 =	sshll.u32 s26, $0x4;
	s21 =	sshll.u32 s20, $0x4  }
0x12: {  	s22 =	sadd.s32 s12, s31;
	s20 =	sadd.s32 $0x52E00, s4;
	s8 =	sadd.s32 s10, s8  }
0x13: {  	s13 =	sshll.u32 s13, $0x4;
	s23 =	sshll.u32 s22, $0x4;
	[dreg:$0x4] =	wrdreg s8  }
0x14: {  	s29 =	sadd.s32 s10, s13;
	s13 =	sadd.s32 $0x200, s9;
	s8 =	sshll.u32 s30, $0x4  }
0x15: {  	s9 =	sadd.s32 s9, s31;
	s30 =	sshll.u32 s18, $0x6;
	[dreg:$0x5] =	wrdreg s29  }
0x16: {  	s7 =	sadd.s32 s7, s13;
	s8 =	sadd.s32 s10, s8;
	s19 =	sshll.u32 s9, $0x4  }
0x17: {  	s9 =	sshll.u32 s24, $0x4;
	s29 =	smul.u32 $0x50000, s18;
	[dreg:$0x6] =	wrdreg s8  }
0x18: {  	s7 =	sshll.u32 s7, $0x4;
	s8 =	sadd.s32 s13, s31;
	s25 =	sadd.s32 s10, s9  }
0x19: {  	s31 =	smul.u32 $0x4E000, s18;
	s9 =	sshll.u32 s11, $0x7;
	s11 =	sshll.u32 s14, $0x7  }
0x1a: {  	s14 =	sadd.s32 $0x27000, s5;
	s5 =	simm.s32 $0x3;
	s7 =	sadd.s32 s10, s7  }
0x1b: {  	[dreg:$0xc] =	wrdreg s25;
	s26 =	sshll.u32 s8, $0x4;
	s25 =	sadd.s32 s11, s2  }
0x1c: {  	s11 =	simm.s32 $0x2;
	[dreg:$0x7] =	wrdreg s7;
	s7 =	sadd.s32 s10, s15  }
0x1d: {  	s15 =	sshrl.u32 s17, $0x3;
	s17 =	sadd.s32 $0x57E00, s0;
	s8 =	sshrl.u32 s31, $0x2  }
0x1e: {  	s15 =	sadd.s32 s6, s15;
	s6 =	sadd.s32 s10, s19;
	s19 =	sor.u32 $0x1C03, s30  }
0x1f: {  	s22 =	sadd.s32 s8, s2;
	s30 =	sadd.s32 $0x280, s28;
	s8 =	simm.s32 $0x2800  }
0x20: {  	[dreg:$0x9] =	wrdreg s6;
	s6 =	sadd.s32 s10, s21;
	s21 =	sadd.s32 $0x53080, s4  }
0x21: {  	s0 =	smov.u32 s15;
	s31 =	sadd.s32 $0x280, s15;
	s4 =	simm.s32 $0x6800  }
0x22: {  	s15 =	simm.s32 $0x0;
	[dreg:$0xa] =	wrdreg s6;
	s6 =	sadd.s32 s10, s23  }
0x23: {  	[dreg:$0xb] =	wrdreg s6;
	s6 =	sadd.s32 s10, s26;
	s10 =	sshll.u32 s12, $0x7  }
0x24: {  	s12 =	sshll.u32 s13, $0x7;
	s13 =	sadd.s32 $0x27000, s7;
	[dreg:$0xd] =	wrdreg s6  }
0x25: {  	s23 =	sadd.s32 s9, s2;
	_ =	strace $0x8000004A;
	[dreg:$0xf] =	wrdreg s13  }
0x26: {  	s6 =	sshrl.u32 s29, $0x2;
	s29 =	smax.u32 s1, $0x1;
	[dreg:$0x10] =	wrdreg s14  }
0x27: {  	s9 =	simm.s32 $0x1;
	s7 =	simm.s32 $0x80;
	[dreg:$0x11] =	wrdreg s29  }
0x28: {  	s24 =	sadd.s32 s10, s2;
	s26 =	sadd.s32 s12, s2;
	[dreg:$0x8] =	wrdreg s28  }
0x29: {  	s1 =	sadd.s32 $0x138000, s2;
	s12 =	simm.s32 $0x1380;
	[dreg:$0x12] =	wrdreg s30  }
0x2a: {  	s6 =	sadd.s32 s6, s2;
	[dreg:$0x13] =	wrdreg s31;
	s13 =	simm.s32 $0x2700  }
0x2b: {  	s14 =	simm.s32 $0x2780;
	[dreg:$0xe] =	wrdreg s6;
	s6 =	simm.s32 $0x1400  }
.LBB2_1:
0x2c: {  	s10 =	rddreg [dreg:$0xe]  }
0x2d: {  	s10 =	sshrl.u32 s10, $0x3  }
0x2e: {  	[spmem:s10], [sflag:s19] =	dma.local [hbm:s17], $0x2800  }
0x2f: {  	_ =	swait.ge [sflag:s5], $0x2800  }
0x30: {  	[sflag:s5] =	ssyncset.done $0x0  }
0x31: {  	[sflag:s5] =	ssyncadd.s32 $0xFFFFD800  }
0x32: {  	[bflag:$0x0] =	sbarrier.arrive $0xFFFF  }
0x33: {  	s18 =	rddreg [dreg:$0x8]  }
0x34: {  	[tilespmem:s3], [sflag:$0x3] =	stream.linear.gather [hbm4b:s18+s3], $0x1400, $0x38;
	[tilespmem:$0x1E800] =	vst v63  }
0x35: {  	_ =	swait.ge [sflag:s5], $0x1400  }
0x36: {  	[sflag:s5] =	ssyncset.done $0x0  }
0x37: {  	[sflag:s5] =	ssyncadd.s32 $0xFFFFEC00  }
0x38: {  	[tilespmem:s6], [sflag:$0x3] =	stream.linear.gather [hbm4b:s20+s3], $0x1400, $0x38;
	[tilespmem:$0x1E800] =	vst v63  }
0x39: {  	_ =	swait.ge [sflag:s5], $0x1400  }
0x3a: {  	[sflag:s5] =	ssyncset.done $0x0  }
0x3b: {  	[sflag:s5] =	ssyncadd.s32 $0xFFFFEC00  }
0x3c: {  	[tilespmem:s8], [sflag:$0x1] =	stream.indirect.gather [hbm4b:s16+s7], $0x80, s3, s7, $0xb8;
	[tilespmem:$0x1E800] =	vst v63  }
0x3d: {  	s31 =	simm.s32 $0x80  }
0x3e: {  	[tilespmem:s4], [sflag:$0x2] =	stream.indirect.gather [hbm4b:s16+s7], $0x80, s31, s7, $0xb8;
	[tilespmem:$0x1E800] =	vst v63  }
0x3f: {  	_ =	swait.ge [sflag:s9], $0x4000  }
0x40: {  	[sflag:s9] =	ssyncset.done $0x0  }
0x41: {  	s29 =	simm.s32 $0x1400;
	[sflag:s9] =	ssyncadd.s32 $0xFFFFC000  }
0x42: {  	[spmem:s2] =	stream.indirect.scatter.add.f32 [tilespmem:s8], [sflag:$0x3], $0x80, s29, s7, $0xb8;
	[tilespmem:$0x1E800] =	vst v63  }
0x43: {  	_ =	swait.ge [sflag:s5], $0x4000  }
0x44: {  	[sflag:s5] =	ssyncset.done $0x0  }
0x45: {  	s30 =	simm.s32 $0x100;
	[sflag:s5] =	ssyncadd.s32 $0xFFFFC000  }
0x46: {  	[tilespmem:s8], [sflag:$0x1] =	stream.indirect.gather [hbm4b:s16+s7], $0x80, s30, s7, $0xb8;
	[tilespmem:$0x1E800] =	vst v63  }
0x47: {  	_ =	swait.ge [sflag:s11], $0x4000  }
0x48: {  	[sflag:s11] =	ssyncset.done $0x0  }
0x49: {  	s31 =	simm.s32 $0x1480;
	[sflag:s11] =	ssyncadd.s32 $0xFFFFC000  }
0x4a: {  	[spmem:s2] =	stream.indirect.scatter.add.f32 [tilespmem:s4], [sflag:$0x3], $0x80, s31, s7, $0xb8;
	[tilespmem:$0x1E800] =	vst v63  }
0x4b: {  	_ =	swait.ge [sflag:s5], $0x4000  }
0x4c: {  	s28 =	simm.s32 $0x800;
	s18 =	simm.s32 $0x100;
	[sflag:s5] =	ssyncset.done $0x0  }
.LBB2_2:
0x4d: {  	s29 =	sadd.s32 $0x80, s18  }
0x4e: {  	[sflag:s5] =	ssyncadd.s32 $0xFFFFC000;
	s30 =	smov.u32 s28;
	s31 =	sadd.s32 $0x400, s28  }
0x4f: {  	[tilespmem:s4], [sflag:$0x2] =	stream.indirect.gather [hbm4b:s16+s7], $0x80, s29, s7, $0xb8;
	[tilespmem:$0x1E800] =	vst v63  }
0x50: {  	p1 =	sne.s32 s28, $0x4800;
	_ =	swait.ge [sflag:s9], $0x4000  }
0x51: {  	[sflag:s9] =	ssyncset.done $0x0  }
0x52: {  	s28 =	sadd.s32 $0x1400, s18;
	[sflag:s9] =	ssyncadd.s32 $0xFFFFC000  }
0x53: {  	[spmem:s2] =	stream.indirect.scatter.add.f32 [tilespmem:s8], [sflag:$0x3], $0x80, s28, s7, $0xb8;
	[tilespmem:$0x1E800] =	vst v63  }
0x54: {  	_ =	swait.ge [sflag:s5], $0x4000  }
0x55: {  	[sflag:s5] =	ssyncset.done $0x0  }
0x56: {  	s28 =	sadd.s32 $0x100, s18;
	[sflag:s5] =	ssyncadd.s32 $0xFFFFC000  }
0x57: {  	[tilespmem:s8], [sflag:$0x1] =	stream.indirect.gather [hbm4b:s16+s7], $0x80, s28, s7, $0xb8;
	[tilespmem:$0x1E800] =	vst v63  }
0x58: {  	_ =	swait.ge [sflag:s11], $0x4000  }
.Ltmp0:
0x59: {  	[sflag:s11] =	ssyncset.done $0x0;
	(pc) =	sbr.rel @p1 .LBB2_2-.Ltmp0, $4  }
0x5a: {  	s18 =	sadd.s32 $0x1480, s18;
	[sflag:s11] =	ssyncadd.s32 $0xFFFFC000  }
0x5b: {  	[spmem:s2] =	stream.indirect.scatter.add.f32 [tilespmem:s4], [sflag:$0x3], $0x80, s18, s7, $0xb8;
	[tilespmem:$0x1E800] =	vst v63  }
0x5c: {  	_ =	swait.ge [sflag:s5], $0x4000  }
0x5d: {  	s28 =	smov.u32 s31;
	s18 =	sshra.s32 s30, $0x2;
	[sflag:s5] =	ssyncset.done $0x0  }
0x5e: {  	s28 =	sadd.s32 $0x80, s18;
	[sflag:s5] =	ssyncadd.s32 $0xFFFFC000  }
0x5f: {  	[tilespmem:s4], [sflag:$0x2] =	stream.indirect.gather [hbm4b:s16+s7], $0x80, s28, s7, $0xb8;
	[tilespmem:$0x1E800] =	vst v63  }
0x60: {  	_ =	swait.ge [sflag:s9], $0x4000  }
0x61: {  	[sflag:s9] =	ssyncset.done $0x0  }
0x62: {  	s28 =	sadd.s32 $0x1400, s18;
	[sflag:s9] =	ssyncadd.s32 $0xFFFFC000  }
0x63: {  	[spmem:s2] =	stream.indirect.scatter.add.f32 [tilespmem:s8], [sflag:$0x3], $0x80, s28, s7, $0xb8;
	[tilespmem:$0x1E800] =	vst v63  }
0x64: {  	_ =	swait.ge [sflag:s5], $0x4000  }
0x65: {  	[sflag:s5] =	ssyncset.done $0x0  }
0x66: {  	s28 =	sadd.s32 $0x100, s18;
	[sflag:s5] =	ssyncadd.s32 $0xFFFFC000  }
0x67: {  	[tilespmem:s8], [sflag:$0x1] =	stream.indirect.gather [hbm4b:s16+s7], $0x80, s28, s7, $0xb8;
	[tilespmem:$0x1E800] =	vst v63  }
0x68: {  	_ =	swait.ge [sflag:s11], $0x4000  }
0x69: {  	[sflag:s11] =	ssyncset.done $0x0  }
0x6a: {  	s29 =	sadd.s32 $0x1480, s18;
	[sflag:s11] =	ssyncadd.s32 $0xFFFFC000  }
0x6b: {  	[spmem:s2] =	stream.indirect.scatter.add.f32 [tilespmem:s4], [sflag:$0x3], $0x80, s29, s7, $0xb8;
	[tilespmem:$0x1E800] =	vst v63  }
0x6c: {  	_ =	swait.ge [sflag:s5], $0x4000  }
0x6d: {  	[sflag:s5] =	ssyncset.done $0x0  }
0x6e: {  	[sflag:s5] =	ssyncadd.s32 $0xFFFFC000  }
0x6f: {  	[tilespmem:s4], [sflag:$0x2] =	stream.indirect.gather [hbm4b:s16+s7], $0x80, s12, s7, $0xb8;
	[tilespmem:$0x1E800] =	vst v63  }
0x70: {  	_ =	swait.ge [sflag:s9], $0x4000  }
0x71: {  	[sflag:s9] =	ssyncset.done $0x0  }
0x72: {  	[sflag:s9] =	ssyncadd.s32 $0xFFFFC000  }
0x73: {  	[spmem:s2] =	stream.indirect.scatter.add.f32 [tilespmem:s8], [sflag:$0x3], $0x80, s13, s7, $0xb8;
	[tilespmem:$0x1E800] =	vst v63  }
0x74: {  	_ =	swait.ge [sflag:s5], $0x4000  }
0x75: {  	[sflag:s5] =	ssyncset.done $0x0  }
0x76: {  	[sflag:s5] =	ssyncadd.s32 $0xFFFFC000  }
0x77: {  	[tilespmem:s8], [sflag:$0x1] =	stream.indirect.gather [hbm4b:s16+s7], $0x80, s12, s7, $0xb8;
	[tilespmem:$0x1E800] =	vst v63  }
0x78: {  	_ =	swait.ge [sflag:s11], $0x4000  }
0x79: {  	[sflag:s11] =	ssyncset.done $0x0  }
0x7a: {  	[sflag:s11] =	ssyncadd.s32 $0xFFFFC000  }
0x7b: {  	[spmem:s2] =	stream.indirect.scatter.add.f32 [tilespmem:s4], [sflag:$0x3], $0x80, s14, s7, $0xb8;
	[tilespmem:$0x1E800] =	vst v63  }
0x7c: {  	_ =	swait.ge [sflag:s5], $0x4000  }
0x7d: {  	[sflag:s5] =	ssyncset.done $0x0  }
0x7e: {  	[sflag:s5] =	ssyncadd.s32 $0xFFFFC000  }
0x7f: {  	_ =	swait.ge [sflag:s9], $0x4000  }
0x80: {  	[sflag:s9] =	ssyncset.done $0x0  }
0x81: {  	s30 =	simm.s32 $0x0;
	s28 =	rddreg [dreg:$0x12];
	[sflag:s9] =	ssyncadd.s32 $0xFFFFC000  }
0x82: {  	[tilespmem:s30], [sflag:$0x3] =	stream.linear.gather [hbm4b:s28+s30], $0x1400, $0x38;
	[tilespmem:$0x1E800] =	vst v63  }
0x83: {  	_ =	swait.ge [sflag:s5], $0x1400  }
0x84: {  	[sflag:s5] =	ssyncset.done $0x0  }
0x85: {  	[sflag:s5] =	ssyncadd.s32 $0xFFFFEC00  }
0x86: {  	[tilespmem:s6], [sflag:$0x3] =	stream.linear.gather [hbm4b:s21+s30], $0x1400, $0x38;
	[tilespmem:$0x1E800] =	vst v63  }
0x87: {  	_ =	swait.ge [sflag:s5], $0x1400  }
0x88: {  	[sflag:s5] =	ssyncset.done $0x0  }
0x89: {  	[sflag:s5] =	ssyncadd.s32 $0xFFFFEC00  }
0x8a: {  	[tilespmem:s8], [sflag:$0x1] =	stream.indirect.gather [hbm4b:s16+s7], $0x80, s30, s7, $0xb8;
	[tilespmem:$0x1E800] =	vst v63  }
0x8b: {  	s31 =	simm.s32 $0x80  }
0x8c: {  	[tilespmem:s4], [sflag:$0x2] =	stream.indirect.gather [hbm4b:s16+s7], $0x80, s31, s7, $0xb8;
	[tilespmem:$0x1E800] =	vst v63  }
0x8d: {  	_ =	swait.ge [sflag:s9], $0x4000  }
0x8e: {  	[sflag:s9] =	ssyncset.done $0x0  }
0x8f: {  	s29 =	simm.s32 $0x1400;
	[sflag:s9] =	ssyncadd.s32 $0xFFFFC000  }
0x90: {  	[spmem:s2] =	stream.indirect.scatter.add.f32 [tilespmem:s8], [sflag:$0x3], $0x80, s29, s7, $0xb8;
	[tilespmem:$0x1E800] =	vst v63  }
0x91: {  	_ =	swait.ge [sflag:s5], $0x4000  }
0x92: {  	[sflag:s5] =	ssyncset.done $0x0  }
0x93: {  	s30 =	simm.s32 $0x100;
	[sflag:s5] =	ssyncadd.s32 $0xFFFFC000  }
0x94: {  	[tilespmem:s8], [sflag:$0x1] =	stream.indirect.gather [hbm4b:s16+s7], $0x80, s30, s7, $0xb8;
	[tilespmem:$0x1E800] =	vst v63  }
0x95: {  	_ =	swait.ge [sflag:s11], $0x4000  }
0x96: {  	[sflag:s11] =	ssyncset.done $0x0  }
0x97: {  	s31 =	simm.s32 $0x1480;
	[sflag:s11] =	ssyncadd.s32 $0xFFFFC000  }
0x98: {  	[spmem:s2] =	stream.indirect.scatter.add.f32 [tilespmem:s4], [sflag:$0x3], $0x80, s31, s7, $0xb8;
	[tilespmem:$0x1E800] =	vst v63  }
0x99: {  	_ =	swait.ge [sflag:s5], $0x4000  }
0x9a: {  	s18 =	simm.s32 $0x100;
	s28 =	simm.s32 $0x800;
	[sflag:s5] =	ssyncset.done $0x0  }
.LBB2_4:
0x9b: {  	s29 =	sadd.s32 $0x80, s18  }
0x9c: {  	[sflag:s5] =	ssyncadd.s32 $0xFFFFC000;
	s30 =	smov.u32 s28;
	s31 =	sadd.s32 $0x400, s28  }
0x9d: {  	[tilespmem:s4], [sflag:$0x2] =	stream.indirect.gather [hbm4b:s16+s7], $0x80, s29, s7, $0xb8;
	[tilespmem:$0x1E800] =	vst v63  }
0x9e: {  	p1 =	sne.s32 s28, $0x4800;
	_ =	swait.ge [sflag:s9], $0x4000  }
0x9f: {  	[sflag:s9] =	ssyncset.done $0x0  }
0xa0: {  	s28 =	sadd.s32 $0x1400, s18;
	[sflag:s9] =	ssyncadd.s32 $0xFFFFC000  }
0xa1: {  	[spmem:s2] =	stream.indirect.scatter.add.f32 [tilespmem:s8], [sflag:$0x3], $0x80, s28, s7, $0xb8;
	[tilespmem:$0x1E800] =	vst v63  }
0xa2: {  	_ =	swait.ge [sflag:s5], $0x4000  }
0xa3: {  	[sflag:s5] =	ssyncset.done $0x0  }
0xa4: {  	s28 =	sadd.s32 $0x100, s18;
	[sflag:s5] =	ssyncadd.s32 $0xFFFFC000  }
0xa5: {  	[tilespmem:s8], [sflag:$0x1] =	stream.indirect.gather [hbm4b:s16+s7], $0x80, s28, s7, $0xb8;
	[tilespmem:$0x1E800] =	vst v63  }
0xa6: {  	_ =	swait.ge [sflag:s11], $0x4000  }
.Ltmp1:
0xa7: {  	[sflag:s11] =	ssyncset.done $0x0;
	(pc) =	sbr.rel @p1 .LBB2_4-.Ltmp1, $4  }
0xa8: {  	s18 =	sadd.s32 $0x1480, s18;
	[sflag:s11] =	ssyncadd.s32 $0xFFFFC000  }
0xa9: {  	[spmem:s2] =	stream.indirect.scatter.add.f32 [tilespmem:s4], [sflag:$0x3], $0x80, s18, s7, $0xb8;
	[tilespmem:$0x1E800] =	vst v63  }
0xaa: {  	_ =	swait.ge [sflag:s5], $0x4000  }
0xab: {  	s28 =	smov.u32 s31;
	s18 =	sshra.s32 s30, $0x2;
	[sflag:s5] =	ssyncset.done $0x0  }
0xac: {  	s28 =	sadd.s32 $0x80, s18;
	[sflag:s5] =	ssyncadd.s32 $0xFFFFC000  }
0xad: {  	[tilespmem:s4], [sflag:$0x2] =	stream.indirect.gather [hbm4b:s16+s7], $0x80, s28, s7, $0xb8;
	[tilespmem:$0x1E800] =	vst v63  }
0xae: {  	_ =	swait.ge [sflag:s9], $0x4000  }
0xaf: {  	[sflag:s9] =	ssyncset.done $0x0  }
0xb0: {  	s31 =	sadd.s32 $0x1400, s18;
	[sflag:s9] =	ssyncadd.s32 $0xFFFFC000  }
0xb1: {  	[spmem:s2] =	stream.indirect.scatter.add.f32 [tilespmem:s8], [sflag:$0x3], $0x80, s31, s7, $0xb8;
	[tilespmem:$0x1E800] =	vst v63  }
0xb2: {  	_ =	swait.ge [sflag:s5], $0x4000  }
0xb3: {  	[sflag:s5] =	ssyncset.done $0x0  }
0xb4: {  	s29 =	sadd.s32 $0x100, s18;
	[sflag:s5] =	ssyncadd.s32 $0xFFFFC000  }
0xb5: {  	[tilespmem:s8], [sflag:$0x1] =	stream.indirect.gather [hbm4b:s16+s7], $0x80, s29, s7, $0xb8;
	[tilespmem:$0x1E800] =	vst v63  }
0xb6: {  	_ =	swait.ge [sflag:s11], $0x4000  }
0xb7: {  	[sflag:s11] =	ssyncset.done $0x0  }
0xb8: {  	s30 =	sadd.s32 $0x1480, s18;
	[sflag:s11] =	ssyncadd.s32 $0xFFFFC000  }
0xb9: {  	[spmem:s2] =	stream.indirect.scatter.add.f32 [tilespmem:s4], [sflag:$0x3], $0x80, s30, s7, $0xb8;
	[tilespmem:$0x1E800] =	vst v63  }
0xba: {  	_ =	swait.ge [sflag:s5], $0x4000  }
0xbb: {  	[sflag:s5] =	ssyncset.done $0x0  }
0xbc: {  	[sflag:s5] =	ssyncadd.s32 $0xFFFFC000  }
0xbd: {  	[tilespmem:s4], [sflag:$0x2] =	stream.indirect.gather [hbm4b:s16+s7], $0x80, s12, s7, $0xb8;
	[tilespmem:$0x1E800] =	vst v63  }
0xbe: {  	_ =	swait.ge [sflag:s9], $0x4000  }
0xbf: {  	[sflag:s9] =	ssyncset.done $0x0  }
0xc0: {  	[sflag:s9] =	ssyncadd.s32 $0xFFFFC000  }
0xc1: {  	[spmem:s2] =	stream.indirect.scatter.add.f32 [tilespmem:s8], [sflag:$0x3], $0x80, s13, s7, $0xb8;
	[tilespmem:$0x1E800] =	vst v63  }
0xc2: {  	_ =	swait.ge [sflag:s5], $0x4000  }
0xc3: {  	[sflag:s5] =	ssyncset.done $0x0  }
0xc4: {  	[sflag:s5] =	ssyncadd.s32 $0xFFFFC000  }
0xc5: {  	[tilespmem:s8], [sflag:$0x1] =	stream.indirect.gather [hbm4b:s16+s7], $0x80, s12, s7, $0xb8;
	[tilespmem:$0x1E800] =	vst v63  }
0xc6: {  	_ =	swait.ge [sflag:s11], $0x4000  }
0xc7: {  	[sflag:s11] =	ssyncset.done $0x0  }
0xc8: {  	[sflag:s11] =	ssyncadd.s32 $0xFFFFC000  }
0xc9: {  	[spmem:s2] =	stream.indirect.scatter.add.f32 [tilespmem:s4], [sflag:$0x3], $0x80, s14, s7, $0xb8;
	[tilespmem:$0x1E800] =	vst v63  }
0xca: {  	_ =	swait.ge [sflag:s5], $0x4000  }
0xcb: {  	[sflag:s5] =	ssyncset.done $0x0  }
0xcc: {  	[sflag:s5] =	ssyncadd.s32 $0xFFFFC000  }
0xcd: {  	_ =	swait.ge [sflag:s9], $0x4000  }
0xce: {  	[sflag:s9] =	ssyncset.done $0x0  }
0xcf: {  	[sflag:s9] =	ssyncadd.s32 $0xFFFFC000  }
0xd0: {  	[bflag:$0x0] =	sbarrier.arrive $0xFFFF  }
0xd1: {  	[tilespmem:s8], [sflag:$0x3] =	stream.linear.gather [spmem:s22], $0x4000, $0x38;
	[tilespmem:$0x1E800] =	vst v63  }
0xd2: {  	_ =	swait.ge [sflag:s5], $0x4000  }
0xd3: {  	[sflag:s5] =	ssyncset.done $0x0  }
0xd4: {  	s31 =	rddreg [dreg:$0x3];
	[sflag:s5] =	ssyncadd.s32 $0xFFFFC000  }
0xd5: {  	[hbm4b:s31+s3] =	stream.linear.scatter [tilespmem:s8], [sflag:$0x3], $0x4000, $0x38;
	[tilespmem:$0x1E800] =	vst v63  }
0xd6: {  	_ =	swait.ge [sflag:s5], $0x4000  }
0xd7: {  	[sflag:s5] =	ssyncset.done $0x0  }
0xd8: {  	[sflag:s5] =	ssyncadd.s32 $0xFFFFC000  }
0xd9: {  	[tilespmem:s8], [sflag:$0x3] =	stream.linear.gather [spmem:s23], $0x4000, $0x38;
	[tilespmem:$0x1E800] =	vst v63  }
0xda: {  	_ =	swait.ge [sflag:s5], $0x4000  }
0xdb: {  	[sflag:s5] =	ssyncset.done $0x0  }
0xdc: {  	s28 =	rddreg [dreg:$0x4];
	[sflag:s5] =	ssyncadd.s32 $0xFFFFC000  }
0xdd: {  	[hbm4b:s28+s3] =	stream.linear.scatter [tilespmem:s8], [sflag:$0x3], $0x4000, $0x38;
	[tilespmem:$0x1E800] =	vst v63  }
0xde: {  	_ =	swait.ge [sflag:s5], $0x4000  }
0xdf: {  	[sflag:s5] =	ssyncset.done $0x0  }
0xe0: {  	[sflag:s5] =	ssyncadd.s32 $0xFFFFC000  }
0xe1: {  	[tilespmem:s8], [sflag:$0x3] =	stream.linear.gather [spmem:s24], $0x4000, $0x38;
	[tilespmem:$0x1E800] =	vst v63  }
0xe2: {  	_ =	swait.ge [sflag:s5], $0x4000  }
0xe3: {  	[sflag:s5] =	ssyncset.done $0x0  }
0xe4: {  	s29 =	rddreg [dreg:$0x5];
	[sflag:s5] =	ssyncadd.s32 $0xFFFFC000  }
0xe5: {  	[hbm4b:s29+s3] =	stream.linear.scatter [tilespmem:s8], [sflag:$0x3], $0x4000, $0x38;
	[tilespmem:$0x1E800] =	vst v63  }
0xe6: {  	_ =	swait.ge [sflag:s5], $0x4000  }
0xe7: {  	[sflag:s5] =	ssyncset.done $0x0  }
0xe8: {  	[sflag:s5] =	ssyncadd.s32 $0xFFFFC000  }
0xe9: {  	[tilespmem:s8], [sflag:$0x3] =	stream.linear.gather [spmem:s25], $0x4000, $0x38;
	[tilespmem:$0x1E800] =	vst v63  }
0xea: {  	_ =	swait.ge [sflag:s5], $0x4000  }
0xeb: {  	[sflag:s5] =	ssyncset.done $0x0  }
0xec: {  	s30 =	rddreg [dreg:$0x6];
	[sflag:s5] =	ssyncadd.s32 $0xFFFFC000  }
0xed: {  	[hbm4b:s30+s3] =	stream.linear.scatter [tilespmem:s8], [sflag:$0x3], $0x4000, $0x38;
	[tilespmem:$0x1E800] =	vst v63  }
0xee: {  	_ =	swait.ge [sflag:s5], $0x4000  }
0xef: {  	[sflag:s5] =	ssyncset.done $0x0  }
0xf0: {  	[sflag:s5] =	ssyncadd.s32 $0xFFFFC000  }
0xf1: {  	[tilespmem:s8], [sflag:$0x3] =	stream.linear.gather [spmem:s26], $0x3800, $0x38;
	[tilespmem:$0x1E800] =	vst v63  }
0xf2: {  	_ =	swait.ge [sflag:s5], $0x3800  }
0xf3: {  	[sflag:s5] =	ssyncset.done $0x0  }
0xf4: {  	s31 =	rddreg [dreg:$0x7];
	[sflag:s5] =	ssyncadd.s32 $0xFFFFC800  }
0xf5: {  	[hbm4b:s31+s3] =	stream.linear.scatter [tilespmem:s8], [sflag:$0x3], $0x3800, $0x38;
	[tilespmem:$0x1E800] =	vst v63  }
0xf6: {  	_ =	swait.ge [sflag:s5], $0x3800  }
0xf7: {  	[sflag:s5] =	ssyncset.done $0x0  }
0xf8: {  	s18 =	simm.s32 @!p0 $0x2800;
	s28 =	simm.s32 @!p0 $0x3;
	[sflag:s5] =	ssyncadd.s32 $0xFFFFC800  }
0xf9: {  	[tilespmem:s18], [sflag:$0x3] =	stream.linear.gather @!p0 [spmem:s1], $0x800, $0x38;
	[tilespmem:$0x1E800] =	vst v63  }
0xfa: {  	_ =	swait.ge @!p0 [sflag:s28], $0x800  }
0xfb: {  	[sflag:s28] =	ssyncset.done @!p0 $0x0  }
0xfc: {  	s29 =	simm.s32 @!p0 $0x0;
	s30 =	rddreg [dreg:$0xf];
	[sflag:s28] =	ssyncadd.s32 @!p0 $0xFFFFF800  }
0xfd: {  	[hbm4b:s30+s29] =	stream.linear.scatter @!p0 [tilespmem:s18], [sflag:$0x3], $0x800, $0x38;
	[tilespmem:$0x1E800] =	vst v63  }
0xfe: {  	_ =	swait.ge @!p0 [sflag:s28], $0x800  }
0xff: {  	[sflag:s28] =	ssyncset.done @!p0 $0x0  }
0x100: {  	[sflag:s28] =	ssyncadd.s32 @!p0 $0xFFFFF800  }
0x101: {  	[bflag:$0x0] =	sbarrier.arrive $0xFFFF  }
0x102: {  	[spmem:s10], [sflag:s19] =	dma.local [hbm:s17], $0x2800  }
0x103: {  	_ =	swait.ge [sflag:s5], $0x2800  }
0x104: {  	[sflag:s5] =	ssyncset.done $0x0  }
0x105: {  	[sflag:s5] =	ssyncadd.s32 $0xFFFFD800  }
0x106: {  	s18 =	simm.s32 $0x0;
	[bflag:$0x0] =	sbarrier.arrive $0xFFFF  }
0x107: {  	[tilespmem:s18], [sflag:$0x3] =	stream.linear.gather [hbm4b:s0+s18], $0x1400, $0x38;
	[tilespmem:$0x1E800] =	vst v63  }
0x108: {  	_ =	swait.ge [sflag:s5], $0x1400  }
0x109: {  	[sflag:s5] =	ssyncset.done $0x0  }
0x10a: {  	[sflag:s5] =	ssyncadd.s32 $0xFFFFEC00  }
0x10b: {  	[tilespmem:s6], [sflag:$0x3] =	stream.linear.gather [hbm4b:s20+s18], $0x1400, $0x38;
	[tilespmem:$0x1E800] =	vst v63  }
0x10c: {  	_ =	swait.ge [sflag:s5], $0x1400  }
0x10d: {  	[sflag:s5] =	ssyncset.done $0x0  }
0x10e: {  	[sflag:s5] =	ssyncadd.s32 $0xFFFFEC00  }
0x10f: {  	[tilespmem:s8], [sflag:$0x1] =	stream.indirect.gather [hbm4b:s16+s7], $0x80, s18, s7, $0xb8;
	[tilespmem:$0x1E800] =	vst v63  }
0x110: {  	s28 =	simm.s32 $0x80  }
0x111: {  	[tilespmem:s4], [sflag:$0x2] =	stream.indirect.gather [hbm4b:s16+s7], $0x80, s28, s7, $0xb8;
	[tilespmem:$0x1E800] =	vst v63  }
0x112: {  	_ =	swait.ge [sflag:s9], $0x4000  }
0x113: {  	[sflag:s9] =	ssyncset.done $0x0  }
0x114: {  	s29 =	simm.s32 $0x1400;
	[sflag:s9] =	ssyncadd.s32 $0xFFFFC000  }
0x115: {  	[spmem:s2] =	stream.indirect.scatter.add.f32 [tilespmem:s8], [sflag:$0x3], $0x80, s29, s7, $0xb8;
	[tilespmem:$0x1E800] =	vst v63  }
0x116: {  	_ =	swait.ge [sflag:s5], $0x4000  }
0x117: {  	[sflag:s5] =	ssyncset.done $0x0  }
0x118: {  	s30 =	simm.s32 $0x100;
	[sflag:s5] =	ssyncadd.s32 $0xFFFFC000  }
0x119: {  	[tilespmem:s8], [sflag:$0x1] =	stream.indirect.gather [hbm4b:s16+s7], $0x80, s30, s7, $0xb8;
	[tilespmem:$0x1E800] =	vst v63  }
0x11a: {  	_ =	swait.ge [sflag:s11], $0x4000  }
0x11b: {  	[sflag:s11] =	ssyncset.done $0x0  }
0x11c: {  	s31 =	simm.s32 $0x1480;
	[sflag:s11] =	ssyncadd.s32 $0xFFFFC000  }
0x11d: {  	[spmem:s2] =	stream.indirect.scatter.add.f32 [tilespmem:s4], [sflag:$0x3], $0x80, s31, s7, $0xb8;
	[tilespmem:$0x1E800] =	vst v63  }
0x11e: {  	_ =	swait.ge [sflag:s5], $0x4000  }
0x11f: {  	s10 =	simm.s32 $0x100;
	s18 =	simm.s32 $0x800;
	[sflag:s5] =	ssyncset.done $0x0  }
.LBB2_6:
0x120: {  	s28 =	sadd.s32 $0x80, s10  }
0x121: {  	[sflag:s5] =	ssyncadd.s32 $0xFFFFC000;
	s29 =	smov.u32 s18;
	s30 =	sadd.s32 $0x400, s18  }
0x122: {  	[tilespmem:s4], [sflag:$0x2] =	stream.indirect.gather [hbm4b:s16+s7], $0x80, s28, s7, $0xb8;
	[tilespmem:$0x1E800] =	vst v63  }
0x123: {  	p1 =	sne.s32 s18, $0x4800;
	_ =	swait.ge [sflag:s9], $0x4000  }
0x124: {  	[sflag:s9] =	ssyncset.done $0x0  }
0x125: {  	s18 =	sadd.s32 $0x1400, s10;
	[sflag:s9] =	ssyncadd.s32 $0xFFFFC000  }
0x126: {  	[spmem:s2] =	stream.indirect.scatter.add.f32 [tilespmem:s8], [sflag:$0x3], $0x80, s18, s7, $0xb8;
	[tilespmem:$0x1E800] =	vst v63  }
0x127: {  	_ =	swait.ge [sflag:s5], $0x4000  }
0x128: {  	[sflag:s5] =	ssyncset.done $0x0  }
0x129: {  	s18 =	sadd.s32 $0x100, s10;
	[sflag:s5] =	ssyncadd.s32 $0xFFFFC000  }
0x12a: {  	[tilespmem:s8], [sflag:$0x1] =	stream.indirect.gather [hbm4b:s16+s7], $0x80, s18, s7, $0xb8;
	[tilespmem:$0x1E800] =	vst v63  }
0x12b: {  	_ =	swait.ge [sflag:s11], $0x4000  }
.Ltmp2:
0x12c: {  	[sflag:s11] =	ssyncset.done $0x0;
	(pc) =	sbr.rel @p1 .LBB2_6-.Ltmp2, $4  }
0x12d: {  	s10 =	sadd.s32 $0x1480, s10;
	[sflag:s11] =	ssyncadd.s32 $0xFFFFC000  }
0x12e: {  	[spmem:s2] =	stream.indirect.scatter.add.f32 [tilespmem:s4], [sflag:$0x3], $0x80, s10, s7, $0xb8;
	[tilespmem:$0x1E800] =	vst v63  }
0x12f: {  	_ =	swait.ge [sflag:s5], $0x4000  }
0x130: {  	s18 =	smov.u32 s30;
	s10 =	sshra.s32 s29, $0x2;
	[sflag:s5] =	ssyncset.done $0x0  }
0x131: {  	s18 =	sadd.s32 $0x80, s10;
	[sflag:s5] =	ssyncadd.s32 $0xFFFFC000  }
0x132: {  	[tilespmem:s4], [sflag:$0x2] =	stream.indirect.gather [hbm4b:s16+s7], $0x80, s18, s7, $0xb8;
	[tilespmem:$0x1E800] =	vst v63  }
0x133: {  	_ =	swait.ge [sflag:s9], $0x4000  }
0x134: {  	[sflag:s9] =	ssyncset.done $0x0  }
0x135: {  	s31 =	sadd.s32 $0x1400, s10;
	[sflag:s9] =	ssyncadd.s32 $0xFFFFC000  }
0x136: {  	[spmem:s2] =	stream.indirect.scatter.add.f32 [tilespmem:s8], [sflag:$0x3], $0x80, s31, s7, $0xb8;
	[tilespmem:$0x1E800] =	vst v63  }
0x137: {  	_ =	swait.ge [sflag:s5], $0x4000  }
0x138: {  	[sflag:s5] =	ssyncset.done $0x0  }
0x139: {  	s28 =	sadd.s32 $0x100, s10;
	[sflag:s5] =	ssyncadd.s32 $0xFFFFC000  }
0x13a: {  	[tilespmem:s8], [sflag:$0x1] =	stream.indirect.gather [hbm4b:s16+s7], $0x80, s28, s7, $0xb8;
	[tilespmem:$0x1E800] =	vst v63  }
0x13b: {  	_ =	swait.ge [sflag:s11], $0x4000  }
0x13c: {  	[sflag:s11] =	ssyncset.done $0x0  }
0x13d: {  	s29 =	sadd.s32 $0x1480, s10;
	[sflag:s11] =	ssyncadd.s32 $0xFFFFC000  }
0x13e: {  	[spmem:s2] =	stream.indirect.scatter.add.f32 [tilespmem:s4], [sflag:$0x3], $0x80, s29, s7, $0xb8;
	[tilespmem:$0x1E800] =	vst v63  }
0x13f: {  	_ =	swait.ge [sflag:s5], $0x4000  }
0x140: {  	[sflag:s5] =	ssyncset.done $0x0  }
0x141: {  	[sflag:s5] =	ssyncadd.s32 $0xFFFFC000  }
0x142: {  	[tilespmem:s4], [sflag:$0x2] =	stream.indirect.gather [hbm4b:s16+s7], $0x80, s12, s7, $0xb8;
	[tilespmem:$0x1E800] =	vst v63  }
0x143: {  	_ =	swait.ge [sflag:s9], $0x4000  }
0x144: {  	[sflag:s9] =	ssyncset.done $0x0  }
0x145: {  	[sflag:s9] =	ssyncadd.s32 $0xFFFFC000  }
0x146: {  	[spmem:s2] =	stream.indirect.scatter.add.f32 [tilespmem:s8], [sflag:$0x3], $0x80, s13, s7, $0xb8;
	[tilespmem:$0x1E800] =	vst v63  }
0x147: {  	_ =	swait.ge [sflag:s5], $0x4000  }
0x148: {  	[sflag:s5] =	ssyncset.done $0x0  }
0x149: {  	[sflag:s5] =	ssyncadd.s32 $0xFFFFC000  }
0x14a: {  	[tilespmem:s8], [sflag:$0x1] =	stream.indirect.gather [hbm4b:s16+s7], $0x80, s12, s7, $0xb8;
	[tilespmem:$0x1E800] =	vst v63  }
0x14b: {  	_ =	swait.ge [sflag:s11], $0x4000  }
0x14c: {  	[sflag:s11] =	ssyncset.done $0x0  }
0x14d: {  	[sflag:s11] =	ssyncadd.s32 $0xFFFFC000  }
0x14e: {  	[spmem:s2] =	stream.indirect.scatter.add.f32 [tilespmem:s4], [sflag:$0x3], $0x80, s14, s7, $0xb8;
	[tilespmem:$0x1E800] =	vst v63  }
0x14f: {  	_ =	swait.ge [sflag:s5], $0x4000  }
0x150: {  	[sflag:s5] =	ssyncset.done $0x0  }
0x151: {  	[sflag:s5] =	ssyncadd.s32 $0xFFFFC000  }
0x152: {  	_ =	swait.ge [sflag:s9], $0x4000  }
0x153: {  	[sflag:s9] =	ssyncset.done $0x0  }
0x154: {  	s30 =	simm.s32 $0x0;
	s31 =	rddreg [dreg:$0x13];
	[sflag:s9] =	ssyncadd.s32 $0xFFFFC000  }
0x155: {  	[tilespmem:s30], [sflag:$0x3] =	stream.linear.gather [hbm4b:s31+s30], $0x1400, $0x38;
	[tilespmem:$0x1E800] =	vst v63  }
0x156: {  	_ =	swait.ge [sflag:s5], $0x1400  }
0x157: {  	[sflag:s5] =	ssyncset.done $0x0  }
0x158: {  	[sflag:s5] =	ssyncadd.s32 $0xFFFFEC00  }
0x159: {  	[tilespmem:s6], [sflag:$0x3] =	stream.linear.gather [hbm4b:s21+s30], $0x1400, $0x38;
	[tilespmem:$0x1E800] =	vst v63  }
0x15a: {  	_ =	swait.ge [sflag:s5], $0x1400  }
0x15b: {  	[sflag:s5] =	ssyncset.done $0x0  }
0x15c: {  	[sflag:s5] =	ssyncadd.s32 $0xFFFFEC00  }
0x15d: {  	[tilespmem:s8], [sflag:$0x1] =	stream.indirect.gather [hbm4b:s16+s7], $0x80, s30, s7, $0xb8;
	[tilespmem:$0x1E800] =	vst v63  }
0x15e: {  	s28 =	simm.s32 $0x80  }
0x15f: {  	[tilespmem:s4], [sflag:$0x2] =	stream.indirect.gather [hbm4b:s16+s7], $0x80, s28, s7, $0xb8;
	[tilespmem:$0x1E800] =	vst v63  }
0x160: {  	_ =	swait.ge [sflag:s9], $0x4000  }
0x161: {  	[sflag:s9] =	ssyncset.done $0x0  }
0x162: {  	s29 =	simm.s32 $0x1400;
	[sflag:s9] =	ssyncadd.s32 $0xFFFFC000  }
0x163: {  	[spmem:s2] =	stream.indirect.scatter.add.f32 [tilespmem:s8], [sflag:$0x3], $0x80, s29, s7, $0xb8;
	[tilespmem:$0x1E800] =	vst v63  }
0x164: {  	_ =	swait.ge [sflag:s5], $0x4000  }
0x165: {  	[sflag:s5] =	ssyncset.done $0x0  }
0x166: {  	s30 =	simm.s32 $0x100;
	[sflag:s5] =	ssyncadd.s32 $0xFFFFC000  }
0x167: {  	[tilespmem:s8], [sflag:$0x1] =	stream.indirect.gather [hbm4b:s16+s7], $0x80, s30, s7, $0xb8;
	[tilespmem:$0x1E800] =	vst v63  }
0x168: {  	_ =	swait.ge [sflag:s11], $0x4000  }
0x169: {  	[sflag:s11] =	ssyncset.done $0x0  }
0x16a: {  	s31 =	simm.s32 $0x1480;
	[sflag:s11] =	ssyncadd.s32 $0xFFFFC000  }
0x16b: {  	[spmem:s2] =	stream.indirect.scatter.add.f32 [tilespmem:s4], [sflag:$0x3], $0x80, s31, s7, $0xb8;
	[tilespmem:$0x1E800] =	vst v63  }
0x16c: {  	_ =	swait.ge [sflag:s5], $0x4000  }
0x16d: {  	s10 =	simm.s32 $0x100;
	s18 =	simm.s32 $0x800;
	[sflag:s5] =	ssyncset.done $0x0  }
.LBB2_8:
0x16e: {  	s28 =	sadd.s32 $0x80, s10  }
0x16f: {  	[sflag:s5] =	ssyncadd.s32 $0xFFFFC000;
	s29 =	smov.u32 s18;
	s30 =	sadd.s32 $0x400, s18  }
0x170: {  	[tilespmem:s4], [sflag:$0x2] =	stream.indirect.gather [hbm4b:s16+s7], $0x80, s28, s7, $0xb8;
	[tilespmem:$0x1E800] =	vst v63  }
0x171: {  	p1 =	sne.s32 s18, $0x4800;
	_ =	swait.ge [sflag:s9], $0x4000  }
0x172: {  	[sflag:s9] =	ssyncset.done $0x0  }
0x173: {  	s18 =	sadd.s32 $0x1400, s10;
	[sflag:s9] =	ssyncadd.s32 $0xFFFFC000  }
0x174: {  	[spmem:s2] =	stream.indirect.scatter.add.f32 [tilespmem:s8], [sflag:$0x3], $0x80, s18, s7, $0xb8;
	[tilespmem:$0x1E800] =	vst v63  }
0x175: {  	_ =	swait.ge [sflag:s5], $0x4000  }
0x176: {  	[sflag:s5] =	ssyncset.done $0x0  }
0x177: {  	s18 =	sadd.s32 $0x100, s10;
	[sflag:s5] =	ssyncadd.s32 $0xFFFFC000  }
0x178: {  	[tilespmem:s8], [sflag:$0x1] =	stream.indirect.gather [hbm4b:s16+s7], $0x80, s18, s7, $0xb8;
	[tilespmem:$0x1E800] =	vst v63  }
0x179: {  	_ =	swait.ge [sflag:s11], $0x4000  }
.Ltmp3:
0x17a: {  	[sflag:s11] =	ssyncset.done $0x0;
	(pc) =	sbr.rel @p1 .LBB2_8-.Ltmp3, $4  }
0x17b: {  	s10 =	sadd.s32 $0x1480, s10;
	[sflag:s11] =	ssyncadd.s32 $0xFFFFC000  }
0x17c: {  	[spmem:s2] =	stream.indirect.scatter.add.f32 [tilespmem:s4], [sflag:$0x3], $0x80, s10, s7, $0xb8;
	[tilespmem:$0x1E800] =	vst v63  }
0x17d: {  	_ =	swait.ge [sflag:s5], $0x4000  }
0x17e: {  	s18 =	smov.u32 s30;
	s10 =	sshra.s32 s29, $0x2;
	[sflag:s5] =	ssyncset.done $0x0  }
0x17f: {  	s18 =	sadd.s32 $0x80, s10;
	[sflag:s5] =	ssyncadd.s32 $0xFFFFC000  }
0x180: {  	[tilespmem:s4], [sflag:$0x2] =	stream.indirect.gather [hbm4b:s16+s7], $0x80, s18, s7, $0xb8;
	[tilespmem:$0x1E800] =	vst v63  }
0x181: {  	_ =	swait.ge [sflag:s9], $0x4000  }
0x182: {  	[sflag:s9] =	ssyncset.done $0x0  }
0x183: {  	s28 =	sadd.s32 $0x1400, s10;
	[sflag:s9] =	ssyncadd.s32 $0xFFFFC000  }
0x184: {  	[spmem:s2] =	stream.indirect.scatter.add.f32 [tilespmem:s8], [sflag:$0x3], $0x80, s28, s7, $0xb8;
	[tilespmem:$0x1E800] =	vst v63  }
0x185: {  	_ =	swait.ge [sflag:s5], $0x4000  }
0x186: {  	[sflag:s5] =	ssyncset.done $0x0  }
0x187: {  	s29 =	sadd.s32 $0x100, s10;
	[sflag:s5] =	ssyncadd.s32 $0xFFFFC000  }
0x188: {  	[tilespmem:s8], [sflag:$0x1] =	stream.indirect.gather [hbm4b:s16+s7], $0x80, s29, s7, $0xb8;
	[tilespmem:$0x1E800] =	vst v63  }
0x189: {  	_ =	swait.ge [sflag:s11], $0x4000  }
0x18a: {  	[sflag:s11] =	ssyncset.done $0x0  }
0x18b: {  	s30 =	sadd.s32 $0x1480, s10;
	[sflag:s11] =	ssyncadd.s32 $0xFFFFC000  }
0x18c: {  	[spmem:s2] =	stream.indirect.scatter.add.f32 [tilespmem:s4], [sflag:$0x3], $0x80, s30, s7, $0xb8;
	[tilespmem:$0x1E800] =	vst v63  }
0x18d: {  	_ =	swait.ge [sflag:s5], $0x4000  }
0x18e: {  	[sflag:s5] =	ssyncset.done $0x0  }
0x18f: {  	[sflag:s5] =	ssyncadd.s32 $0xFFFFC000  }
0x190: {  	[tilespmem:s4], [sflag:$0x2] =	stream.indirect.gather [hbm4b:s16+s7], $0x80, s12, s7, $0xb8;
	[tilespmem:$0x1E800] =	vst v63  }
0x191: {  	_ =	swait.ge [sflag:s9], $0x4000  }
0x192: {  	[sflag:s9] =	ssyncset.done $0x0  }
0x193: {  	[sflag:s9] =	ssyncadd.s32 $0xFFFFC000  }
0x194: {  	[spmem:s2] =	stream.indirect.scatter.add.f32 [tilespmem:s8], [sflag:$0x3], $0x80, s13, s7, $0xb8;
	[tilespmem:$0x1E800] =	vst v63  }
0x195: {  	_ =	swait.ge [sflag:s5], $0x4000  }
0x196: {  	[sflag:s5] =	ssyncset.done $0x0  }
0x197: {  	[sflag:s5] =	ssyncadd.s32 $0xFFFFC000  }
0x198: {  	[tilespmem:s8], [sflag:$0x1] =	stream.indirect.gather [hbm4b:s16+s7], $0x80, s12, s7, $0xb8;
	[tilespmem:$0x1E800] =	vst v63  }
0x199: {  	_ =	swait.ge [sflag:s11], $0x4000  }
0x19a: {  	[sflag:s11] =	ssyncset.done $0x0  }
0x19b: {  	[sflag:s11] =	ssyncadd.s32 $0xFFFFC000  }
0x19c: {  	[spmem:s2] =	stream.indirect.scatter.add.f32 [tilespmem:s4], [sflag:$0x3], $0x80, s14, s7, $0xb8;
	[tilespmem:$0x1E800] =	vst v63  }
0x19d: {  	_ =	swait.ge [sflag:s5], $0x4000  }
0x19e: {  	[sflag:s5] =	ssyncset.done $0x0  }
0x19f: {  	[sflag:s5] =	ssyncadd.s32 $0xFFFFC000  }
0x1a0: {  	_ =	swait.ge [sflag:s9], $0x4000  }
0x1a1: {  	[sflag:s9] =	ssyncset.done $0x0  }
0x1a2: {  	[sflag:s9] =	ssyncadd.s32 $0xFFFFC000  }
0x1a3: {  	[bflag:$0x0] =	sbarrier.arrive $0xFFFF  }
0x1a4: {  	[tilespmem:s8], [sflag:$0x3] =	stream.linear.gather [spmem:s22], $0x4000, $0x38;
	[tilespmem:$0x1E800] =	vst v63  }
0x1a5: {  	_ =	swait.ge [sflag:s5], $0x4000  }
0x1a6: {  	[sflag:s5] =	ssyncset.done $0x0  }
0x1a7: {  	s31 =	rddreg [dreg:$0x9];
	[sflag:s5] =	ssyncadd.s32 $0xFFFFC000  }
0x1a8: {  	[hbm4b:s31+s3] =	stream.linear.scatter [tilespmem:s8], [sflag:$0x3], $0x4000, $0x38;
	[tilespmem:$0x1E800] =	vst v63  }
0x1a9: {  	_ =	swait.ge [sflag:s5], $0x4000  }
0x1aa: {  	[sflag:s5] =	ssyncset.done $0x0  }
0x1ab: {  	[sflag:s5] =	ssyncadd.s32 $0xFFFFC000  }
0x1ac: {  	[tilespmem:s8], [sflag:$0x3] =	stream.linear.gather [spmem:s23], $0x4000, $0x38;
	[tilespmem:$0x1E800] =	vst v63  }
0x1ad: {  	_ =	swait.ge [sflag:s5], $0x4000  }
0x1ae: {  	[sflag:s5] =	ssyncset.done $0x0  }
0x1af: {  	s18 =	rddreg [dreg:$0xa];
	[sflag:s5] =	ssyncadd.s32 $0xFFFFC000  }
0x1b0: {  	[hbm4b:s18+s3] =	stream.linear.scatter [tilespmem:s8], [sflag:$0x3], $0x4000, $0x38;
	[tilespmem:$0x1E800] =	vst v63  }
0x1b1: {  	_ =	swait.ge [sflag:s5], $0x4000  }
0x1b2: {  	[sflag:s5] =	ssyncset.done $0x0  }
0x1b3: {  	[sflag:s5] =	ssyncadd.s32 $0xFFFFC000  }
0x1b4: {  	[tilespmem:s8], [sflag:$0x3] =	stream.linear.gather [spmem:s24], $0x4000, $0x38;
	[tilespmem:$0x1E800] =	vst v63  }
0x1b5: {  	_ =	swait.ge [sflag:s5], $0x4000  }
0x1b6: {  	[sflag:s5] =	ssyncset.done $0x0  }
0x1b7: {  	s28 =	rddreg [dreg:$0xb];
	[sflag:s5] =	ssyncadd.s32 $0xFFFFC000  }
0x1b8: {  	[hbm4b:s28+s3] =	stream.linear.scatter [tilespmem:s8], [sflag:$0x3], $0x4000, $0x38;
	[tilespmem:$0x1E800] =	vst v63  }
0x1b9: {  	_ =	swait.ge [sflag:s5], $0x4000  }
0x1ba: {  	[sflag:s5] =	ssyncset.done $0x0  }
0x1bb: {  	[sflag:s5] =	ssyncadd.s32 $0xFFFFC000  }
0x1bc: {  	[tilespmem:s8], [sflag:$0x3] =	stream.linear.gather [spmem:s25], $0x4000, $0x38;
	[tilespmem:$0x1E800] =	vst v63  }
0x1bd: {  	_ =	swait.ge [sflag:s5], $0x4000  }
0x1be: {  	[sflag:s5] =	ssyncset.done $0x0  }
0x1bf: {  	s29 =	rddreg [dreg:$0xc];
	[sflag:s5] =	ssyncadd.s32 $0xFFFFC000  }
0x1c0: {  	[hbm4b:s29+s3] =	stream.linear.scatter [tilespmem:s8], [sflag:$0x3], $0x4000, $0x38;
	[tilespmem:$0x1E800] =	vst v63  }
0x1c1: {  	_ =	swait.ge [sflag:s5], $0x4000  }
0x1c2: {  	[sflag:s5] =	ssyncset.done $0x0  }
0x1c3: {  	[sflag:s5] =	ssyncadd.s32 $0xFFFFC000  }
0x1c4: {  	[tilespmem:s8], [sflag:$0x3] =	stream.linear.gather [spmem:s26], $0x3800, $0x38;
	[tilespmem:$0x1E800] =	vst v63  }
0x1c5: {  	_ =	swait.ge [sflag:s5], $0x3800  }
0x1c6: {  	[sflag:s5] =	ssyncset.done $0x0  }
0x1c7: {  	s30 =	rddreg [dreg:$0xd];
	[sflag:s5] =	ssyncadd.s32 $0xFFFFC800  }
0x1c8: {  	[hbm4b:s30+s3] =	stream.linear.scatter [tilespmem:s8], [sflag:$0x3], $0x3800, $0x38;
	[tilespmem:$0x1E800] =	vst v63  }
0x1c9: {  	_ =	swait.ge [sflag:s5], $0x3800  }
0x1ca: {  	[sflag:s5] =	ssyncset.done $0x0  }
0x1cb: {  	s10 =	simm.s32 @!p0 $0x2800;
	s18 =	simm.s32 @!p0 $0x3;
	[sflag:s5] =	ssyncadd.s32 $0xFFFFC800  }
0x1cc: {  	[tilespmem:s10], [sflag:$0x3] =	stream.linear.gather @!p0 [spmem:s1], $0x800, $0x38;
	[tilespmem:$0x1E800] =	vst v63  }
0x1cd: {  	_ =	swait.ge @!p0 [sflag:s18], $0x800  }
0x1ce: {  	[sflag:s18] =	ssyncset.done @!p0 $0x0  }
0x1cf: {  	s28 =	simm.s32 @!p0 $0x0;
	s29 =	rddreg [dreg:$0x10];
	[sflag:s18] =	ssyncadd.s32 @!p0 $0xFFFFF800  }
0x1d0: {  	[hbm4b:s29+s28] =	stream.linear.scatter @!p0 [tilespmem:s10], [sflag:$0x3], $0x800, $0x38;
	[tilespmem:$0x1E800] =	vst v63  }
0x1d1: {  	_ =	swait.ge @!p0 [sflag:s18], $0x800  }
0x1d2: {  	s15 =	sadd.s32 $0x1, s15;
	s31 =	rddreg [dreg:$0x11]  }
0x1d3: {  	p1 =	sne.s32 s15, s31  }
.Ltmp4:
0x1d4: {  	_ = 	snop;
	(pc) =	sbr.rel @p1 .LBB2_1-.Ltmp4, $3  }
0x1d5: {  	_ =	sdelay $0x1  }
0x1d6: {  	[sflag:s18] =	ssyncset.done @!p0 $0x0  }
0x1d7: {  	[sflag:s18] =	ssyncadd.s32 @!p0 $0xFFFFF800  }
0x1d8: {  	_ =	sfence.sel $0x180000  }
0x1d9: {  	[bflag:$0x0] =	sbarrier.arrive $0xFFFF  }
0x1da: {  	_ =	strace $0x9000004A  }
0x1db: {  	s0 =	stileid.u32;
	[bflag:$0x2] =	sbarrier.arrive $0xFFFF  }
0x1dc: {  	p0 =	sne.s32 s0, $0x0;
	s0 =	rddreg [dreg:$0x2]  }
0x1dd: {  	s0 =	sadd.s32 @!p0 $0x100000, s0  }
0x1de: {  	[sflag:s0] =	ssyncadd.tile.s32 @!p0 $0x1;
	_ =	shalt  }
.Lfunc_end2:
_tile_overlayer_lowered:
.L_overlay_start_2:
0x1df: {  	(tag) =	ssettag $0x2  }
0x1e0: {  	s0 =	rddreg [dreg:$0x0];
	s2 =	stileid.u32  }
0x1e1: {  	s1 =	rddreg [dreg:$0x1];
	p0 =	sne.s32 s2, $0x0  }
0x1e2: {  	s3 =	rddreg [dreg:$0x2];
	[bflag:$0x3] =	sbarrier.arrive $0xFFFF;
	s2 =	simm.s32 @!p0 $0x1C03  }
0x1e3: {  	[timem:s3], [sflag:s2] =	dma.local @!p0 [hbm:s0], s1  }
0x1e4: {  	s0 =	simm.s32 @!p0 $0x3  }
0x1e5: {  	_ =	swait.ge @!p0 [sflag:s0], s1  }
0x1e6: {  	s1 =	ssub.s32 @!p0 $0x0, s1;
	[sflag:s0] =	ssyncset.done @!p0 $0x0  }
0x1e7: {  	[sflag:s0] =	ssyncadd.s32 @!p0 s1  }
0x1e8: {  	[bflag:$0x3] =	sbarrier.arrive $0xFFFF  }
0x1e9: {  	_ =	shalt  }

</sc_bundles>
